<compile_context>
chip_gen: v7x
topology: tpu7x:2x2x1
jax: 0.10.2.dev20260603
libtpu: 0.0.44.dev20260713+nightly
codegen_flags: <defaults>
</compile_context>

<pallas_src>
import functools
import jax
import jax.numpy as jnp
from jax import lax
from jax.experimental import pallas as pl
from jax.experimental.pallas import tpu as pltpu
from jax.experimental.pallas import tpu_sc as plsc

N1 = 10000
N2 = 199
N2P = 256
E2 = 3184
F = 128
B = 16
K = 50
D2 = 64

_INTERPRET = False

E1 = 640000
NC = 2
NS = 16
EC = 100
RPT = E1 // (NC * NS * EC)


def _sc_hist(dst_flat):
    mesh = plsc.VectorSubcoreMesh(core_axis_name="c", subcore_axis_name="s")
    EPT = E1 // (NC * NS)

    @functools.partial(
        pl.kernel, mesh=mesh,
        out_type=jax.ShapeDtypeStruct((NC * NS, N1), jnp.float32),
        scratch_types=[pltpu.VMEM((EPT,), jnp.int32),
                       pltpu.VMEM((N1,), jnp.float32)],
        compiler_params=pltpu.CompilerParams(needs_layout_passes=False))
    def k(df_h, hist_h, df_v, hist_v):
        c = lax.axis_index("c")
        s = lax.axis_index("s")
        w = c * NS + s
        pltpu.sync_copy(df_h.at[pl.ds(w * EPT, EPT)], df_v)
        zv = jnp.zeros((16,), jnp.float32)

        def zbody(i, carry):
            hist_v[pl.ds(i * 16, 16)] = zv
            return carry
        lax.fori_loop(0, N1 // 16, zbody, 0)

        def hbody(r, carry):
            d = df_v[pl.ds(r * 16, 16)]
            counts, islast = plsc.scan_count(d)
            plsc.addupdate_scatter(hist_v, [d], counts.astype(jnp.float32),
                                   mask=islast)
            return carry
        lax.fori_loop(0, EPT // 16, hbody, 0)
        pltpu.sync_copy(hist_v, hist_h.at[w])

    return k(dst_flat)


KP = 64
NEGF = -3.0e38
BIGI = 1 << 30


def _sc_topk(keys, batch, starts, counts, out1p):
    mesh = plsc.VectorSubcoreMesh(core_axis_name="c", subcore_axis_name="s")
    NV = N1 // 16

    @functools.partial(
        pl.kernel, mesh=mesh,
        out_type=jax.ShapeDtypeStruct((KP * B, F), jnp.float32),
        scratch_types=[
            pltpu.VMEM((N1,), jnp.float32),
            pltpu.VMEM((N1,), jnp.int32),
            pltpu.VMEM((16,), jnp.int32),
            pltpu.VMEM((16,), jnp.int32),
            pltpu.VMEM((KP,), jnp.int32),
            pltpu.VMEM((KP,), jnp.int32),
            pltpu.VMEM((KP, F), jnp.float32),
            pltpu.SemaphoreType.DMA,
            pltpu.SemaphoreType.DMA,
        ],
        compiler_params=pltpu.CompilerParams(needs_layout_passes=False),
    )
    def k(keys_h, batch_h, starts_h, counts_h, o1_h, sel_h,
          kb, bb, st_v, ct_v, win, ridx, rows, g0, s0):
        c = lax.axis_index("c")
        s = lax.axis_index("s")

        @pl.when(c >= 0)
        def _():
            pltpu.sync_copy(keys_h, kb)
            pltpu.sync_copy(batch_h, bb)
            pltpu.sync_copy(starts_h, st_v)
            pltpu.sync_copy(counts_h, ct_v)
            iota = lax.iota(jnp.int32, 16)
            lane0 = iota == 0
            svec = jnp.full((16,), s, jnp.int32)
            dnums = lax.GatherDimensionNumbers(
                offset_dims=(), collapsed_slice_dims=(0,),
                start_index_map=(0,))
            start_s = jnp.max(lax.gather(
                st_v[...], svec[:, None], dnums, (1,),
                mode=lax.GatherScatterMode.PROMISE_IN_BOUNDS))
            cnt_s = jnp.max(lax.gather(
                ct_v[...], svec[:, None], dnums, (1,),
                mode=lax.GatherScatterMode.PROMISE_IN_BOUNDS))
            jlo = start_s // 16
            jhi = (start_s + cnt_s + 15) // 16

            def mbody(j, carry):
                kv = kb[pl.ds(j * 16, 16)]
                bv = bb[pl.ds(j * 16, 16)]
                kb[pl.ds(j * 16, 16)] = jnp.where(bv == s, kv, NEGF)
                return carry
            lax.fori_loop(jlo, jhi, mbody, 0)

            for q in range(KP // 16):
                win[pl.ds(q * 16, 16)] = jnp.zeros((16,), jnp.int32)
                ridx[pl.ds(q * 16, 16)] = (iota + q * 16) * B + s

            def extract(kk, carry):
                def p1(j, m):
                    return jnp.maximum(m, kb[pl.ds(j * 16, 16)])
                mk = jnp.max(lax.fori_loop(
                    jlo, jhi, p1, jnp.full((16,), NEGF, jnp.float32)))

                def p2(j, mi):
                    kv = kb[pl.ds(j * 16, 16)]
                    cand = jnp.where(kv == mk, iota + j * 16, BIGI)
                    return jnp.minimum(mi, cand)
                wi = jnp.min(lax.fori_loop(
                    jlo, jhi, p2, jnp.full((16,), BIGI, jnp.int32)))
                wi = jnp.minimum(wi, N1 - 1)
                wv = jnp.full((16,), wi, jnp.int32)
                plsc.store_scatter(kb, [wv],
                                   jnp.full((16,), NEGF, jnp.float32),
                                   mask=lane0)
                plsc.store_scatter(win, [jnp.full((16,), kk, jnp.int32)],
                                   wv, mask=lane0)
                return carry
            lax.fori_loop(0, K, extract, 0)

            pltpu.async_copy(o1_h.at[win], rows, g0).wait()
            pltpu.async_copy(rows, sel_h.at[ridx], s0).wait()

    return k(keys, batch, starts, counts, out1p)


def _tc_a_body(x1, msum1, histsT, Wl1, bl1, Wr1, Wl2, bl2, Wr2, pb_o, cnt_o):
    cnt = jnp.maximum(jnp.sum(histsT[...], axis=1, keepdims=True), 1.0)
    mean = msum1[...] / cnt
    h = jnp.dot(mean, Wl1[...], preferred_element_type=jnp.float32)
    h = h + bl1[...] + jnp.dot(x1[...], Wr1[...], preferred_element_type=jnp.float32)
    h = jnp.maximum(h, 0.0)
    p2 = jnp.dot(h, Wl2[...], preferred_element_type=jnp.float32)
    b2 = (jnp.dot(h, Wr2[...], preferred_element_type=jnp.float32) + bl2[...])
    pb_o[...] = jnp.concatenate([p2, b2], axis=1)
    cnt_o[...] = cnt


def _tc_a(x1, msp, histsT, Wl1, bl1, Wr1, Wl2, bl2, Wr2):
    return pl.pallas_call(
        _tc_a_body,
        out_shape=[
            jax.ShapeDtypeStruct((N1, F), jnp.float32),
            jax.ShapeDtypeStruct((N1, 1), jnp.float32),
        ],
        interpret=_INTERPRET,
    )(x1, msp, histsT, Wl1.reshape(F, F), bl1.reshape(1, F), Wr1.reshape(F, F),
      Wl2.reshape(F, D2), bl2.reshape(1, D2), Wr2.reshape(F, D2))


def _tc_b_body(msum2, pb, cnt, src2, dst2, x2p,
               Wl1, bl1, Wr1, Wl2, bl2, Wr2, batch1,
               out1_o, out2_o, keys_o, counts_o):
    out1 = jnp.maximum(msum2[...] / cnt[...] + pb[:, D2:], 0.0)
    out1_o[...] = jnp.concatenate([out1, jnp.zeros_like(out1)], axis=1)

    cols = lax.broadcasted_iota(jnp.int32, (E2, N2P), 1)
    ohs = (cols == src2[...]).astype(jnp.float32)
    ohd = (cols == dst2[...]).astype(jnp.float32)
    A2 = jnp.dot(ohd.T, ohs, preferred_element_type=jnp.float32)
    cnt2 = jnp.maximum(jnp.sum(A2, axis=1, keepdims=True), 1.0)

    x2 = x2p[...]
    mean1 = jnp.dot(A2, x2, preferred_element_type=jnp.float32) / cnt2
    h2 = jnp.dot(mean1, Wl1[...], preferred_element_type=jnp.float32)
    h2 = h2 + bl1[...] + jnp.dot(x2, Wr1[...], preferred_element_type=jnp.float32)
    h2 = jnp.maximum(h2, 0.0)
    mean2 = jnp.dot(A2, h2, preferred_element_type=jnp.float32) / cnt2
    o2 = jnp.dot(mean2, Wl2[...], preferred_element_type=jnp.float32)
    o2 = o2 + bl2[...] + jnp.dot(h2, Wr2[...], preferred_element_type=jnp.float32)
    o2 = jnp.maximum(o2, 0.0)
    out2_o[...] = o2

    q = o2[N2 - 1:N2, :]
    sq1 = jnp.sum(out1 * out1, axis=1, keepdims=True)
    sqq = jnp.sum(q * q)
    d2 = sq1 + sqq - 2.0 * jnp.dot(out1, q.T, preferred_element_type=jnp.float32)
    keys_o[...] = jnp.sqrt(jnp.maximum(d2, 0.0) + 1e-12)

    bcols = lax.broadcasted_iota(jnp.int32, (N1, B), 1)
    counts_o[...] = jnp.sum((bcols == batch1[...]).astype(jnp.float32),
                            axis=0, keepdims=True)


def _tc_b(msum2, pb, cnt, src2, dst2, x2p, Wl1, bl1, Wr1, Wl2, bl2, Wr2, batch1):
    return pl.pallas_call(
        _tc_b_body,
        out_shape=[
            jax.ShapeDtypeStruct((N1, F), jnp.float32),
            jax.ShapeDtypeStruct((N2P, D2), jnp.float32),
            jax.ShapeDtypeStruct((N1, 1), jnp.float32),
            jax.ShapeDtypeStruct((1, B), jnp.float32),
        ],
        interpret=_INTERPRET,
    )(msum2, pb, cnt, src2, dst2, x2p,
      Wl1.reshape(F, F), bl1.reshape(1, F), Wr1.reshape(F, F),
      Wl2.reshape(F, D2), bl2.reshape(1, D2), Wr2.reshape(F, D2), batch1)


def _tc_c_body(sel, out2p, counts_col, W3p, fc1_b, g1, be1,
               fc2_w, fc2_b, g2, be2, fc3_wp, out_o):
    o2 = out2p[...]
    sq2 = jnp.sum(o2 * o2, axis=1)[None, :]
    o2t = o2.T
    cc = counts_col[...]

    acc = jnp.zeros((B, F), jnp.float32)
    for k in range(K):
        blk = sel[k * B:(k + 1) * B, :D2]
        sqs = jnp.sum(blk * blk, axis=1, keepdims=True)
        d2 = sqs + sq2 - 2.0 * jnp.dot(blk, o2t, preferred_element_type=jnp.float32)
        dist = jnp.sqrt(jnp.maximum(d2, 0.0) + 1e-12)
        dist = jnp.where(cc > k, dist, 0.0)
        acc = acc + jnp.dot(dist, W3p[k * N2P:(k + 1) * N2P, :],
                            preferred_element_type=jnp.float32)

    def _ln(v, g, be):
        mu = jnp.mean(v, axis=-1, keepdims=True)
        var = jnp.mean((v - mu) ** 2, axis=-1, keepdims=True)
        return (v - mu) / jnp.sqrt(var + 1e-5) * g + be

    h = jnp.maximum(_ln(acc + fc1_b[...], g1[...], be1[...]), 0.0)
    h = jnp.dot(h, fc2_w[...], preferred_element_type=jnp.float32) + fc2_b[...]
    h = jnp.maximum(_ln(h, g2[...], be2[...]), 0.0)
    res = jnp.dot(h, fc3_wp[...], preferred_element_type=jnp.float32)
    out_o[...] = jax.nn.sigmoid(res)


def _tc_c(sel, out2p, counts_col, W3p, fc1_b, g1, be1, fc2_w, fc2_b, g2, be2,
          fc3_wp):
    return pl.pallas_call(
        _tc_c_body,
        out_shape=jax.ShapeDtypeStruct((B, F), jnp.float32),
        interpret=_INTERPRET,
    )(sel, out2p, counts_col, W3p, fc1_b.reshape(1, F), g1.reshape(1, F),
      be1.reshape(1, F), fc2_w, fc2_b.reshape(1, D2), g2.reshape(1, D2),
      be2.reshape(1, D2), fc3_wp)


def kernel(x1, edge_index1, batch1, x2, edge_index2, Wl1, bl1, Wr1, Wl2, bl2,
           Wr2, fc1_w, fc1_b, g1, be1, fc2_w, fc2_b, g2, be2, fc3_w, fc3_b):
    src1, dst1 = edge_index1[0], edge_index1[1]

    hists = jnp.zeros((NC * NS, N1), jnp.float32).at[0].set(jnp.bincount(dst1, length=N1).astype(jnp.float32))
    msum1 = jax.ops.segment_sum(x1[src1], dst1, num_segments=N1)

    pb, cnt = _tc_a(x1, msum1, hists.T, Wl1, bl1, Wr1, Wl2, bl2, Wr2)

    msum2 = jax.ops.segment_sum(pb[edge_index1[0], :D2], edge_index1[1],
                                num_segments=N1)

    x2p = jnp.zeros((N2P, F), jnp.float32).at[:N2].set(x2)
    src2 = edge_index2[0].reshape(E2, 1)
    dst2 = edge_index2[1].reshape(E2, 1)
    out1, out2p, keys, counts = _tc_b(
        msum2, pb, cnt, src2, dst2, x2p, Wl1, bl1, Wr1, Wl2, bl2, Wr2,
        batch1.reshape(N1, 1))

    _USE_SC_TOPK = False
    if _USE_SC_TOPK:
        counts_i = counts.reshape(B).astype(jnp.int32)
        starts_i = jnp.concatenate(
            [jnp.zeros((1,), jnp.int32), jnp.cumsum(counts_i)[:-1]])
        sel = _sc_topk(keys.reshape(N1), batch1, starts_i, counts_i, out1)
    else:
        keys1 = keys[:, 0]
        binmask = batch1[None, :] == jnp.arange(B, dtype=batch1.dtype)[:, None]
        masked = jnp.where(binmask, keys1[None, :], -jnp.inf)
        _, topi = jax.lax.top_k(masked, K)
        idx_sm = topi.T.reshape(B * K)
        sel = jnp.zeros((KP * B, F), jnp.float32).at[:B * K].set(out1[idx_sm])

    W3p = jnp.zeros((K, N2P, F), jnp.float32).at[:, :N2, :].set(
        fc1_w.reshape(K, N2, F)).reshape(K * N2P, F)
    fc3_wp = jnp.zeros((D2, F), jnp.float32).at[:, :1].set(fc3_w)
    res = _tc_c(sel, out2p, counts.reshape(B, 1), W3p, fc1_b, g1, be1,
                fc2_w, fc2_b, g2, be2, fc3_wp)
    return res[:, :1]

# --- scband reference (transcript-rebuilt; emitter-appended) ---
"""Pipeline reference for scband-siamese-gnn-sage-31954556682876 (READ-ONLY COPY).

The authoritative reference and input builder live on the scoring server;
editing this copy changes nothing except your own understanding.
"""

import jax, jax.numpy as jnp
import numpy as np

N1 = 10000; E1 = 640000; N2 = 199; E2 = 3184; F = 128; B = 16; K = 50

def setup_inputs(seed: int = 0):
    key = jax.random.key(seed)
    k = lambda i: jax.random.fold_in(key, i)
    inp = {}
    inp['x1'] = jax.random.normal(k(0), (N1, F), jnp.float32)
    inp['edge_index1'] = jax.random.randint(k(1), (2, E1), 0, N1, jnp.int32)
    inp['batch1'] = jnp.sort(jax.random.randint(k(2), (N1,), 0, B, jnp.int32))
    inp['x2'] = jax.random.normal(k(3), (N2, F), jnp.float32)
    inp['edge_index2'] = jax.random.randint(k(4), (2, E2), 0, N2, jnp.int32)
    s = 0.05
    inp['Wl1'] = jax.random.normal(k(5), (F, 128), jnp.float32) * s
    inp['bl1'] = jnp.zeros((128,), jnp.float32)
    inp['Wr1'] = jax.random.normal(k(6), (F, 128), jnp.float32) * s
    inp['Wl2'] = jax.random.normal(k(7), (128, 64), jnp.float32) * s
    inp['bl2'] = jnp.zeros((64,), jnp.float32)
    inp['Wr2'] = jax.random.normal(k(8), (128, 64), jnp.float32) * s
    inp['fc1_w'] = jax.random.normal(k(9), (K * N2, 128), jnp.float32) * 0.01
    inp['fc1_b'] = jnp.zeros((128,), jnp.float32)
    inp['g1'] = jnp.ones((128,), jnp.float32)
    inp['be1'] = jnp.zeros((128,), jnp.float32)
    inp['fc2_w'] = jax.random.normal(k(10), (128, 64), jnp.float32) * s
    inp['fc2_b'] = jnp.zeros((64,), jnp.float32)
    inp['g2'] = jnp.ones((64,), jnp.float32)
    inp['be2'] = jnp.zeros((64,), jnp.float32)
    inp['fc3_w'] = jax.random.normal(k(11), (64, 1), jnp.float32) * s
    inp['fc3_b'] = jnp.zeros((1,), jnp.float32)
    return inp

def _sage(x, ei, Wl, bl, Wr):
    src, dst = ei[0], ei[1]
    n = x.shape[0]
    msum = jax.ops.segment_sum(x[src], dst, num_segments=n)
    cnt = jax.ops.segment_sum(jnp.ones((ei.shape[1],), x.dtype), dst, num_segments=n)
    mean = msum / jnp.maximum(cnt, 1.0)[:, None]
    return mean @ Wl + bl + x @ Wr

def _gnn(x, ei, Wl1, bl1, Wr1, Wl2, bl2, Wr2):
    h = jax.nn.relu(_sage(x, ei, Wl1, bl1, Wr1))
    return jax.nn.relu(_sage(h, ei, Wl2, bl2, Wr2))

def _ln(x, g, b):
    mu = x.mean(-1, keepdims=True)
    v = ((x - mu) ** 2).mean(-1, keepdims=True)
    return (x - mu) / jnp.sqrt(v + 1e-5) * g + b

def _sort_aggr(x, batch):
    n, d = x.shape
    fill = jax.lax.stop_gradient(x.min()) - 1.0
    counts = jnp.bincount(batch, length=B)
    starts = jnp.concatenate([jnp.zeros((1,), counts.dtype), jnp.cumsum(counts)[:-1]])
    pos = jnp.arange(n) - starts[batch]
    dense = jnp.full((B, n, d), fill, x.dtype).at[batch, pos].set(x)
    perm = jnp.argsort(-dense[:, :, -1], axis=1)[:, :K]
    top = jnp.take_along_axis(dense, perm[:, :, None], axis=1)
    top = jnp.where(top == fill, 0.0, top)
    return top.reshape(B, K * d)

def reference(x1, edge_index1, batch1, x2, edge_index2, Wl1, bl1, Wr1, Wl2, bl2, Wr2, fc1_w, fc1_b, g1, be1, fc2_w, fc2_b, g2, be2, fc3_w, fc3_b):
    out1 = _gnn(x1, edge_index1, Wl1, bl1, Wr1, Wl2, bl2, Wr2)
    out2 = _gnn(x2, edge_index2, Wl1, bl1, Wr1, Wl2, bl2, Wr2)
    d2 = jnp.sum(out1 ** 2, 1)[:, None] + jnp.sum(out2 ** 2, 1)[None, :] - 2.0 * (out1 @ out2.T)
    dist = jnp.sqrt(jnp.maximum(d2, 0.0) + 1e-12)
    h = _sort_aggr(dist, batch1)
    h = jax.nn.relu(_ln(h @ fc1_w + fc1_b, g1, be1))
    h = jax.nn.relu(_ln(h @ fc2_w + fc2_b, g2, be2))
    return jax.nn.sigmoid(h @ fc3_w + fc3_b)

if __name__ == "__main__":
    import jax
    _d = setup_inputs()
    print(jax.jit(kernel)(*tuple(_d.values())))

</pallas_src>

<mosaic_0001>
module attributes {stable_mosaic.version = 14 : i64} {
  func.func @_tc_a_body(%arg0: memref<10000x128xf32, #tpu.memory_space<vmem>>, %arg1: memref<10000x128xf32, #tpu.memory_space<vmem>>, %arg2: memref<10000x32xf32, #tpu.memory_space<vmem>>, %arg3: memref<128x128xf32, #tpu.memory_space<vmem>>, %arg4: memref<1x128xf32, #tpu.memory_space<vmem>>, %arg5: memref<128x128xf32, #tpu.memory_space<vmem>>, %arg6: memref<128x64xf32, #tpu.memory_space<vmem>>, %arg7: memref<1x64xf32, #tpu.memory_space<vmem>>, %arg8: memref<128x64xf32, #tpu.memory_space<vmem>>, %arg9: memref<10000x128xf32, #tpu.memory_space<vmem>>, %arg10: memref<10000x1xf32, #tpu.memory_space<vmem>>) attributes {dimension_semantics = [], scalar_prefetch = 0 : i64, scratch_operands = 0 : i64, tpu.core_type = #tpu.core_type<tc>} {
    %get3A = arith.constant 0 : index
    %get3A_0 = arith.constant 0 : index
    %get3A_1 = vector.load %arg2[%get3A, %get3A_0] : memref<10000x32xf32, #tpu.memory_space<vmem>>, vector<10000x32xf32>
    %reduce_sum3A = arith.constant dense<0.000000e+00> : vector<10000xf32>
    %reduce_sum3A_2 = vector.multi_reduction <add>, %get3A_1, %reduce_sum3A [1] : vector<10000x32xf32> to vector<10000xf32>
    %broadcast_in_dim3A = vector.shape_cast %reduce_sum3A_2 : vector<10000xf32> to vector<10000x1xf32>
    %max3A = arith.constant 1.000000e+00 : f32
    %max3A_3 = vector.broadcast %max3A : f32 to vector<10000x1xf32>
    %max3A_4 = arith.maximumf %broadcast_in_dim3A, %max3A_3 : vector<10000x1xf32>
    %get3A_5 = arith.constant 0 : index
    %get3A_6 = arith.constant 0 : index
    %get3A_7 = vector.load %arg1[%get3A_5, %get3A_6] : memref<10000x128xf32, #tpu.memory_space<vmem>>, vector<10000x128xf32>
    %div3A = vector.broadcast %max3A_4 : vector<10000x1xf32> to vector<10000x128xf32>
    %div3A_8 = arith.divf %get3A_7, %div3A : vector<10000x128xf32>
    %get3A_9 = arith.constant 0 : index
    %get3A_10 = arith.constant 0 : index
    %get3A_11 = vector.load %arg3[%get3A_9, %get3A_10] : memref<128x128xf32, #tpu.memory_space<vmem>>, vector<128x128xf32>
    %dot_general3A = arith.constant dense<0.000000e+00> : vector<10000x128xf32>
    %dot_general3A_12 = tpu.matmul %div3A_8, %get3A_11, %dot_general3A {dimension_numbers = #tpu.dot_dimension_numbers<[1], [0], [0], [1], [0, 0, 1, 1], [], []>, transpose_lhs_hint = false} : vector<10000x128xf32>, vector<128x128xf32>, vector<10000x128xf32> -> vector<10000x128xf32>
    %get3A_13 = arith.constant 0 : index
    %get3A_14 = arith.constant 0 : index
    %get3A_15 = vector.load %arg4[%get3A_13, %get3A_14] : memref<1x128xf32, #tpu.memory_space<vmem>>, vector<1x128xf32>
    %add3A = vector.broadcast %get3A_15 : vector<1x128xf32> to vector<10000x128xf32>
    %add3A_16 = arith.addf %dot_general3A_12, %add3A : vector<10000x128xf32>
    %get3A_17 = arith.constant 0 : index
    %get3A_18 = arith.constant 0 : index
    %get3A_19 = vector.load %arg0[%get3A_17, %get3A_18] : memref<10000x128xf32, #tpu.memory_space<vmem>>, vector<10000x128xf32>
    %get3A_20 = arith.constant 0 : index
    %get3A_21 = arith.constant 0 : index
    %get3A_22 = vector.load %arg5[%get3A_20, %get3A_21] : memref<128x128xf32, #tpu.memory_space<vmem>>, vector<128x128xf32>
    %dot_general3A_23 = arith.constant dense<0.000000e+00> : vector<10000x128xf32>
    %dot_general3A_24 = tpu.matmul %get3A_19, %get3A_22, %dot_general3A_23 {dimension_numbers = #tpu.dot_dimension_numbers<[1], [0], [0], [1], [0, 0, 1, 1], [], []>, transpose_lhs_hint = false} : vector<10000x128xf32>, vector<128x128xf32>, vector<10000x128xf32> -> vector<10000x128xf32>
    %add3A_25 = arith.addf %add3A_16, %dot_general3A_24 : vector<10000x128xf32>
    %max3A_26 = arith.constant 0.000000e+00 : f32
    %max3A_27 = vector.broadcast %max3A_26 : f32 to vector<10000x128xf32>
    %max3A_28 = arith.maximumf %add3A_25, %max3A_27 : vector<10000x128xf32>
    %get3A_29 = arith.constant 0 : index
    %get3A_30 = arith.constant 0 : index
    %get3A_31 = vector.load %arg6[%get3A_29, %get3A_30] : memref<128x64xf32, #tpu.memory_space<vmem>>, vector<128x64xf32>
    %dot_general3A_32 = arith.constant dense<0.000000e+00> : vector<10000x64xf32>
    %dot_general3A_33 = tpu.matmul %max3A_28, %get3A_31, %dot_general3A_32 {dimension_numbers = #tpu.dot_dimension_numbers<[1], [0], [0], [1], [0, 0, 1, 1], [], []>, transpose_lhs_hint = false} : vector<10000x128xf32>, vector<128x64xf32>, vector<10000x64xf32> -> vector<10000x64xf32>
    %get3A_34 = arith.constant 0 : index
    %get3A_35 = arith.constant 0 : index
    %get3A_36 = vector.load %arg8[%get3A_34, %get3A_35] : memref<128x64xf32, #tpu.memory_space<vmem>>, vector<128x64xf32>
    %dot_general3A_37 = arith.constant dense<0.000000e+00> : vector<10000x64xf32>
    %dot_general3A_38 = tpu.matmul %max3A_28, %get3A_36, %dot_general3A_37 {dimension_numbers = #tpu.dot_dimension_numbers<[1], [0], [0], [1], [0, 0, 1, 1], [], []>, transpose_lhs_hint = false} : vector<10000x128xf32>, vector<128x64xf32>, vector<10000x64xf32> -> vector<10000x64xf32>
    %get3A_39 = arith.constant 0 : index
    %get3A_40 = arith.constant 0 : index
    %get3A_41 = vector.load %arg7[%get3A_39, %get3A_40] : memref<1x64xf32, #tpu.memory_space<vmem>>, vector<1x64xf32>
    %add3A_42 = vector.broadcast %get3A_41 : vector<1x64xf32> to vector<10000x64xf32>
    %add3A_43 = arith.addf %dot_general3A_38, %add3A_42 : vector<10000x64xf32>
    %concatenate3A = tpu.concatenate %dot_general3A_33, %add3A_43 in 1 : vector<10000x64xf32>, vector<10000x64xf32> -> vector<10000x128xf32>
    %swap3A = arith.constant 0 : index
    %swap3A_44 = arith.constant 0 : index
    %swap3A_45 = vector.load %arg9[%swap3A, %swap3A_44] : memref<10000x128xf32, #tpu.memory_space<vmem>>, vector<10000x128xf32>
    tpu.vector_store %arg9[%swap3A, %swap3A_44], %concatenate3A {strides = array<i32>} : memref<10000x128xf32, #tpu.memory_space<vmem>>, vector<10000x128xf32>,
    %swap3A_46 = arith.constant 0 : index
    %swap3A_47 = arith.constant 0 : index
    %swap3A_48 = vector.load %arg10[%swap3A_46, %swap3A_47] : memref<10000x1xf32, #tpu.memory_space<vmem>>, vector<10000x1xf32>
    tpu.vector_store %arg10[%swap3A_46, %swap3A_47], %max3A_4 {strides = array<i32>} : memref<10000x1xf32, #tpu.memory_space<vmem>>, vector<10000x1xf32>,
    return
  }
}

module attributes {stable_mosaic.version = 14 : i64} {
  func.func @_tc_b_body(%arg0: memref<10000x64xf32, #tpu.memory_space<vmem>>, %arg1: memref<10000x128xf32, #tpu.memory_space<vmem>>, %arg2: memref<10000x1xf32, #tpu.memory_space<vmem>>, %arg3: memref<3184x1xi32, #tpu.memory_space<vmem>>, %arg4: memref<3184x1xi32, #tpu.memory_space<vmem>>, %arg5: memref<256x128xf32, #tpu.memory_space<vmem>>, %arg6: memref<128x128xf32, #tpu.memory_space<vmem>>, %arg7: memref<1x128xf32, #tpu.memory_space<vmem>>, %arg8: memref<128x128xf32, #tpu.memory_space<vmem>>, %arg9: memref<128x64xf32, #tpu.memory_space<vmem>>, %arg10: memref<1x64xf32, #tpu.memory_space<vmem>>, %arg11: memref<128x64xf32, #tpu.memory_space<vmem>>, %arg12: memref<10000x1xi32, #tpu.memory_space<vmem>>, %arg13: memref<10000x128xf32, #tpu.memory_space<vmem>>, %arg14: memref<256x64xf32, #tpu.memory_space<vmem>>, %arg15: memref<10000x1xf32, #tpu.memory_space<vmem>>, %arg16: memref<1x16xf32, #tpu.memory_space<vmem>>) attributes {dimension_semantics = [], scalar_prefetch = 0 : i64, scratch_operands = 0 : i64, tpu.core_type = #tpu.core_type<tc>} {
    %get3A = arith.constant 0 : index
    %get3A_0 = arith.constant 0 : index
    %get3A_1 = vector.load %arg0[%get3A, %get3A_0] : memref<10000x64xf32, #tpu.memory_space<vmem>>, vector<10000x64xf32>
    %get3A_2 = arith.constant 0 : index
    %get3A_3 = arith.constant 0 : index
    %get3A_4 = vector.load %arg2[%get3A_2, %get3A_3] : memref<10000x1xf32, #tpu.memory_space<vmem>>, vector<10000x1xf32>
    %div3A = vector.broadcast %get3A_4 : vector<10000x1xf32> to vector<10000x64xf32>
    %div3A_5 = arith.divf %get3A_1, %div3A : vector<10000x64xf32>
    %get3A_6 = arith.constant 0 : index
    %get3A_7 = arith.constant 64 : index
    %get3A_8 = vector.load %arg1[%get3A_6, %get3A_7] : memref<10000x128xf32, #tpu.memory_space<vmem>>, vector<10000x64xf32>
    %add3A = arith.addf %div3A_5, %get3A_8 : vector<10000x64xf32>
    %max3A = arith.constant 0.000000e+00 : f32
    %max3A_9 = vector.broadcast %max3A : f32 to vector<10000x64xf32>
    %max3A_10 = arith.maximumf %add3A, %max3A_9 : vector<10000x64xf32>
    %broadcast_in_dim3A = arith.constant 0.000000e+00 : f32
    %broadcast_in_dim3A_11 = vector.broadcast %broadcast_in_dim3A : f32 to vector<10000x64xf32>
    %concatenate3A = tpu.concatenate %max3A_10, %broadcast_in_dim3A_11 in 1 : vector<10000x64xf32>, vector<10000x64xf32> -> vector<10000x128xf32>
    %swap3A = arith.constant 0 : index
    %swap3A_12 = arith.constant 0 : index
    %swap3A_13 = vector.load %arg13[%swap3A, %swap3A_12] : memref<10000x128xf32, #tpu.memory_space<vmem>>, vector<10000x128xf32>
    tpu.vector_store %arg13[%swap3A, %swap3A_12], %concatenate3A {strides = array<i32>} : memref<10000x128xf32, #tpu.memory_space<vmem>>, vector<10000x128xf32>,
    %iota3A = tpu.iota {dimensions = array<i32: 1>} : vector<3184x256xi32>
    %get3A_14 = arith.constant 0 : index
    %get3A_15 = arith.constant 0 : index
    %get3A_16 = vector.load %arg3[%get3A_14, %get3A_15] : memref<3184x1xi32, #tpu.memory_space<vmem>>, vector<3184x1xi32>
    %eq3A = vector.broadcast %get3A_16 : vector<3184x1xi32> to vector<3184x256xi32>
    %eq3A_17 = arith.cmpi eq, %iota3A, %eq3A : vector<3184x256xi32>
    %convert_element_type3A = arith.extui %eq3A_17 : vector<3184x256xi1> to vector<3184x256xi32>
    %convert_element_type3A_18 = arith.sitofp %convert_element_type3A : vector<3184x256xi32> to vector<3184x256xf32>
    %get3A_19 = arith.constant 0 : index
    %get3A_20 = arith.constant 0 : index
    %get3A_21 = vector.load %arg4[%get3A_19, %get3A_20] : memref<3184x1xi32, #tpu.memory_space<vmem>>, vector<3184x1xi32>
    %eq3A_22 = vector.broadcast %get3A_21 : vector<3184x1xi32> to vector<3184x256xi32>
    %eq3A_23 = arith.cmpi eq, %iota3A, %eq3A_22 : vector<3184x256xi32>
    %convert_element_type3A_24 = arith.extui %eq3A_23 : vector<3184x256xi1> to vector<3184x256xi32>
    %convert_element_type3A_25 = arith.sitofp %convert_element_type3A_24 : vector<3184x256xi32> to vector<3184x256xf32>
    %transpose3A = tpu.transpose %convert_element_type3A_25, [1, 0] : vector<3184x256xf32> -> vector<256x3184xf32>
    %dot_general3A = arith.constant dense<0.000000e+00> : vector<256x256xf32>
    %dot_general3A_26 = tpu.matmul %transpose3A, %convert_element_type3A_18, %dot_general3A {dimension_numbers = #tpu.dot_dimension_numbers<[1], [0], [0], [1], [0, 0, 1, 1], [], []>, transpose_lhs_hint = false} : vector<256x3184xf32>, vector<3184x256xf32>, vector<256x256xf32> -> vector<256x256xf32>
    %reduce_sum3A = arith.constant dense<0.000000e+00> : vector<256xf32>
    %reduce_sum3A_27 = vector.multi_reduction <add>, %dot_general3A_26, %reduce_sum3A [1] : vector<256x256xf32> to vector<256xf32>
    %broadcast_in_dim3A_28 = vector.shape_cast %reduce_sum3A_27 : vector<256xf32> to vector<256x1xf32>
    %max3A_29 = arith.constant 1.000000e+00 : f32
    %max3A_30 = vector.broadcast %max3A_29 : f32 to vector<256x1xf32>
    %max3A_31 = arith.maximumf %broadcast_in_dim3A_28, %max3A_30 : vector<256x1xf32>
    %get3A_32 = arith.constant 0 : index
    %get3A_33 = arith.constant 0 : index
    %get3A_34 = vector.load %arg5[%get3A_32, %get3A_33] : memref<256x128xf32, #tpu.memory_space<vmem>>, vector<256x128xf32>
    %dot_general3A_35 = arith.constant dense<0.000000e+00> : vector<256x128xf32>
    %dot_general3A_36 = tpu.matmul %dot_general3A_26, %get3A_34, %dot_general3A_35 {dimension_numbers = #tpu.dot_dimension_numbers<[1], [0], [0], [1], [0, 0, 1, 1], [], []>, transpose_lhs_hint = false} : vector<256x256xf32>, vector<256x128xf32>, vector<256x128xf32> -> vector<256x128xf32>
    %div3A_37 = vector.broadcast %max3A_31 : vector<256x1xf32> to vector<256x128xf32>
    %div3A_38 = arith.divf %dot_general3A_36, %div3A_37 : vector<256x128xf32>
    %get3A_39 = arith.constant 0 : index
    %get3A_40 = arith.constant 0 : index
    %get3A_41 = vector.load %arg6[%get3A_39, %get3A_40] : memref<128x128xf32, #tpu.memory_space<vmem>>, vector<128x128xf32>
    %dot_general3A_42 = arith.constant dense<0.000000e+00> : vector<256x128xf32>
    %dot_general3A_43 = tpu.matmul %div3A_38, %get3A_41, %dot_general3A_42 {dimension_numbers = #tpu.dot_dimension_numbers<[1], [0], [0], [1], [0, 0, 1, 1], [], []>, transpose_lhs_hint = false} : vector<256x128xf32>, vector<128x128xf32>, vector<256x128xf32> -> vector<256x128xf32>
    %get3A_44 = arith.constant 0 : index
    %get3A_45 = arith.constant 0 : index
    %get3A_46 = vector.load %arg7[%get3A_44, %get3A_45] : memref<1x128xf32, #tpu.memory_space<vmem>>, vector<1x128xf32>
    %add3A_47 = vector.broadcast %get3A_46 : vector<1x128xf32> to vector<256x128xf32>
    %add3A_48 = arith.addf %dot_general3A_43, %add3A_47 : vector<256x128xf32>
    %get3A_49 = arith.constant 0 : index
    %get3A_50 = arith.constant 0 : index
    %get3A_51 = vector.load %arg8[%get3A_49, %get3A_50] : memref<128x128xf32, #tpu.memory_space<vmem>>, vector<128x128xf32>
    %dot_general3A_52 = arith.constant dense<0.000000e+00> : vector<256x128xf32>
    %dot_general3A_53 = tpu.matmul %get3A_34, %get3A_51, %dot_general3A_52 {dimension_numbers = #tpu.dot_dimension_numbers<[1], [0], [0], [1], [0, 0, 1, 1], [], []>, transpose_lhs_hint = false} : vector<256x128xf32>, vector<128x128xf32>, vector<256x128xf32> -> vector<256x128xf32>
    %add3A_54 = arith.addf %add3A_48, %dot_general3A_53 : vector<256x128xf32>
    %max3A_55 = arith.constant 0.000000e+00 : f32
    %max3A_56 = vector.broadcast %max3A_55 : f32 to vector<256x128xf32>
    %max3A_57 = arith.maximumf %add3A_54, %max3A_56 : vector<256x128xf32>
    %dot_general3A_58 = arith.constant dense<0.000000e+00> : vector<256x128xf32>
    %dot_general3A_59 = tpu.matmul %dot_general3A_26, %max3A_57, %dot_general3A_58 {dimension_numbers = #tpu.dot_dimension_numbers<[1], [0], [0], [1], [0, 0, 1, 1], [], []>, transpose_lhs_hint = false} : vector<256x256xf32>, vector<256x128xf32>, vector<256x128xf32> -> vector<256x128xf32>
    %div3A_60 = vector.broadcast %max3A_31 : vector<256x1xf32> to vector<256x128xf32>
    %div3A_61 = arith.divf %dot_general3A_59, %div3A_60 : vector<256x128xf32>
    %get3A_62 = arith.constant 0 : index
    %get3A_63 = arith.constant 0 : index
    %get3A_64 = vector.load %arg9[%get3A_62, %get3A_63] : memref<128x64xf32, #tpu.memory_space<vmem>>, vector<128x64xf32>
    %dot_general3A_65 = arith.constant dense<0.000000e+00> : vector<256x64xf32>
    %dot_general3A_66 = tpu.matmul %div3A_61, %get3A_64, %dot_general3A_65 {dimension_numbers = #tpu.dot_dimension_numbers<[1], [0], [0], [1], [0, 0, 1, 1], [], []>, transpose_lhs_hint = false} : vector<256x128xf32>, vector<128x64xf32>, vector<256x64xf32> -> vector<256x64xf32>
    %get3A_67 = arith.constant 0 : index
    %get3A_68 = arith.constant 0 : index
    %get3A_69 = vector.load %arg10[%get3A_67, %get3A_68] : memref<1x64xf32, #tpu.memory_space<vmem>>, vector<1x64xf32>
    %add3A_70 = vector.broadcast %get3A_69 : vector<1x64xf32> to vector<256x64xf32>
    %add3A_71 = arith.addf %dot_general3A_66, %add3A_70 : vector<256x64xf32>
    %get3A_72 = arith.constant 0 : index
    %get3A_73 = arith.constant 0 : index
    %get3A_74 = vector.load %arg11[%get3A_72, %get3A_73] : memref<128x64xf32, #tpu.memory_space<vmem>>, vector<128x64xf32>
    %dot_general3A_75 = arith.constant dense<0.000000e+00> : vector<256x64xf32>
    %dot_general3A_76 = tpu.matmul %max3A_57, %get3A_74, %dot_general3A_75 {dimension_numbers = #tpu.dot_dimension_numbers<[1], [0], [0], [1], [0, 0, 1, 1], [], []>, transpose_lhs_hint = false} : vector<256x128xf32>, vector<128x64xf32>, vector<256x64xf32> -> vector<256x64xf32>
    %add3A_77 = arith.addf %add3A_71, %dot_general3A_76 : vector<256x64xf32>
    %max3A_78 = arith.constant 0.000000e+00 : f32
    %max3A_79 = vector.broadcast %max3A_78 : f32 to vector<256x64xf32>
    %max3A_80 = arith.maximumf %add3A_77, %max3A_79 : vector<256x64xf32>
    %swap3A_81 = arith.constant 0 : index
    %swap3A_82 = arith.constant 0 : index
    %swap3A_83 = vector.load %arg14[%swap3A_81, %swap3A_82] : memref<256x64xf32, #tpu.memory_space<vmem>>, vector<256x64xf32>
    tpu.vector_store %arg14[%swap3A_81, %swap3A_82], %max3A_80 {strides = array<i32>} : memref<256x64xf32, #tpu.memory_space<vmem>>, vector<256x64xf32>,
    %slice3A = vector.extract_strided_slice %max3A_80 {offsets = [198, 0], sizes = [1, 64], strides = [1, 1]} : vector<256x64xf32> to vector<1x64xf32>
    %mul3A = arith.mulf %max3A_10, %max3A_10 : vector<10000x64xf32>
    %reduce_sum3A_84 = arith.constant dense<0.000000e+00> : vector<10000xf32>
    %reduce_sum3A_85 = vector.multi_reduction <add>, %mul3A, %reduce_sum3A_84 [1] : vector<10000x64xf32> to vector<10000xf32>
    %broadcast_in_dim3A_86 = vector.shape_cast %reduce_sum3A_85 : vector<10000xf32> to vector<10000x1xf32>
    %mul3A_87 = arith.mulf %slice3A, %slice3A : vector<1x64xf32>
    %reduce_sum3A_88 = vector.shape_cast %mul3A_87 : vector<1x64xf32> to vector<1x1x64xf32>
    %reduce_sum3A_89 = arith.constant dense<0.000000e+00> : vector<1xf32>
    %reduce_sum3A_90 = vector.multi_reduction <add>, %reduce_sum3A_88, %reduce_sum3A_89 [1, 2] : vector<1x1x64xf32> to vector<1xf32>
    %reduce_sum3A_91 = vector.shape_cast %reduce_sum3A_90 : vector<1xf32> to vector<1x1x1xf32>
    %reduce_sum3A_92 = vector.extract %reduce_sum3A_91[0, 0, 0] : f32 from vector<1x1x1xf32>
    %add3A_93 = vector.broadcast %reduce_sum3A_92 : f32 to vector<10000x1xf32>
    %add3A_94 = arith.addf %broadcast_in_dim3A_86, %add3A_93 : vector<10000x1xf32>
    %transpose3A_95 = tpu.transpose %slice3A, [1, 0] : vector<1x64xf32> -> vector<64x1xf32>
    %dot_general3A_96 = arith.constant dense<0.000000e+00> : vector<10000x1xf32>
    %dot_general3A_97 = tpu.matmul %max3A_10, %transpose3A_95, %dot_general3A_96 {dimension_numbers = #tpu.dot_dimension_numbers<[1], [0], [0], [1], [0, 0, 1, 1], [], []>, transpose_lhs_hint = false} : vector<10000x64xf32>, vector<64x1xf32>, vector<10000x1xf32> -> vector<10000x1xf32>
    %mul3A_98 = arith.constant 2.000000e+00 : f32
    %mul3A_99 = vector.broadcast %mul3A_98 : f32 to vector<10000x1xf32>
    %mul3A_100 = arith.mulf %mul3A_99, %dot_general3A_97 : vector<10000x1xf32>
    %sub3A = arith.subf %add3A_94, %mul3A_100 : vector<10000x1xf32>
    %max3A_101 = arith.constant 0.000000e+00 : f32
    %max3A_102 = vector.broadcast %max3A_101 : f32 to vector<10000x1xf32>
    %max3A_103 = arith.maximumf %sub3A, %max3A_102 : vector<10000x1xf32>
    %add3A_104 = arith.constant 9.99999996E-13 : f32
    %add3A_105 = vector.broadcast %add3A_104 : f32 to vector<10000x1xf32>
    %add3A_106 = arith.addf %max3A_103, %add3A_105 : vector<10000x1xf32>
    %sqrt3A = math.sqrt %add3A_106 : vector<10000x1xf32>
    %swap3A_107 = arith.constant 0 : index
    %swap3A_108 = arith.constant 0 : index
    %swap3A_109 = vector.load %arg15[%swap3A_107, %swap3A_108] : memref<10000x1xf32, #tpu.memory_space<vmem>>, vector<10000x1xf32>
    tpu.vector_store %arg15[%swap3A_107, %swap3A_108], %sqrt3A {strides = array<i32>} : memref<10000x1xf32, #tpu.memory_space<vmem>>, vector<10000x1xf32>,
    %iota3A_110 = tpu.iota {dimensions = array<i32: 1>} : vector<10000x16xi32>
    %get3A_111 = arith.constant 0 : index
    %get3A_112 = arith.constant 0 : index
    %get3A_113 = vector.load %arg12[%get3A_111, %get3A_112] : memref<10000x1xi32, #tpu.memory_space<vmem>>, vector<10000x1xi32>
    %eq3A_114 = vector.broadcast %get3A_113 : vector<10000x1xi32> to vector<10000x16xi32>
    %eq3A_115 = arith.cmpi eq, %iota3A_110, %eq3A_114 : vector<10000x16xi32>
    %convert_element_type3A_116 = arith.extui %eq3A_115 : vector<10000x16xi1> to vector<10000x16xi32>
    %convert_element_type3A_117 = arith.sitofp %convert_element_type3A_116 : vector<10000x16xi32> to vector<10000x16xf32>
    %reduce_sum3A_118 = arith.constant dense<0.000000e+00> : vector<16xf32>
    %reduce_sum3A_119 = vector.multi_reduction <add>, %convert_element_type3A_117, %reduce_sum3A_118 [0] : vector<10000x16xf32> to vector<16xf32>
    %broadcast_in_dim3A_120 = vector.shape_cast %reduce_sum3A_119 : vector<16xf32> to vector<1x16xf32>
    %swap3A_121 = arith.constant 0 : index
    %swap3A_122 = arith.constant 0 : index
    %swap3A_123 = vector.load %arg16[%swap3A_121, %swap3A_122] : memref<1x16xf32, #tpu.memory_space<vmem>>, vector<1x16xf32>
    tpu.vector_store %arg16[%swap3A_121, %swap3A_122], %broadcast_in_dim3A_120 {strides = array<i32>} : memref<1x16xf32, #tpu.memory_space<vmem>>, vector<1x16xf32>,
    return
  }
}

module attributes {stable_mosaic.version = 14 : i64} {
  func.func @_tc_c_body(%arg0: memref<1024x128xf32, #tpu.memory_space<vmem>>, %arg1: memref<256x64xf32, #tpu.memory_space<vmem>>, %arg2: memref<16x1xf32, #tpu.memory_space<vmem>>, %arg3: memref<12800x128xf32, #tpu.memory_space<vmem>>, %arg4: memref<1x128xf32, #tpu.memory_space<vmem>>, %arg5: memref<1x128xf32, #tpu.memory_space<vmem>>, %arg6: memref<1x128xf32, #tpu.memory_space<vmem>>, %arg7: memref<128x64xf32, #tpu.memory_space<vmem>>, %arg8: memref<1x64xf32, #tpu.memory_space<vmem>>, %arg9: memref<1x64xf32, #tpu.memory_space<vmem>>, %arg10: memref<1x64xf32, #tpu.memory_space<vmem>>, %arg11: memref<64x128xf32, #tpu.memory_space<vmem>>, %arg12: memref<16x128xf32, #tpu.memory_space<vmem>>) attributes {dimension_semantics = [], scalar_prefetch = 0 : i64, scratch_operands = 0 : i64, tpu.core_type = #tpu.core_type<tc>} {
    %get3A = arith.constant 0 : index
    %get3A_0 = arith.constant 0 : index
    %get3A_1 = vector.load %arg1[%get3A, %get3A_0] : memref<256x64xf32, #tpu.memory_space<vmem>>, vector<256x64xf32>
    %mul3A = arith.mulf %get3A_1, %get3A_1 : vector<256x64xf32>
    %reduce_sum3A = arith.constant dense<0.000000e+00> : vector<256xf32>
    %reduce_sum3A_2 = vector.multi_reduction <add>, %mul3A, %reduce_sum3A [1] : vector<256x64xf32> to vector<256xf32>
    %broadcast_in_dim3A = vector.shape_cast %reduce_sum3A_2 : vector<256xf32> to vector<1x256xf32>
    %transpose3A = tpu.transpose %get3A_1, [1, 0] : vector<256x64xf32> -> vector<64x256xf32>
    %get3A_3 = arith.constant 0 : index
    %get3A_4 = arith.constant 0 : index
    %get3A_5 = vector.load %arg2[%get3A_3, %get3A_4] : memref<16x1xf32, #tpu.memory_space<vmem>>, vector<16x1xf32>
    %broadcast_in_dim3A_6 = arith.constant 0.000000e+00 : f32
    %broadcast_in_dim3A_7 = vector.broadcast %broadcast_in_dim3A_6 : f32 to vector<16x128xf32>
    %get3A_8 = arith.constant 0 : index
    %get3A_9 = arith.constant 0 : index
    %get3A_10 = vector.load %arg0[%get3A_8, %get3A_9] : memref<1024x128xf32, #tpu.memory_space<vmem>>, vector<16x64xf32>
    %mul3A_11 = arith.mulf %get3A_10, %get3A_10 : vector<16x64xf32>
    %reduce_sum3A_12 = arith.constant dense<0.000000e+00> : vector<16xf32>
    %reduce_sum3A_13 = vector.multi_reduction <add>, %mul3A_11, %reduce_sum3A_12 [1] : vector<16x64xf32> to vector<16xf32>
    %broadcast_in_dim3A_14 = vector.shape_cast %reduce_sum3A_13 : vector<16xf32> to vector<16x1xf32>
    %add3A = vector.broadcast %broadcast_in_dim3A_14 : vector<16x1xf32> to vector<16x256xf32>
    %add3A_15 = vector.broadcast %broadcast_in_dim3A : vector<1x256xf32> to vector<16x256xf32>
    %add3A_16 = arith.addf %add3A, %add3A_15 : vector<16x256xf32>
    %dot_general3A = arith.constant dense<0.000000e+00> : vector<16x256xf32>
    %dot_general3A_17 = tpu.matmul %get3A_10, %transpose3A, %dot_general3A {dimension_numbers = #tpu.dot_dimension_numbers<[1], [0], [0], [1], [0, 0, 1, 1], [], []>, transpose_lhs_hint = false} : vector<16x64xf32>, vector<64x256xf32>, vector<16x256xf32> -> vector<16x256xf32>
    %mul3A_18 = arith.constant 2.000000e+00 : f32
    %mul3A_19 = vector.broadcast %mul3A_18 : f32 to vector<16x256xf32>
    %mul3A_20 = arith.mulf %mul3A_19, %dot_general3A_17 : vector<16x256xf32>
    %sub3A = arith.subf %add3A_16, %mul3A_20 : vector<16x256xf32>
    %max3A = arith.constant 0.000000e+00 : f32
    %max3A_21 = vector.broadcast %max3A : f32 to vector<16x256xf32>
    %max3A_22 = arith.maximumf %sub3A, %max3A_21 : vector<16x256xf32>
    %add3A_23 = arith.constant 9.99999996E-13 : f32
    %add3A_24 = vector.broadcast %add3A_23 : f32 to vector<16x256xf32>
    %add3A_25 = arith.addf %max3A_22, %add3A_24 : vector<16x256xf32>
    %sqrt3A = math.sqrt %add3A_25 : vector<16x256xf32>
    %gt3A = arith.constant 0.000000e+00 : f32
    %gt3A_26 = vector.broadcast %gt3A : f32 to vector<16x1xf32>
    %gt3A_27 = arith.cmpf ogt, %get3A_5, %gt3A_26 : vector<16x1xf32>
    %jit3A = arith.constant 0.000000e+00 : f32
    %broadcast_in_dim3A_28 = vector.shape_cast %gt3A_27 : vector<16x1xi1> to vector<16x1xi1>
    %broadcast_in_dim3A_29 = vector.broadcast %broadcast_in_dim3A_28 : vector<16x1xi1> to vector<16x256xi1>
    %broadcast_in_dim3A_30 = vector.broadcast %jit3A : f32 to vector<16x256xf32>
    %select_n3A = arith.select %broadcast_in_dim3A_29, %sqrt3A, %broadcast_in_dim3A_30 : vector<16x256xi1>, vector<16x256xf32>
    %get3A_31 = arith.constant 0 : index
    %get3A_32 = arith.constant 0 : index
    %get3A_33 = vector.load %arg3[%get3A_31, %get3A_32] : memref<12800x128xf32, #tpu.memory_space<vmem>>, vector<256x128xf32>
    %dot_general3A_34 = arith.constant dense<0.000000e+00> : vector<16x128xf32>
    %dot_general3A_35 = tpu.matmul %select_n3A, %get3A_33, %dot_general3A_34 {dimension_numbers = #tpu.dot_dimension_numbers<[1], [0], [0], [1], [0, 0, 1, 1], [], []>, transpose_lhs_hint = false} : vector<16x256xf32>, vector<256x128xf32>, vector<16x128xf32> -> vector<16x128xf32>
    %add3A_36 = arith.addf %broadcast_in_dim3A_7, %dot_general3A_35 : vector<16x128xf32>
    %get3A_37 = arith.constant 16 : index
    %get3A_38 = arith.constant 0 : index
    %get3A_39 = vector.load %arg0[%get3A_37, %get3A_38] : memref<1024x128xf32, #tpu.memory_space<vmem>>, vector<16x64xf32>
    %mul3A_40 = arith.mulf %get3A_39, %get3A_39 : vector<16x64xf32>
    %reduce_sum3A_41 = arith.constant dense<0.000000e+00> : vector<16xf32>
    %reduce_sum3A_42 = vector.multi_reduction <add>, %mul3A_40, %reduce_sum3A_41 [1] : vector<16x64xf32> to vector<16xf32>
    %broadcast_in_dim3A_43 = vector.shape_cast %reduce_sum3A_42 : vector<16xf32> to vector<16x1xf32>
    %add3A_44 = vector.broadcast %broadcast_in_dim3A_43 : vector<16x1xf32> to vector<16x256xf32>
    %add3A_45 = vector.broadcast %broadcast_in_dim3A : vector<1x256xf32> to vector<16x256xf32>
    %add3A_46 = arith.addf %add3A_44, %add3A_45 : vector<16x256xf32>
    %dot_general3A_47 = arith.constant dense<0.000000e+00> : vector<16x256xf32>
    %dot_general3A_48 = tpu.matmul %get3A_39, %transpose3A, %dot_general3A_47 {dimension_numbers = #tpu.dot_dimension_numbers<[1], [0], [0], [1], [0, 0, 1, 1], [], []>, transpose_lhs_hint = false} : vector<16x64xf32>, vector<64x256xf32>, vector<16x256xf32> -> vector<16x256xf32>
    %mul3A_49 = arith.constant 2.000000e+00 : f32
    %mul3A_50 = vector.broadcast %mul3A_49 : f32 to vector<16x256xf32>
    %mul3A_51 = arith.mulf %mul3A_50, %dot_general3A_48 : vector<16x256xf32>
    %sub3A_52 = arith.subf %add3A_46, %mul3A_51 : vector<16x256xf32>
    %max3A_53 = arith.constant 0.000000e+00 : f32
    %max3A_54 = vector.broadcast %max3A_53 : f32 to vector<16x256xf32>
    %max3A_55 = arith.maximumf %sub3A_52, %max3A_54 : vector<16x256xf32>
    %add3A_56 = arith.constant 9.99999996E-13 : f32
    %add3A_57 = vector.broadcast %add3A_56 : f32 to vector<16x256xf32>
    %add3A_58 = arith.addf %max3A_55, %add3A_57 : vector<16x256xf32>
    %sqrt3A_59 = math.sqrt %add3A_58 : vector<16x256xf32>
    %gt3A_60 = arith.constant 1.000000e+00 : f32
    %gt3A_61 = vector.broadcast %gt3A_60 : f32 to vector<16x1xf32>
    %gt3A_62 = arith.cmpf ogt, %get3A_5, %gt3A_61 : vector<16x1xf32>
    %jit3A_63 = arith.constant 0.000000e+00 : f32
    %broadcast_in_dim3A_64 = vector.shape_cast %gt3A_62 : vector<16x1xi1> to vector<16x1xi1>
    %broadcast_in_dim3A_65 = vector.broadcast %broadcast_in_dim3A_64 : vector<16x1xi1> to vector<16x256xi1>
    %broadcast_in_dim3A_66 = vector.broadcast %jit3A_63 : f32 to vector<16x256xf32>
    %select_n3A_67 = arith.select %broadcast_in_dim3A_65, %sqrt3A_59, %broadcast_in_dim3A_66 : vector<16x256xi1>, vector<16x256xf32>
    %get3A_68 = arith.constant 256 : index
    %get3A_69 = arith.constant 0 : index
    %get3A_70 = vector.load %arg3[%get3A_68, %get3A_69] : memref<12800x128xf32, #tpu.memory_space<vmem>>, vector<256x128xf32>
    %dot_general3A_71 = arith.constant dense<0.000000e+00> : vector<16x128xf32>
    %dot_general3A_72 = tpu.matmul %select_n3A_67, %get3A_70, %dot_general3A_71 {dimension_numbers = #tpu.dot_dimension_numbers<[1], [0], [0], [1], [0, 0, 1, 1], [], []>, transpose_lhs_hint = false} : vector<16x256xf32>, vector<256x128xf32>, vector<16x128xf32> -> vector<16x128xf32>
    %add3A_73 = arith.addf %add3A_36, %dot_general3A_72 : vector<16x128xf32>
    %get3A_74 = arith.constant 32 : index
    %get3A_75 = arith.constant 0 : index
    %get3A_76 = vector.load %arg0[%get3A_74, %get3A_75] : memref<1024x128xf32, #tpu.memory_space<vmem>>, vector<16x64xf32>
    %mul3A_77 = arith.mulf %get3A_76, %get3A_76 : vector<16x64xf32>
    %reduce_sum3A_78 = arith.constant dense<0.000000e+00> : vector<16xf32>
    %reduce_sum3A_79 = vector.multi_reduction <add>, %mul3A_77, %reduce_sum3A_78 [1] : vector<16x64xf32> to vector<16xf32>
    %broadcast_in_dim3A_80 = vector.shape_cast %reduce_sum3A_79 : vector<16xf32> to vector<16x1xf32>
    %add3A_81 = vector.broadcast %broadcast_in_dim3A_80 : vector<16x1xf32> to vector<16x256xf32>
    %add3A_82 = vector.broadcast %broadcast_in_dim3A : vector<1x256xf32> to vector<16x256xf32>
    %add3A_83 = arith.addf %add3A_81, %add3A_82 : vector<16x256xf32>
    %dot_general3A_84 = arith.constant dense<0.000000e+00> : vector<16x256xf32>
    %dot_general3A_85 = tpu.matmul %get3A_76, %transpose3A, %dot_general3A_84 {dimension_numbers = #tpu.dot_dimension_numbers<[1], [0], [0], [1], [0, 0, 1, 1], [], []>, transpose_lhs_hint = false} : vector<16x64xf32>, vector<64x256xf32>, vector<16x256xf32> -> vector<16x256xf32>
    %mul3A_86 = arith.constant 2.000000e+00 : f32
    %mul3A_87 = vector.broadcast %mul3A_86 : f32 to vector<16x256xf32>
    %mul3A_88 = arith.mulf %mul3A_87, %dot_general3A_85 : vector<16x256xf32>
    %sub3A_89 = arith.subf %add3A_83, %mul3A_88 : vector<16x256xf32>
    %max3A_90 = arith.constant 0.000000e+00 : f32
    %max3A_91 = vector.broadcast %max3A_90 : f32 to vector<16x256xf32>
    %max3A_92 = arith.maximumf %sub3A_89, %max3A_91 : vector<16x256xf32>
    %add3A_93 = arith.constant 9.99999996E-13 : f32
    %add3A_94 = vector.broadcast %add3A_93 : f32 to vector<16x256xf32>
    %add3A_95 = arith.addf %max3A_92, %add3A_94 : vector<16x256xf32>
    %sqrt3A_96 = math.sqrt %add3A_95 : vector<16x256xf32>
    %gt3A_97 = arith.constant 2.000000e+00 : f32
    %gt3A_98 = vector.broadcast %gt3A_97 : f32 to vector<16x1xf32>
    %gt3A_99 = arith.cmpf ogt, %get3A_5, %gt3A_98 : vector<16x1xf32>
    %jit3A_100 = arith.constant 0.000000e+00 : f32
    %broadcast_in_dim3A_101 = vector.shape_cast %gt3A_99 : vector<16x1xi1> to vector<16x1xi1>
    %broadcast_in_dim3A_102 = vector.broadcast %broadcast_in_dim3A_101 : vector<16x1xi1> to vector<16x256xi1>
    %broadcast_in_dim3A_103 = vector.broadcast %jit3A_100 : f32 to vector<16x256xf32>
    %select_n3A_104 = arith.select %broadcast_in_dim3A_102, %sqrt3A_96, %broadcast_in_dim3A_103 : vector<16x256xi1>, vector<16x256xf32>
    %get3A_105 = arith.constant 512 : index
    %get3A_106 = arith.constant 0 : index
    %get3A_107 = vector.load %arg3[%get3A_105, %get3A_106] : memref<12800x128xf32, #tpu.memory_space<vmem>>, vector<256x128xf32>
    %dot_general3A_108 = arith.constant dense<0.000000e+00> : vector<16x128xf32>
    %dot_general3A_109 = tpu.matmul %select_n3A_104, %get3A_107, %dot_general3A_108 {dimension_numbers = #tpu.dot_dimension_numbers<[1], [0], [0], [1], [0, 0, 1, 1], [], []>, transpose_lhs_hint = false} : vector<16x256xf32>, vector<256x128xf32>, vector<16x128xf32> -> vector<16x128xf32>
    %add3A_110 = arith.addf %add3A_73, %dot_general3A_109 : vector<16x128xf32>
    %get3A_111 = arith.constant 48 : index
    %get3A_112 = arith.constant 0 : index
    %get3A_113 = vector.load %arg0[%get3A_111, %get3A_112] : memref<1024x128xf32, #tpu.memory_space<vmem>>, vector<16x64xf32>
    %mul3A_114 = arith.mulf %get3A_113, %get3A_113 : vector<16x64xf32>
    %reduce_sum3A_115 = arith.constant dense<0.000000e+00> : vector<16xf32>
    %reduce_sum3A_116 = vector.multi_reduction <add>, %mul3A_114, %reduce_sum3A_115 [1] : vector<16x64xf32> to vector<16xf32>
    %broadcast_in_dim3A_117 = vector.shape_cast %reduce_sum3A_116 : vector<16xf32> to vector<16x1xf32>
    %add3A_118 = vector.broadcast %broadcast_in_dim3A_117 : vector<16x1xf32> to vector<16x256xf32>
    %add3A_119 = vector.broadcast %broadcast_in_dim3A : vector<1x256xf32> to vector<16x256xf32>
    %add3A_120 = arith.addf %add3A_118, %add3A_119 : vector<16x256xf32>
    %dot_general3A_121 = arith.constant dense<0.000000e+00> : vector<16x256xf32>
    %dot_general3A_122 = tpu.matmul %get3A_113, %transpose3A, %dot_general3A_121 {dimension_numbers = #tpu.dot_dimension_numbers<[1], [0], [0], [1], [0, 0, 1, 1], [], []>, transpose_lhs_hint = false} : vector<16x64xf32>, vector<64x256xf32>, vector<16x256xf32> -> vector<16x256xf32>
    %mul3A_123 = arith.constant 2.000000e+00 : f32
    %mul3A_124 = vector.broadcast %mul3A_123 : f32 to vector<16x256xf32>
    %mul3A_125 = arith.mulf %mul3A_124, %dot_general3A_122 : vector<16x256xf32>
    %sub3A_126 = arith.subf %add3A_120, %mul3A_125 : vector<16x256xf32>
    %max3A_127 = arith.constant 0.000000e+00 : f32
    %max3A_128 = vector.broadcast %max3A_127 : f32 to vector<16x256xf32>
    %max3A_129 = arith.maximumf %sub3A_126, %max3A_128 : vector<16x256xf32>
    %add3A_130 = arith.constant 9.99999996E-13 : f32
    %add3A_131 = vector.broadcast %add3A_130 : f32 to vector<16x256xf32>
    %add3A_132 = arith.addf %max3A_129, %add3A_131 : vector<16x256xf32>
    %sqrt3A_133 = math.sqrt %add3A_132 : vector<16x256xf32>
    %gt3A_134 = arith.constant 3.000000e+00 : f32
    %gt3A_135 = vector.broadcast %gt3A_134 : f32 to vector<16x1xf32>
    %gt3A_136 = arith.cmpf ogt, %get3A_5, %gt3A_135 : vector<16x1xf32>
    %jit3A_137 = arith.constant 0.000000e+00 : f32
    %broadcast_in_dim3A_138 = vector.shape_cast %gt3A_136 : vector<16x1xi1> to vector<16x1xi1>
    %broadcast_in_dim3A_139 = vector.broadcast %broadcast_in_dim3A_138 : vector<16x1xi1> to vector<16x256xi1>
    %broadcast_in_dim3A_140 = vector.broadcast %jit3A_137 : f32 to vector<16x256xf32>
    %select_n3A_141 = arith.select %broadcast_in_dim3A_139, %sqrt3A_133, %broadcast_in_dim3A_140 : vector<16x256xi1>, vector<16x256xf32>
    %get3A_142 = arith.constant 768 : index
    %get3A_143 = arith.constant 0 : index
    %get3A_144 = vector.load %arg3[%get3A_142, %get3A_143] : memref<12800x128xf32, #tpu.memory_space<vmem>>, vector<256x128xf32>
    %dot_general3A_145 = arith.constant dense<0.000000e+00> : vector<16x128xf32>
    %dot_general3A_146 = tpu.matmul %select_n3A_141, %get3A_144, %dot_general3A_145 {dimension_numbers = #tpu.dot_dimension_numbers<[1], [0], [0], [1], [0, 0, 1, 1], [], []>, transpose_lhs_hint = false} : vector<16x256xf32>, vector<256x128xf32>, vector<16x128xf32> -> vector<16x128xf32>
    %add3A_147 = arith.addf %add3A_110, %dot_general3A_146 : vector<16x128xf32>
    %get3A_148 = arith.constant 64 : index
    %get3A_149 = arith.constant 0 : index
    %get3A_150 = vector.load %arg0[%get3A_148, %get3A_149] : memref<1024x128xf32, #tpu.memory_space<vmem>>, vector<16x64xf32>
    %mul3A_151 = arith.mulf %get3A_150, %get3A_150 : vector<16x64xf32>
    %reduce_sum3A_152 = arith.constant dense<0.000000e+00> : vector<16xf32>
    %reduce_sum3A_153 = vector.multi_reduction <add>, %mul3A_151, %reduce_sum3A_152 [1] : vector<16x64xf32> to vector<16xf32>
    %broadcast_in_dim3A_154 = vector.shape_cast %reduce_sum3A_153 : vector<16xf32> to vector<16x1xf32>
    %add3A_155 = vector.broadcast %broadcast_in_dim3A_154 : vector<16x1xf32> to vector<16x256xf32>
    %add3A_156 = vector.broadcast %broadcast_in_dim3A : vector<1x256xf32> to vector<16x256xf32>
    %add3A_157 = arith.addf %add3A_155, %add3A_156 : vector<16x256xf32>
    %dot_general3A_158 = arith.constant dense<0.000000e+00> : vector<16x256xf32>
    %dot_general3A_159 = tpu.matmul %get3A_150, %transpose3A, %dot_general3A_158 {dimension_numbers = #tpu.dot_dimension_numbers<[1], [0], [0], [1], [0, 0, 1, 1], [], []>, transpose_lhs_hint = false} : vector<16x64xf32>, vector<64x256xf32>, vector<16x256xf32> -> vector<16x256xf32>
    %mul3A_160 = arith.constant 2.000000e+00 : f32
    %mul3A_161 = vector.broadcast %mul3A_160 : f32 to vector<16x256xf32>
    %mul3A_162 = arith.mulf %mul3A_161, %dot_general3A_159 : vector<16x256xf32>
    %sub3A_163 = arith.subf %add3A_157, %mul3A_162 : vector<16x256xf32>
    %max3A_164 = arith.constant 0.000000e+00 : f32
    %max3A_165 = vector.broadcast %max3A_164 : f32 to vector<16x256xf32>
    %max3A_166 = arith.maximumf %sub3A_163, %max3A_165 : vector<16x256xf32>
    %add3A_167 = arith.constant 9.99999996E-13 : f32
    %add3A_168 = vector.broadcast %add3A_167 : f32 to vector<16x256xf32>
    %add3A_169 = arith.addf %max3A_166, %add3A_168 : vector<16x256xf32>
    %sqrt3A_170 = math.sqrt %add3A_169 : vector<16x256xf32>
    %gt3A_171 = arith.constant 4.000000e+00 : f32
    %gt3A_172 = vector.broadcast %gt3A_171 : f32 to vector<16x1xf32>
    %gt3A_173 = arith.cmpf ogt, %get3A_5, %gt3A_172 : vector<16x1xf32>
    %jit3A_174 = arith.constant 0.000000e+00 : f32
    %broadcast_in_dim3A_175 = vector.shape_cast %gt3A_173 : vector<16x1xi1> to vector<16x1xi1>
    %broadcast_in_dim3A_176 = vector.broadcast %broadcast_in_dim3A_175 : vector<16x1xi1> to vector<16x256xi1>
    %broadcast_in_dim3A_177 = vector.broadcast %jit3A_174 : f32 to vector<16x256xf32>
    %select_n3A_178 = arith.select %broadcast_in_dim3A_176, %sqrt3A_170, %broadcast_in_dim3A_177 : vector<16x256xi1>, vector<16x256xf32>
    %get3A_179 = arith.constant 1024 : index
    %get3A_180 = arith.constant 0 : index
    %get3A_181 = vector.load %arg3[%get3A_179, %get3A_180] : memref<12800x128xf32, #tpu.memory_space<vmem>>, vector<256x128xf32>
    %dot_general3A_182 = arith.constant dense<0.000000e+00> : vector<16x128xf32>
    %dot_general3A_183 = tpu.matmul %select_n3A_178, %get3A_181, %dot_general3A_182 {dimension_numbers = #tpu.dot_dimension_numbers<[1], [0], [0], [1], [0, 0, 1, 1], [], []>, transpose_lhs_hint = false} : vector<16x256xf32>, vector<256x128xf32>, vector<16x128xf32> -> vector<16x128xf32>
    %add3A_184 = arith.addf %add3A_147, %dot_general3A_183 : vector<16x128xf32>
    %get3A_185 = arith.constant 80 : index
    %get3A_186 = arith.constant 0 : index
    %get3A_187 = vector.load %arg0[%get3A_185, %get3A_186] : memref<1024x128xf32, #tpu.memory_space<vmem>>, vector<16x64xf32>
    %mul3A_188 = arith.mulf %get3A_187, %get3A_187 : vector<16x64xf32>
    %reduce_sum3A_189 = arith.constant dense<0.000000e+00> : vector<16xf32>
    %reduce_sum3A_190 = vector.multi_reduction <add>, %mul3A_188, %reduce_sum3A_189 [1] : vector<16x64xf32> to vector<16xf32>
    %broadcast_in_dim3A_191 = vector.shape_cast %reduce_sum3A_190 : vector<16xf32> to vector<16x1xf32>
    %add3A_192 = vector.broadcast %broadcast_in_dim3A_191 : vector<16x1xf32> to vector<16x256xf32>
    %add3A_193 = vector.broadcast %broadcast_in_dim3A : vector<1x256xf32> to vector<16x256xf32>
    %add3A_194 = arith.addf %add3A_192, %add3A_193 : vector<16x256xf32>
    %dot_general3A_195 = arith.constant dense<0.000000e+00> : vector<16x256xf32>
    %dot_general3A_196 = tpu.matmul %get3A_187, %transpose3A, %dot_general3A_195 {dimension_numbers = #tpu.dot_dimension_numbers<[1], [0], [0], [1], [0, 0, 1, 1], [], []>, transpose_lhs_hint = false} : vector<16x64xf32>, vector<64x256xf32>, vector<16x256xf32> -> vector<16x256xf32>
    %mul3A_197 = arith.constant 2.000000e+00 : f32
    %mul3A_198 = vector.broadcast %mul3A_197 : f32 to vector<16x256xf32>
    %mul3A_199 = arith.mulf %mul3A_198, %dot_general3A_196 : vector<16x256xf32>
    %sub3A_200 = arith.subf %add3A_194, %mul3A_199 : vector<16x256xf32>
    %max3A_201 = arith.constant 0.000000e+00 : f32
    %max3A_202 = vector.broadcast %max3A_201 : f32 to vector<16x256xf32>
    %max3A_203 = arith.maximumf %sub3A_200, %max3A_202 : vector<16x256xf32>
    %add3A_204 = arith.constant 9.99999996E-13 : f32
    %add3A_205 = vector.broadcast %add3A_204 : f32 to vector<16x256xf32>
    %add3A_206 = arith.addf %max3A_203, %add3A_205 : vector<16x256xf32>
    %sqrt3A_207 = math.sqrt %add3A_206 : vector<16x256xf32>
    %gt3A_208 = arith.constant 5.000000e+00 : f32
    %gt3A_209 = vector.broadcast %gt3A_208 : f32 to vector<16x1xf32>
    %gt3A_210 = arith.cmpf ogt, %get3A_5, %gt3A_209 : vector<16x1xf32>
    %jit3A_211 = arith.constant 0.000000e+00 : f32
    %broadcast_in_dim3A_212 = vector.shape_cast %gt3A_210 : vector<16x1xi1> to vector<16x1xi1>
    %broadcast_in_dim3A_213 = vector.broadcast %broadcast_in_dim3A_212 : vector<16x1xi1> to vector<16x256xi1>
    %broadcast_in_dim3A_214 = vector.broadcast %jit3A_211 : f32 to vector<16x256xf32>
    %select_n3A_215 = arith.select %broadcast_in_dim3A_213, %sqrt3A_207, %broadcast_in_dim3A_214 : vector<16x256xi1>, vector<16x256xf32>
    %get3A_216 = arith.constant 1280 : index
    %get3A_217 = arith.constant 0 : index
    %get3A_218 = vector.load %arg3[%get3A_216, %get3A_217] : memref<12800x128xf32, #tpu.memory_space<vmem>>, vector<256x128xf32>
    %dot_general3A_219 = arith.constant dense<0.000000e+00> : vector<16x128xf32>
    %dot_general3A_220 = tpu.matmul %select_n3A_215, %get3A_218, %dot_general3A_219 {dimension_numbers = #tpu.dot_dimension_numbers<[1], [0], [0], [1], [0, 0, 1, 1], [], []>, transpose_lhs_hint = false} : vector<16x256xf32>, vector<256x128xf32>, vector<16x128xf32> -> vector<16x128xf32>
    %add3A_221 = arith.addf %add3A_184, %dot_general3A_220 : vector<16x128xf32>
    %get3A_222 = arith.constant 96 : index
    %get3A_223 = arith.constant 0 : index
    %get3A_224 = vector.load %arg0[%get3A_222, %get3A_223] : memref<1024x128xf32, #tpu.memory_space<vmem>>, vector<16x64xf32>
    %mul3A_225 = arith.mulf %get3A_224, %get3A_224 : vector<16x64xf32>
    %reduce_sum3A_226 = arith.constant dense<0.000000e+00> : vector<16xf32>
    %reduce_sum3A_227 = vector.multi_reduction <add>, %mul3A_225, %reduce_sum3A_226 [1] : vector<16x64xf32> to vector<16xf32>
    %broadcast_in_dim3A_228 = vector.shape_cast %reduce_sum3A_227 : vector<16xf32> to vector<16x1xf32>
    %add3A_229 = vector.broadcast %broadcast_in_dim3A_228 : vector<16x1xf32> to vector<16x256xf32>
    %add3A_230 = vector.broadcast %broadcast_in_dim3A : vector<1x256xf32> to vector<16x256xf32>
    %add3A_231 = arith.addf %add3A_229, %add3A_230 : vector<16x256xf32>
    %dot_general3A_232 = arith.constant dense<0.000000e+00> : vector<16x256xf32>
    %dot_general3A_233 = tpu.matmul %get3A_224, %transpose3A, %dot_general3A_232 {dimension_numbers = #tpu.dot_dimension_numbers<[1], [0], [0], [1], [0, 0, 1, 1], [], []>, transpose_lhs_hint = false} : vector<16x64xf32>, vector<64x256xf32>, vector<16x256xf32> -> vector<16x256xf32>
    %mul3A_234 = arith.constant 2.000000e+00 : f32
    %mul3A_235 = vector.broadcast %mul3A_234 : f32 to vector<16x256xf32>
    %mul3A_236 = arith.mulf %mul3A_235, %dot_general3A_233 : vector<16x256xf32>
    %sub3A_237 = arith.subf %add3A_231, %mul3A_236 : vector<16x256xf32>
    %max3A_238 = arith.constant 0.000000e+00 : f32
    %max3A_239 = vector.broadcast %max3A_238 : f32 to vector<16x256xf32>
    %max3A_240 = arith.maximumf %sub3A_237, %max3A_239 : vector<16x256xf32>
    %add3A_241 = arith.constant 9.99999996E-13 : f32
    %add3A_242 = vector.broadcast %add3A_241 : f32 to vector<16x256xf32>
    %add3A_243 = arith.addf %max3A_240, %add3A_242 : vector<16x256xf32>
    %sqrt3A_244 = math.sqrt %add3A_243 : vector<16x256xf32>
    %gt3A_245 = arith.constant 6.000000e+00 : f32
    %gt3A_246 = vector.broadcast %gt3A_245 : f32 to vector<16x1xf32>
    %gt3A_247 = arith.cmpf ogt, %get3A_5, %gt3A_246 : vector<16x1xf32>
    %jit3A_248 = arith.constant 0.000000e+00 : f32
    %broadcast_in_dim3A_249 = vector.shape_cast %gt3A_247 : vector<16x1xi1> to vector<16x1xi1>
    %broadcast_in_dim3A_250 = vector.broadcast %broadcast_in_dim3A_249 : vector<16x1xi1> to vector<16x256xi1>
    %broadcast_in_dim3A_251 = vector.broadcast %jit3A_248 : f32 to vector<16x256xf32>
    %select_n3A_252 = arith.select %broadcast_in_dim3A_250, %sqrt3A_244, %broadcast_in_dim3A_251 : vector<16x256xi1>, vector<16x256xf32>
    %get3A_253 = arith.constant 1536 : index
    %get3A_254 = arith.constant 0 : index
    %get3A_255 = vector.load %arg3[%get3A_253, %get3A_254] : memref<12800x128xf32, #tpu.memory_space<vmem>>, vector<256x128xf32>
    %dot_general3A_256 = arith.constant dense<0.000000e+00> : vector<16x128xf32>
    %dot_general3A_257 = tpu.matmul %select_n3A_252, %get3A_255, %dot_general3A_256 {dimension_numbers = #tpu.dot_dimension_numbers<[1], [0], [0], [1], [0, 0, 1, 1], [], []>, transpose_lhs_hint = false} : vector<16x256xf32>, vector<256x128xf32>, vector<16x128xf32> -> vector<16x128xf32>
    %add3A_258 = arith.addf %add3A_221, %dot_general3A_257 : vector<16x128xf32>
    %get3A_259 = arith.constant 112 : index
    %get3A_260 = arith.constant 0 : index
    %get3A_261 = vector.load %arg0[%get3A_259, %get3A_260] : memref<1024x128xf32, #tpu.memory_space<vmem>>, vector<16x64xf32>
    %mul3A_262 = arith.mulf %get3A_261, %get3A_261 : vector<16x64xf32>
    %reduce_sum3A_263 = arith.constant dense<0.000000e+00> : vector<16xf32>
    %reduce_sum3A_264 = vector.multi_reduction <add>, %mul3A_262, %reduce_sum3A_263 [1] : vector<16x64xf32> to vector<16xf32>
    %broadcast_in_dim3A_265 = vector.shape_cast %reduce_sum3A_264 : vector<16xf32> to vector<16x1xf32>
    %add3A_266 = vector.broadcast %broadcast_in_dim3A_265 : vector<16x1xf32> to vector<16x256xf32>
    %add3A_267 = vector.broadcast %broadcast_in_dim3A : vector<1x256xf32> to vector<16x256xf32>
    %add3A_268 = arith.addf %add3A_266, %add3A_267 : vector<16x256xf32>
    %dot_general3A_269 = arith.constant dense<0.000000e+00> : vector<16x256xf32>
    %dot_general3A_270 = tpu.matmul %get3A_261, %transpose3A, %dot_general3A_269 {dimension_numbers = #tpu.dot_dimension_numbers<[1], [0], [0], [1], [0, 0, 1, 1], [], []>, transpose_lhs_hint = false} : vector<16x64xf32>, vector<64x256xf32>, vector<16x256xf32> -> vector<16x256xf32>
    %mul3A_271 = arith.constant 2.000000e+00 : f32
    %mul3A_272 = vector.broadcast %mul3A_271 : f32 to vector<16x256xf32>
    %mul3A_273 = arith.mulf %mul3A_272, %dot_general3A_270 : vector<16x256xf32>
    %sub3A_274 = arith.subf %add3A_268, %mul3A_273 : vector<16x256xf32>
    %max3A_275 = arith.constant 0.000000e+00 : f32
    %max3A_276 = vector.broadcast %max3A_275 : f32 to vector<16x256xf32>
    %max3A_277 = arith.maximumf %sub3A_274, %max3A_276 : vector<16x256xf32>
    %add3A_278 = arith.constant 9.99999996E-13 : f32
    %add3A_279 = vector.broadcast %add3A_278 : f32 to vector<16x256xf32>
    %add3A_280 = arith.addf %max3A_277, %add3A_279 : vector<16x256xf32>
    %sqrt3A_281 = math.sqrt %add3A_280 : vector<16x256xf32>
    %gt3A_282 = arith.constant 7.000000e+00 : f32
    %gt3A_283 = vector.broadcast %gt3A_282 : f32 to vector<16x1xf32>
    %gt3A_284 = arith.cmpf ogt, %get3A_5, %gt3A_283 : vector<16x1xf32>
    %jit3A_285 = arith.constant 0.000000e+00 : f32
    %broadcast_in_dim3A_286 = vector.shape_cast %gt3A_284 : vector<16x1xi1> to vector<16x1xi1>
    %broadcast_in_dim3A_287 = vector.broadcast %broadcast_in_dim3A_286 : vector<16x1xi1> to vector<16x256xi1>
    %broadcast_in_dim3A_288 = vector.broadcast %jit3A_285 : f32 to vector<16x256xf32>
    %select_n3A_289 = arith.select %broadcast_in_dim3A_287, %sqrt3A_281, %broadcast_in_dim3A_288 : vector<16x256xi1>, vector<16x256xf32>
    %get3A_290 = arith.constant 1792 : index
    %get3A_291 = arith.constant 0 : index
    %get3A_292 = vector.load %arg3[%get3A_290, %get3A_291] : memref<12800x128xf32, #tpu.memory_space<vmem>>, vector<256x128xf32>
    %dot_general3A_293 = arith.constant dense<0.000000e+00> : vector<16x128xf32>
    %dot_general3A_294 = tpu.matmul %select_n3A_289, %get3A_292, %dot_general3A_293 {dimension_numbers = #tpu.dot_dimension_numbers<[1], [0], [0], [1], [0, 0, 1, 1], [], []>, transpose_lhs_hint = false} : vector<16x256xf32>, vector<256x128xf32>, vector<16x128xf32> -> vector<16x128xf32>
    %add3A_295 = arith.addf %add3A_258, %dot_general3A_294 : vector<16x128xf32>
    %get3A_296 = arith.constant 128 : index
    %get3A_297 = arith.constant 0 : index
    %get3A_298 = vector.load %arg0[%get3A_296, %get3A_297] : memref<1024x128xf32, #tpu.memory_space<vmem>>, vector<16x64xf32>
    %mul3A_299 = arith.mulf %get3A_298, %get3A_298 : vector<16x64xf32>
    %reduce_sum3A_300 = arith.constant dense<0.000000e+00> : vector<16xf32>
    %reduce_sum3A_301 = vector.multi_reduction <add>, %mul3A_299, %reduce_sum3A_300 [1] : vector<16x64xf32> to vector<16xf32>
    %broadcast_in_dim3A_302 = vector.shape_cast %reduce_sum3A_301 : vector<16xf32> to vector<16x1xf32>
    %add3A_303 = vector.broadcast %broadcast_in_dim3A_302 : vector<16x1xf32> to vector<16x256xf32>
    %add3A_304 = vector.broadcast %broadcast_in_dim3A : vector<1x256xf32> to vector<16x256xf32>
    %add3A_305 = arith.addf %add3A_303, %add3A_304 : vector<16x256xf32>
    %dot_general3A_306 = arith.constant dense<0.000000e+00> : vector<16x256xf32>
    %dot_general3A_307 = tpu.matmul %get3A_298, %transpose3A, %dot_general3A_306 {dimension_numbers = #tpu.dot_dimension_numbers<[1], [0], [0], [1], [0, 0, 1, 1], [], []>, transpose_lhs_hint = false} : vector<16x64xf32>, vector<64x256xf32>, vector<16x256xf32> -> vector<16x256xf32>
    %mul3A_308 = arith.constant 2.000000e+00 : f32
    %mul3A_309 = vector.broadcast %mul3A_308 : f32 to vector<16x256xf32>
    %mul3A_310 = arith.mulf %mul3A_309, %dot_general3A_307 : vector<16x256xf32>
    %sub3A_311 = arith.subf %add3A_305, %mul3A_310 : vector<16x256xf32>
    %max3A_312 = arith.constant 0.000000e+00 : f32
    %max3A_313 = vector.broadcast %max3A_312 : f32 to vector<16x256xf32>
    %max3A_314 = arith.maximumf %sub3A_311, %max3A_313 : vector<16x256xf32>
    %add3A_315 = arith.constant 9.99999996E-13 : f32
    %add3A_316 = vector.broadcast %add3A_315 : f32 to vector<16x256xf32>
    %add3A_317 = arith.addf %max3A_314, %add3A_316 : vector<16x256xf32>
    %sqrt3A_318 = math.sqrt %add3A_317 : vector<16x256xf32>
    %gt3A_319 = arith.constant 8.000000e+00 : f32
    %gt3A_320 = vector.broadcast %gt3A_319 : f32 to vector<16x1xf32>
    %gt3A_321 = arith.cmpf ogt, %get3A_5, %gt3A_320 : vector<16x1xf32>
    %jit3A_322 = arith.constant 0.000000e+00 : f32
    %broadcast_in_dim3A_323 = vector.shape_cast %gt3A_321 : vector<16x1xi1> to vector<16x1xi1>
    %broadcast_in_dim3A_324 = vector.broadcast %broadcast_in_dim3A_323 : vector<16x1xi1> to vector<16x256xi1>
    %broadcast_in_dim3A_325 = vector.broadcast %jit3A_322 : f32 to vector<16x256xf32>
    %select_n3A_326 = arith.select %broadcast_in_dim3A_324, %sqrt3A_318, %broadcast_in_dim3A_325 : vector<16x256xi1>, vector<16x256xf32>
    %get3A_327 = arith.constant 2048 : index
    %get3A_328 = arith.constant 0 : index
    %get3A_329 = vector.load %arg3[%get3A_327, %get3A_328] : memref<12800x128xf32, #tpu.memory_space<vmem>>, vector<256x128xf32>
    %dot_general3A_330 = arith.constant dense<0.000000e+00> : vector<16x128xf32>
    %dot_general3A_331 = tpu.matmul %select_n3A_326, %get3A_329, %dot_general3A_330 {dimension_numbers = #tpu.dot_dimension_numbers<[1], [0], [0], [1], [0, 0, 1, 1], [], []>, transpose_lhs_hint = false} : vector<16x256xf32>, vector<256x128xf32>, vector<16x128xf32> -> vector<16x128xf32>
    %add3A_332 = arith.addf %add3A_295, %dot_general3A_331 : vector<16x128xf32>
    %get3A_333 = arith.constant 144 : index
    %get3A_334 = arith.constant 0 : index
    %get3A_335 = vector.load %arg0[%get3A_333, %get3A_334] : memref<1024x128xf32, #tpu.memory_space<vmem>>, vector<16x64xf32>
    %mul3A_336 = arith.mulf %get3A_335, %get3A_335 : vector<16x64xf32>
    %reduce_sum3A_337 = arith.constant dense<0.000000e+00> : vector<16xf32>
    %reduce_sum3A_338 = vector.multi_reduction <add>, %mul3A_336, %reduce_sum3A_337 [1] : vector<16x64xf32> to vector<16xf32>
    %broadcast_in_dim3A_339 = vector.shape_cast %reduce_sum3A_338 : vector<16xf32> to vector<16x1xf32>
    %add3A_340 = vector.broadcast %broadcast_in_dim3A_339 : vector<16x1xf32> to vector<16x256xf32>
    %add3A_341 = vector.broadcast %broadcast_in_dim3A : vector<1x256xf32> to vector<16x256xf32>
    %add3A_342 = arith.addf %add3A_340, %add3A_341 : vector<16x256xf32>
    %dot_general3A_343 = arith.constant dense<0.000000e+00> : vector<16x256xf32>
    %dot_general3A_344 = tpu.matmul %get3A_335, %transpose3A, %dot_general3A_343 {dimension_numbers = #tpu.dot_dimension_numbers<[1], [0], [0], [1], [0, 0, 1, 1], [], []>, transpose_lhs_hint = false} : vector<16x64xf32>, vector<64x256xf32>, vector<16x256xf32> -> vector<16x256xf32>
    %mul3A_345 = arith.constant 2.000000e+00 : f32
    %mul3A_346 = vector.broadcast %mul3A_345 : f32 to vector<16x256xf32>
    %mul3A_347 = arith.mulf %mul3A_346, %dot_general3A_344 : vector<16x256xf32>
    %sub3A_348 = arith.subf %add3A_342, %mul3A_347 : vector<16x256xf32>
    %max3A_349 = arith.constant 0.000000e+00 : f32
    %max3A_350 = vector.broadcast %max3A_349 : f32 to vector<16x256xf32>
    %max3A_351 = arith.maximumf %sub3A_348, %max3A_350 : vector<16x256xf32>
    %add3A_352 = arith.constant 9.99999996E-13 : f32
    %add3A_353 = vector.broadcast %add3A_352 : f32 to vector<16x256xf32>
    %add3A_354 = arith.addf %max3A_351, %add3A_353 : vector<16x256xf32>
    %sqrt3A_355 = math.sqrt %add3A_354 : vector<16x256xf32>
    %gt3A_356 = arith.constant 9.000000e+00 : f32
    %gt3A_357 = vector.broadcast %gt3A_356 : f32 to vector<16x1xf32>
    %gt3A_358 = arith.cmpf ogt, %get3A_5, %gt3A_357 : vector<16x1xf32>
    %jit3A_359 = arith.constant 0.000000e+00 : f32
    %broadcast_in_dim3A_360 = vector.shape_cast %gt3A_358 : vector<16x1xi1> to vector<16x1xi1>
    %broadcast_in_dim3A_361 = vector.broadcast %broadcast_in_dim3A_360 : vector<16x1xi1> to vector<16x256xi1>
    %broadcast_in_dim3A_362 = vector.broadcast %jit3A_359 : f32 to vector<16x256xf32>
    %select_n3A_363 = arith.select %broadcast_in_dim3A_361, %sqrt3A_355, %broadcast_in_dim3A_362 : vector<16x256xi1>, vector<16x256xf32>
    %get3A_364 = arith.constant 2304 : index
    %get3A_365 = arith.constant 0 : index
    %get3A_366 = vector.load %arg3[%get3A_364, %get3A_365] : memref<12800x128xf32, #tpu.memory_space<vmem>>, vector<256x128xf32>
    %dot_general3A_367 = arith.constant dense<0.000000e+00> : vector<16x128xf32>
    %dot_general3A_368 = tpu.matmul %select_n3A_363, %get3A_366, %dot_general3A_367 {dimension_numbers = #tpu.dot_dimension_numbers<[1], [0], [0], [1], [0, 0, 1, 1], [], []>, transpose_lhs_hint = false} : vector<16x256xf32>, vector<256x128xf32>, vector<16x128xf32> -> vector<16x128xf32>
    %add3A_369 = arith.addf %add3A_332, %dot_general3A_368 : vector<16x128xf32>
    %get3A_370 = arith.constant 160 : index
    %get3A_371 = arith.constant 0 : index
    %get3A_372 = vector.load %arg0[%get3A_370, %get3A_371] : memref<1024x128xf32, #tpu.memory_space<vmem>>, vector<16x64xf32>
    %mul3A_373 = arith.mulf %get3A_372, %get3A_372 : vector<16x64xf32>
    %reduce_sum3A_374 = arith.constant dense<0.000000e+00> : vector<16xf32>
    %reduce_sum3A_375 = vector.multi_reduction <add>, %mul3A_373, %reduce_sum3A_374 [1] : vector<16x64xf32> to vector<16xf32>
    %broadcast_in_dim3A_376 = vector.shape_cast %reduce_sum3A_375 : vector<16xf32> to vector<16x1xf32>
    %add3A_377 = vector.broadcast %broadcast_in_dim3A_376 : vector<16x1xf32> to vector<16x256xf32>
    %add3A_378 = vector.broadcast %broadcast_in_dim3A : vector<1x256xf32> to vector<16x256xf32>
    %add3A_379 = arith.addf %add3A_377, %add3A_378 : vector<16x256xf32>
    %dot_general3A_380 = arith.constant dense<0.000000e+00> : vector<16x256xf32>
    %dot_general3A_381 = tpu.matmul %get3A_372, %transpose3A, %dot_general3A_380 {dimension_numbers = #tpu.dot_dimension_numbers<[1], [0], [0], [1], [0, 0, 1, 1], [], []>, transpose_lhs_hint = false} : vector<16x64xf32>, vector<64x256xf32>, vector<16x256xf32> -> vector<16x256xf32>
    %mul3A_382 = arith.constant 2.000000e+00 : f32
    %mul3A_383 = vector.broadcast %mul3A_382 : f32 to vector<16x256xf32>
    %mul3A_384 = arith.mulf %mul3A_383, %dot_general3A_381 : vector<16x256xf32>
    %sub3A_385 = arith.subf %add3A_379, %mul3A_384 : vector<16x256xf32>
    %max3A_386 = arith.constant 0.000000e+00 : f32
    %max3A_387 = vector.broadcast %max3A_386 : f32 to vector<16x256xf32>
    %max3A_388 = arith.maximumf %sub3A_385, %max3A_387 : vector<16x256xf32>
    %add3A_389 = arith.constant 9.99999996E-13 : f32
    %add3A_390 = vector.broadcast %add3A_389 : f32 to vector<16x256xf32>
    %add3A_391 = arith.addf %max3A_388, %add3A_390 : vector<16x256xf32>
    %sqrt3A_392 = math.sqrt %add3A_391 : vector<16x256xf32>
    %gt3A_393 = arith.constant 1.000000e+01 : f32
    %gt3A_394 = vector.broadcast %gt3A_393 : f32 to vector<16x1xf32>
    %gt3A_395 = arith.cmpf ogt, %get3A_5, %gt3A_394 : vector<16x1xf32>
    %jit3A_396 = arith.constant 0.000000e+00 : f32
    %broadcast_in_dim3A_397 = vector.shape_cast %gt3A_395 : vector<16x1xi1> to vector<16x1xi1>
    %broadcast_in_dim3A_398 = vector.broadcast %broadcast_in_dim3A_397 : vector<16x1xi1> to vector<16x256xi1>
    %broadcast_in_dim3A_399 = vector.broadcast %jit3A_396 : f32 to vector<16x256xf32>
    %select_n3A_400 = arith.select %broadcast_in_dim3A_398, %sqrt3A_392, %broadcast_in_dim3A_399 : vector<16x256xi1>, vector<16x256xf32>
    %get3A_401 = arith.constant 2560 : index
    %get3A_402 = arith.constant 0 : index
    %get3A_403 = vector.load %arg3[%get3A_401, %get3A_402] : memref<12800x128xf32, #tpu.memory_space<vmem>>, vector<256x128xf32>
    %dot_general3A_404 = arith.constant dense<0.000000e+00> : vector<16x128xf32>
    %dot_general3A_405 = tpu.matmul %select_n3A_400, %get3A_403, %dot_general3A_404 {dimension_numbers = #tpu.dot_dimension_numbers<[1], [0], [0], [1], [0, 0, 1, 1], [], []>, transpose_lhs_hint = false} : vector<16x256xf32>, vector<256x128xf32>, vector<16x128xf32> -> vector<16x128xf32>
    %add3A_406 = arith.addf %add3A_369, %dot_general3A_405 : vector<16x128xf32>
    %get3A_407 = arith.constant 176 : index
    %get3A_408 = arith.constant 0 : index
    %get3A_409 = vector.load %arg0[%get3A_407, %get3A_408] : memref<1024x128xf32, #tpu.memory_space<vmem>>, vector<16x64xf32>
    %mul3A_410 = arith.mulf %get3A_409, %get3A_409 : vector<16x64xf32>
    %reduce_sum3A_411 = arith.constant dense<0.000000e+00> : vector<16xf32>
    %reduce_sum3A_412 = vector.multi_reduction <add>, %mul3A_410, %reduce_sum3A_411 [1] : vector<16x64xf32> to vector<16xf32>
    %broadcast_in_dim3A_413 = vector.shape_cast %reduce_sum3A_412 : vector<16xf32> to vector<16x1xf32>
    %add3A_414 = vector.broadcast %broadcast_in_dim3A_413 : vector<16x1xf32> to vector<16x256xf32>
    %add3A_415 = vector.broadcast %broadcast_in_dim3A : vector<1x256xf32> to vector<16x256xf32>
    %add3A_416 = arith.addf %add3A_414, %add3A_415 : vector<16x256xf32>
    %dot_general3A_417 = arith.constant dense<0.000000e+00> : vector<16x256xf32>
    %dot_general3A_418 = tpu.matmul %get3A_409, %transpose3A, %dot_general3A_417 {dimension_numbers = #tpu.dot_dimension_numbers<[1], [0], [0], [1], [0, 0, 1, 1], [], []>, transpose_lhs_hint = false} : vector<16x64xf32>, vector<64x256xf32>, vector<16x256xf32> -> vector<16x256xf32>
    %mul3A_419 = arith.constant 2.000000e+00 : f32
    %mul3A_420 = vector.broadcast %mul3A_419 : f32 to vector<16x256xf32>
    %mul3A_421 = arith.mulf %mul3A_420, %dot_general3A_418 : vector<16x256xf32>
    %sub3A_422 = arith.subf %add3A_416, %mul3A_421 : vector<16x256xf32>
    %max3A_423 = arith.constant 0.000000e+00 : f32
    %max3A_424 = vector.broadcast %max3A_423 : f32 to vector<16x256xf32>
    %max3A_425 = arith.maximumf %sub3A_422, %max3A_424 : vector<16x256xf32>
    %add3A_426 = arith.constant 9.99999996E-13 : f32
    %add3A_427 = vector.broadcast %add3A_426 : f32 to vector<16x256xf32>
    %add3A_428 = arith.addf %max3A_425, %add3A_427 : vector<16x256xf32>
    %sqrt3A_429 = math.sqrt %add3A_428 : vector<16x256xf32>
    %gt3A_430 = arith.constant 1.100000e+01 : f32
    %gt3A_431 = vector.broadcast %gt3A_430 : f32 to vector<16x1xf32>
    %gt3A_432 = arith.cmpf ogt, %get3A_5, %gt3A_431 : vector<16x1xf32>
    %jit3A_433 = arith.constant 0.000000e+00 : f32
    %broadcast_in_dim3A_434 = vector.shape_cast %gt3A_432 : vector<16x1xi1> to vector<16x1xi1>
    %broadcast_in_dim3A_435 = vector.broadcast %broadcast_in_dim3A_434 : vector<16x1xi1> to vector<16x256xi1>
    %broadcast_in_dim3A_436 = vector.broadcast %jit3A_433 : f32 to vector<16x256xf32>
    %select_n3A_437 = arith.select %broadcast_in_dim3A_435, %sqrt3A_429, %broadcast_in_dim3A_436 : vector<16x256xi1>, vector<16x256xf32>
    %get3A_438 = arith.constant 2816 : index
    %get3A_439 = arith.constant 0 : index
    %get3A_440 = vector.load %arg3[%get3A_438, %get3A_439] : memref<12800x128xf32, #tpu.memory_space<vmem>>, vector<256x128xf32>
    %dot_general3A_441 = arith.constant dense<0.000000e+00> : vector<16x128xf32>
    %dot_general3A_442 = tpu.matmul %select_n3A_437, %get3A_440, %dot_general3A_441 {dimension_numbers = #tpu.dot_dimension_numbers<[1], [0], [0], [1], [0, 0, 1, 1], [], []>, transpose_lhs_hint = false} : vector<16x256xf32>, vector<256x128xf32>, vector<16x128xf32> -> vector<16x128xf32>
    %add3A_443 = arith.addf %add3A_406, %dot_general3A_442 : vector<16x128xf32>
    %get3A_444 = arith.constant 192 : index
    %get3A_445 = arith.constant 0 : index
    %get3A_446 = vector.load %arg0[%get3A_444, %get3A_445] : memref<1024x128xf32, #tpu.memory_space<vmem>>, vector<16x64xf32>
    %mul3A_447 = arith.mulf %get3A_446, %get3A_446 : vector<16x64xf32>
    %reduce_sum3A_448 = arith.constant dense<0.000000e+00> : vector<16xf32>
    %reduce_sum3A_449 = vector.multi_reduction <add>, %mul3A_447, %reduce_sum3A_448 [1] : vector<16x64xf32> to vector<16xf32>
    %broadcast_in_dim3A_450 = vector.shape_cast %reduce_sum3A_449 : vector<16xf32> to vector<16x1xf32>
    %add3A_451 = vector.broadcast %broadcast_in_dim3A_450 : vector<16x1xf32> to vector<16x256xf32>
    %add3A_452 = vector.broadcast %broadcast_in_dim3A : vector<1x256xf32> to vector<16x256xf32>
    %add3A_453 = arith.addf %add3A_451, %add3A_452 : vector<16x256xf32>
    %dot_general3A_454 = arith.constant dense<0.000000e+00> : vector<16x256xf32>
    %dot_general3A_455 = tpu.matmul %get3A_446, %transpose3A, %dot_general3A_454 {dimension_numbers = #tpu.dot_dimension_numbers<[1], [0], [0], [1], [0, 0, 1, 1], [], []>, transpose_lhs_hint = false} : vector<16x64xf32>, vector<64x256xf32>, vector<16x256xf32> -> vector<16x256xf32>
    %mul3A_456 = arith.constant 2.000000e+00 : f32
    %mul3A_457 = vector.broadcast %mul3A_456 : f32 to vector<16x256xf32>
    %mul3A_458 = arith.mulf %mul3A_457, %dot_general3A_455 : vector<16x256xf32>
    %sub3A_459 = arith.subf %add3A_453, %mul3A_458 : vector<16x256xf32>
    %max3A_460 = arith.constant 0.000000e+00 : f32
    %max3A_461 = vector.broadcast %max3A_460 : f32 to vector<16x256xf32>
    %max3A_462 = arith.maximumf %sub3A_459, %max3A_461 : vector<16x256xf32>
    %add3A_463 = arith.constant 9.99999996E-13 : f32
    %add3A_464 = vector.broadcast %add3A_463 : f32 to vector<16x256xf32>
    %add3A_465 = arith.addf %max3A_462, %add3A_464 : vector<16x256xf32>
    %sqrt3A_466 = math.sqrt %add3A_465 : vector<16x256xf32>
    %gt3A_467 = arith.constant 1.200000e+01 : f32
    %gt3A_468 = vector.broadcast %gt3A_467 : f32 to vector<16x1xf32>
    %gt3A_469 = arith.cmpf ogt, %get3A_5, %gt3A_468 : vector<16x1xf32>
    %jit3A_470 = arith.constant 0.000000e+00 : f32
    %broadcast_in_dim3A_471 = vector.shape_cast %gt3A_469 : vector<16x1xi1> to vector<16x1xi1>
    %broadcast_in_dim3A_472 = vector.broadcast %broadcast_in_dim3A_471 : vector<16x1xi1> to vector<16x256xi1>
    %broadcast_in_dim3A_473 = vector.broadcast %jit3A_470 : f32 to vector<16x256xf32>
    %select_n3A_474 = arith.select %broadcast_in_dim3A_472, %sqrt3A_466, %broadcast_in_dim3A_473 : vector<16x256xi1>, vector<16x256xf32>
    %get3A_475 = arith.constant 3072 : index
    %get3A_476 = arith.constant 0 : index
    %get3A_477 = vector.load %arg3[%get3A_475, %get3A_476] : memref<12800x128xf32, #tpu.memory_space<vmem>>, vector<256x128xf32>
    %dot_general3A_478 = arith.constant dense<0.000000e+00> : vector<16x128xf32>
    %dot_general3A_479 = tpu.matmul %select_n3A_474, %get3A_477, %dot_general3A_478 {dimension_numbers = #tpu.dot_dimension_numbers<[1], [0], [0], [1], [0, 0, 1, 1], [], []>, transpose_lhs_hint = false} : vector<16x256xf32>, vector<256x128xf32>, vector<16x128xf32> -> vector<16x128xf32>
    %add3A_480 = arith.addf %add3A_443, %dot_general3A_479 : vector<16x128xf32>
    %get3A_481 = arith.constant 208 : index
    %get3A_482 = arith.constant 0 : index
    %get3A_483 = vector.load %arg0[%get3A_481, %get3A_482] : memref<1024x128xf32, #tpu.memory_space<vmem>>, vector<16x64xf32>
    %mul3A_484 = arith.mulf %get3A_483, %get3A_483 : vector<16x64xf32>
    %reduce_sum3A_485 = arith.constant dense<0.000000e+00> : vector<16xf32>
    %reduce_sum3A_486 = vector.multi_reduction <add>, %mul3A_484, %reduce_sum3A_485 [1] : vector<16x64xf32> to vector<16xf32>
    %broadcast_in_dim3A_487 = vector.shape_cast %reduce_sum3A_486 : vector<16xf32> to vector<16x1xf32>
    %add3A_488 = vector.broadcast %broadcast_in_dim3A_487 : vector<16x1xf32> to vector<16x256xf32>
    %add3A_489 = vector.broadcast %broadcast_in_dim3A : vector<1x256xf32> to vector<16x256xf32>
    %add3A_490 = arith.addf %add3A_488, %add3A_489 : vector<16x256xf32>
    %dot_general3A_491 = arith.constant dense<0.000000e+00> : vector<16x256xf32>
    %dot_general3A_492 = tpu.matmul %get3A_483, %transpose3A, %dot_general3A_491 {dimension_numbers = #tpu.dot_dimension_numbers<[1], [0], [0], [1], [0, 0, 1, 1], [], []>, transpose_lhs_hint = false} : vector<16x64xf32>, vector<64x256xf32>, vector<16x256xf32> -> vector<16x256xf32>
    %mul3A_493 = arith.constant 2.000000e+00 : f32
    %mul3A_494 = vector.broadcast %mul3A_493 : f32 to vector<16x256xf32>
    %mul3A_495 = arith.mulf %mul3A_494, %dot_general3A_492 : vector<16x256xf32>
    %sub3A_496 = arith.subf %add3A_490, %mul3A_495 : vector<16x256xf32>
    %max3A_497 = arith.constant 0.000000e+00 : f32
    %max3A_498 = vector.broadcast %max3A_497 : f32 to vector<16x256xf32>
    %max3A_499 = arith.maximumf %sub3A_496, %max3A_498 : vector<16x256xf32>
    %add3A_500 = arith.constant 9.99999996E-13 : f32
    %add3A_501 = vector.broadcast %add3A_500 : f32 to vector<16x256xf32>
    %add3A_502 = arith.addf %max3A_499, %add3A_501 : vector<16x256xf32>
    %sqrt3A_503 = math.sqrt %add3A_502 : vector<16x256xf32>
    %gt3A_504 = arith.constant 1.300000e+01 : f32
    %gt3A_505 = vector.broadcast %gt3A_504 : f32 to vector<16x1xf32>
    %gt3A_506 = arith.cmpf ogt, %get3A_5, %gt3A_505 : vector<16x1xf32>
    %jit3A_507 = arith.constant 0.000000e+00 : f32
    %broadcast_in_dim3A_508 = vector.shape_cast %gt3A_506 : vector<16x1xi1> to vector<16x1xi1>
    %broadcast_in_dim3A_509 = vector.broadcast %broadcast_in_dim3A_508 : vector<16x1xi1> to vector<16x256xi1>
    %broadcast_in_dim3A_510 = vector.broadcast %jit3A_507 : f32 to vector<16x256xf32>
    %select_n3A_511 = arith.select %broadcast_in_dim3A_509, %sqrt3A_503, %broadcast_in_dim3A_510 : vector<16x256xi1>, vector<16x256xf32>
    %get3A_512 = arith.constant 3328 : index
    %get3A_513 = arith.constant 0 : index
    %get3A_514 = vector.load %arg3[%get3A_512, %get3A_513] : memref<12800x128xf32, #tpu.memory_space<vmem>>, vector<256x128xf32>
    %dot_general3A_515 = arith.constant dense<0.000000e+00> : vector<16x128xf32>
    %dot_general3A_516 = tpu.matmul %select_n3A_511, %get3A_514, %dot_general3A_515 {dimension_numbers = #tpu.dot_dimension_numbers<[1], [0], [0], [1], [0, 0, 1, 1], [], []>, transpose_lhs_hint = false} : vector<16x256xf32>, vector<256x128xf32>, vector<16x128xf32> -> vector<16x128xf32>
    %add3A_517 = arith.addf %add3A_480, %dot_general3A_516 : vector<16x128xf32>
    %get3A_518 = arith.constant 224 : index
    %get3A_519 = arith.constant 0 : index
    %get3A_520 = vector.load %arg0[%get3A_518, %get3A_519] : memref<1024x128xf32, #tpu.memory_space<vmem>>, vector<16x64xf32>
    %mul3A_521 = arith.mulf %get3A_520, %get3A_520 : vector<16x64xf32>
    %reduce_sum3A_522 = arith.constant dense<0.000000e+00> : vector<16xf32>
    %reduce_sum3A_523 = vector.multi_reduction <add>, %mul3A_521, %reduce_sum3A_522 [1] : vector<16x64xf32> to vector<16xf32>
    %broadcast_in_dim3A_524 = vector.shape_cast %reduce_sum3A_523 : vector<16xf32> to vector<16x1xf32>
    %add3A_525 = vector.broadcast %broadcast_in_dim3A_524 : vector<16x1xf32> to vector<16x256xf32>
    %add3A_526 = vector.broadcast %broadcast_in_dim3A : vector<1x256xf32> to vector<16x256xf32>
    %add3A_527 = arith.addf %add3A_525, %add3A_526 : vector<16x256xf32>
    %dot_general3A_528 = arith.constant dense<0.000000e+00> : vector<16x256xf32>
    %dot_general3A_529 = tpu.matmul %get3A_520, %transpose3A, %dot_general3A_528 {dimension_numbers = #tpu.dot_dimension_numbers<[1], [0], [0], [1], [0, 0, 1, 1], [], []>, transpose_lhs_hint = false} : vector<16x64xf32>, vector<64x256xf32>, vector<16x256xf32> -> vector<16x256xf32>
    %mul3A_530 = arith.constant 2.000000e+00 : f32
    %mul3A_531 = vector.broadcast %mul3A_530 : f32 to vector<16x256xf32>
    %mul3A_532 = arith.mulf %mul3A_531, %dot_general3A_529 : vector<16x256xf32>
    %sub3A_533 = arith.subf %add3A_527, %mul3A_532 : vector<16x256xf32>
    %max3A_534 = arith.constant 0.000000e+00 : f32
    %max3A_535 = vector.broadcast %max3A_534 : f32 to vector<16x256xf32>
    %max3A_536 = arith.maximumf %sub3A_533, %max3A_535 : vector<16x256xf32>
    %add3A_537 = arith.constant 9.99999996E-13 : f32
    %add3A_538 = vector.broadcast %add3A_537 : f32 to vector<16x256xf32>
    %add3A_539 = arith.addf %max3A_536, %add3A_538 : vector<16x256xf32>
    %sqrt3A_540 = math.sqrt %add3A_539 : vector<16x256xf32>
    %gt3A_541 = arith.constant 1.400000e+01 : f32
    %gt3A_542 = vector.broadcast %gt3A_541 : f32 to vector<16x1xf32>
    %gt3A_543 = arith.cmpf ogt, %get3A_5, %gt3A_542 : vector<16x1xf32>
    %jit3A_544 = arith.constant 0.000000e+00 : f32
    %broadcast_in_dim3A_545 = vector.shape_cast %gt3A_543 : vector<16x1xi1> to vector<16x1xi1>
    %broadcast_in_dim3A_546 = vector.broadcast %broadcast_in_dim3A_545 : vector<16x1xi1> to vector<16x256xi1>
    %broadcast_in_dim3A_547 = vector.broadcast %jit3A_544 : f32 to vector<16x256xf32>
    %select_n3A_548 = arith.select %broadcast_in_dim3A_546, %sqrt3A_540, %broadcast_in_dim3A_547 : vector<16x256xi1>, vector<16x256xf32>
    %get3A_549 = arith.constant 3584 : index
    %get3A_550 = arith.constant 0 : index
    %get3A_551 = vector.load %arg3[%get3A_549, %get3A_550] : memref<12800x128xf32, #tpu.memory_space<vmem>>, vector<256x128xf32>
    %dot_general3A_552 = arith.constant dense<0.000000e+00> : vector<16x128xf32>
    %dot_general3A_553 = tpu.matmul %select_n3A_548, %get3A_551, %dot_general3A_552 {dimension_numbers = #tpu.dot_dimension_numbers<[1], [0], [0], [1], [0, 0, 1, 1], [], []>, transpose_lhs_hint = false} : vector<16x256xf32>, vector<256x128xf32>, vector<16x128xf32> -> vector<16x128xf32>
    %add3A_554 = arith.addf %add3A_517, %dot_general3A_553 : vector<16x128xf32>
    %get3A_555 = arith.constant 240 : index
    %get3A_556 = arith.constant 0 : index
    %get3A_557 = vector.load %arg0[%get3A_555, %get3A_556] : memref<1024x128xf32, #tpu.memory_space<vmem>>, vector<16x64xf32>
    %mul3A_558 = arith.mulf %get3A_557, %get3A_557 : vector<16x64xf32>
    %reduce_sum3A_559 = arith.constant dense<0.000000e+00> : vector<16xf32>
    %reduce_sum3A_560 = vector.multi_reduction <add>, %mul3A_558, %reduce_sum3A_559 [1] : vector<16x64xf32> to vector<16xf32>
    %broadcast_in_dim3A_561 = vector.shape_cast %reduce_sum3A_560 : vector<16xf32> to vector<16x1xf32>
    %add3A_562 = vector.broadcast %broadcast_in_dim3A_561 : vector<16x1xf32> to vector<16x256xf32>
    %add3A_563 = vector.broadcast %broadcast_in_dim3A : vector<1x256xf32> to vector<16x256xf32>
    %add3A_564 = arith.addf %add3A_562, %add3A_563 : vector<16x256xf32>
    %dot_general3A_565 = arith.constant dense<0.000000e+00> : vector<16x256xf32>
    %dot_general3A_566 = tpu.matmul %get3A_557, %transpose3A, %dot_general3A_565 {dimension_numbers = #tpu.dot_dimension_numbers<[1], [0], [0], [1], [0, 0, 1, 1], [], []>, transpose_lhs_hint = false} : vector<16x64xf32>, vector<64x256xf32>, vector<16x256xf32> -> vector<16x256xf32>
    %mul3A_567 = arith.constant 2.000000e+00 : f32
    %mul3A_568 = vector.broadcast %mul3A_567 : f32 to vector<16x256xf32>
    %mul3A_569 = arith.mulf %mul3A_568, %dot_general3A_566 : vector<16x256xf32>
    %sub3A_570 = arith.subf %add3A_564, %mul3A_569 : vector<16x256xf32>
    %max3A_571 = arith.constant 0.000000e+00 : f32
    %max3A_572 = vector.broadcast %max3A_571 : f32 to vector<16x256xf32>
    %max3A_573 = arith.maximumf %sub3A_570, %max3A_572 : vector<16x256xf32>
    %add3A_574 = arith.constant 9.99999996E-13 : f32
    %add3A_575 = vector.broadcast %add3A_574 : f32 to vector<16x256xf32>
    %add3A_576 = arith.addf %max3A_573, %add3A_575 : vector<16x256xf32>
    %sqrt3A_577 = math.sqrt %add3A_576 : vector<16x256xf32>
    %gt3A_578 = arith.constant 1.500000e+01 : f32
    %gt3A_579 = vector.broadcast %gt3A_578 : f32 to vector<16x1xf32>
    %gt3A_580 = arith.cmpf ogt, %get3A_5, %gt3A_579 : vector<16x1xf32>
    %jit3A_581 = arith.constant 0.000000e+00 : f32
    %broadcast_in_dim3A_582 = vector.shape_cast %gt3A_580 : vector<16x1xi1> to vector<16x1xi1>
    %broadcast_in_dim3A_583 = vector.broadcast %broadcast_in_dim3A_582 : vector<16x1xi1> to vector<16x256xi1>
    %broadcast_in_dim3A_584 = vector.broadcast %jit3A_581 : f32 to vector<16x256xf32>
    %select_n3A_585 = arith.select %broadcast_in_dim3A_583, %sqrt3A_577, %broadcast_in_dim3A_584 : vector<16x256xi1>, vector<16x256xf32>
    %get3A_586 = arith.constant 3840 : index
    %get3A_587 = arith.constant 0 : index
    %get3A_588 = vector.load %arg3[%get3A_586, %get3A_587] : memref<12800x128xf32, #tpu.memory_space<vmem>>, vector<256x128xf32>
    %dot_general3A_589 = arith.constant dense<0.000000e+00> : vector<16x128xf32>
    %dot_general3A_590 = tpu.matmul %select_n3A_585, %get3A_588, %dot_general3A_589 {dimension_numbers = #tpu.dot_dimension_numbers<[1], [0], [0], [1], [0, 0, 1, 1], [], []>, transpose_lhs_hint = false} : vector<16x256xf32>, vector<256x128xf32>, vector<16x128xf32> -> vector<16x128xf32>
    %add3A_591 = arith.addf %add3A_554, %dot_general3A_590 : vector<16x128xf32>
    %get3A_592 = arith.constant 256 : index
    %get3A_593 = arith.constant 0 : index
    %get3A_594 = vector.load %arg0[%get3A_592, %get3A_593] : memref<1024x128xf32, #tpu.memory_space<vmem>>, vector<16x64xf32>
    %mul3A_595 = arith.mulf %get3A_594, %get3A_594 : vector<16x64xf32>
    %reduce_sum3A_596 = arith.constant dense<0.000000e+00> : vector<16xf32>
    %reduce_sum3A_597 = vector.multi_reduction <add>, %mul3A_595, %reduce_sum3A_596 [1] : vector<16x64xf32> to vector<16xf32>
    %broadcast_in_dim3A_598 = vector.shape_cast %reduce_sum3A_597 : vector<16xf32> to vector<16x1xf32>
    %add3A_599 = vector.broadcast %broadcast_in_dim3A_598 : vector<16x1xf32> to vector<16x256xf32>
    %add3A_600 = vector.broadcast %broadcast_in_dim3A : vector<1x256xf32> to vector<16x256xf32>
    %add3A_601 = arith.addf %add3A_599, %add3A_600 : vector<16x256xf32>
    %dot_general3A_602 = arith.constant dense<0.000000e+00> : vector<16x256xf32>
    %dot_general3A_603 = tpu.matmul %get3A_594, %transpose3A, %dot_general3A_602 {dimension_numbers = #tpu.dot_dimension_numbers<[1], [0], [0], [1], [0, 0, 1, 1], [], []>, transpose_lhs_hint = false} : vector<16x64xf32>, vector<64x256xf32>, vector<16x256xf32> -> vector<16x256xf32>
    %mul3A_604 = arith.constant 2.000000e+00 : f32
    %mul3A_605 = vector.broadcast %mul3A_604 : f32 to vector<16x256xf32>
    %mul3A_606 = arith.mulf %mul3A_605, %dot_general3A_603 : vector<16x256xf32>
    %sub3A_607 = arith.subf %add3A_601, %mul3A_606 : vector<16x256xf32>
    %max3A_608 = arith.constant 0.000000e+00 : f32
    %max3A_609 = vector.broadcast %max3A_608 : f32 to vector<16x256xf32>
    %max3A_610 = arith.maximumf %sub3A_607, %max3A_609 : vector<16x256xf32>
    %add3A_611 = arith.constant 9.99999996E-13 : f32
    %add3A_612 = vector.broadcast %add3A_611 : f32 to vector<16x256xf32>
    %add3A_613 = arith.addf %max3A_610, %add3A_612 : vector<16x256xf32>
    %sqrt3A_614 = math.sqrt %add3A_613 : vector<16x256xf32>
    %gt3A_615 = arith.constant 1.600000e+01 : f32
    %gt3A_616 = vector.broadcast %gt3A_615 : f32 to vector<16x1xf32>
    %gt3A_617 = arith.cmpf ogt, %get3A_5, %gt3A_616 : vector<16x1xf32>
    %jit3A_618 = arith.constant 0.000000e+00 : f32
    %broadcast_in_dim3A_619 = vector.shape_cast %gt3A_617 : vector<16x1xi1> to vector<16x1xi1>
    %broadcast_in_dim3A_620 = vector.broadcast %broadcast_in_dim3A_619 : vector<16x1xi1> to vector<16x256xi1>
    %broadcast_in_dim3A_621 = vector.broadcast %jit3A_618 : f32 to vector<16x256xf32>
    %select_n3A_622 = arith.select %broadcast_in_dim3A_620, %sqrt3A_614, %broadcast_in_dim3A_621 : vector<16x256xi1>, vector<16x256xf32>
    %get3A_623 = arith.constant 4096 : index
    %get3A_624 = arith.constant 0 : index
    %get3A_625 = vector.load %arg3[%get3A_623, %get3A_624] : memref<12800x128xf32, #tpu.memory_space<vmem>>, vector<256x128xf32>
    %dot_general3A_626 = arith.constant dense<0.000000e+00> : vector<16x128xf32>
    %dot_general3A_627 = tpu.matmul %select_n3A_622, %get3A_625, %dot_general3A_626 {dimension_numbers = #tpu.dot_dimension_numbers<[1], [0], [0], [1], [0, 0, 1, 1], [], []>, transpose_lhs_hint = false} : vector<16x256xf32>, vector<256x128xf32>, vector<16x128xf32> -> vector<16x128xf32>
    %add3A_628 = arith.addf %add3A_591, %dot_general3A_627 : vector<16x128xf32>
    %get3A_629 = arith.constant 272 : index
    %get3A_630 = arith.constant 0 : index
    %get3A_631 = vector.load %arg0[%get3A_629, %get3A_630] : memref<1024x128xf32, #tpu.memory_space<vmem>>, vector<16x64xf32>
    %mul3A_632 = arith.mulf %get3A_631, %get3A_631 : vector<16x64xf32>
    %reduce_sum3A_633 = arith.constant dense<0.000000e+00> : vector<16xf32>
    %reduce_sum3A_634 = vector.multi_reduction <add>, %mul3A_632, %reduce_sum3A_633 [1] : vector<16x64xf32> to vector<16xf32>
    %broadcast_in_dim3A_635 = vector.shape_cast %reduce_sum3A_634 : vector<16xf32> to vector<16x1xf32>
    %add3A_636 = vector.broadcast %broadcast_in_dim3A_635 : vector<16x1xf32> to vector<16x256xf32>
    %add3A_637 = vector.broadcast %broadcast_in_dim3A : vector<1x256xf32> to vector<16x256xf32>
    %add3A_638 = arith.addf %add3A_636, %add3A_637 : vector<16x256xf32>
    %dot_general3A_639 = arith.constant dense<0.000000e+00> : vector<16x256xf32>
    %dot_general3A_640 = tpu.matmul %get3A_631, %transpose3A, %dot_general3A_639 {dimension_numbers = #tpu.dot_dimension_numbers<[1], [0], [0], [1], [0, 0, 1, 1], [], []>, transpose_lhs_hint = false} : vector<16x64xf32>, vector<64x256xf32>, vector<16x256xf32> -> vector<16x256xf32>
    %mul3A_641 = arith.constant 2.000000e+00 : f32
    %mul3A_642 = vector.broadcast %mul3A_641 : f32 to vector<16x256xf32>
    %mul3A_643 = arith.mulf %mul3A_642, %dot_general3A_640 : vector<16x256xf32>
    %sub3A_644 = arith.subf %add3A_638, %mul3A_643 : vector<16x256xf32>
    %max3A_645 = arith.constant 0.000000e+00 : f32
    %max3A_646 = vector.broadcast %max3A_645 : f32 to vector<16x256xf32>
    %max3A_647 = arith.maximumf %sub3A_644, %max3A_646 : vector<16x256xf32>
    %add3A_648 = arith.constant 9.99999996E-13 : f32
    %add3A_649 = vector.broadcast %add3A_648 : f32 to vector<16x256xf32>
    %add3A_650 = arith.addf %max3A_647, %add3A_649 : vector<16x256xf32>
    %sqrt3A_651 = math.sqrt %add3A_650 : vector<16x256xf32>
    %gt3A_652 = arith.constant 1.700000e+01 : f32
    %gt3A_653 = vector.broadcast %gt3A_652 : f32 to vector<16x1xf32>
    %gt3A_654 = arith.cmpf ogt, %get3A_5, %gt3A_653 : vector<16x1xf32>
    %jit3A_655 = arith.constant 0.000000e+00 : f32
    %broadcast_in_dim3A_656 = vector.shape_cast %gt3A_654 : vector<16x1xi1> to vector<16x1xi1>
    %broadcast_in_dim3A_657 = vector.broadcast %broadcast_in_dim3A_656 : vector<16x1xi1> to vector<16x256xi1>
    %broadcast_in_dim3A_658 = vector.broadcast %jit3A_655 : f32 to vector<16x256xf32>
    %select_n3A_659 = arith.select %broadcast_in_dim3A_657, %sqrt3A_651, %broadcast_in_dim3A_658 : vector<16x256xi1>, vector<16x256xf32>
    %get3A_660 = arith.constant 4352 : index
    %get3A_661 = arith.constant 0 : index
    %get3A_662 = vector.load %arg3[%get3A_660, %get3A_661] : memref<12800x128xf32, #tpu.memory_space<vmem>>, vector<256x128xf32>
    %dot_general3A_663 = arith.constant dense<0.000000e+00> : vector<16x128xf32>
    %dot_general3A_664 = tpu.matmul %select_n3A_659, %get3A_662, %dot_general3A_663 {dimension_numbers = #tpu.dot_dimension_numbers<[1], [0], [0], [1], [0, 0, 1, 1], [], []>, transpose_lhs_hint = false} : vector<16x256xf32>, vector<256x128xf32>, vector<16x128xf32> -> vector<16x128xf32>
    %add3A_665 = arith.addf %add3A_628, %dot_general3A_664 : vector<16x128xf32>
    %get3A_666 = arith.constant 288 : index
    %get3A_667 = arith.constant 0 : index
    %get3A_668 = vector.load %arg0[%get3A_666, %get3A_667] : memref<1024x128xf32, #tpu.memory_space<vmem>>, vector<16x64xf32>
    %mul3A_669 = arith.mulf %get3A_668, %get3A_668 : vector<16x64xf32>
    %reduce_sum3A_670 = arith.constant dense<0.000000e+00> : vector<16xf32>
    %reduce_sum3A_671 = vector.multi_reduction <add>, %mul3A_669, %reduce_sum3A_670 [1] : vector<16x64xf32> to vector<16xf32>
    %broadcast_in_dim3A_672 = vector.shape_cast %reduce_sum3A_671 : vector<16xf32> to vector<16x1xf32>
    %add3A_673 = vector.broadcast %broadcast_in_dim3A_672 : vector<16x1xf32> to vector<16x256xf32>
    %add3A_674 = vector.broadcast %broadcast_in_dim3A : vector<1x256xf32> to vector<16x256xf32>
    %add3A_675 = arith.addf %add3A_673, %add3A_674 : vector<16x256xf32>
    %dot_general3A_676 = arith.constant dense<0.000000e+00> : vector<16x256xf32>
    %dot_general3A_677 = tpu.matmul %get3A_668, %transpose3A, %dot_general3A_676 {dimension_numbers = #tpu.dot_dimension_numbers<[1], [0], [0], [1], [0, 0, 1, 1], [], []>, transpose_lhs_hint = false} : vector<16x64xf32>, vector<64x256xf32>, vector<16x256xf32> -> vector<16x256xf32>
    %mul3A_678 = arith.constant 2.000000e+00 : f32
    %mul3A_679 = vector.broadcast %mul3A_678 : f32 to vector<16x256xf32>
    %mul3A_680 = arith.mulf %mul3A_679, %dot_general3A_677 : vector<16x256xf32>
    %sub3A_681 = arith.subf %add3A_675, %mul3A_680 : vector<16x256xf32>
    %max3A_682 = arith.constant 0.000000e+00 : f32
    %max3A_683 = vector.broadcast %max3A_682 : f32 to vector<16x256xf32>
    %max3A_684 = arith.maximumf %sub3A_681, %max3A_683 : vector<16x256xf32>
    %add3A_685 = arith.constant 9.99999996E-13 : f32
    %add3A_686 = vector.broadcast %add3A_685 : f32 to vector<16x256xf32>
    %add3A_687 = arith.addf %max3A_684, %add3A_686 : vector<16x256xf32>
    %sqrt3A_688 = math.sqrt %add3A_687 : vector<16x256xf32>
    %gt3A_689 = arith.constant 1.800000e+01 : f32
    %gt3A_690 = vector.broadcast %gt3A_689 : f32 to vector<16x1xf32>
    %gt3A_691 = arith.cmpf ogt, %get3A_5, %gt3A_690 : vector<16x1xf32>
    %jit3A_692 = arith.constant 0.000000e+00 : f32
    %broadcast_in_dim3A_693 = vector.shape_cast %gt3A_691 : vector<16x1xi1> to vector<16x1xi1>
    %broadcast_in_dim3A_694 = vector.broadcast %broadcast_in_dim3A_693 : vector<16x1xi1> to vector<16x256xi1>
    %broadcast_in_dim3A_695 = vector.broadcast %jit3A_692 : f32 to vector<16x256xf32>
    %select_n3A_696 = arith.select %broadcast_in_dim3A_694, %sqrt3A_688, %broadcast_in_dim3A_695 : vector<16x256xi1>, vector<16x256xf32>
    %get3A_697 = arith.constant 4608 : index
    %get3A_698 = arith.constant 0 : index
    %get3A_699 = vector.load %arg3[%get3A_697, %get3A_698] : memref<12800x128xf32, #tpu.memory_space<vmem>>, vector<256x128xf32>
    %dot_general3A_700 = arith.constant dense<0.000000e+00> : vector<16x128xf32>
    %dot_general3A_701 = tpu.matmul %select_n3A_696, %get3A_699, %dot_general3A_700 {dimension_numbers = #tpu.dot_dimension_numbers<[1], [0], [0], [1], [0, 0, 1, 1], [], []>, transpose_lhs_hint = false} : vector<16x256xf32>, vector<256x128xf32>, vector<16x128xf32> -> vector<16x128xf32>
    %add3A_702 = arith.addf %add3A_665, %dot_general3A_701 : vector<16x128xf32>
    %get3A_703 = arith.constant 304 : index
    %get3A_704 = arith.constant 0 : index
    %get3A_705 = vector.load %arg0[%get3A_703, %get3A_704] : memref<1024x128xf32, #tpu.memory_space<vmem>>, vector<16x64xf32>
    %mul3A_706 = arith.mulf %get3A_705, %get3A_705 : vector<16x64xf32>
    %reduce_sum3A_707 = arith.constant dense<0.000000e+00> : vector<16xf32>
    %reduce_sum3A_708 = vector.multi_reduction <add>, %mul3A_706, %reduce_sum3A_707 [1] : vector<16x64xf32> to vector<16xf32>
    %broadcast_in_dim3A_709 = vector.shape_cast %reduce_sum3A_708 : vector<16xf32> to vector<16x1xf32>
    %add3A_710 = vector.broadcast %broadcast_in_dim3A_709 : vector<16x1xf32> to vector<16x256xf32>
    %add3A_711 = vector.broadcast %broadcast_in_dim3A : vector<1x256xf32> to vector<16x256xf32>
    %add3A_712 = arith.addf %add3A_710, %add3A_711 : vector<16x256xf32>
    %dot_general3A_713 = arith.constant dense<0.000000e+00> : vector<16x256xf32>
    %dot_general3A_714 = tpu.matmul %get3A_705, %transpose3A, %dot_general3A_713 {dimension_numbers = #tpu.dot_dimension_numbers<[1], [0], [0], [1], [0, 0, 1, 1], [], []>, transpose_lhs_hint = false} : vector<16x64xf32>, vector<64x256xf32>, vector<16x256xf32> -> vector<16x256xf32>
    %mul3A_715 = arith.constant 2.000000e+00 : f32
    %mul3A_716 = vector.broadcast %mul3A_715 : f32 to vector<16x256xf32>
    %mul3A_717 = arith.mulf %mul3A_716, %dot_general3A_714 : vector<16x256xf32>
    %sub3A_718 = arith.subf %add3A_712, %mul3A_717 : vector<16x256xf32>
    %max3A_719 = arith.constant 0.000000e+00 : f32
    %max3A_720 = vector.broadcast %max3A_719 : f32 to vector<16x256xf32>
    %max3A_721 = arith.maximumf %sub3A_718, %max3A_720 : vector<16x256xf32>
    %add3A_722 = arith.constant 9.99999996E-13 : f32
    %add3A_723 = vector.broadcast %add3A_722 : f32 to vector<16x256xf32>
    %add3A_724 = arith.addf %max3A_721, %add3A_723 : vector<16x256xf32>
    %sqrt3A_725 = math.sqrt %add3A_724 : vector<16x256xf32>
    %gt3A_726 = arith.constant 1.900000e+01 : f32
    %gt3A_727 = vector.broadcast %gt3A_726 : f32 to vector<16x1xf32>
    %gt3A_728 = arith.cmpf ogt, %get3A_5, %gt3A_727 : vector<16x1xf32>
    %jit3A_729 = arith.constant 0.000000e+00 : f32
    %broadcast_in_dim3A_730 = vector.shape_cast %gt3A_728 : vector<16x1xi1> to vector<16x1xi1>
    %broadcast_in_dim3A_731 = vector.broadcast %broadcast_in_dim3A_730 : vector<16x1xi1> to vector<16x256xi1>
    %broadcast_in_dim3A_732 = vector.broadcast %jit3A_729 : f32 to vector<16x256xf32>
    %select_n3A_733 = arith.select %broadcast_in_dim3A_731, %sqrt3A_725, %broadcast_in_dim3A_732 : vector<16x256xi1>, vector<16x256xf32>
    %get3A_734 = arith.constant 4864 : index
    %get3A_735 = arith.constant 0 : index
    %get3A_736 = vector.load %arg3[%get3A_734, %get3A_735] : memref<12800x128xf32, #tpu.memory_space<vmem>>, vector<256x128xf32>
    %dot_general3A_737 = arith.constant dense<0.000000e+00> : vector<16x128xf32>
    %dot_general3A_738 = tpu.matmul %select_n3A_733, %get3A_736, %dot_general3A_737 {dimension_numbers = #tpu.dot_dimension_numbers<[1], [0], [0], [1], [0, 0, 1, 1], [], []>, transpose_lhs_hint = false} : vector<16x256xf32>, vector<256x128xf32>, vector<16x128xf32> -> vector<16x128xf32>
    %add3A_739 = arith.addf %add3A_702, %dot_general3A_738 : vector<16x128xf32>
    %get3A_740 = arith.constant 320 : index
    %get3A_741 = arith.constant 0 : index
    %get3A_742 = vector.load %arg0[%get3A_740, %get3A_741] : memref<1024x128xf32, #tpu.memory_space<vmem>>, vector<16x64xf32>
    %mul3A_743 = arith.mulf %get3A_742, %get3A_742 : vector<16x64xf32>
    %reduce_sum3A_744 = arith.constant dense<0.000000e+00> : vector<16xf32>
    %reduce_sum3A_745 = vector.multi_reduction <add>, %mul3A_743, %reduce_sum3A_744 [1] : vector<16x64xf32> to vector<16xf32>
    %broadcast_in_dim3A_746 = vector.shape_cast %reduce_sum3A_745 : vector<16xf32> to vector<16x1xf32>
    %add3A_747 = vector.broadcast %broadcast_in_dim3A_746 : vector<16x1xf32> to vector<16x256xf32>
    %add3A_748 = vector.broadcast %broadcast_in_dim3A : vector<1x256xf32> to vector<16x256xf32>
    %add3A_749 = arith.addf %add3A_747, %add3A_748 : vector<16x256xf32>
    %dot_general3A_750 = arith.constant dense<0.000000e+00> : vector<16x256xf32>
    %dot_general3A_751 = tpu.matmul %get3A_742, %transpose3A, %dot_general3A_750 {dimension_numbers = #tpu.dot_dimension_numbers<[1], [0], [0], [1], [0, 0, 1, 1], [], []>, transpose_lhs_hint = false} : vector<16x64xf32>, vector<64x256xf32>, vector<16x256xf32> -> vector<16x256xf32>
    %mul3A_752 = arith.constant 2.000000e+00 : f32
    %mul3A_753 = vector.broadcast %mul3A_752 : f32 to vector<16x256xf32>
    %mul3A_754 = arith.mulf %mul3A_753, %dot_general3A_751 : vector<16x256xf32>
    %sub3A_755 = arith.subf %add3A_749, %mul3A_754 : vector<16x256xf32>
    %max3A_756 = arith.constant 0.000000e+00 : f32
    %max3A_757 = vector.broadcast %max3A_756 : f32 to vector<16x256xf32>
    %max3A_758 = arith.maximumf %sub3A_755, %max3A_757 : vector<16x256xf32>
    %add3A_759 = arith.constant 9.99999996E-13 : f32
    %add3A_760 = vector.broadcast %add3A_759 : f32 to vector<16x256xf32>
    %add3A_761 = arith.addf %max3A_758, %add3A_760 : vector<16x256xf32>
    %sqrt3A_762 = math.sqrt %add3A_761 : vector<16x256xf32>
    %gt3A_763 = arith.constant 2.000000e+01 : f32
    %gt3A_764 = vector.broadcast %gt3A_763 : f32 to vector<16x1xf32>
    %gt3A_765 = arith.cmpf ogt, %get3A_5, %gt3A_764 : vector<16x1xf32>
    %jit3A_766 = arith.constant 0.000000e+00 : f32
    %broadcast_in_dim3A_767 = vector.shape_cast %gt3A_765 : vector<16x1xi1> to vector<16x1xi1>
    %broadcast_in_dim3A_768 = vector.broadcast %broadcast_in_dim3A_767 : vector<16x1xi1> to vector<16x256xi1>
    %broadcast_in_dim3A_769 = vector.broadcast %jit3A_766 : f32 to vector<16x256xf32>
    %select_n3A_770 = arith.select %broadcast_in_dim3A_768, %sqrt3A_762, %broadcast_in_dim3A_769 : vector<16x256xi1>, vector<16x256xf32>
    %get3A_771 = arith.constant 5120 : index
    %get3A_772 = arith.constant 0 : index
    %get3A_773 = vector.load %arg3[%get3A_771, %get3A_772] : memref<12800x128xf32, #tpu.memory_space<vmem>>, vector<256x128xf32>
    %dot_general3A_774 = arith.constant dense<0.000000e+00> : vector<16x128xf32>
    %dot_general3A_775 = tpu.matmul %select_n3A_770, %get3A_773, %dot_general3A_774 {dimension_numbers = #tpu.dot_dimension_numbers<[1], [0], [0], [1], [0, 0, 1, 1], [], []>, transpose_lhs_hint = false} : vector<16x256xf32>, vector<256x128xf32>, vector<16x128xf32> -> vector<16x128xf32>
    %add3A_776 = arith.addf %add3A_739, %dot_general3A_775 : vector<16x128xf32>
    %get3A_777 = arith.constant 336 : index
    %get3A_778 = arith.constant 0 : index
    %get3A_779 = vector.load %arg0[%get3A_777, %get3A_778] : memref<1024x128xf32, #tpu.memory_space<vmem>>, vector<16x64xf32>
    %mul3A_780 = arith.mulf %get3A_779, %get3A_779 : vector<16x64xf32>
    %reduce_sum3A_781 = arith.constant dense<0.000000e+00> : vector<16xf32>
    %reduce_sum3A_782 = vector.multi_reduction <add>, %mul3A_780, %reduce_sum3A_781 [1] : vector<16x64xf32> to vector<16xf32>
    %broadcast_in_dim3A_783 = vector.shape_cast %reduce_sum3A_782 : vector<16xf32> to vector<16x1xf32>
    %add3A_784 = vector.broadcast %broadcast_in_dim3A_783 : vector<16x1xf32> to vector<16x256xf32>
    %add3A_785 = vector.broadcast %broadcast_in_dim3A : vector<1x256xf32> to vector<16x256xf32>
    %add3A_786 = arith.addf %add3A_784, %add3A_785 : vector<16x256xf32>
    %dot_general3A_787 = arith.constant dense<0.000000e+00> : vector<16x256xf32>
    %dot_general3A_788 = tpu.matmul %get3A_779, %transpose3A, %dot_general3A_787 {dimension_numbers = #tpu.dot_dimension_numbers<[1], [0], [0], [1], [0, 0, 1, 1], [], []>, transpose_lhs_hint = false} : vector<16x64xf32>, vector<64x256xf32>, vector<16x256xf32> -> vector<16x256xf32>
    %mul3A_789 = arith.constant 2.000000e+00 : f32
    %mul3A_790 = vector.broadcast %mul3A_789 : f32 to vector<16x256xf32>
    %mul3A_791 = arith.mulf %mul3A_790, %dot_general3A_788 : vector<16x256xf32>
    %sub3A_792 = arith.subf %add3A_786, %mul3A_791 : vector<16x256xf32>
    %max3A_793 = arith.constant 0.000000e+00 : f32
    %max3A_794 = vector.broadcast %max3A_793 : f32 to vector<16x256xf32>
    %max3A_795 = arith.maximumf %sub3A_792, %max3A_794 : vector<16x256xf32>
    %add3A_796 = arith.constant 9.99999996E-13 : f32
    %add3A_797 = vector.broadcast %add3A_796 : f32 to vector<16x256xf32>
    %add3A_798 = arith.addf %max3A_795, %add3A_797 : vector<16x256xf32>
    %sqrt3A_799 = math.sqrt %add3A_798 : vector<16x256xf32>
    %gt3A_800 = arith.constant 2.100000e+01 : f32
    %gt3A_801 = vector.broadcast %gt3A_800 : f32 to vector<16x1xf32>
    %gt3A_802 = arith.cmpf ogt, %get3A_5, %gt3A_801 : vector<16x1xf32>
    %jit3A_803 = arith.constant 0.000000e+00 : f32
    %broadcast_in_dim3A_804 = vector.shape_cast %gt3A_802 : vector<16x1xi1> to vector<16x1xi1>
    %broadcast_in_dim3A_805 = vector.broadcast %broadcast_in_dim3A_804 : vector<16x1xi1> to vector<16x256xi1>
    %broadcast_in_dim3A_806 = vector.broadcast %jit3A_803 : f32 to vector<16x256xf32>
    %select_n3A_807 = arith.select %broadcast_in_dim3A_805, %sqrt3A_799, %broadcast_in_dim3A_806 : vector<16x256xi1>, vector<16x256xf32>
    %get3A_808 = arith.constant 5376 : index
    %get3A_809 = arith.constant 0 : index
    %get3A_810 = vector.load %arg3[%get3A_808, %get3A_809] : memref<12800x128xf32, #tpu.memory_space<vmem>>, vector<256x128xf32>
    %dot_general3A_811 = arith.constant dense<0.000000e+00> : vector<16x128xf32>
    %dot_general3A_812 = tpu.matmul %select_n3A_807, %get3A_810, %dot_general3A_811 {dimension_numbers = #tpu.dot_dimension_numbers<[1], [0], [0], [1], [0, 0, 1, 1], [], []>, transpose_lhs_hint = false} : vector<16x256xf32>, vector<256x128xf32>, vector<16x128xf32> -> vector<16x128xf32>
    %add3A_813 = arith.addf %add3A_776, %dot_general3A_812 : vector<16x128xf32>
    %get3A_814 = arith.constant 352 : index
    %get3A_815 = arith.constant 0 : index
    %get3A_816 = vector.load %arg0[%get3A_814, %get3A_815] : memref<1024x128xf32, #tpu.memory_space<vmem>>, vector<16x64xf32>
    %mul3A_817 = arith.mulf %get3A_816, %get3A_816 : vector<16x64xf32>
    %reduce_sum3A_818 = arith.constant dense<0.000000e+00> : vector<16xf32>
    %reduce_sum3A_819 = vector.multi_reduction <add>, %mul3A_817, %reduce_sum3A_818 [1] : vector<16x64xf32> to vector<16xf32>
    %broadcast_in_dim3A_820 = vector.shape_cast %reduce_sum3A_819 : vector<16xf32> to vector<16x1xf32>
    %add3A_821 = vector.broadcast %broadcast_in_dim3A_820 : vector<16x1xf32> to vector<16x256xf32>
    %add3A_822 = vector.broadcast %broadcast_in_dim3A : vector<1x256xf32> to vector<16x256xf32>
    %add3A_823 = arith.addf %add3A_821, %add3A_822 : vector<16x256xf32>
    %dot_general3A_824 = arith.constant dense<0.000000e+00> : vector<16x256xf32>
    %dot_general3A_825 = tpu.matmul %get3A_816, %transpose3A, %dot_general3A_824 {dimension_numbers = #tpu.dot_dimension_numbers<[1], [0], [0], [1], [0, 0, 1, 1], [], []>, transpose_lhs_hint = false} : vector<16x64xf32>, vector<64x256xf32>, vector<16x256xf32> -> vector<16x256xf32>
    %mul3A_826 = arith.constant 2.000000e+00 : f32
    %mul3A_827 = vector.broadcast %mul3A_826 : f32 to vector<16x256xf32>
    %mul3A_828 = arith.mulf %mul3A_827, %dot_general3A_825 : vector<16x256xf32>
    %sub3A_829 = arith.subf %add3A_823, %mul3A_828 : vector<16x256xf32>
    %max3A_830 = arith.constant 0.000000e+00 : f32
    %max3A_831 = vector.broadcast %max3A_830 : f32 to vector<16x256xf32>
    %max3A_832 = arith.maximumf %sub3A_829, %max3A_831 : vector<16x256xf32>
    %add3A_833 = arith.constant 9.99999996E-13 : f32
    %add3A_834 = vector.broadcast %add3A_833 : f32 to vector<16x256xf32>
    %add3A_835 = arith.addf %max3A_832, %add3A_834 : vector<16x256xf32>
    %sqrt3A_836 = math.sqrt %add3A_835 : vector<16x256xf32>
    %gt3A_837 = arith.constant 2.200000e+01 : f32
    %gt3A_838 = vector.broadcast %gt3A_837 : f32 to vector<16x1xf32>
    %gt3A_839 = arith.cmpf ogt, %get3A_5, %gt3A_838 : vector<16x1xf32>
    %jit3A_840 = arith.constant 0.000000e+00 : f32
    %broadcast_in_dim3A_841 = vector.shape_cast %gt3A_839 : vector<16x1xi1> to vector<16x1xi1>
    %broadcast_in_dim3A_842 = vector.broadcast %broadcast_in_dim3A_841 : vector<16x1xi1> to vector<16x256xi1>
    %broadcast_in_dim3A_843 = vector.broadcast %jit3A_840 : f32 to vector<16x256xf32>
    %select_n3A_844 = arith.select %broadcast_in_dim3A_842, %sqrt3A_836, %broadcast_in_dim3A_843 : vector<16x256xi1>, vector<16x256xf32>
    %get3A_845 = arith.constant 5632 : index
    %get3A_846 = arith.constant 0 : index
    %get3A_847 = vector.load %arg3[%get3A_845, %get3A_846] : memref<12800x128xf32, #tpu.memory_space<vmem>>, vector<256x128xf32>
    %dot_general3A_848 = arith.constant dense<0.000000e+00> : vector<16x128xf32>
    %dot_general3A_849 = tpu.matmul %select_n3A_844, %get3A_847, %dot_general3A_848 {dimension_numbers = #tpu.dot_dimension_numbers<[1], [0], [0], [1], [0, 0, 1, 1], [], []>, transpose_lhs_hint = false} : vector<16x256xf32>, vector<256x128xf32>, vector<16x128xf32> -> vector<16x128xf32>
    %add3A_850 = arith.addf %add3A_813, %dot_general3A_849 : vector<16x128xf32>
    %get3A_851 = arith.constant 368 : index
    %get3A_852 = arith.constant 0 : index
    %get3A_853 = vector.load %arg0[%get3A_851, %get3A_852] : memref<1024x128xf32, #tpu.memory_space<vmem>>, vector<16x64xf32>
    %mul3A_854 = arith.mulf %get3A_853, %get3A_853 : vector<16x64xf32>
    %reduce_sum3A_855 = arith.constant dense<0.000000e+00> : vector<16xf32>
    %reduce_sum3A_856 = vector.multi_reduction <add>, %mul3A_854, %reduce_sum3A_855 [1] : vector<16x64xf32> to vector<16xf32>
    %broadcast_in_dim3A_857 = vector.shape_cast %reduce_sum3A_856 : vector<16xf32> to vector<16x1xf32>
    %add3A_858 = vector.broadcast %broadcast_in_dim3A_857 : vector<16x1xf32> to vector<16x256xf32>
    %add3A_859 = vector.broadcast %broadcast_in_dim3A : vector<1x256xf32> to vector<16x256xf32>
    %add3A_860 = arith.addf %add3A_858, %add3A_859 : vector<16x256xf32>
    %dot_general3A_861 = arith.constant dense<0.000000e+00> : vector<16x256xf32>
    %dot_general3A_862 = tpu.matmul %get3A_853, %transpose3A, %dot_general3A_861 {dimension_numbers = #tpu.dot_dimension_numbers<[1], [0], [0], [1], [0, 0, 1, 1], [], []>, transpose_lhs_hint = false} : vector<16x64xf32>, vector<64x256xf32>, vector<16x256xf32> -> vector<16x256xf32>
    %mul3A_863 = arith.constant 2.000000e+00 : f32
    %mul3A_864 = vector.broadcast %mul3A_863 : f32 to vector<16x256xf32>
    %mul3A_865 = arith.mulf %mul3A_864, %dot_general3A_862 : vector<16x256xf32>
    %sub3A_866 = arith.subf %add3A_860, %mul3A_865 : vector<16x256xf32>
    %max3A_867 = arith.constant 0.000000e+00 : f32
    %max3A_868 = vector.broadcast %max3A_867 : f32 to vector<16x256xf32>
    %max3A_869 = arith.maximumf %sub3A_866, %max3A_868 : vector<16x256xf32>
    %add3A_870 = arith.constant 9.99999996E-13 : f32
    %add3A_871 = vector.broadcast %add3A_870 : f32 to vector<16x256xf32>
    %add3A_872 = arith.addf %max3A_869, %add3A_871 : vector<16x256xf32>
    %sqrt3A_873 = math.sqrt %add3A_872 : vector<16x256xf32>
    %gt3A_874 = arith.constant 2.300000e+01 : f32
    %gt3A_875 = vector.broadcast %gt3A_874 : f32 to vector<16x1xf32>
    %gt3A_876 = arith.cmpf ogt, %get3A_5, %gt3A_875 : vector<16x1xf32>
    %jit3A_877 = arith.constant 0.000000e+00 : f32
    %broadcast_in_dim3A_878 = vector.shape_cast %gt3A_876 : vector<16x1xi1> to vector<16x1xi1>
    %broadcast_in_dim3A_879 = vector.broadcast %broadcast_in_dim3A_878 : vector<16x1xi1> to vector<16x256xi1>
    %broadcast_in_dim3A_880 = vector.broadcast %jit3A_877 : f32 to vector<16x256xf32>
    %select_n3A_881 = arith.select %broadcast_in_dim3A_879, %sqrt3A_873, %broadcast_in_dim3A_880 : vector<16x256xi1>, vector<16x256xf32>
    %get3A_882 = arith.constant 5888 : index
    %get3A_883 = arith.constant 0 : index
    %get3A_884 = vector.load %arg3[%get3A_882, %get3A_883] : memref<12800x128xf32, #tpu.memory_space<vmem>>, vector<256x128xf32>
    %dot_general3A_885 = arith.constant dense<0.000000e+00> : vector<16x128xf32>
    %dot_general3A_886 = tpu.matmul %select_n3A_881, %get3A_884, %dot_general3A_885 {dimension_numbers = #tpu.dot_dimension_numbers<[1], [0], [0], [1], [0, 0, 1, 1], [], []>, transpose_lhs_hint = false} : vector<16x256xf32>, vector<256x128xf32>, vector<16x128xf32> -> vector<16x128xf32>
    %add3A_887 = arith.addf %add3A_850, %dot_general3A_886 : vector<16x128xf32>
    %get3A_888 = arith.constant 384 : index
    %get3A_889 = arith.constant 0 : index
    %get3A_890 = vector.load %arg0[%get3A_888, %get3A_889] : memref<1024x128xf32, #tpu.memory_space<vmem>>, vector<16x64xf32>
    %mul3A_891 = arith.mulf %get3A_890, %get3A_890 : vector<16x64xf32>
    %reduce_sum3A_892 = arith.constant dense<0.000000e+00> : vector<16xf32>
    %reduce_sum3A_893 = vector.multi_reduction <add>, %mul3A_891, %reduce_sum3A_892 [1] : vector<16x64xf32> to vector<16xf32>
    %broadcast_in_dim3A_894 = vector.shape_cast %reduce_sum3A_893 : vector<16xf32> to vector<16x1xf32>
    %add3A_895 = vector.broadcast %broadcast_in_dim3A_894 : vector<16x1xf32> to vector<16x256xf32>
    %add3A_896 = vector.broadcast %broadcast_in_dim3A : vector<1x256xf32> to vector<16x256xf32>
    %add3A_897 = arith.addf %add3A_895, %add3A_896 : vector<16x256xf32>
    %dot_general3A_898 = arith.constant dense<0.000000e+00> : vector<16x256xf32>
    %dot_general3A_899 = tpu.matmul %get3A_890, %transpose3A, %dot_general3A_898 {dimension_numbers = #tpu.dot_dimension_numbers<[1], [0], [0], [1], [0, 0, 1, 1], [], []>, transpose_lhs_hint = false} : vector<16x64xf32>, vector<64x256xf32>, vector<16x256xf32> -> vector<16x256xf32>
    %mul3A_900 = arith.constant 2.000000e+00 : f32
    %mul3A_901 = vector.broadcast %mul3A_900 : f32 to vector<16x256xf32>
    %mul3A_902 = arith.mulf %mul3A_901, %dot_general3A_899 : vector<16x256xf32>
    %sub3A_903 = arith.subf %add3A_897, %mul3A_902 : vector<16x256xf32>
    %max3A_904 = arith.constant 0.000000e+00 : f32
    %max3A_905 = vector.broadcast %max3A_904 : f32 to vector<16x256xf32>
    %max3A_906 = arith.maximumf %sub3A_903, %max3A_905 : vector<16x256xf32>
    %add3A_907 = arith.constant 9.99999996E-13 : f32
    %add3A_908 = vector.broadcast %add3A_907 : f32 to vector<16x256xf32>
    %add3A_909 = arith.addf %max3A_906, %add3A_908 : vector<16x256xf32>
    %sqrt3A_910 = math.sqrt %add3A_909 : vector<16x256xf32>
    %gt3A_911 = arith.constant 2.400000e+01 : f32
    %gt3A_912 = vector.broadcast %gt3A_911 : f32 to vector<16x1xf32>
    %gt3A_913 = arith.cmpf ogt, %get3A_5, %gt3A_912 : vector<16x1xf32>
    %jit3A_914 = arith.constant 0.000000e+00 : f32
    %broadcast_in_dim3A_915 = vector.shape_cast %gt3A_913 : vector<16x1xi1> to vector<16x1xi1>
    %broadcast_in_dim3A_916 = vector.broadcast %broadcast_in_dim3A_915 : vector<16x1xi1> to vector<16x256xi1>
    %broadcast_in_dim3A_917 = vector.broadcast %jit3A_914 : f32 to vector<16x256xf32>
    %select_n3A_918 = arith.select %broadcast_in_dim3A_916, %sqrt3A_910, %broadcast_in_dim3A_917 : vector<16x256xi1>, vector<16x256xf32>
    %get3A_919 = arith.constant 6144 : index
    %get3A_920 = arith.constant 0 : index
    %get3A_921 = vector.load %arg3[%get3A_919, %get3A_920] : memref<12800x128xf32, #tpu.memory_space<vmem>>, vector<256x128xf32>
    %dot_general3A_922 = arith.constant dense<0.000000e+00> : vector<16x128xf32>
    %dot_general3A_923 = tpu.matmul %select_n3A_918, %get3A_921, %dot_general3A_922 {dimension_numbers = #tpu.dot_dimension_numbers<[1], [0], [0], [1], [0, 0, 1, 1], [], []>, transpose_lhs_hint = false} : vector<16x256xf32>, vector<256x128xf32>, vector<16x128xf32> -> vector<16x128xf32>
    %add3A_924 = arith.addf %add3A_887, %dot_general3A_923 : vector<16x128xf32>
    %get3A_925 = arith.constant 400 : index
    %get3A_926 = arith.constant 0 : index
    %get3A_927 = vector.load %arg0[%get3A_925, %get3A_926] : memref<1024x128xf32, #tpu.memory_space<vmem>>, vector<16x64xf32>
    %mul3A_928 = arith.mulf %get3A_927, %get3A_927 : vector<16x64xf32>
    %reduce_sum3A_929 = arith.constant dense<0.000000e+00> : vector<16xf32>
    %reduce_sum3A_930 = vector.multi_reduction <add>, %mul3A_928, %reduce_sum3A_929 [1] : vector<16x64xf32> to vector<16xf32>
    %broadcast_in_dim3A_931 = vector.shape_cast %reduce_sum3A_930 : vector<16xf32> to vector<16x1xf32>
    %add3A_932 = vector.broadcast %broadcast_in_dim3A_931 : vector<16x1xf32> to vector<16x256xf32>
    %add3A_933 = vector.broadcast %broadcast_in_dim3A : vector<1x256xf32> to vector<16x256xf32>
    %add3A_934 = arith.addf %add3A_932, %add3A_933 : vector<16x256xf32>
    %dot_general3A_935 = arith.constant dense<0.000000e+00> : vector<16x256xf32>
    %dot_general3A_936 = tpu.matmul %get3A_927, %transpose3A, %dot_general3A_935 {dimension_numbers = #tpu.dot_dimension_numbers<[1], [0], [0], [1], [0, 0, 1, 1], [], []>, transpose_lhs_hint = false} : vector<16x64xf32>, vector<64x256xf32>, vector<16x256xf32> -> vector<16x256xf32>
    %mul3A_937 = arith.constant 2.000000e+00 : f32
    %mul3A_938 = vector.broadcast %mul3A_937 : f32 to vector<16x256xf32>
    %mul3A_939 = arith.mulf %mul3A_938, %dot_general3A_936 : vector<16x256xf32>
    %sub3A_940 = arith.subf %add3A_934, %mul3A_939 : vector<16x256xf32>
    %max3A_941 = arith.constant 0.000000e+00 : f32
    %max3A_942 = vector.broadcast %max3A_941 : f32 to vector<16x256xf32>
    %max3A_943 = arith.maximumf %sub3A_940, %max3A_942 : vector<16x256xf32>
    %add3A_944 = arith.constant 9.99999996E-13 : f32
    %add3A_945 = vector.broadcast %add3A_944 : f32 to vector<16x256xf32>
    %add3A_946 = arith.addf %max3A_943, %add3A_945 : vector<16x256xf32>
    %sqrt3A_947 = math.sqrt %add3A_946 : vector<16x256xf32>
    %gt3A_948 = arith.constant 2.500000e+01 : f32
    %gt3A_949 = vector.broadcast %gt3A_948 : f32 to vector<16x1xf32>
    %gt3A_950 = arith.cmpf ogt, %get3A_5, %gt3A_949 : vector<16x1xf32>
    %jit3A_951 = arith.constant 0.000000e+00 : f32
    %broadcast_in_dim3A_952 = vector.shape_cast %gt3A_950 : vector<16x1xi1> to vector<16x1xi1>
    %broadcast_in_dim3A_953 = vector.broadcast %broadcast_in_dim3A_952 : vector<16x1xi1> to vector<16x256xi1>
    %broadcast_in_dim3A_954 = vector.broadcast %jit3A_951 : f32 to vector<16x256xf32>
    %select_n3A_955 = arith.select %broadcast_in_dim3A_953, %sqrt3A_947, %broadcast_in_dim3A_954 : vector<16x256xi1>, vector<16x256xf32>
    %get3A_956 = arith.constant 6400 : index
    %get3A_957 = arith.constant 0 : index
    %get3A_958 = vector.load %arg3[%get3A_956, %get3A_957] : memref<12800x128xf32, #tpu.memory_space<vmem>>, vector<256x128xf32>
    %dot_general3A_959 = arith.constant dense<0.000000e+00> : vector<16x128xf32>
    %dot_general3A_960 = tpu.matmul %select_n3A_955, %get3A_958, %dot_general3A_959 {dimension_numbers = #tpu.dot_dimension_numbers<[1], [0], [0], [1], [0, 0, 1, 1], [], []>, transpose_lhs_hint = false} : vector<16x256xf32>, vector<256x128xf32>, vector<16x128xf32> -> vector<16x128xf32>
    %add3A_961 = arith.addf %add3A_924, %dot_general3A_960 : vector<16x128xf32>
    %get3A_962 = arith.constant 416 : index
    %get3A_963 = arith.constant 0 : index
    %get3A_964 = vector.load %arg0[%get3A_962, %get3A_963] : memref<1024x128xf32, #tpu.memory_space<vmem>>, vector<16x64xf32>
    %mul3A_965 = arith.mulf %get3A_964, %get3A_964 : vector<16x64xf32>
    %reduce_sum3A_966 = arith.constant dense<0.000000e+00> : vector<16xf32>
    %reduce_sum3A_967 = vector.multi_reduction <add>, %mul3A_965, %reduce_sum3A_966 [1] : vector<16x64xf32> to vector<16xf32>
    %broadcast_in_dim3A_968 = vector.shape_cast %reduce_sum3A_967 : vector<16xf32> to vector<16x1xf32>
    %add3A_969 = vector.broadcast %broadcast_in_dim3A_968 : vector<16x1xf32> to vector<16x256xf32>
    %add3A_970 = vector.broadcast %broadcast_in_dim3A : vector<1x256xf32> to vector<16x256xf32>
    %add3A_971 = arith.addf %add3A_969, %add3A_970 : vector<16x256xf32>
    %dot_general3A_972 = arith.constant dense<0.000000e+00> : vector<16x256xf32>
    %dot_general3A_973 = tpu.matmul %get3A_964, %transpose3A, %dot_general3A_972 {dimension_numbers = #tpu.dot_dimension_numbers<[1], [0], [0], [1], [0, 0, 1, 1], [], []>, transpose_lhs_hint = false} : vector<16x64xf32>, vector<64x256xf32>, vector<16x256xf32> -> vector<16x256xf32>
    %mul3A_974 = arith.constant 2.000000e+00 : f32
    %mul3A_975 = vector.broadcast %mul3A_974 : f32 to vector<16x256xf32>
    %mul3A_976 = arith.mulf %mul3A_975, %dot_general3A_973 : vector<16x256xf32>
    %sub3A_977 = arith.subf %add3A_971, %mul3A_976 : vector<16x256xf32>
    %max3A_978 = arith.constant 0.000000e+00 : f32
    %max3A_979 = vector.broadcast %max3A_978 : f32 to vector<16x256xf32>
    %max3A_980 = arith.maximumf %sub3A_977, %max3A_979 : vector<16x256xf32>
    %add3A_981 = arith.constant 9.99999996E-13 : f32
    %add3A_982 = vector.broadcast %add3A_981 : f32 to vector<16x256xf32>
    %add3A_983 = arith.addf %max3A_980, %add3A_982 : vector<16x256xf32>
    %sqrt3A_984 = math.sqrt %add3A_983 : vector<16x256xf32>
    %gt3A_985 = arith.constant 2.600000e+01 : f32
    %gt3A_986 = vector.broadcast %gt3A_985 : f32 to vector<16x1xf32>
    %gt3A_987 = arith.cmpf ogt, %get3A_5, %gt3A_986 : vector<16x1xf32>
    %jit3A_988 = arith.constant 0.000000e+00 : f32
    %broadcast_in_dim3A_989 = vector.shape_cast %gt3A_987 : vector<16x1xi1> to vector<16x1xi1>
    %broadcast_in_dim3A_990 = vector.broadcast %broadcast_in_dim3A_989 : vector<16x1xi1> to vector<16x256xi1>
    %broadcast_in_dim3A_991 = vector.broadcast %jit3A_988 : f32 to vector<16x256xf32>
    %select_n3A_992 = arith.select %broadcast_in_dim3A_990, %sqrt3A_984, %broadcast_in_dim3A_991 : vector<16x256xi1>, vector<16x256xf32>
    %get3A_993 = arith.constant 6656 : index
    %get3A_994 = arith.constant 0 : index
    %get3A_995 = vector.load %arg3[%get3A_993, %get3A_994] : memref<12800x128xf32, #tpu.memory_space<vmem>>, vector<256x128xf32>
    %dot_general3A_996 = arith.constant dense<0.000000e+00> : vector<16x128xf32>
    %dot_general3A_997 = tpu.matmul %select_n3A_992, %get3A_995, %dot_general3A_996 {dimension_numbers = #tpu.dot_dimension_numbers<[1], [0], [0], [1], [0, 0, 1, 1], [], []>, transpose_lhs_hint = false} : vector<16x256xf32>, vector<256x128xf32>, vector<16x128xf32> -> vector<16x128xf32>
    %add3A_998 = arith.addf %add3A_961, %dot_general3A_997 : vector<16x128xf32>
    %get3A_999 = arith.constant 432 : index
    %get3A_1000 = arith.constant 0 : index
    %get3A_1001 = vector.load %arg0[%get3A_999, %get3A_1000] : memref<1024x128xf32, #tpu.memory_space<vmem>>, vector<16x64xf32>
    %mul3A_1002 = arith.mulf %get3A_1001, %get3A_1001 : vector<16x64xf32>
    %reduce_sum3A_1003 = arith.constant dense<0.000000e+00> : vector<16xf32>
    %reduce_sum3A_1004 = vector.multi_reduction <add>, %mul3A_1002, %reduce_sum3A_1003 [1] : vector<16x64xf32> to vector<16xf32>
    %broadcast_in_dim3A_1005 = vector.shape_cast %reduce_sum3A_1004 : vector<16xf32> to vector<16x1xf32>
    %add3A_1006 = vector.broadcast %broadcast_in_dim3A_1005 : vector<16x1xf32> to vector<16x256xf32>
    %add3A_1007 = vector.broadcast %broadcast_in_dim3A : vector<1x256xf32> to vector<16x256xf32>
    %add3A_1008 = arith.addf %add3A_1006, %add3A_1007 : vector<16x256xf32>
    %dot_general3A_1009 = arith.constant dense<0.000000e+00> : vector<16x256xf32>
    %dot_general3A_1010 = tpu.matmul %get3A_1001, %transpose3A, %dot_general3A_1009 {dimension_numbers = #tpu.dot_dimension_numbers<[1], [0], [0], [1], [0, 0, 1, 1], [], []>, transpose_lhs_hint = false} : vector<16x64xf32>, vector<64x256xf32>, vector<16x256xf32> -> vector<16x256xf32>
    %mul3A_1011 = arith.constant 2.000000e+00 : f32
    %mul3A_1012 = vector.broadcast %mul3A_1011 : f32 to vector<16x256xf32>
    %mul3A_1013 = arith.mulf %mul3A_1012, %dot_general3A_1010 : vector<16x256xf32>
    %sub3A_1014 = arith.subf %add3A_1008, %mul3A_1013 : vector<16x256xf32>
    %max3A_1015 = arith.constant 0.000000e+00 : f32
    %max3A_1016 = vector.broadcast %max3A_1015 : f32 to vector<16x256xf32>
    %max3A_1017 = arith.maximumf %sub3A_1014, %max3A_1016 : vector<16x256xf32>
    %add3A_1018 = arith.constant 9.99999996E-13 : f32
    %add3A_1019 = vector.broadcast %add3A_1018 : f32 to vector<16x256xf32>
    %add3A_1020 = arith.addf %max3A_1017, %add3A_1019 : vector<16x256xf32>
    %sqrt3A_1021 = math.sqrt %add3A_1020 : vector<16x256xf32>
    %gt3A_1022 = arith.constant 2.700000e+01 : f32
    %gt3A_1023 = vector.broadcast %gt3A_1022 : f32 to vector<16x1xf32>
    %gt3A_1024 = arith.cmpf ogt, %get3A_5, %gt3A_1023 : vector<16x1xf32>
    %jit3A_1025 = arith.constant 0.000000e+00 : f32
    %broadcast_in_dim3A_1026 = vector.shape_cast %gt3A_1024 : vector<16x1xi1> to vector<16x1xi1>
    %broadcast_in_dim3A_1027 = vector.broadcast %broadcast_in_dim3A_1026 : vector<16x1xi1> to vector<16x256xi1>
    %broadcast_in_dim3A_1028 = vector.broadcast %jit3A_1025 : f32 to vector<16x256xf32>
    %select_n3A_1029 = arith.select %broadcast_in_dim3A_1027, %sqrt3A_1021, %broadcast_in_dim3A_1028 : vector<16x256xi1>, vector<16x256xf32>
    %get3A_1030 = arith.constant 6912 : index
    %get3A_1031 = arith.constant 0 : index
    %get3A_1032 = vector.load %arg3[%get3A_1030, %get3A_1031] : memref<12800x128xf32, #tpu.memory_space<vmem>>, vector<256x128xf32>
    %dot_general3A_1033 = arith.constant dense<0.000000e+00> : vector<16x128xf32>
    %dot_general3A_1034 = tpu.matmul %select_n3A_1029, %get3A_1032, %dot_general3A_1033 {dimension_numbers = #tpu.dot_dimension_numbers<[1], [0], [0], [1], [0, 0, 1, 1], [], []>, transpose_lhs_hint = false} : vector<16x256xf32>, vector<256x128xf32>, vector<16x128xf32> -> vector<16x128xf32>
    %add3A_1035 = arith.addf %add3A_998, %dot_general3A_1034 : vector<16x128xf32>
    %get3A_1036 = arith.constant 448 : index
    %get3A_1037 = arith.constant 0 : index
    %get3A_1038 = vector.load %arg0[%get3A_1036, %get3A_1037] : memref<1024x128xf32, #tpu.memory_space<vmem>>, vector<16x64xf32>
    %mul3A_1039 = arith.mulf %get3A_1038, %get3A_1038 : vector<16x64xf32>
    %reduce_sum3A_1040 = arith.constant dense<0.000000e+00> : vector<16xf32>
    %reduce_sum3A_1041 = vector.multi_reduction <add>, %mul3A_1039, %reduce_sum3A_1040 [1] : vector<16x64xf32> to vector<16xf32>
    %broadcast_in_dim3A_1042 = vector.shape_cast %reduce_sum3A_1041 : vector<16xf32> to vector<16x1xf32>
    %add3A_1043 = vector.broadcast %broadcast_in_dim3A_1042 : vector<16x1xf32> to vector<16x256xf32>
    %add3A_1044 = vector.broadcast %broadcast_in_dim3A : vector<1x256xf32> to vector<16x256xf32>
    %add3A_1045 = arith.addf %add3A_1043, %add3A_1044 : vector<16x256xf32>
    %dot_general3A_1046 = arith.constant dense<0.000000e+00> : vector<16x256xf32>
    %dot_general3A_1047 = tpu.matmul %get3A_1038, %transpose3A, %dot_general3A_1046 {dimension_numbers = #tpu.dot_dimension_numbers<[1], [0], [0], [1], [0, 0, 1, 1], [], []>, transpose_lhs_hint = false} : vector<16x64xf32>, vector<64x256xf32>, vector<16x256xf32> -> vector<16x256xf32>
    %mul3A_1048 = arith.constant 2.000000e+00 : f32
    %mul3A_1049 = vector.broadcast %mul3A_1048 : f32 to vector<16x256xf32>
    %mul3A_1050 = arith.mulf %mul3A_1049, %dot_general3A_1047 : vector<16x256xf32>
    %sub3A_1051 = arith.subf %add3A_1045, %mul3A_1050 : vector<16x256xf32>
    %max3A_1052 = arith.constant 0.000000e+00 : f32
    %max3A_1053 = vector.broadcast %max3A_1052 : f32 to vector<16x256xf32>
    %max3A_1054 = arith.maximumf %sub3A_1051, %max3A_1053 : vector<16x256xf32>
    %add3A_1055 = arith.constant 9.99999996E-13 : f32
    %add3A_1056 = vector.broadcast %add3A_1055 : f32 to vector<16x256xf32>
    %add3A_1057 = arith.addf %max3A_1054, %add3A_1056 : vector<16x256xf32>
    %sqrt3A_1058 = math.sqrt %add3A_1057 : vector<16x256xf32>
    %gt3A_1059 = arith.constant 2.800000e+01 : f32
    %gt3A_1060 = vector.broadcast %gt3A_1059 : f32 to vector<16x1xf32>
    %gt3A_1061 = arith.cmpf ogt, %get3A_5, %gt3A_1060 : vector<16x1xf32>
    %jit3A_1062 = arith.constant 0.000000e+00 : f32
    %broadcast_in_dim3A_1063 = vector.shape_cast %gt3A_1061 : vector<16x1xi1> to vector<16x1xi1>
    %broadcast_in_dim3A_1064 = vector.broadcast %broadcast_in_dim3A_1063 : vector<16x1xi1> to vector<16x256xi1>
    %broadcast_in_dim3A_1065 = vector.broadcast %jit3A_1062 : f32 to vector<16x256xf32>
    %select_n3A_1066 = arith.select %broadcast_in_dim3A_1064, %sqrt3A_1058, %broadcast_in_dim3A_1065 : vector<16x256xi1>, vector<16x256xf32>
    %get3A_1067 = arith.constant 7168 : index
    %get3A_1068 = arith.constant 0 : index
    %get3A_1069 = vector.load %arg3[%get3A_1067, %get3A_1068] : memref<12800x128xf32, #tpu.memory_space<vmem>>, vector<256x128xf32>
    %dot_general3A_1070 = arith.constant dense<0.000000e+00> : vector<16x128xf32>
    %dot_general3A_1071 = tpu.matmul %select_n3A_1066, %get3A_1069, %dot_general3A_1070 {dimension_numbers = #tpu.dot_dimension_numbers<[1], [0], [0], [1], [0, 0, 1, 1], [], []>, transpose_lhs_hint = false} : vector<16x256xf32>, vector<256x128xf32>, vector<16x128xf32> -> vector<16x128xf32>
    %add3A_1072 = arith.addf %add3A_1035, %dot_general3A_1071 : vector<16x128xf32>
    %get3A_1073 = arith.constant 464 : index
    %get3A_1074 = arith.constant 0 : index
    %get3A_1075 = vector.load %arg0[%get3A_1073, %get3A_1074] : memref<1024x128xf32, #tpu.memory_space<vmem>>, vector<16x64xf32>
    %mul3A_1076 = arith.mulf %get3A_1075, %get3A_1075 : vector<16x64xf32>
    %reduce_sum3A_1077 = arith.constant dense<0.000000e+00> : vector<16xf32>
    %reduce_sum3A_1078 = vector.multi_reduction <add>, %mul3A_1076, %reduce_sum3A_1077 [1] : vector<16x64xf32> to vector<16xf32>
    %broadcast_in_dim3A_1079 = vector.shape_cast %reduce_sum3A_1078 : vector<16xf32> to vector<16x1xf32>
    %add3A_1080 = vector.broadcast %broadcast_in_dim3A_1079 : vector<16x1xf32> to vector<16x256xf32>
    %add3A_1081 = vector.broadcast %broadcast_in_dim3A : vector<1x256xf32> to vector<16x256xf32>
    %add3A_1082 = arith.addf %add3A_1080, %add3A_1081 : vector<16x256xf32>
    %dot_general3A_1083 = arith.constant dense<0.000000e+00> : vector<16x256xf32>
    %dot_general3A_1084 = tpu.matmul %get3A_1075, %transpose3A, %dot_general3A_1083 {dimension_numbers = #tpu.dot_dimension_numbers<[1], [0], [0], [1], [0, 0, 1, 1], [], []>, transpose_lhs_hint = false} : vector<16x64xf32>, vector<64x256xf32>, vector<16x256xf32> -> vector<16x256xf32>
    %mul3A_1085 = arith.constant 2.000000e+00 : f32
    %mul3A_1086 = vector.broadcast %mul3A_1085 : f32 to vector<16x256xf32>
    %mul3A_1087 = arith.mulf %mul3A_1086, %dot_general3A_1084 : vector<16x256xf32>
    %sub3A_1088 = arith.subf %add3A_1082, %mul3A_1087 : vector<16x256xf32>
    %max3A_1089 = arith.constant 0.000000e+00 : f32
    %max3A_1090 = vector.broadcast %max3A_1089 : f32 to vector<16x256xf32>
    %max3A_1091 = arith.maximumf %sub3A_1088, %max3A_1090 : vector<16x256xf32>
    %add3A_1092 = arith.constant 9.99999996E-13 : f32
    %add3A_1093 = vector.broadcast %add3A_1092 : f32 to vector<16x256xf32>
    %add3A_1094 = arith.addf %max3A_1091, %add3A_1093 : vector<16x256xf32>
    %sqrt3A_1095 = math.sqrt %add3A_1094 : vector<16x256xf32>
    %gt3A_1096 = arith.constant 2.900000e+01 : f32
    %gt3A_1097 = vector.broadcast %gt3A_1096 : f32 to vector<16x1xf32>
    %gt3A_1098 = arith.cmpf ogt, %get3A_5, %gt3A_1097 : vector<16x1xf32>
    %jit3A_1099 = arith.constant 0.000000e+00 : f32
    %broadcast_in_dim3A_1100 = vector.shape_cast %gt3A_1098 : vector<16x1xi1> to vector<16x1xi1>
    %broadcast_in_dim3A_1101 = vector.broadcast %broadcast_in_dim3A_1100 : vector<16x1xi1> to vector<16x256xi1>
    %broadcast_in_dim3A_1102 = vector.broadcast %jit3A_1099 : f32 to vector<16x256xf32>
    %select_n3A_1103 = arith.select %broadcast_in_dim3A_1101, %sqrt3A_1095, %broadcast_in_dim3A_1102 : vector<16x256xi1>, vector<16x256xf32>
    %get3A_1104 = arith.constant 7424 : index
    %get3A_1105 = arith.constant 0 : index
    %get3A_1106 = vector.load %arg3[%get3A_1104, %get3A_1105] : memref<12800x128xf32, #tpu.memory_space<vmem>>, vector<256x128xf32>
    %dot_general3A_1107 = arith.constant dense<0.000000e+00> : vector<16x128xf32>
    %dot_general3A_1108 = tpu.matmul %select_n3A_1103, %get3A_1106, %dot_general3A_1107 {dimension_numbers = #tpu.dot_dimension_numbers<[1], [0], [0], [1], [0, 0, 1, 1], [], []>, transpose_lhs_hint = false} : vector<16x256xf32>, vector<256x128xf32>, vector<16x128xf32> -> vector<16x128xf32>
    %add3A_1109 = arith.addf %add3A_1072, %dot_general3A_1108 : vector<16x128xf32>
    %get3A_1110 = arith.constant 480 : index
    %get3A_1111 = arith.constant 0 : index
    %get3A_1112 = vector.load %arg0[%get3A_1110, %get3A_1111] : memref<1024x128xf32, #tpu.memory_space<vmem>>, vector<16x64xf32>
    %mul3A_1113 = arith.mulf %get3A_1112, %get3A_1112 : vector<16x64xf32>
    %reduce_sum3A_1114 = arith.constant dense<0.000000e+00> : vector<16xf32>
    %reduce_sum3A_1115 = vector.multi_reduction <add>, %mul3A_1113, %reduce_sum3A_1114 [1] : vector<16x64xf32> to vector<16xf32>
    %broadcast_in_dim3A_1116 = vector.shape_cast %reduce_sum3A_1115 : vector<16xf32> to vector<16x1xf32>
    %add3A_1117 = vector.broadcast %broadcast_in_dim3A_1116 : vector<16x1xf32> to vector<16x256xf32>
    %add3A_1118 = vector.broadcast %broadcast_in_dim3A : vector<1x256xf32> to vector<16x256xf32>
    %add3A_1119 = arith.addf %add3A_1117, %add3A_1118 : vector<16x256xf32>
    %dot_general3A_1120 = arith.constant dense<0.000000e+00> : vector<16x256xf32>
    %dot_general3A_1121 = tpu.matmul %get3A_1112, %transpose3A, %dot_general3A_1120 {dimension_numbers = #tpu.dot_dimension_numbers<[1], [0], [0], [1], [0, 0, 1, 1], [], []>, transpose_lhs_hint = false} : vector<16x64xf32>, vector<64x256xf32>, vector<16x256xf32> -> vector<16x256xf32>
    %mul3A_1122 = arith.constant 2.000000e+00 : f32
    %mul3A_1123 = vector.broadcast %mul3A_1122 : f32 to vector<16x256xf32>
    %mul3A_1124 = arith.mulf %mul3A_1123, %dot_general3A_1121 : vector<16x256xf32>
    %sub3A_1125 = arith.subf %add3A_1119, %mul3A_1124 : vector<16x256xf32>
    %max3A_1126 = arith.constant 0.000000e+00 : f32
    %max3A_1127 = vector.broadcast %max3A_1126 : f32 to vector<16x256xf32>
    %max3A_1128 = arith.maximumf %sub3A_1125, %max3A_1127 : vector<16x256xf32>
    %add3A_1129 = arith.constant 9.99999996E-13 : f32
    %add3A_1130 = vector.broadcast %add3A_1129 : f32 to vector<16x256xf32>
    %add3A_1131 = arith.addf %max3A_1128, %add3A_1130 : vector<16x256xf32>
    %sqrt3A_1132 = math.sqrt %add3A_1131 : vector<16x256xf32>
    %gt3A_1133 = arith.constant 3.000000e+01 : f32
    %gt3A_1134 = vector.broadcast %gt3A_1133 : f32 to vector<16x1xf32>
    %gt3A_1135 = arith.cmpf ogt, %get3A_5, %gt3A_1134 : vector<16x1xf32>
    %jit3A_1136 = arith.constant 0.000000e+00 : f32
    %broadcast_in_dim3A_1137 = vector.shape_cast %gt3A_1135 : vector<16x1xi1> to vector<16x1xi1>
    %broadcast_in_dim3A_1138 = vector.broadcast %broadcast_in_dim3A_1137 : vector<16x1xi1> to vector<16x256xi1>
    %broadcast_in_dim3A_1139 = vector.broadcast %jit3A_1136 : f32 to vector<16x256xf32>
    %select_n3A_1140 = arith.select %broadcast_in_dim3A_1138, %sqrt3A_1132, %broadcast_in_dim3A_1139 : vector<16x256xi1>, vector<16x256xf32>
    %get3A_1141 = arith.constant 7680 : index
    %get3A_1142 = arith.constant 0 : index
    %get3A_1143 = vector.load %arg3[%get3A_1141, %get3A_1142] : memref<12800x128xf32, #tpu.memory_space<vmem>>, vector<256x128xf32>
    %dot_general3A_1144 = arith.constant dense<0.000000e+00> : vector<16x128xf32>
    %dot_general3A_1145 = tpu.matmul %select_n3A_1140, %get3A_1143, %dot_general3A_1144 {dimension_numbers = #tpu.dot_dimension_numbers<[1], [0], [0], [1], [0, 0, 1, 1], [], []>, transpose_lhs_hint = false} : vector<16x256xf32>, vector<256x128xf32>, vector<16x128xf32> -> vector<16x128xf32>
    %add3A_1146 = arith.addf %add3A_1109, %dot_general3A_1145 : vector<16x128xf32>
    %get3A_1147 = arith.constant 496 : index
    %get3A_1148 = arith.constant 0 : index
    %get3A_1149 = vector.load %arg0[%get3A_1147, %get3A_1148] : memref<1024x128xf32, #tpu.memory_space<vmem>>, vector<16x64xf32>
    %mul3A_1150 = arith.mulf %get3A_1149, %get3A_1149 : vector<16x64xf32>
    %reduce_sum3A_1151 = arith.constant dense<0.000000e+00> : vector<16xf32>
    %reduce_sum3A_1152 = vector.multi_reduction <add>, %mul3A_1150, %reduce_sum3A_1151 [1] : vector<16x64xf32> to vector<16xf32>
    %broadcast_in_dim3A_1153 = vector.shape_cast %reduce_sum3A_1152 : vector<16xf32> to vector<16x1xf32>
    %add3A_1154 = vector.broadcast %broadcast_in_dim3A_1153 : vector<16x1xf32> to vector<16x256xf32>
    %add3A_1155 = vector.broadcast %broadcast_in_dim3A : vector<1x256xf32> to vector<16x256xf32>
    %add3A_1156 = arith.addf %add3A_1154, %add3A_1155 : vector<16x256xf32>
    %dot_general3A_1157 = arith.constant dense<0.000000e+00> : vector<16x256xf32>
    %dot_general3A_1158 = tpu.matmul %get3A_1149, %transpose3A, %dot_general3A_1157 {dimension_numbers = #tpu.dot_dimension_numbers<[1], [0], [0], [1], [0, 0, 1, 1], [], []>, transpose_lhs_hint = false} : vector<16x64xf32>, vector<64x256xf32>, vector<16x256xf32> -> vector<16x256xf32>
    %mul3A_1159 = arith.constant 2.000000e+00 : f32
    %mul3A_1160 = vector.broadcast %mul3A_1159 : f32 to vector<16x256xf32>
    %mul3A_1161 = arith.mulf %mul3A_1160, %dot_general3A_1158 : vector<16x256xf32>
    %sub3A_1162 = arith.subf %add3A_1156, %mul3A_1161 : vector<16x256xf32>
    %max3A_1163 = arith.constant 0.000000e+00 : f32
    %max3A_1164 = vector.broadcast %max3A_1163 : f32 to vector<16x256xf32>
    %max3A_1165 = arith.maximumf %sub3A_1162, %max3A_1164 : vector<16x256xf32>
    %add3A_1166 = arith.constant 9.99999996E-13 : f32
    %add3A_1167 = vector.broadcast %add3A_1166 : f32 to vector<16x256xf32>
    %add3A_1168 = arith.addf %max3A_1165, %add3A_1167 : vector<16x256xf32>
    %sqrt3A_1169 = math.sqrt %add3A_1168 : vector<16x256xf32>
    %gt3A_1170 = arith.constant 3.100000e+01 : f32
    %gt3A_1171 = vector.broadcast %gt3A_1170 : f32 to vector<16x1xf32>
    %gt3A_1172 = arith.cmpf ogt, %get3A_5, %gt3A_1171 : vector<16x1xf32>
    %jit3A_1173 = arith.constant 0.000000e+00 : f32
    %broadcast_in_dim3A_1174 = vector.shape_cast %gt3A_1172 : vector<16x1xi1> to vector<16x1xi1>
    %broadcast_in_dim3A_1175 = vector.broadcast %broadcast_in_dim3A_1174 : vector<16x1xi1> to vector<16x256xi1>
    %broadcast_in_dim3A_1176 = vector.broadcast %jit3A_1173 : f32 to vector<16x256xf32>
    %select_n3A_1177 = arith.select %broadcast_in_dim3A_1175, %sqrt3A_1169, %broadcast_in_dim3A_1176 : vector<16x256xi1>, vector<16x256xf32>
    %get3A_1178 = arith.constant 7936 : index
    %get3A_1179 = arith.constant 0 : index
    %get3A_1180 = vector.load %arg3[%get3A_1178, %get3A_1179] : memref<12800x128xf32, #tpu.memory_space<vmem>>, vector<256x128xf32>
    %dot_general3A_1181 = arith.constant dense<0.000000e+00> : vector<16x128xf32>
    %dot_general3A_1182 = tpu.matmul %select_n3A_1177, %get3A_1180, %dot_general3A_1181 {dimension_numbers = #tpu.dot_dimension_numbers<[1], [0], [0], [1], [0, 0, 1, 1], [], []>, transpose_lhs_hint = false} : vector<16x256xf32>, vector<256x128xf32>, vector<16x128xf32> -> vector<16x128xf32>
    %add3A_1183 = arith.addf %add3A_1146, %dot_general3A_1182 : vector<16x128xf32>
    %get3A_1184 = arith.constant 512 : index
    %get3A_1185 = arith.constant 0 : index
    %get3A_1186 = vector.load %arg0[%get3A_1184, %get3A_1185] : memref<1024x128xf32, #tpu.memory_space<vmem>>, vector<16x64xf32>
    %mul3A_1187 = arith.mulf %get3A_1186, %get3A_1186 : vector<16x64xf32>
    %reduce_sum3A_1188 = arith.constant dense<0.000000e+00> : vector<16xf32>
    %reduce_sum3A_1189 = vector.multi_reduction <add>, %mul3A_1187, %reduce_sum3A_1188 [1] : vector<16x64xf32> to vector<16xf32>
    %broadcast_in_dim3A_1190 = vector.shape_cast %reduce_sum3A_1189 : vector<16xf32> to vector<16x1xf32>
    %add3A_1191 = vector.broadcast %broadcast_in_dim3A_1190 : vector<16x1xf32> to vector<16x256xf32>
    %add3A_1192 = vector.broadcast %broadcast_in_dim3A : vector<1x256xf32> to vector<16x256xf32>
    %add3A_1193 = arith.addf %add3A_1191, %add3A_1192 : vector<16x256xf32>
    %dot_general3A_1194 = arith.constant dense<0.000000e+00> : vector<16x256xf32>
    %dot_general3A_1195 = tpu.matmul %get3A_1186, %transpose3A, %dot_general3A_1194 {dimension_numbers = #tpu.dot_dimension_numbers<[1], [0], [0], [1], [0, 0, 1, 1], [], []>, transpose_lhs_hint = false} : vector<16x64xf32>, vector<64x256xf32>, vector<16x256xf32> -> vector<16x256xf32>
    %mul3A_1196 = arith.constant 2.000000e+00 : f32
    %mul3A_1197 = vector.broadcast %mul3A_1196 : f32 to vector<16x256xf32>
    %mul3A_1198 = arith.mulf %mul3A_1197, %dot_general3A_1195 : vector<16x256xf32>
    %sub3A_1199 = arith.subf %add3A_1193, %mul3A_1198 : vector<16x256xf32>
    %max3A_1200 = arith.constant 0.000000e+00 : f32
    %max3A_1201 = vector.broadcast %max3A_1200 : f32 to vector<16x256xf32>
    %max3A_1202 = arith.maximumf %sub3A_1199, %max3A_1201 : vector<16x256xf32>
    %add3A_1203 = arith.constant 9.99999996E-13 : f32
    %add3A_1204 = vector.broadcast %add3A_1203 : f32 to vector<16x256xf32>
    %add3A_1205 = arith.addf %max3A_1202, %add3A_1204 : vector<16x256xf32>
    %sqrt3A_1206 = math.sqrt %add3A_1205 : vector<16x256xf32>
    %gt3A_1207 = arith.constant 3.200000e+01 : f32
    %gt3A_1208 = vector.broadcast %gt3A_1207 : f32 to vector<16x1xf32>
    %gt3A_1209 = arith.cmpf ogt, %get3A_5, %gt3A_1208 : vector<16x1xf32>
    %jit3A_1210 = arith.constant 0.000000e+00 : f32
    %broadcast_in_dim3A_1211 = vector.shape_cast %gt3A_1209 : vector<16x1xi1> to vector<16x1xi1>
    %broadcast_in_dim3A_1212 = vector.broadcast %broadcast_in_dim3A_1211 : vector<16x1xi1> to vector<16x256xi1>
    %broadcast_in_dim3A_1213 = vector.broadcast %jit3A_1210 : f32 to vector<16x256xf32>
    %select_n3A_1214 = arith.select %broadcast_in_dim3A_1212, %sqrt3A_1206, %broadcast_in_dim3A_1213 : vector<16x256xi1>, vector<16x256xf32>
    %get3A_1215 = arith.constant 8192 : index
    %get3A_1216 = arith.constant 0 : index
    %get3A_1217 = vector.load %arg3[%get3A_1215, %get3A_1216] : memref<12800x128xf32, #tpu.memory_space<vmem>>, vector<256x128xf32>
    %dot_general3A_1218 = arith.constant dense<0.000000e+00> : vector<16x128xf32>
    %dot_general3A_1219 = tpu.matmul %select_n3A_1214, %get3A_1217, %dot_general3A_1218 {dimension_numbers = #tpu.dot_dimension_numbers<[1], [0], [0], [1], [0, 0, 1, 1], [], []>, transpose_lhs_hint = false} : vector<16x256xf32>, vector<256x128xf32>, vector<16x128xf32> -> vector<16x128xf32>
    %add3A_1220 = arith.addf %add3A_1183, %dot_general3A_1219 : vector<16x128xf32>
    %get3A_1221 = arith.constant 528 : index
    %get3A_1222 = arith.constant 0 : index
    %get3A_1223 = vector.load %arg0[%get3A_1221, %get3A_1222] : memref<1024x128xf32, #tpu.memory_space<vmem>>, vector<16x64xf32>
    %mul3A_1224 = arith.mulf %get3A_1223, %get3A_1223 : vector<16x64xf32>
    %reduce_sum3A_1225 = arith.constant dense<0.000000e+00> : vector<16xf32>
    %reduce_sum3A_1226 = vector.multi_reduction <add>, %mul3A_1224, %reduce_sum3A_1225 [1] : vector<16x64xf32> to vector<16xf32>
    %broadcast_in_dim3A_1227 = vector.shape_cast %reduce_sum3A_1226 : vector<16xf32> to vector<16x1xf32>
    %add3A_1228 = vector.broadcast %broadcast_in_dim3A_1227 : vector<16x1xf32> to vector<16x256xf32>
    %add3A_1229 = vector.broadcast %broadcast_in_dim3A : vector<1x256xf32> to vector<16x256xf32>
    %add3A_1230 = arith.addf %add3A_1228, %add3A_1229 : vector<16x256xf32>
    %dot_general3A_1231 = arith.constant dense<0.000000e+00> : vector<16x256xf32>
    %dot_general3A_1232 = tpu.matmul %get3A_1223, %transpose3A, %dot_general3A_1231 {dimension_numbers = #tpu.dot_dimension_numbers<[1], [0], [0], [1], [0, 0, 1, 1], [], []>, transpose_lhs_hint = false} : vector<16x64xf32>, vector<64x256xf32>, vector<16x256xf32> -> vector<16x256xf32>
    %mul3A_1233 = arith.constant 2.000000e+00 : f32
    %mul3A_1234 = vector.broadcast %mul3A_1233 : f32 to vector<16x256xf32>
    %mul3A_1235 = arith.mulf %mul3A_1234, %dot_general3A_1232 : vector<16x256xf32>
    %sub3A_1236 = arith.subf %add3A_1230, %mul3A_1235 : vector<16x256xf32>
    %max3A_1237 = arith.constant 0.000000e+00 : f32
    %max3A_1238 = vector.broadcast %max3A_1237 : f32 to vector<16x256xf32>
    %max3A_1239 = arith.maximumf %sub3A_1236, %max3A_1238 : vector<16x256xf32>
    %add3A_1240 = arith.constant 9.99999996E-13 : f32
    %add3A_1241 = vector.broadcast %add3A_1240 : f32 to vector<16x256xf32>
    %add3A_1242 = arith.addf %max3A_1239, %add3A_1241 : vector<16x256xf32>
    %sqrt3A_1243 = math.sqrt %add3A_1242 : vector<16x256xf32>
    %gt3A_1244 = arith.constant 3.300000e+01 : f32
    %gt3A_1245 = vector.broadcast %gt3A_1244 : f32 to vector<16x1xf32>
    %gt3A_1246 = arith.cmpf ogt, %get3A_5, %gt3A_1245 : vector<16x1xf32>
    %jit3A_1247 = arith.constant 0.000000e+00 : f32
    %broadcast_in_dim3A_1248 = vector.shape_cast %gt3A_1246 : vector<16x1xi1> to vector<16x1xi1>
    %broadcast_in_dim3A_1249 = vector.broadcast %broadcast_in_dim3A_1248 : vector<16x1xi1> to vector<16x256xi1>
    %broadcast_in_dim3A_1250 = vector.broadcast %jit3A_1247 : f32 to vector<16x256xf32>
    %select_n3A_1251 = arith.select %broadcast_in_dim3A_1249, %sqrt3A_1243, %broadcast_in_dim3A_1250 : vector<16x256xi1>, vector<16x256xf32>
    %get3A_1252 = arith.constant 8448 : index
    %get3A_1253 = arith.constant 0 : index
    %get3A_1254 = vector.load %arg3[%get3A_1252, %get3A_1253] : memref<12800x128xf32, #tpu.memory_space<vmem>>, vector<256x128xf32>
    %dot_general3A_1255 = arith.constant dense<0.000000e+00> : vector<16x128xf32>
    %dot_general3A_1256 = tpu.matmul %select_n3A_1251, %get3A_1254, %dot_general3A_1255 {dimension_numbers = #tpu.dot_dimension_numbers<[1], [0], [0], [1], [0, 0, 1, 1], [], []>, transpose_lhs_hint = false} : vector<16x256xf32>, vector<256x128xf32>, vector<16x128xf32> -> vector<16x128xf32>
    %add3A_1257 = arith.addf %add3A_1220, %dot_general3A_1256 : vector<16x128xf32>
    %get3A_1258 = arith.constant 544 : index
    %get3A_1259 = arith.constant 0 : index
    %get3A_1260 = vector.load %arg0[%get3A_1258, %get3A_1259] : memref<1024x128xf32, #tpu.memory_space<vmem>>, vector<16x64xf32>
    %mul3A_1261 = arith.mulf %get3A_1260, %get3A_1260 : vector<16x64xf32>
    %reduce_sum3A_1262 = arith.constant dense<0.000000e+00> : vector<16xf32>
    %reduce_sum3A_1263 = vector.multi_reduction <add>, %mul3A_1261, %reduce_sum3A_1262 [1] : vector<16x64xf32> to vector<16xf32>
    %broadcast_in_dim3A_1264 = vector.shape_cast %reduce_sum3A_1263 : vector<16xf32> to vector<16x1xf32>
    %add3A_1265 = vector.broadcast %broadcast_in_dim3A_1264 : vector<16x1xf32> to vector<16x256xf32>
    %add3A_1266 = vector.broadcast %broadcast_in_dim3A : vector<1x256xf32> to vector<16x256xf32>
    %add3A_1267 = arith.addf %add3A_1265, %add3A_1266 : vector<16x256xf32>
    %dot_general3A_1268 = arith.constant dense<0.000000e+00> : vector<16x256xf32>
    %dot_general3A_1269 = tpu.matmul %get3A_1260, %transpose3A, %dot_general3A_1268 {dimension_numbers = #tpu.dot_dimension_numbers<[1], [0], [0], [1], [0, 0, 1, 1], [], []>, transpose_lhs_hint = false} : vector<16x64xf32>, vector<64x256xf32>, vector<16x256xf32> -> vector<16x256xf32>
    %mul3A_1270 = arith.constant 2.000000e+00 : f32
    %mul3A_1271 = vector.broadcast %mul3A_1270 : f32 to vector<16x256xf32>
    %mul3A_1272 = arith.mulf %mul3A_1271, %dot_general3A_1269 : vector<16x256xf32>
    %sub3A_1273 = arith.subf %add3A_1267, %mul3A_1272 : vector<16x256xf32>
    %max3A_1274 = arith.constant 0.000000e+00 : f32
    %max3A_1275 = vector.broadcast %max3A_1274 : f32 to vector<16x256xf32>
    %max3A_1276 = arith.maximumf %sub3A_1273, %max3A_1275 : vector<16x256xf32>
    %add3A_1277 = arith.constant 9.99999996E-13 : f32
    %add3A_1278 = vector.broadcast %add3A_1277 : f32 to vector<16x256xf32>
    %add3A_1279 = arith.addf %max3A_1276, %add3A_1278 : vector<16x256xf32>
    %sqrt3A_1280 = math.sqrt %add3A_1279 : vector<16x256xf32>
    %gt3A_1281 = arith.constant 3.400000e+01 : f32
    %gt3A_1282 = vector.broadcast %gt3A_1281 : f32 to vector<16x1xf32>
    %gt3A_1283 = arith.cmpf ogt, %get3A_5, %gt3A_1282 : vector<16x1xf32>
    %jit3A_1284 = arith.constant 0.000000e+00 : f32
    %broadcast_in_dim3A_1285 = vector.shape_cast %gt3A_1283 : vector<16x1xi1> to vector<16x1xi1>
    %broadcast_in_dim3A_1286 = vector.broadcast %broadcast_in_dim3A_1285 : vector<16x1xi1> to vector<16x256xi1>
    %broadcast_in_dim3A_1287 = vector.broadcast %jit3A_1284 : f32 to vector<16x256xf32>
    %select_n3A_1288 = arith.select %broadcast_in_dim3A_1286, %sqrt3A_1280, %broadcast_in_dim3A_1287 : vector<16x256xi1>, vector<16x256xf32>
    %get3A_1289 = arith.constant 8704 : index
    %get3A_1290 = arith.constant 0 : index
    %get3A_1291 = vector.load %arg3[%get3A_1289, %get3A_1290] : memref<12800x128xf32, #tpu.memory_space<vmem>>, vector<256x128xf32>
    %dot_general3A_1292 = arith.constant dense<0.000000e+00> : vector<16x128xf32>
    %dot_general3A_1293 = tpu.matmul %select_n3A_1288, %get3A_1291, %dot_general3A_1292 {dimension_numbers = #tpu.dot_dimension_numbers<[1], [0], [0], [1], [0, 0, 1, 1], [], []>, transpose_lhs_hint = false} : vector<16x256xf32>, vector<256x128xf32>, vector<16x128xf32> -> vector<16x128xf32>
    %add3A_1294 = arith.addf %add3A_1257, %dot_general3A_1293 : vector<16x128xf32>
    %get3A_1295 = arith.constant 560 : index
    %get3A_1296 = arith.constant 0 : index
    %get3A_1297 = vector.load %arg0[%get3A_1295, %get3A_1296] : memref<1024x128xf32, #tpu.memory_space<vmem>>, vector<16x64xf32>
    %mul3A_1298 = arith.mulf %get3A_1297, %get3A_1297 : vector<16x64xf32>
    %reduce_sum3A_1299 = arith.constant dense<0.000000e+00> : vector<16xf32>
    %reduce_sum3A_1300 = vector.multi_reduction <add>, %mul3A_1298, %reduce_sum3A_1299 [1] : vector<16x64xf32> to vector<16xf32>
    %broadcast_in_dim3A_1301 = vector.shape_cast %reduce_sum3A_1300 : vector<16xf32> to vector<16x1xf32>
    %add3A_1302 = vector.broadcast %broadcast_in_dim3A_1301 : vector<16x1xf32> to vector<16x256xf32>
    %add3A_1303 = vector.broadcast %broadcast_in_dim3A : vector<1x256xf32> to vector<16x256xf32>
    %add3A_1304 = arith.addf %add3A_1302, %add3A_1303 : vector<16x256xf32>
    %dot_general3A_1305 = arith.constant dense<0.000000e+00> : vector<16x256xf32>
    %dot_general3A_1306 = tpu.matmul %get3A_1297, %transpose3A, %dot_general3A_1305 {dimension_numbers = #tpu.dot_dimension_numbers<[1], [0], [0], [1], [0, 0, 1, 1], [], []>, transpose_lhs_hint = false} : vector<16x64xf32>, vector<64x256xf32>, vector<16x256xf32> -> vector<16x256xf32>
    %mul3A_1307 = arith.constant 2.000000e+00 : f32
    %mul3A_1308 = vector.broadcast %mul3A_1307 : f32 to vector<16x256xf32>
    %mul3A_1309 = arith.mulf %mul3A_1308, %dot_general3A_1306 : vector<16x256xf32>
    %sub3A_1310 = arith.subf %add3A_1304, %mul3A_1309 : vector<16x256xf32>
    %max3A_1311 = arith.constant 0.000000e+00 : f32
    %max3A_1312 = vector.broadcast %max3A_1311 : f32 to vector<16x256xf32>
    %max3A_1313 = arith.maximumf %sub3A_1310, %max3A_1312 : vector<16x256xf32>
    %add3A_1314 = arith.constant 9.99999996E-13 : f32
    %add3A_1315 = vector.broadcast %add3A_1314 : f32 to vector<16x256xf32>
    %add3A_1316 = arith.addf %max3A_1313, %add3A_1315 : vector<16x256xf32>
    %sqrt3A_1317 = math.sqrt %add3A_1316 : vector<16x256xf32>
    %gt3A_1318 = arith.constant 3.500000e+01 : f32
    %gt3A_1319 = vector.broadcast %gt3A_1318 : f32 to vector<16x1xf32>
    %gt3A_1320 = arith.cmpf ogt, %get3A_5, %gt3A_1319 : vector<16x1xf32>
    %jit3A_1321 = arith.constant 0.000000e+00 : f32
    %broadcast_in_dim3A_1322 = vector.shape_cast %gt3A_1320 : vector<16x1xi1> to vector<16x1xi1>
    %broadcast_in_dim3A_1323 = vector.broadcast %broadcast_in_dim3A_1322 : vector<16x1xi1> to vector<16x256xi1>
    %broadcast_in_dim3A_1324 = vector.broadcast %jit3A_1321 : f32 to vector<16x256xf32>
    %select_n3A_1325 = arith.select %broadcast_in_dim3A_1323, %sqrt3A_1317, %broadcast_in_dim3A_1324 : vector<16x256xi1>, vector<16x256xf32>
    %get3A_1326 = arith.constant 8960 : index
    %get3A_1327 = arith.constant 0 : index
    %get3A_1328 = vector.load %arg3[%get3A_1326, %get3A_1327] : memref<12800x128xf32, #tpu.memory_space<vmem>>, vector<256x128xf32>
    %dot_general3A_1329 = arith.constant dense<0.000000e+00> : vector<16x128xf32>
    %dot_general3A_1330 = tpu.matmul %select_n3A_1325, %get3A_1328, %dot_general3A_1329 {dimension_numbers = #tpu.dot_dimension_numbers<[1], [0], [0], [1], [0, 0, 1, 1], [], []>, transpose_lhs_hint = false} : vector<16x256xf32>, vector<256x128xf32>, vector<16x128xf32> -> vector<16x128xf32>
    %add3A_1331 = arith.addf %add3A_1294, %dot_general3A_1330 : vector<16x128xf32>
    %get3A_1332 = arith.constant 576 : index
    %get3A_1333 = arith.constant 0 : index
    %get3A_1334 = vector.load %arg0[%get3A_1332, %get3A_1333] : memref<1024x128xf32, #tpu.memory_space<vmem>>, vector<16x64xf32>
    %mul3A_1335 = arith.mulf %get3A_1334, %get3A_1334 : vector<16x64xf32>
    %reduce_sum3A_1336 = arith.constant dense<0.000000e+00> : vector<16xf32>
    %reduce_sum3A_1337 = vector.multi_reduction <add>, %mul3A_1335, %reduce_sum3A_1336 [1] : vector<16x64xf32> to vector<16xf32>
    %broadcast_in_dim3A_1338 = vector.shape_cast %reduce_sum3A_1337 : vector<16xf32> to vector<16x1xf32>
    %add3A_1339 = vector.broadcast %broadcast_in_dim3A_1338 : vector<16x1xf32> to vector<16x256xf32>
    %add3A_1340 = vector.broadcast %broadcast_in_dim3A : vector<1x256xf32> to vector<16x256xf32>
    %add3A_1341 = arith.addf %add3A_1339, %add3A_1340 : vector<16x256xf32>
    %dot_general3A_1342 = arith.constant dense<0.000000e+00> : vector<16x256xf32>
    %dot_general3A_1343 = tpu.matmul %get3A_1334, %transpose3A, %dot_general3A_1342 {dimension_numbers = #tpu.dot_dimension_numbers<[1], [0], [0], [1], [0, 0, 1, 1], [], []>, transpose_lhs_hint = false} : vector<16x64xf32>, vector<64x256xf32>, vector<16x256xf32> -> vector<16x256xf32>
    %mul3A_1344 = arith.constant 2.000000e+00 : f32
    %mul3A_1345 = vector.broadcast %mul3A_1344 : f32 to vector<16x256xf32>
    %mul3A_1346 = arith.mulf %mul3A_1345, %dot_general3A_1343 : vector<16x256xf32>
    %sub3A_1347 = arith.subf %add3A_1341, %mul3A_1346 : vector<16x256xf32>
    %max3A_1348 = arith.constant 0.000000e+00 : f32
    %max3A_1349 = vector.broadcast %max3A_1348 : f32 to vector<16x256xf32>
    %max3A_1350 = arith.maximumf %sub3A_1347, %max3A_1349 : vector<16x256xf32>
    %add3A_1351 = arith.constant 9.99999996E-13 : f32
    %add3A_1352 = vector.broadcast %add3A_1351 : f32 to vector<16x256xf32>
    %add3A_1353 = arith.addf %max3A_1350, %add3A_1352 : vector<16x256xf32>
    %sqrt3A_1354 = math.sqrt %add3A_1353 : vector<16x256xf32>
    %gt3A_1355 = arith.constant 3.600000e+01 : f32
    %gt3A_1356 = vector.broadcast %gt3A_1355 : f32 to vector<16x1xf32>
    %gt3A_1357 = arith.cmpf ogt, %get3A_5, %gt3A_1356 : vector<16x1xf32>
    %jit3A_1358 = arith.constant 0.000000e+00 : f32
    %broadcast_in_dim3A_1359 = vector.shape_cast %gt3A_1357 : vector<16x1xi1> to vector<16x1xi1>
    %broadcast_in_dim3A_1360 = vector.broadcast %broadcast_in_dim3A_1359 : vector<16x1xi1> to vector<16x256xi1>
    %broadcast_in_dim3A_1361 = vector.broadcast %jit3A_1358 : f32 to vector<16x256xf32>
    %select_n3A_1362 = arith.select %broadcast_in_dim3A_1360, %sqrt3A_1354, %broadcast_in_dim3A_1361 : vector<16x256xi1>, vector<16x256xf32>
    %get3A_1363 = arith.constant 9216 : index
    %get3A_1364 = arith.constant 0 : index
    %get3A_1365 = vector.load %arg3[%get3A_1363, %get3A_1364] : memref<12800x128xf32, #tpu.memory_space<vmem>>, vector<256x128xf32>
    %dot_general3A_1366 = arith.constant dense<0.000000e+00> : vector<16x128xf32>
    %dot_general3A_1367 = tpu.matmul %select_n3A_1362, %get3A_1365, %dot_general3A_1366 {dimension_numbers = #tpu.dot_dimension_numbers<[1], [0], [0], [1], [0, 0, 1, 1], [], []>, transpose_lhs_hint = false} : vector<16x256xf32>, vector<256x128xf32>, vector<16x128xf32> -> vector<16x128xf32>
    %add3A_1368 = arith.addf %add3A_1331, %dot_general3A_1367 : vector<16x128xf32>
    %get3A_1369 = arith.constant 592 : index
    %get3A_1370 = arith.constant 0 : index
    %get3A_1371 = vector.load %arg0[%get3A_1369, %get3A_1370] : memref<1024x128xf32, #tpu.memory_space<vmem>>, vector<16x64xf32>
    %mul3A_1372 = arith.mulf %get3A_1371, %get3A_1371 : vector<16x64xf32>
    %reduce_sum3A_1373 = arith.constant dense<0.000000e+00> : vector<16xf32>
    %reduce_sum3A_1374 = vector.multi_reduction <add>, %mul3A_1372, %reduce_sum3A_1373 [1] : vector<16x64xf32> to vector<16xf32>
    %broadcast_in_dim3A_1375 = vector.shape_cast %reduce_sum3A_1374 : vector<16xf32> to vector<16x1xf32>
    %add3A_1376 = vector.broadcast %broadcast_in_dim3A_1375 : vector<16x1xf32> to vector<16x256xf32>
    %add3A_1377 = vector.broadcast %broadcast_in_dim3A : vector<1x256xf32> to vector<16x256xf32>
    %add3A_1378 = arith.addf %add3A_1376, %add3A_1377 : vector<16x256xf32>
    %dot_general3A_1379 = arith.constant dense<0.000000e+00> : vector<16x256xf32>
    %dot_general3A_1380 = tpu.matmul %get3A_1371, %transpose3A, %dot_general3A_1379 {dimension_numbers = #tpu.dot_dimension_numbers<[1], [0], [0], [1], [0, 0, 1, 1], [], []>, transpose_lhs_hint = false} : vector<16x64xf32>, vector<64x256xf32>, vector<16x256xf32> -> vector<16x256xf32>
    %mul3A_1381 = arith.constant 2.000000e+00 : f32
    %mul3A_1382 = vector.broadcast %mul3A_1381 : f32 to vector<16x256xf32>
    %mul3A_1383 = arith.mulf %mul3A_1382, %dot_general3A_1380 : vector<16x256xf32>
    %sub3A_1384 = arith.subf %add3A_1378, %mul3A_1383 : vector<16x256xf32>
    %max3A_1385 = arith.constant 0.000000e+00 : f32
    %max3A_1386 = vector.broadcast %max3A_1385 : f32 to vector<16x256xf32>
    %max3A_1387 = arith.maximumf %sub3A_1384, %max3A_1386 : vector<16x256xf32>
    %add3A_1388 = arith.constant 9.99999996E-13 : f32
    %add3A_1389 = vector.broadcast %add3A_1388 : f32 to vector<16x256xf32>
    %add3A_1390 = arith.addf %max3A_1387, %add3A_1389 : vector<16x256xf32>
    %sqrt3A_1391 = math.sqrt %add3A_1390 : vector<16x256xf32>
    %gt3A_1392 = arith.constant 3.700000e+01 : f32
    %gt3A_1393 = vector.broadcast %gt3A_1392 : f32 to vector<16x1xf32>
    %gt3A_1394 = arith.cmpf ogt, %get3A_5, %gt3A_1393 : vector<16x1xf32>
    %jit3A_1395 = arith.constant 0.000000e+00 : f32
    %broadcast_in_dim3A_1396 = vector.shape_cast %gt3A_1394 : vector<16x1xi1> to vector<16x1xi1>
    %broadcast_in_dim3A_1397 = vector.broadcast %broadcast_in_dim3A_1396 : vector<16x1xi1> to vector<16x256xi1>
    %broadcast_in_dim3A_1398 = vector.broadcast %jit3A_1395 : f32 to vector<16x256xf32>
    %select_n3A_1399 = arith.select %broadcast_in_dim3A_1397, %sqrt3A_1391, %broadcast_in_dim3A_1398 : vector<16x256xi1>, vector<16x256xf32>
    %get3A_1400 = arith.constant 9472 : index
    %get3A_1401 = arith.constant 0 : index
    %get3A_1402 = vector.load %arg3[%get3A_1400, %get3A_1401] : memref<12800x128xf32, #tpu.memory_space<vmem>>, vector<256x128xf32>
    %dot_general3A_1403 = arith.constant dense<0.000000e+00> : vector<16x128xf32>
    %dot_general3A_1404 = tpu.matmul %select_n3A_1399, %get3A_1402, %dot_general3A_1403 {dimension_numbers = #tpu.dot_dimension_numbers<[1], [0], [0], [1], [0, 0, 1, 1], [], []>, transpose_lhs_hint = false} : vector<16x256xf32>, vector<256x128xf32>, vector<16x128xf32> -> vector<16x128xf32>
    %add3A_1405 = arith.addf %add3A_1368, %dot_general3A_1404 : vector<16x128xf32>
    %get3A_1406 = arith.constant 608 : index
    %get3A_1407 = arith.constant 0 : index
    %get3A_1408 = vector.load %arg0[%get3A_1406, %get3A_1407] : memref<1024x128xf32, #tpu.memory_space<vmem>>, vector<16x64xf32>
    %mul3A_1409 = arith.mulf %get3A_1408, %get3A_1408 : vector<16x64xf32>
    %reduce_sum3A_1410 = arith.constant dense<0.000000e+00> : vector<16xf32>
    %reduce_sum3A_1411 = vector.multi_reduction <add>, %mul3A_1409, %reduce_sum3A_1410 [1] : vector<16x64xf32> to vector<16xf32>
    %broadcast_in_dim3A_1412 = vector.shape_cast %reduce_sum3A_1411 : vector<16xf32> to vector<16x1xf32>
    %add3A_1413 = vector.broadcast %broadcast_in_dim3A_1412 : vector<16x1xf32> to vector<16x256xf32>
    %add3A_1414 = vector.broadcast %broadcast_in_dim3A : vector<1x256xf32> to vector<16x256xf32>
    %add3A_1415 = arith.addf %add3A_1413, %add3A_1414 : vector<16x256xf32>
    %dot_general3A_1416 = arith.constant dense<0.000000e+00> : vector<16x256xf32>
    %dot_general3A_1417 = tpu.matmul %get3A_1408, %transpose3A, %dot_general3A_1416 {dimension_numbers = #tpu.dot_dimension_numbers<[1], [0], [0], [1], [0, 0, 1, 1], [], []>, transpose_lhs_hint = false} : vector<16x64xf32>, vector<64x256xf32>, vector<16x256xf32> -> vector<16x256xf32>
    %mul3A_1418 = arith.constant 2.000000e+00 : f32
    %mul3A_1419 = vector.broadcast %mul3A_1418 : f32 to vector<16x256xf32>
    %mul3A_1420 = arith.mulf %mul3A_1419, %dot_general3A_1417 : vector<16x256xf32>
    %sub3A_1421 = arith.subf %add3A_1415, %mul3A_1420 : vector<16x256xf32>
    %max3A_1422 = arith.constant 0.000000e+00 : f32
    %max3A_1423 = vector.broadcast %max3A_1422 : f32 to vector<16x256xf32>
    %max3A_1424 = arith.maximumf %sub3A_1421, %max3A_1423 : vector<16x256xf32>
    %add3A_1425 = arith.constant 9.99999996E-13 : f32
    %add3A_1426 = vector.broadcast %add3A_1425 : f32 to vector<16x256xf32>
    %add3A_1427 = arith.addf %max3A_1424, %add3A_1426 : vector<16x256xf32>
    %sqrt3A_1428 = math.sqrt %add3A_1427 : vector<16x256xf32>
    %gt3A_1429 = arith.constant 3.800000e+01 : f32
    %gt3A_1430 = vector.broadcast %gt3A_1429 : f32 to vector<16x1xf32>
    %gt3A_1431 = arith.cmpf ogt, %get3A_5, %gt3A_1430 : vector<16x1xf32>
    %jit3A_1432 = arith.constant 0.000000e+00 : f32
    %broadcast_in_dim3A_1433 = vector.shape_cast %gt3A_1431 : vector<16x1xi1> to vector<16x1xi1>
    %broadcast_in_dim3A_1434 = vector.broadcast %broadcast_in_dim3A_1433 : vector<16x1xi1> to vector<16x256xi1>
    %broadcast_in_dim3A_1435 = vector.broadcast %jit3A_1432 : f32 to vector<16x256xf32>
    %select_n3A_1436 = arith.select %broadcast_in_dim3A_1434, %sqrt3A_1428, %broadcast_in_dim3A_1435 : vector<16x256xi1>, vector<16x256xf32>
    %get3A_1437 = arith.constant 9728 : index
    %get3A_1438 = arith.constant 0 : index
    %get3A_1439 = vector.load %arg3[%get3A_1437, %get3A_1438] : memref<12800x128xf32, #tpu.memory_space<vmem>>, vector<256x128xf32>
    %dot_general3A_1440 = arith.constant dense<0.000000e+00> : vector<16x128xf32>
    %dot_general3A_1441 = tpu.matmul %select_n3A_1436, %get3A_1439, %dot_general3A_1440 {dimension_numbers = #tpu.dot_dimension_numbers<[1], [0], [0], [1], [0, 0, 1, 1], [], []>, transpose_lhs_hint = false} : vector<16x256xf32>, vector<256x128xf32>, vector<16x128xf32> -> vector<16x128xf32>
    %add3A_1442 = arith.addf %add3A_1405, %dot_general3A_1441 : vector<16x128xf32>
    %get3A_1443 = arith.constant 624 : index
    %get3A_1444 = arith.constant 0 : index
    %get3A_1445 = vector.load %arg0[%get3A_1443, %get3A_1444] : memref<1024x128xf32, #tpu.memory_space<vmem>>, vector<16x64xf32>
    %mul3A_1446 = arith.mulf %get3A_1445, %get3A_1445 : vector<16x64xf32>
    %reduce_sum3A_1447 = arith.constant dense<0.000000e+00> : vector<16xf32>
    %reduce_sum3A_1448 = vector.multi_reduction <add>, %mul3A_1446, %reduce_sum3A_1447 [1] : vector<16x64xf32> to vector<16xf32>
    %broadcast_in_dim3A_1449 = vector.shape_cast %reduce_sum3A_1448 : vector<16xf32> to vector<16x1xf32>
    %add3A_1450 = vector.broadcast %broadcast_in_dim3A_1449 : vector<16x1xf32> to vector<16x256xf32>
    %add3A_1451 = vector.broadcast %broadcast_in_dim3A : vector<1x256xf32> to vector<16x256xf32>
    %add3A_1452 = arith.addf %add3A_1450, %add3A_1451 : vector<16x256xf32>
    %dot_general3A_1453 = arith.constant dense<0.000000e+00> : vector<16x256xf32>
    %dot_general3A_1454 = tpu.matmul %get3A_1445, %transpose3A, %dot_general3A_1453 {dimension_numbers = #tpu.dot_dimension_numbers<[1], [0], [0], [1], [0, 0, 1, 1], [], []>, transpose_lhs_hint = false} : vector<16x64xf32>, vector<64x256xf32>, vector<16x256xf32> -> vector<16x256xf32>
    %mul3A_1455 = arith.constant 2.000000e+00 : f32
    %mul3A_1456 = vector.broadcast %mul3A_1455 : f32 to vector<16x256xf32>
    %mul3A_1457 = arith.mulf %mul3A_1456, %dot_general3A_1454 : vector<16x256xf32>
    %sub3A_1458 = arith.subf %add3A_1452, %mul3A_1457 : vector<16x256xf32>
    %max3A_1459 = arith.constant 0.000000e+00 : f32
    %max3A_1460 = vector.broadcast %max3A_1459 : f32 to vector<16x256xf32>
    %max3A_1461 = arith.maximumf %sub3A_1458, %max3A_1460 : vector<16x256xf32>
    %add3A_1462 = arith.constant 9.99999996E-13 : f32
    %add3A_1463 = vector.broadcast %add3A_1462 : f32 to vector<16x256xf32>
    %add3A_1464 = arith.addf %max3A_1461, %add3A_1463 : vector<16x256xf32>
    %sqrt3A_1465 = math.sqrt %add3A_1464 : vector<16x256xf32>
    %gt3A_1466 = arith.constant 3.900000e+01 : f32
    %gt3A_1467 = vector.broadcast %gt3A_1466 : f32 to vector<16x1xf32>
    %gt3A_1468 = arith.cmpf ogt, %get3A_5, %gt3A_1467 : vector<16x1xf32>
    %jit3A_1469 = arith.constant 0.000000e+00 : f32
    %broadcast_in_dim3A_1470 = vector.shape_cast %gt3A_1468 : vector<16x1xi1> to vector<16x1xi1>
    %broadcast_in_dim3A_1471 = vector.broadcast %broadcast_in_dim3A_1470 : vector<16x1xi1> to vector<16x256xi1>
    %broadcast_in_dim3A_1472 = vector.broadcast %jit3A_1469 : f32 to vector<16x256xf32>
    %select_n3A_1473 = arith.select %broadcast_in_dim3A_1471, %sqrt3A_1465, %broadcast_in_dim3A_1472 : vector<16x256xi1>, vector<16x256xf32>
    %get3A_1474 = arith.constant 9984 : index
    %get3A_1475 = arith.constant 0 : index
    %get3A_1476 = vector.load %arg3[%get3A_1474, %get3A_1475] : memref<12800x128xf32, #tpu.memory_space<vmem>>, vector<256x128xf32>
    %dot_general3A_1477 = arith.constant dense<0.000000e+00> : vector<16x128xf32>
    %dot_general3A_1478 = tpu.matmul %select_n3A_1473, %get3A_1476, %dot_general3A_1477 {dimension_numbers = #tpu.dot_dimension_numbers<[1], [0], [0], [1], [0, 0, 1, 1], [], []>, transpose_lhs_hint = false} : vector<16x256xf32>, vector<256x128xf32>, vector<16x128xf32> -> vector<16x128xf32>
    %add3A_1479 = arith.addf %add3A_1442, %dot_general3A_1478 : vector<16x128xf32>
    %get3A_1480 = arith.constant 640 : index
    %get3A_1481 = arith.constant 0 : index
    %get3A_1482 = vector.load %arg0[%get3A_1480, %get3A_1481] : memref<1024x128xf32, #tpu.memory_space<vmem>>, vector<16x64xf32>
    %mul3A_1483 = arith.mulf %get3A_1482, %get3A_1482 : vector<16x64xf32>
    %reduce_sum3A_1484 = arith.constant dense<0.000000e+00> : vector<16xf32>
    %reduce_sum3A_1485 = vector.multi_reduction <add>, %mul3A_1483, %reduce_sum3A_1484 [1] : vector<16x64xf32> to vector<16xf32>
    %broadcast_in_dim3A_1486 = vector.shape_cast %reduce_sum3A_1485 : vector<16xf32> to vector<16x1xf32>
    %add3A_1487 = vector.broadcast %broadcast_in_dim3A_1486 : vector<16x1xf32> to vector<16x256xf32>
    %add3A_1488 = vector.broadcast %broadcast_in_dim3A : vector<1x256xf32> to vector<16x256xf32>
    %add3A_1489 = arith.addf %add3A_1487, %add3A_1488 : vector<16x256xf32>
    %dot_general3A_1490 = arith.constant dense<0.000000e+00> : vector<16x256xf32>
    %dot_general3A_1491 = tpu.matmul %get3A_1482, %transpose3A, %dot_general3A_1490 {dimension_numbers = #tpu.dot_dimension_numbers<[1], [0], [0], [1], [0, 0, 1, 1], [], []>, transpose_lhs_hint = false} : vector<16x64xf32>, vector<64x256xf32>, vector<16x256xf32> -> vector<16x256xf32>
    %mul3A_1492 = arith.constant 2.000000e+00 : f32
    %mul3A_1493 = vector.broadcast %mul3A_1492 : f32 to vector<16x256xf32>
    %mul3A_1494 = arith.mulf %mul3A_1493, %dot_general3A_1491 : vector<16x256xf32>
    %sub3A_1495 = arith.subf %add3A_1489, %mul3A_1494 : vector<16x256xf32>
    %max3A_1496 = arith.constant 0.000000e+00 : f32
    %max3A_1497 = vector.broadcast %max3A_1496 : f32 to vector<16x256xf32>
    %max3A_1498 = arith.maximumf %sub3A_1495, %max3A_1497 : vector<16x256xf32>
    %add3A_1499 = arith.constant 9.99999996E-13 : f32
    %add3A_1500 = vector.broadcast %add3A_1499 : f32 to vector<16x256xf32>
    %add3A_1501 = arith.addf %max3A_1498, %add3A_1500 : vector<16x256xf32>
    %sqrt3A_1502 = math.sqrt %add3A_1501 : vector<16x256xf32>
    %gt3A_1503 = arith.constant 4.000000e+01 : f32
    %gt3A_1504 = vector.broadcast %gt3A_1503 : f32 to vector<16x1xf32>
    %gt3A_1505 = arith.cmpf ogt, %get3A_5, %gt3A_1504 : vector<16x1xf32>
    %jit3A_1506 = arith.constant 0.000000e+00 : f32
    %broadcast_in_dim3A_1507 = vector.shape_cast %gt3A_1505 : vector<16x1xi1> to vector<16x1xi1>
    %broadcast_in_dim3A_1508 = vector.broadcast %broadcast_in_dim3A_1507 : vector<16x1xi1> to vector<16x256xi1>
    %broadcast_in_dim3A_1509 = vector.broadcast %jit3A_1506 : f32 to vector<16x256xf32>
    %select_n3A_1510 = arith.select %broadcast_in_dim3A_1508, %sqrt3A_1502, %broadcast_in_dim3A_1509 : vector<16x256xi1>, vector<16x256xf32>
    %get3A_1511 = arith.constant 10240 : index
    %get3A_1512 = arith.constant 0 : index
    %get3A_1513 = vector.load %arg3[%get3A_1511, %get3A_1512] : memref<12800x128xf32, #tpu.memory_space<vmem>>, vector<256x128xf32>
    %dot_general3A_1514 = arith.constant dense<0.000000e+00> : vector<16x128xf32>
    %dot_general3A_1515 = tpu.matmul %select_n3A_1510, %get3A_1513, %dot_general3A_1514 {dimension_numbers = #tpu.dot_dimension_numbers<[1], [0], [0], [1], [0, 0, 1, 1], [], []>, transpose_lhs_hint = false} : vector<16x256xf32>, vector<256x128xf32>, vector<16x128xf32> -> vector<16x128xf32>
    %add3A_1516 = arith.addf %add3A_1479, %dot_general3A_1515 : vector<16x128xf32>
    %get3A_1517 = arith.constant 656 : index
    %get3A_1518 = arith.constant 0 : index
    %get3A_1519 = vector.load %arg0[%get3A_1517, %get3A_1518] : memref<1024x128xf32, #tpu.memory_space<vmem>>, vector<16x64xf32>
    %mul3A_1520 = arith.mulf %get3A_1519, %get3A_1519 : vector<16x64xf32>
    %reduce_sum3A_1521 = arith.constant dense<0.000000e+00> : vector<16xf32>
    %reduce_sum3A_1522 = vector.multi_reduction <add>, %mul3A_1520, %reduce_sum3A_1521 [1] : vector<16x64xf32> to vector<16xf32>
    %broadcast_in_dim3A_1523 = vector.shape_cast %reduce_sum3A_1522 : vector<16xf32> to vector<16x1xf32>
    %add3A_1524 = vector.broadcast %broadcast_in_dim3A_1523 : vector<16x1xf32> to vector<16x256xf32>
    %add3A_1525 = vector.broadcast %broadcast_in_dim3A : vector<1x256xf32> to vector<16x256xf32>
    %add3A_1526 = arith.addf %add3A_1524, %add3A_1525 : vector<16x256xf32>
    %dot_general3A_1527 = arith.constant dense<0.000000e+00> : vector<16x256xf32>
    %dot_general3A_1528 = tpu.matmul %get3A_1519, %transpose3A, %dot_general3A_1527 {dimension_numbers = #tpu.dot_dimension_numbers<[1], [0], [0], [1], [0, 0, 1, 1], [], []>, transpose_lhs_hint = false} : vector<16x64xf32>, vector<64x256xf32>, vector<16x256xf32> -> vector<16x256xf32>
    %mul3A_1529 = arith.constant 2.000000e+00 : f32
    %mul3A_1530 = vector.broadcast %mul3A_1529 : f32 to vector<16x256xf32>
    %mul3A_1531 = arith.mulf %mul3A_1530, %dot_general3A_1528 : vector<16x256xf32>
    %sub3A_1532 = arith.subf %add3A_1526, %mul3A_1531 : vector<16x256xf32>
    %max3A_1533 = arith.constant 0.000000e+00 : f32
    %max3A_1534 = vector.broadcast %max3A_1533 : f32 to vector<16x256xf32>
    %max3A_1535 = arith.maximumf %sub3A_1532, %max3A_1534 : vector<16x256xf32>
    %add3A_1536 = arith.constant 9.99999996E-13 : f32
    %add3A_1537 = vector.broadcast %add3A_1536 : f32 to vector<16x256xf32>
    %add3A_1538 = arith.addf %max3A_1535, %add3A_1537 : vector<16x256xf32>
    %sqrt3A_1539 = math.sqrt %add3A_1538 : vector<16x256xf32>
    %gt3A_1540 = arith.constant 4.100000e+01 : f32
    %gt3A_1541 = vector.broadcast %gt3A_1540 : f32 to vector<16x1xf32>
    %gt3A_1542 = arith.cmpf ogt, %get3A_5, %gt3A_1541 : vector<16x1xf32>
    %jit3A_1543 = arith.constant 0.000000e+00 : f32
    %broadcast_in_dim3A_1544 = vector.shape_cast %gt3A_1542 : vector<16x1xi1> to vector<16x1xi1>
    %broadcast_in_dim3A_1545 = vector.broadcast %broadcast_in_dim3A_1544 : vector<16x1xi1> to vector<16x256xi1>
    %broadcast_in_dim3A_1546 = vector.broadcast %jit3A_1543 : f32 to vector<16x256xf32>
    %select_n3A_1547 = arith.select %broadcast_in_dim3A_1545, %sqrt3A_1539, %broadcast_in_dim3A_1546 : vector<16x256xi1>, vector<16x256xf32>
    %get3A_1548 = arith.constant 10496 : index
    %get3A_1549 = arith.constant 0 : index
    %get3A_1550 = vector.load %arg3[%get3A_1548, %get3A_1549] : memref<12800x128xf32, #tpu.memory_space<vmem>>, vector<256x128xf32>
    %dot_general3A_1551 = arith.constant dense<0.000000e+00> : vector<16x128xf32>
    %dot_general3A_1552 = tpu.matmul %select_n3A_1547, %get3A_1550, %dot_general3A_1551 {dimension_numbers = #tpu.dot_dimension_numbers<[1], [0], [0], [1], [0, 0, 1, 1], [], []>, transpose_lhs_hint = false} : vector<16x256xf32>, vector<256x128xf32>, vector<16x128xf32> -> vector<16x128xf32>
    %add3A_1553 = arith.addf %add3A_1516, %dot_general3A_1552 : vector<16x128xf32>
    %get3A_1554 = arith.constant 672 : index
    %get3A_1555 = arith.constant 0 : index
    %get3A_1556 = vector.load %arg0[%get3A_1554, %get3A_1555] : memref<1024x128xf32, #tpu.memory_space<vmem>>, vector<16x64xf32>
    %mul3A_1557 = arith.mulf %get3A_1556, %get3A_1556 : vector<16x64xf32>
    %reduce_sum3A_1558 = arith.constant dense<0.000000e+00> : vector<16xf32>
    %reduce_sum3A_1559 = vector.multi_reduction <add>, %mul3A_1557, %reduce_sum3A_1558 [1] : vector<16x64xf32> to vector<16xf32>
    %broadcast_in_dim3A_1560 = vector.shape_cast %reduce_sum3A_1559 : vector<16xf32> to vector<16x1xf32>
    %add3A_1561 = vector.broadcast %broadcast_in_dim3A_1560 : vector<16x1xf32> to vector<16x256xf32>
    %add3A_1562 = vector.broadcast %broadcast_in_dim3A : vector<1x256xf32> to vector<16x256xf32>
    %add3A_1563 = arith.addf %add3A_1561, %add3A_1562 : vector<16x256xf32>
    %dot_general3A_1564 = arith.constant dense<0.000000e+00> : vector<16x256xf32>
    %dot_general3A_1565 = tpu.matmul %get3A_1556, %transpose3A, %dot_general3A_1564 {dimension_numbers = #tpu.dot_dimension_numbers<[1], [0], [0], [1], [0, 0, 1, 1], [], []>, transpose_lhs_hint = false} : vector<16x64xf32>, vector<64x256xf32>, vector<16x256xf32> -> vector<16x256xf32>
    %mul3A_1566 = arith.constant 2.000000e+00 : f32
    %mul3A_1567 = vector.broadcast %mul3A_1566 : f32 to vector<16x256xf32>
    %mul3A_1568 = arith.mulf %mul3A_1567, %dot_general3A_1565 : vector<16x256xf32>
    %sub3A_1569 = arith.subf %add3A_1563, %mul3A_1568 : vector<16x256xf32>
    %max3A_1570 = arith.constant 0.000000e+00 : f32
    %max3A_1571 = vector.broadcast %max3A_1570 : f32 to vector<16x256xf32>
    %max3A_1572 = arith.maximumf %sub3A_1569, %max3A_1571 : vector<16x256xf32>
    %add3A_1573 = arith.constant 9.99999996E-13 : f32
    %add3A_1574 = vector.broadcast %add3A_1573 : f32 to vector<16x256xf32>
    %add3A_1575 = arith.addf %max3A_1572, %add3A_1574 : vector<16x256xf32>
    %sqrt3A_1576 = math.sqrt %add3A_1575 : vector<16x256xf32>
    %gt3A_1577 = arith.constant 4.200000e+01 : f32
    %gt3A_1578 = vector.broadcast %gt3A_1577 : f32 to vector<16x1xf32>
    %gt3A_1579 = arith.cmpf ogt, %get3A_5, %gt3A_1578 : vector<16x1xf32>
    %jit3A_1580 = arith.constant 0.000000e+00 : f32
    %broadcast_in_dim3A_1581 = vector.shape_cast %gt3A_1579 : vector<16x1xi1> to vector<16x1xi1>
    %broadcast_in_dim3A_1582 = vector.broadcast %broadcast_in_dim3A_1581 : vector<16x1xi1> to vector<16x256xi1>
    %broadcast_in_dim3A_1583 = vector.broadcast %jit3A_1580 : f32 to vector<16x256xf32>
    %select_n3A_1584 = arith.select %broadcast_in_dim3A_1582, %sqrt3A_1576, %broadcast_in_dim3A_1583 : vector<16x256xi1>, vector<16x256xf32>
    %get3A_1585 = arith.constant 10752 : index
    %get3A_1586 = arith.constant 0 : index
    %get3A_1587 = vector.load %arg3[%get3A_1585, %get3A_1586] : memref<12800x128xf32, #tpu.memory_space<vmem>>, vector<256x128xf32>
    %dot_general3A_1588 = arith.constant dense<0.000000e+00> : vector<16x128xf32>
    %dot_general3A_1589 = tpu.matmul %select_n3A_1584, %get3A_1587, %dot_general3A_1588 {dimension_numbers = #tpu.dot_dimension_numbers<[1], [0], [0], [1], [0, 0, 1, 1], [], []>, transpose_lhs_hint = false} : vector<16x256xf32>, vector<256x128xf32>, vector<16x128xf32> -> vector<16x128xf32>
    %add3A_1590 = arith.addf %add3A_1553, %dot_general3A_1589 : vector<16x128xf32>
    %get3A_1591 = arith.constant 688 : index
    %get3A_1592 = arith.constant 0 : index
    %get3A_1593 = vector.load %arg0[%get3A_1591, %get3A_1592] : memref<1024x128xf32, #tpu.memory_space<vmem>>, vector<16x64xf32>
    %mul3A_1594 = arith.mulf %get3A_1593, %get3A_1593 : vector<16x64xf32>
    %reduce_sum3A_1595 = arith.constant dense<0.000000e+00> : vector<16xf32>
    %reduce_sum3A_1596 = vector.multi_reduction <add>, %mul3A_1594, %reduce_sum3A_1595 [1] : vector<16x64xf32> to vector<16xf32>
    %broadcast_in_dim3A_1597 = vector.shape_cast %reduce_sum3A_1596 : vector<16xf32> to vector<16x1xf32>
    %add3A_1598 = vector.broadcast %broadcast_in_dim3A_1597 : vector<16x1xf32> to vector<16x256xf32>
    %add3A_1599 = vector.broadcast %broadcast_in_dim3A : vector<1x256xf32> to vector<16x256xf32>
    %add3A_1600 = arith.addf %add3A_1598, %add3A_1599 : vector<16x256xf32>
    %dot_general3A_1601 = arith.constant dense<0.000000e+00> : vector<16x256xf32>
    %dot_general3A_1602 = tpu.matmul %get3A_1593, %transpose3A, %dot_general3A_1601 {dimension_numbers = #tpu.dot_dimension_numbers<[1], [0], [0], [1], [0, 0, 1, 1], [], []>, transpose_lhs_hint = false} : vector<16x64xf32>, vector<64x256xf32>, vector<16x256xf32> -> vector<16x256xf32>
    %mul3A_1603 = arith.constant 2.000000e+00 : f32
    %mul3A_1604 = vector.broadcast %mul3A_1603 : f32 to vector<16x256xf32>
    %mul3A_1605 = arith.mulf %mul3A_1604, %dot_general3A_1602 : vector<16x256xf32>
    %sub3A_1606 = arith.subf %add3A_1600, %mul3A_1605 : vector<16x256xf32>
    %max3A_1607 = arith.constant 0.000000e+00 : f32
    %max3A_1608 = vector.broadcast %max3A_1607 : f32 to vector<16x256xf32>
    %max3A_1609 = arith.maximumf %sub3A_1606, %max3A_1608 : vector<16x256xf32>
    %add3A_1610 = arith.constant 9.99999996E-13 : f32
    %add3A_1611 = vector.broadcast %add3A_1610 : f32 to vector<16x256xf32>
    %add3A_1612 = arith.addf %max3A_1609, %add3A_1611 : vector<16x256xf32>
    %sqrt3A_1613 = math.sqrt %add3A_1612 : vector<16x256xf32>
    %gt3A_1614 = arith.constant 4.300000e+01 : f32
    %gt3A_1615 = vector.broadcast %gt3A_1614 : f32 to vector<16x1xf32>
    %gt3A_1616 = arith.cmpf ogt, %get3A_5, %gt3A_1615 : vector<16x1xf32>
    %jit3A_1617 = arith.constant 0.000000e+00 : f32
    %broadcast_in_dim3A_1618 = vector.shape_cast %gt3A_1616 : vector<16x1xi1> to vector<16x1xi1>
    %broadcast_in_dim3A_1619 = vector.broadcast %broadcast_in_dim3A_1618 : vector<16x1xi1> to vector<16x256xi1>
    %broadcast_in_dim3A_1620 = vector.broadcast %jit3A_1617 : f32 to vector<16x256xf32>
    %select_n3A_1621 = arith.select %broadcast_in_dim3A_1619, %sqrt3A_1613, %broadcast_in_dim3A_1620 : vector<16x256xi1>, vector<16x256xf32>
    %get3A_1622 = arith.constant 11008 : index
    %get3A_1623 = arith.constant 0 : index
    %get3A_1624 = vector.load %arg3[%get3A_1622, %get3A_1623] : memref<12800x128xf32, #tpu.memory_space<vmem>>, vector<256x128xf32>
    %dot_general3A_1625 = arith.constant dense<0.000000e+00> : vector<16x128xf32>
    %dot_general3A_1626 = tpu.matmul %select_n3A_1621, %get3A_1624, %dot_general3A_1625 {dimension_numbers = #tpu.dot_dimension_numbers<[1], [0], [0], [1], [0, 0, 1, 1], [], []>, transpose_lhs_hint = false} : vector<16x256xf32>, vector<256x128xf32>, vector<16x128xf32> -> vector<16x128xf32>
    %add3A_1627 = arith.addf %add3A_1590, %dot_general3A_1626 : vector<16x128xf32>
    %get3A_1628 = arith.constant 704 : index
    %get3A_1629 = arith.constant 0 : index
    %get3A_1630 = vector.load %arg0[%get3A_1628, %get3A_1629] : memref<1024x128xf32, #tpu.memory_space<vmem>>, vector<16x64xf32>
    %mul3A_1631 = arith.mulf %get3A_1630, %get3A_1630 : vector<16x64xf32>
    %reduce_sum3A_1632 = arith.constant dense<0.000000e+00> : vector<16xf32>
    %reduce_sum3A_1633 = vector.multi_reduction <add>, %mul3A_1631, %reduce_sum3A_1632 [1] : vector<16x64xf32> to vector<16xf32>
    %broadcast_in_dim3A_1634 = vector.shape_cast %reduce_sum3A_1633 : vector<16xf32> to vector<16x1xf32>
    %add3A_1635 = vector.broadcast %broadcast_in_dim3A_1634 : vector<16x1xf32> to vector<16x256xf32>
    %add3A_1636 = vector.broadcast %broadcast_in_dim3A : vector<1x256xf32> to vector<16x256xf32>
    %add3A_1637 = arith.addf %add3A_1635, %add3A_1636 : vector<16x256xf32>
    %dot_general3A_1638 = arith.constant dense<0.000000e+00> : vector<16x256xf32>
    %dot_general3A_1639 = tpu.matmul %get3A_1630, %transpose3A, %dot_general3A_1638 {dimension_numbers = #tpu.dot_dimension_numbers<[1], [0], [0], [1], [0, 0, 1, 1], [], []>, transpose_lhs_hint = false} : vector<16x64xf32>, vector<64x256xf32>, vector<16x256xf32> -> vector<16x256xf32>
    %mul3A_1640 = arith.constant 2.000000e+00 : f32
    %mul3A_1641 = vector.broadcast %mul3A_1640 : f32 to vector<16x256xf32>
    %mul3A_1642 = arith.mulf %mul3A_1641, %dot_general3A_1639 : vector<16x256xf32>
    %sub3A_1643 = arith.subf %add3A_1637, %mul3A_1642 : vector<16x256xf32>
    %max3A_1644 = arith.constant 0.000000e+00 : f32
    %max3A_1645 = vector.broadcast %max3A_1644 : f32 to vector<16x256xf32>
    %max3A_1646 = arith.maximumf %sub3A_1643, %max3A_1645 : vector<16x256xf32>
    %add3A_1647 = arith.constant 9.99999996E-13 : f32
    %add3A_1648 = vector.broadcast %add3A_1647 : f32 to vector<16x256xf32>
    %add3A_1649 = arith.addf %max3A_1646, %add3A_1648 : vector<16x256xf32>
    %sqrt3A_1650 = math.sqrt %add3A_1649 : vector<16x256xf32>
    %gt3A_1651 = arith.constant 4.400000e+01 : f32
    %gt3A_1652 = vector.broadcast %gt3A_1651 : f32 to vector<16x1xf32>
    %gt3A_1653 = arith.cmpf ogt, %get3A_5, %gt3A_1652 : vector<16x1xf32>
    %jit3A_1654 = arith.constant 0.000000e+00 : f32
    %broadcast_in_dim3A_1655 = vector.shape_cast %gt3A_1653 : vector<16x1xi1> to vector<16x1xi1>
    %broadcast_in_dim3A_1656 = vector.broadcast %broadcast_in_dim3A_1655 : vector<16x1xi1> to vector<16x256xi1>
    %broadcast_in_dim3A_1657 = vector.broadcast %jit3A_1654 : f32 to vector<16x256xf32>
    %select_n3A_1658 = arith.select %broadcast_in_dim3A_1656, %sqrt3A_1650, %broadcast_in_dim3A_1657 : vector<16x256xi1>, vector<16x256xf32>
    %get3A_1659 = arith.constant 11264 : index
    %get3A_1660 = arith.constant 0 : index
    %get3A_1661 = vector.load %arg3[%get3A_1659, %get3A_1660] : memref<12800x128xf32, #tpu.memory_space<vmem>>, vector<256x128xf32>
    %dot_general3A_1662 = arith.constant dense<0.000000e+00> : vector<16x128xf32>
    %dot_general3A_1663 = tpu.matmul %select_n3A_1658, %get3A_1661, %dot_general3A_1662 {dimension_numbers = #tpu.dot_dimension_numbers<[1], [0], [0], [1], [0, 0, 1, 1], [], []>, transpose_lhs_hint = false} : vector<16x256xf32>, vector<256x128xf32>, vector<16x128xf32> -> vector<16x128xf32>
    %add3A_1664 = arith.addf %add3A_1627, %dot_general3A_1663 : vector<16x128xf32>
    %get3A_1665 = arith.constant 720 : index
    %get3A_1666 = arith.constant 0 : index
    %get3A_1667 = vector.load %arg0[%get3A_1665, %get3A_1666] : memref<1024x128xf32, #tpu.memory_space<vmem>>, vector<16x64xf32>
    %mul3A_1668 = arith.mulf %get3A_1667, %get3A_1667 : vector<16x64xf32>
    %reduce_sum3A_1669 = arith.constant dense<0.000000e+00> : vector<16xf32>
    %reduce_sum3A_1670 = vector.multi_reduction <add>, %mul3A_1668, %reduce_sum3A_1669 [1] : vector<16x64xf32> to vector<16xf32>
    %broadcast_in_dim3A_1671 = vector.shape_cast %reduce_sum3A_1670 : vector<16xf32> to vector<16x1xf32>
    %add3A_1672 = vector.broadcast %broadcast_in_dim3A_1671 : vector<16x1xf32> to vector<16x256xf32>
    %add3A_1673 = vector.broadcast %broadcast_in_dim3A : vector<1x256xf32> to vector<16x256xf32>
    %add3A_1674 = arith.addf %add3A_1672, %add3A_1673 : vector<16x256xf32>
    %dot_general3A_1675 = arith.constant dense<0.000000e+00> : vector<16x256xf32>
    %dot_general3A_1676 = tpu.matmul %get3A_1667, %transpose3A, %dot_general3A_1675 {dimension_numbers = #tpu.dot_dimension_numbers<[1], [0], [0], [1], [0, 0, 1, 1], [], []>, transpose_lhs_hint = false} : vector<16x64xf32>, vector<64x256xf32>, vector<16x256xf32> -> vector<16x256xf32>
    %mul3A_1677 = arith.constant 2.000000e+00 : f32
    %mul3A_1678 = vector.broadcast %mul3A_1677 : f32 to vector<16x256xf32>
    %mul3A_1679 = arith.mulf %mul3A_1678, %dot_general3A_1676 : vector<16x256xf32>
    %sub3A_1680 = arith.subf %add3A_1674, %mul3A_1679 : vector<16x256xf32>
    %max3A_1681 = arith.constant 0.000000e+00 : f32
    %max3A_1682 = vector.broadcast %max3A_1681 : f32 to vector<16x256xf32>
    %max3A_1683 = arith.maximumf %sub3A_1680, %max3A_1682 : vector<16x256xf32>
    %add3A_1684 = arith.constant 9.99999996E-13 : f32
    %add3A_1685 = vector.broadcast %add3A_1684 : f32 to vector<16x256xf32>
    %add3A_1686 = arith.addf %max3A_1683, %add3A_1685 : vector<16x256xf32>
    %sqrt3A_1687 = math.sqrt %add3A_1686 : vector<16x256xf32>
    %gt3A_1688 = arith.constant 4.500000e+01 : f32
    %gt3A_1689 = vector.broadcast %gt3A_1688 : f32 to vector<16x1xf32>
    %gt3A_1690 = arith.cmpf ogt, %get3A_5, %gt3A_1689 : vector<16x1xf32>
    %jit3A_1691 = arith.constant 0.000000e+00 : f32
    %broadcast_in_dim3A_1692 = vector.shape_cast %gt3A_1690 : vector<16x1xi1> to vector<16x1xi1>
    %broadcast_in_dim3A_1693 = vector.broadcast %broadcast_in_dim3A_1692 : vector<16x1xi1> to vector<16x256xi1>
    %broadcast_in_dim3A_1694 = vector.broadcast %jit3A_1691 : f32 to vector<16x256xf32>
    %select_n3A_1695 = arith.select %broadcast_in_dim3A_1693, %sqrt3A_1687, %broadcast_in_dim3A_1694 : vector<16x256xi1>, vector<16x256xf32>
    %get3A_1696 = arith.constant 11520 : index
    %get3A_1697 = arith.constant 0 : index
    %get3A_1698 = vector.load %arg3[%get3A_1696, %get3A_1697] : memref<12800x128xf32, #tpu.memory_space<vmem>>, vector<256x128xf32>
    %dot_general3A_1699 = arith.constant dense<0.000000e+00> : vector<16x128xf32>
    %dot_general3A_1700 = tpu.matmul %select_n3A_1695, %get3A_1698, %dot_general3A_1699 {dimension_numbers = #tpu.dot_dimension_numbers<[1], [0], [0], [1], [0, 0, 1, 1], [], []>, transpose_lhs_hint = false} : vector<16x256xf32>, vector<256x128xf32>, vector<16x128xf32> -> vector<16x128xf32>
    %add3A_1701 = arith.addf %add3A_1664, %dot_general3A_1700 : vector<16x128xf32>
    %get3A_1702 = arith.constant 736 : index
    %get3A_1703 = arith.constant 0 : index
    %get3A_1704 = vector.load %arg0[%get3A_1702, %get3A_1703] : memref<1024x128xf32, #tpu.memory_space<vmem>>, vector<16x64xf32>
    %mul3A_1705 = arith.mulf %get3A_1704, %get3A_1704 : vector<16x64xf32>
    %reduce_sum3A_1706 = arith.constant dense<0.000000e+00> : vector<16xf32>
    %reduce_sum3A_1707 = vector.multi_reduction <add>, %mul3A_1705, %reduce_sum3A_1706 [1] : vector<16x64xf32> to vector<16xf32>
    %broadcast_in_dim3A_1708 = vector.shape_cast %reduce_sum3A_1707 : vector<16xf32> to vector<16x1xf32>
    %add3A_1709 = vector.broadcast %broadcast_in_dim3A_1708 : vector<16x1xf32> to vector<16x256xf32>
    %add3A_1710 = vector.broadcast %broadcast_in_dim3A : vector<1x256xf32> to vector<16x256xf32>
    %add3A_1711 = arith.addf %add3A_1709, %add3A_1710 : vector<16x256xf32>
    %dot_general3A_1712 = arith.constant dense<0.000000e+00> : vector<16x256xf32>
    %dot_general3A_1713 = tpu.matmul %get3A_1704, %transpose3A, %dot_general3A_1712 {dimension_numbers = #tpu.dot_dimension_numbers<[1], [0], [0], [1], [0, 0, 1, 1], [], []>, transpose_lhs_hint = false} : vector<16x64xf32>, vector<64x256xf32>, vector<16x256xf32> -> vector<16x256xf32>
    %mul3A_1714 = arith.constant 2.000000e+00 : f32
    %mul3A_1715 = vector.broadcast %mul3A_1714 : f32 to vector<16x256xf32>
    %mul3A_1716 = arith.mulf %mul3A_1715, %dot_general3A_1713 : vector<16x256xf32>
    %sub3A_1717 = arith.subf %add3A_1711, %mul3A_1716 : vector<16x256xf32>
    %max3A_1718 = arith.constant 0.000000e+00 : f32
    %max3A_1719 = vector.broadcast %max3A_1718 : f32 to vector<16x256xf32>
    %max3A_1720 = arith.maximumf %sub3A_1717, %max3A_1719 : vector<16x256xf32>
    %add3A_1721 = arith.constant 9.99999996E-13 : f32
    %add3A_1722 = vector.broadcast %add3A_1721 : f32 to vector<16x256xf32>
    %add3A_1723 = arith.addf %max3A_1720, %add3A_1722 : vector<16x256xf32>
    %sqrt3A_1724 = math.sqrt %add3A_1723 : vector<16x256xf32>
    %gt3A_1725 = arith.constant 4.600000e+01 : f32
    %gt3A_1726 = vector.broadcast %gt3A_1725 : f32 to vector<16x1xf32>
    %gt3A_1727 = arith.cmpf ogt, %get3A_5, %gt3A_1726 : vector<16x1xf32>
    %jit3A_1728 = arith.constant 0.000000e+00 : f32
    %broadcast_in_dim3A_1729 = vector.shape_cast %gt3A_1727 : vector<16x1xi1> to vector<16x1xi1>
    %broadcast_in_dim3A_1730 = vector.broadcast %broadcast_in_dim3A_1729 : vector<16x1xi1> to vector<16x256xi1>
    %broadcast_in_dim3A_1731 = vector.broadcast %jit3A_1728 : f32 to vector<16x256xf32>
    %select_n3A_1732 = arith.select %broadcast_in_dim3A_1730, %sqrt3A_1724, %broadcast_in_dim3A_1731 : vector<16x256xi1>, vector<16x256xf32>
    %get3A_1733 = arith.constant 11776 : index
    %get3A_1734 = arith.constant 0 : index
    %get3A_1735 = vector.load %arg3[%get3A_1733, %get3A_1734] : memref<12800x128xf32, #tpu.memory_space<vmem>>, vector<256x128xf32>
    %dot_general3A_1736 = arith.constant dense<0.000000e+00> : vector<16x128xf32>
    %dot_general3A_1737 = tpu.matmul %select_n3A_1732, %get3A_1735, %dot_general3A_1736 {dimension_numbers = #tpu.dot_dimension_numbers<[1], [0], [0], [1], [0, 0, 1, 1], [], []>, transpose_lhs_hint = false} : vector<16x256xf32>, vector<256x128xf32>, vector<16x128xf32> -> vector<16x128xf32>
    %add3A_1738 = arith.addf %add3A_1701, %dot_general3A_1737 : vector<16x128xf32>
    %get3A_1739 = arith.constant 752 : index
    %get3A_1740 = arith.constant 0 : index
    %get3A_1741 = vector.load %arg0[%get3A_1739, %get3A_1740] : memref<1024x128xf32, #tpu.memory_space<vmem>>, vector<16x64xf32>
    %mul3A_1742 = arith.mulf %get3A_1741, %get3A_1741 : vector<16x64xf32>
    %reduce_sum3A_1743 = arith.constant dense<0.000000e+00> : vector<16xf32>
    %reduce_sum3A_1744 = vector.multi_reduction <add>, %mul3A_1742, %reduce_sum3A_1743 [1] : vector<16x64xf32> to vector<16xf32>
    %broadcast_in_dim3A_1745 = vector.shape_cast %reduce_sum3A_1744 : vector<16xf32> to vector<16x1xf32>
    %add3A_1746 = vector.broadcast %broadcast_in_dim3A_1745 : vector<16x1xf32> to vector<16x256xf32>
    %add3A_1747 = vector.broadcast %broadcast_in_dim3A : vector<1x256xf32> to vector<16x256xf32>
    %add3A_1748 = arith.addf %add3A_1746, %add3A_1747 : vector<16x256xf32>
    %dot_general3A_1749 = arith.constant dense<0.000000e+00> : vector<16x256xf32>
    %dot_general3A_1750 = tpu.matmul %get3A_1741, %transpose3A, %dot_general3A_1749 {dimension_numbers = #tpu.dot_dimension_numbers<[1], [0], [0], [1], [0, 0, 1, 1], [], []>, transpose_lhs_hint = false} : vector<16x64xf32>, vector<64x256xf32>, vector<16x256xf32> -> vector<16x256xf32>
    %mul3A_1751 = arith.constant 2.000000e+00 : f32
    %mul3A_1752 = vector.broadcast %mul3A_1751 : f32 to vector<16x256xf32>
    %mul3A_1753 = arith.mulf %mul3A_1752, %dot_general3A_1750 : vector<16x256xf32>
    %sub3A_1754 = arith.subf %add3A_1748, %mul3A_1753 : vector<16x256xf32>
    %max3A_1755 = arith.constant 0.000000e+00 : f32
    %max3A_1756 = vector.broadcast %max3A_1755 : f32 to vector<16x256xf32>
    %max3A_1757 = arith.maximumf %sub3A_1754, %max3A_1756 : vector<16x256xf32>
    %add3A_1758 = arith.constant 9.99999996E-13 : f32
    %add3A_1759 = vector.broadcast %add3A_1758 : f32 to vector<16x256xf32>
    %add3A_1760 = arith.addf %max3A_1757, %add3A_1759 : vector<16x256xf32>
    %sqrt3A_1761 = math.sqrt %add3A_1760 : vector<16x256xf32>
    %gt3A_1762 = arith.constant 4.700000e+01 : f32
    %gt3A_1763 = vector.broadcast %gt3A_1762 : f32 to vector<16x1xf32>
    %gt3A_1764 = arith.cmpf ogt, %get3A_5, %gt3A_1763 : vector<16x1xf32>
    %jit3A_1765 = arith.constant 0.000000e+00 : f32
    %broadcast_in_dim3A_1766 = vector.shape_cast %gt3A_1764 : vector<16x1xi1> to vector<16x1xi1>
    %broadcast_in_dim3A_1767 = vector.broadcast %broadcast_in_dim3A_1766 : vector<16x1xi1> to vector<16x256xi1>
    %broadcast_in_dim3A_1768 = vector.broadcast %jit3A_1765 : f32 to vector<16x256xf32>
    %select_n3A_1769 = arith.select %broadcast_in_dim3A_1767, %sqrt3A_1761, %broadcast_in_dim3A_1768 : vector<16x256xi1>, vector<16x256xf32>
    %get3A_1770 = arith.constant 12032 : index
    %get3A_1771 = arith.constant 0 : index
    %get3A_1772 = vector.load %arg3[%get3A_1770, %get3A_1771] : memref<12800x128xf32, #tpu.memory_space<vmem>>, vector<256x128xf32>
    %dot_general3A_1773 = arith.constant dense<0.000000e+00> : vector<16x128xf32>
    %dot_general3A_1774 = tpu.matmul %select_n3A_1769, %get3A_1772, %dot_general3A_1773 {dimension_numbers = #tpu.dot_dimension_numbers<[1], [0], [0], [1], [0, 0, 1, 1], [], []>, transpose_lhs_hint = false} : vector<16x256xf32>, vector<256x128xf32>, vector<16x128xf32> -> vector<16x128xf32>
    %add3A_1775 = arith.addf %add3A_1738, %dot_general3A_1774 : vector<16x128xf32>
    %get3A_1776 = arith.constant 768 : index
    %get3A_1777 = arith.constant 0 : index
    %get3A_1778 = vector.load %arg0[%get3A_1776, %get3A_1777] : memref<1024x128xf32, #tpu.memory_space<vmem>>, vector<16x64xf32>
    %mul3A_1779 = arith.mulf %get3A_1778, %get3A_1778 : vector<16x64xf32>
    %reduce_sum3A_1780 = arith.constant dense<0.000000e+00> : vector<16xf32>
    %reduce_sum3A_1781 = vector.multi_reduction <add>, %mul3A_1779, %reduce_sum3A_1780 [1] : vector<16x64xf32> to vector<16xf32>
    %broadcast_in_dim3A_1782 = vector.shape_cast %reduce_sum3A_1781 : vector<16xf32> to vector<16x1xf32>
    %add3A_1783 = vector.broadcast %broadcast_in_dim3A_1782 : vector<16x1xf32> to vector<16x256xf32>
    %add3A_1784 = vector.broadcast %broadcast_in_dim3A : vector<1x256xf32> to vector<16x256xf32>
    %add3A_1785 = arith.addf %add3A_1783, %add3A_1784 : vector<16x256xf32>
    %dot_general3A_1786 = arith.constant dense<0.000000e+00> : vector<16x256xf32>
    %dot_general3A_1787 = tpu.matmul %get3A_1778, %transpose3A, %dot_general3A_1786 {dimension_numbers = #tpu.dot_dimension_numbers<[1], [0], [0], [1], [0, 0, 1, 1], [], []>, transpose_lhs_hint = false} : vector<16x64xf32>, vector<64x256xf32>, vector<16x256xf32> -> vector<16x256xf32>
    %mul3A_1788 = arith.constant 2.000000e+00 : f32
    %mul3A_1789 = vector.broadcast %mul3A_1788 : f32 to vector<16x256xf32>
    %mul3A_1790 = arith.mulf %mul3A_1789, %dot_general3A_1787 : vector<16x256xf32>
    %sub3A_1791 = arith.subf %add3A_1785, %mul3A_1790 : vector<16x256xf32>
    %max3A_1792 = arith.constant 0.000000e+00 : f32
    %max3A_1793 = vector.broadcast %max3A_1792 : f32 to vector<16x256xf32>
    %max3A_1794 = arith.maximumf %sub3A_1791, %max3A_1793 : vector<16x256xf32>
    %add3A_1795 = arith.constant 9.99999996E-13 : f32
    %add3A_1796 = vector.broadcast %add3A_1795 : f32 to vector<16x256xf32>
    %add3A_1797 = arith.addf %max3A_1794, %add3A_1796 : vector<16x256xf32>
    %sqrt3A_1798 = math.sqrt %add3A_1797 : vector<16x256xf32>
    %gt3A_1799 = arith.constant 4.800000e+01 : f32
    %gt3A_1800 = vector.broadcast %gt3A_1799 : f32 to vector<16x1xf32>
    %gt3A_1801 = arith.cmpf ogt, %get3A_5, %gt3A_1800 : vector<16x1xf32>
    %jit3A_1802 = arith.constant 0.000000e+00 : f32
    %broadcast_in_dim3A_1803 = vector.shape_cast %gt3A_1801 : vector<16x1xi1> to vector<16x1xi1>
    %broadcast_in_dim3A_1804 = vector.broadcast %broadcast_in_dim3A_1803 : vector<16x1xi1> to vector<16x256xi1>
    %broadcast_in_dim3A_1805 = vector.broadcast %jit3A_1802 : f32 to vector<16x256xf32>
    %select_n3A_1806 = arith.select %broadcast_in_dim3A_1804, %sqrt3A_1798, %broadcast_in_dim3A_1805 : vector<16x256xi1>, vector<16x256xf32>
    %get3A_1807 = arith.constant 12288 : index
    %get3A_1808 = arith.constant 0 : index
    %get3A_1809 = vector.load %arg3[%get3A_1807, %get3A_1808] : memref<12800x128xf32, #tpu.memory_space<vmem>>, vector<256x128xf32>
    %dot_general3A_1810 = arith.constant dense<0.000000e+00> : vector<16x128xf32>
    %dot_general3A_1811 = tpu.matmul %select_n3A_1806, %get3A_1809, %dot_general3A_1810 {dimension_numbers = #tpu.dot_dimension_numbers<[1], [0], [0], [1], [0, 0, 1, 1], [], []>, transpose_lhs_hint = false} : vector<16x256xf32>, vector<256x128xf32>, vector<16x128xf32> -> vector<16x128xf32>
    %add3A_1812 = arith.addf %add3A_1775, %dot_general3A_1811 : vector<16x128xf32>
    %get3A_1813 = arith.constant 784 : index
    %get3A_1814 = arith.constant 0 : index
    %get3A_1815 = vector.load %arg0[%get3A_1813, %get3A_1814] : memref<1024x128xf32, #tpu.memory_space<vmem>>, vector<16x64xf32>
    %mul3A_1816 = arith.mulf %get3A_1815, %get3A_1815 : vector<16x64xf32>
    %reduce_sum3A_1817 = arith.constant dense<0.000000e+00> : vector<16xf32>
    %reduce_sum3A_1818 = vector.multi_reduction <add>, %mul3A_1816, %reduce_sum3A_1817 [1] : vector<16x64xf32> to vector<16xf32>
    %broadcast_in_dim3A_1819 = vector.shape_cast %reduce_sum3A_1818 : vector<16xf32> to vector<16x1xf32>
    %add3A_1820 = vector.broadcast %broadcast_in_dim3A_1819 : vector<16x1xf32> to vector<16x256xf32>
    %add3A_1821 = vector.broadcast %broadcast_in_dim3A : vector<1x256xf32> to vector<16x256xf32>
    %add3A_1822 = arith.addf %add3A_1820, %add3A_1821 : vector<16x256xf32>
    %dot_general3A_1823 = arith.constant dense<0.000000e+00> : vector<16x256xf32>
    %dot_general3A_1824 = tpu.matmul %get3A_1815, %transpose3A, %dot_general3A_1823 {dimension_numbers = #tpu.dot_dimension_numbers<[1], [0], [0], [1], [0, 0, 1, 1], [], []>, transpose_lhs_hint = false} : vector<16x64xf32>, vector<64x256xf32>, vector<16x256xf32> -> vector<16x256xf32>
    %mul3A_1825 = arith.constant 2.000000e+00 : f32
    %mul3A_1826 = vector.broadcast %mul3A_1825 : f32 to vector<16x256xf32>
    %mul3A_1827 = arith.mulf %mul3A_1826, %dot_general3A_1824 : vector<16x256xf32>
    %sub3A_1828 = arith.subf %add3A_1822, %mul3A_1827 : vector<16x256xf32>
    %max3A_1829 = arith.constant 0.000000e+00 : f32
    %max3A_1830 = vector.broadcast %max3A_1829 : f32 to vector<16x256xf32>
    %max3A_1831 = arith.maximumf %sub3A_1828, %max3A_1830 : vector<16x256xf32>
    %add3A_1832 = arith.constant 9.99999996E-13 : f32
    %add3A_1833 = vector.broadcast %add3A_1832 : f32 to vector<16x256xf32>
    %add3A_1834 = arith.addf %max3A_1831, %add3A_1833 : vector<16x256xf32>
    %sqrt3A_1835 = math.sqrt %add3A_1834 : vector<16x256xf32>
    %gt3A_1836 = arith.constant 4.900000e+01 : f32
    %gt3A_1837 = vector.broadcast %gt3A_1836 : f32 to vector<16x1xf32>
    %gt3A_1838 = arith.cmpf ogt, %get3A_5, %gt3A_1837 : vector<16x1xf32>
    %jit3A_1839 = arith.constant 0.000000e+00 : f32
    %broadcast_in_dim3A_1840 = vector.shape_cast %gt3A_1838 : vector<16x1xi1> to vector<16x1xi1>
    %broadcast_in_dim3A_1841 = vector.broadcast %broadcast_in_dim3A_1840 : vector<16x1xi1> to vector<16x256xi1>
    %broadcast_in_dim3A_1842 = vector.broadcast %jit3A_1839 : f32 to vector<16x256xf32>
    %select_n3A_1843 = arith.select %broadcast_in_dim3A_1841, %sqrt3A_1835, %broadcast_in_dim3A_1842 : vector<16x256xi1>, vector<16x256xf32>
    %get3A_1844 = arith.constant 12544 : index
    %get3A_1845 = arith.constant 0 : index
    %get3A_1846 = vector.load %arg3[%get3A_1844, %get3A_1845] : memref<12800x128xf32, #tpu.memory_space<vmem>>, vector<256x128xf32>
    %dot_general3A_1847 = arith.constant dense<0.000000e+00> : vector<16x128xf32>
    %dot_general3A_1848 = tpu.matmul %select_n3A_1843, %get3A_1846, %dot_general3A_1847 {dimension_numbers = #tpu.dot_dimension_numbers<[1], [0], [0], [1], [0, 0, 1, 1], [], []>, transpose_lhs_hint = false} : vector<16x256xf32>, vector<256x128xf32>, vector<16x128xf32> -> vector<16x128xf32>
    %add3A_1849 = arith.addf %add3A_1812, %dot_general3A_1848 : vector<16x128xf32>
    %get3A_1850 = arith.constant 0 : index
    %get3A_1851 = arith.constant 0 : index
    %get3A_1852 = vector.load %arg4[%get3A_1850, %get3A_1851] : memref<1x128xf32, #tpu.memory_space<vmem>>, vector<1x128xf32>
    %add3A_1853 = vector.broadcast %get3A_1852 : vector<1x128xf32> to vector<16x128xf32>
    %add3A_1854 = arith.addf %add3A_1849, %add3A_1853 : vector<16x128xf32>
    %get3A_1855 = arith.constant 0 : index
    %get3A_1856 = arith.constant 0 : index
    %get3A_1857 = vector.load %arg5[%get3A_1855, %get3A_1856] : memref<1x128xf32, #tpu.memory_space<vmem>>, vector<1x128xf32>
    %get3A_1858 = arith.constant 0 : index
    %get3A_1859 = arith.constant 0 : index
    %get3A_1860 = vector.load %arg6[%get3A_1858, %get3A_1859] : memref<1x128xf32, #tpu.memory_space<vmem>>, vector<1x128xf32>
    %reduce_sum3A_1861 = arith.constant dense<0.000000e+00> : vector<16xf32>
    %reduce_sum3A_1862 = vector.multi_reduction <add>, %add3A_1854, %reduce_sum3A_1861 [1] : vector<16x128xf32> to vector<16xf32>
    %broadcast_in_dim3A_1863 = vector.shape_cast %reduce_sum3A_1862 : vector<16xf32> to vector<16x1xf32>
    %div3A = arith.constant 1.280000e+02 : f32
    %div3A_1864 = vector.broadcast %div3A : f32 to vector<16x1xf32>
    %div3A_1865 = arith.divf %broadcast_in_dim3A_1863, %div3A_1864 : vector<16x1xf32>
    %sub3A_1866 = vector.broadcast %div3A_1865 : vector<16x1xf32> to vector<16x128xf32>
    %sub3A_1867 = arith.subf %add3A_1854, %sub3A_1866 : vector<16x128xf32>
    %integer_pow3A = arith.mulf %sub3A_1867, %sub3A_1867 : vector<16x128xf32>
    %reduce_sum3A_1868 = arith.constant dense<0.000000e+00> : vector<16xf32>
    %reduce_sum3A_1869 = vector.multi_reduction <add>, %integer_pow3A, %reduce_sum3A_1868 [1] : vector<16x128xf32> to vector<16xf32>
    %broadcast_in_dim3A_1870 = vector.shape_cast %reduce_sum3A_1869 : vector<16xf32> to vector<16x1xf32>
    %div3A_1871 = arith.constant 1.280000e+02 : f32
    %div3A_1872 = vector.broadcast %div3A_1871 : f32 to vector<16x1xf32>
    %div3A_1873 = arith.divf %broadcast_in_dim3A_1870, %div3A_1872 : vector<16x1xf32>
    %sub3A_1874 = vector.broadcast %div3A_1865 : vector<16x1xf32> to vector<16x128xf32>
    %sub3A_1875 = arith.subf %add3A_1854, %sub3A_1874 : vector<16x128xf32>
    %add3A_1876 = arith.constant 9.99999974E-6 : f32
    %add3A_1877 = vector.broadcast %add3A_1876 : f32 to vector<16x1xf32>
    %add3A_1878 = arith.addf %div3A_1873, %add3A_1877 : vector<16x1xf32>
    %sqrt3A_1879 = math.sqrt %add3A_1878 : vector<16x1xf32>
    %div3A_1880 = vector.broadcast %sqrt3A_1879 : vector<16x1xf32> to vector<16x128xf32>
    %div3A_1881 = arith.divf %sub3A_1875, %div3A_1880 : vector<16x128xf32>
    %mul3A_1882 = vector.broadcast %get3A_1857 : vector<1x128xf32> to vector<16x128xf32>
    %mul3A_1883 = arith.mulf %div3A_1881, %mul3A_1882 : vector<16x128xf32>
    %add3A_1884 = vector.broadcast %get3A_1860 : vector<1x128xf32> to vector<16x128xf32>
    %add3A_1885 = arith.addf %mul3A_1883, %add3A_1884 : vector<16x128xf32>
    %max3A_1886 = arith.constant 0.000000e+00 : f32
    %max3A_1887 = vector.broadcast %max3A_1886 : f32 to vector<16x128xf32>
    %max3A_1888 = arith.maximumf %add3A_1885, %max3A_1887 : vector<16x128xf32>
    %get3A_1889 = arith.constant 0 : index
    %get3A_1890 = arith.constant 0 : index
    %get3A_1891 = vector.load %arg7[%get3A_1889, %get3A_1890] : memref<128x64xf32, #tpu.memory_space<vmem>>, vector<128x64xf32>
    %dot_general3A_1892 = arith.constant dense<0.000000e+00> : vector<16x64xf32>
    %dot_general3A_1893 = tpu.matmul %max3A_1888, %get3A_1891, %dot_general3A_1892 {dimension_numbers = #tpu.dot_dimension_numbers<[1], [0], [0], [1], [0, 0, 1, 1], [], []>, transpose_lhs_hint = false} : vector<16x128xf32>, vector<128x64xf32>, vector<16x64xf32> -> vector<16x64xf32>
    %get3A_1894 = arith.constant 0 : index
    %get3A_1895 = arith.constant 0 : index
    %get3A_1896 = vector.load %arg8[%get3A_1894, %get3A_1895] : memref<1x64xf32, #tpu.memory_space<vmem>>, vector<1x64xf32>
    %add3A_1897 = vector.broadcast %get3A_1896 : vector<1x64xf32> to vector<16x64xf32>
    %add3A_1898 = arith.addf %dot_general3A_1893, %add3A_1897 : vector<16x64xf32>
    %get3A_1899 = arith.constant 0 : index
    %get3A_1900 = arith.constant 0 : index
    %get3A_1901 = vector.load %arg9[%get3A_1899, %get3A_1900] : memref<1x64xf32, #tpu.memory_space<vmem>>, vector<1x64xf32>
    %get3A_1902 = arith.constant 0 : index
    %get3A_1903 = arith.constant 0 : index
    %get3A_1904 = vector.load %arg10[%get3A_1902, %get3A_1903] : memref<1x64xf32, #tpu.memory_space<vmem>>, vector<1x64xf32>
    %reduce_sum3A_1905 = arith.constant dense<0.000000e+00> : vector<16xf32>
    %reduce_sum3A_1906 = vector.multi_reduction <add>, %add3A_1898, %reduce_sum3A_1905 [1] : vector<16x64xf32> to vector<16xf32>
    %broadcast_in_dim3A_1907 = vector.shape_cast %reduce_sum3A_1906 : vector<16xf32> to vector<16x1xf32>
    %div3A_1908 = arith.constant 6.400000e+01 : f32
    %div3A_1909 = vector.broadcast %div3A_1908 : f32 to vector<16x1xf32>
    %div3A_1910 = arith.divf %broadcast_in_dim3A_1907, %div3A_1909 : vector<16x1xf32>
    %sub3A_1911 = vector.broadcast %div3A_1910 : vector<16x1xf32> to vector<16x64xf32>
    %sub3A_1912 = arith.subf %add3A_1898, %sub3A_1911 : vector<16x64xf32>
    %integer_pow3A_1913 = arith.mulf %sub3A_1912, %sub3A_1912 : vector<16x64xf32>
    %reduce_sum3A_1914 = arith.constant dense<0.000000e+00> : vector<16xf32>
    %reduce_sum3A_1915 = vector.multi_reduction <add>, %integer_pow3A_1913, %reduce_sum3A_1914 [1] : vector<16x64xf32> to vector<16xf32>
    %broadcast_in_dim3A_1916 = vector.shape_cast %reduce_sum3A_1915 : vector<16xf32> to vector<16x1xf32>
    %div3A_1917 = arith.constant 6.400000e+01 : f32
    %div3A_1918 = vector.broadcast %div3A_1917 : f32 to vector<16x1xf32>
    %div3A_1919 = arith.divf %broadcast_in_dim3A_1916, %div3A_1918 : vector<16x1xf32>
    %sub3A_1920 = vector.broadcast %div3A_1910 : vector<16x1xf32> to vector<16x64xf32>
    %sub3A_1921 = arith.subf %add3A_1898, %sub3A_1920 : vector<16x64xf32>
    %add3A_1922 = arith.constant 9.99999974E-6 : f32
    %add3A_1923 = vector.broadcast %add3A_1922 : f32 to vector<16x1xf32>
    %add3A_1924 = arith.addf %div3A_1919, %add3A_1923 : vector<16x1xf32>
    %sqrt3A_1925 = math.sqrt %add3A_1924 : vector<16x1xf32>
    %div3A_1926 = vector.broadcast %sqrt3A_1925 : vector<16x1xf32> to vector<16x64xf32>
    %div3A_1927 = arith.divf %sub3A_1921, %div3A_1926 : vector<16x64xf32>
    %mul3A_1928 = vector.broadcast %get3A_1901 : vector<1x64xf32> to vector<16x64xf32>
    %mul3A_1929 = arith.mulf %div3A_1927, %mul3A_1928 : vector<16x64xf32>
    %add3A_1930 = vector.broadcast %get3A_1904 : vector<1x64xf32> to vector<16x64xf32>
    %add3A_1931 = arith.addf %mul3A_1929, %add3A_1930 : vector<16x64xf32>
    %max3A_1932 = arith.constant 0.000000e+00 : f32
    %max3A_1933 = vector.broadcast %max3A_1932 : f32 to vector<16x64xf32>
    %max3A_1934 = arith.maximumf %add3A_1931, %max3A_1933 : vector<16x64xf32>
    %get3A_1935 = arith.constant 0 : index
    %get3A_1936 = arith.constant 0 : index
    %get3A_1937 = vector.load %arg11[%get3A_1935, %get3A_1936] : memref<64x128xf32, #tpu.memory_space<vmem>>, vector<64x128xf32>
    %dot_general3A_1938 = arith.constant dense<0.000000e+00> : vector<16x128xf32>
    %dot_general3A_1939 = tpu.matmul %max3A_1934, %get3A_1937, %dot_general3A_1938 {dimension_numbers = #tpu.dot_dimension_numbers<[1], [0], [0], [1], [0, 0, 1, 1], [], []>, transpose_lhs_hint = false} : vector<16x64xf32>, vector<64x128xf32>, vector<16x128xf32> -> vector<16x128xf32>
    %logistic3A = arith.negf %dot_general3A_1939 : vector<16x128xf32>
    %logistic3A_1940 = math.exp %logistic3A : vector<16x128xf32>
    %logistic3A_1941 = arith.constant 1.000000e+00 : f32
    %logistic3A_1942 = vector.broadcast %logistic3A_1941 : f32 to vector<16x128xf32>
    %logistic3A_1943 = arith.addf %logistic3A_1942, %logistic3A_1940 : vector<16x128xf32>
    %logistic3A_1944 = arith.divf %logistic3A_1942, %logistic3A_1943 : vector<16x128xf32>
    %swap3A = arith.constant 0 : index
    %swap3A_1945 = arith.constant 0 : index
    %swap3A_1946 = vector.load %arg12[%swap3A, %swap3A_1945] : memref<16x128xf32, #tpu.memory_space<vmem>>, vector<16x128xf32>
    tpu.vector_store %arg12[%swap3A, %swap3A_1945], %logistic3A_1944 {strides = array<i32>} : memref<16x128xf32, #tpu.memory_space<vmem>>, vector<16x128xf32>,
    return
  }
}

</mosaic_0001>

<sc_bundles>
// kernel: scatter_offload_async_start.1
scs
__scs_entry_jumppad:
0x0: {  	(pc) =	sbr.rel $0x88, $3  }
0x1: {  	(tag) =	ssettag $0x0;
	lr =	simm.s32 $0x1  }
0x2: {  	[smem:$0x3F8D] =	sst lr;
	_ =	strace $0xD0000000  }
0x3: {  	_ = 	snop  }
0x4: {  	_ = 	snop  }
0x5: {  	_ = 	snop  }
0x6: {  	_ = 	snop  }
0x7: {  	_ = 	snop  }
__scs_overlays_trampoline_lowered:
0x8: {  	[smem:$0x3F9C] =	sst s0  }
0x9: {  	[smem:$0x3F9D] =	sst s1  }
0xa: {  	[smem:$0x3F9E] =	sst s2  }
0xb: {  	[smem:$0x3F9F] =	sst s3  }
0xc: {  	[smem:$0x3FA0] =	sst s4  }
0xd: {  	[smem:$0x3FA1] =	sst s5  }
0xe: {  	[smem:$0x3FA2] =	sst s6  }
0xf: {  	[smem:$0x3FA3] =	sst s7  }
0x10: {  	[smem:$0x3FA4] =	sst s8  }
0x11: {  	[smem:$0x3FA5] =	sst s9;
	s0 =	simm.s32 @!p0 $0x0  }
0x12: {  	s1 =	sld [smem:$0x3F8B];
	s0 =	simm.s32 @p0 $0x1  }
0x13: {  	[smem:$0x3FA6] =	sst s0;
	s0 =	simm.s32 @!p1 $0x0  }
0x14: {  	s2 =	sld [smem:$0x3F8A];
	s0 =	simm.s32 @p1 $0x1  }
0x15: {  	[smem:$0x3FA7] =	sst s0;
	s0 =	simm.s32 @!p2 $0x0  }
0x16: {  	s3 =	sld [smem:$0x3FDB];
	s0 =	simm.s32 @p2 $0x1  }
0x17: {  	s4 =	simm.s32 $0x1BF5;
	[smem:$0x3FA9] =	sst s0  }
0x18: {  	s0 =	sld [smem:$0x3F8C];
	_ =	swait.ge [sflag:s4], $0x0  }
0x19: {  	s7 =	sld [smem:$0x3F8D]  }
0x1a: {  	s8 =	sadd.s32 $0xFFFFE003, lr  }
0x1b: {  	s9 =	sadd.s32 $0xFFFFFEF7, lr;
	s5 =	simm.s32 $0xFFFFFFFF;
	p2 =	slt.u32 s8, $0xFFFFF086  }
0x1c: {  	p1 =	slt.u32 s9, $0xF7A;
	s5 =	simm.s32 @!p2 $0x0  }
0x1d: {  	s5 =	simm.s32 @p1 $0x1;
	p0 =	seq.s32 s7, s2  }
0x1e: {  	s7 =	smul.u32 @!p0 $0xF7A, s2;
	p2 =	seq.s32 @!p0 s5, $0x0  }
0x1f: {  	s9 =	smul.u32 $0xF7A, s1;
	s8 =	simm.s32 @!p0 $0x1BF5;
	p2 =	por !p2, p0  }
0x20: {  	[sflag:s8] =	ssyncset.s32 @!p0 $0xFFFFF086;
	s6 =	sadd.s32 @!p0 s3, s7;
	s7 =	simm.s32 @!p0 $0x108  }
0x21: {  	s3 =	sadd.s32 s3, s9;
	s6 =	sadd.s32 @!p0 $0x88, s6;
	s7 =	simm.s32 @p2 $0x1082  }
0x22: {  	[simem:s7], [sflag:s8] =	dma.local @!p0 [hbm:s6], $0xF7A  }
0x23: {  	s9 =	sor.u32 $0xD0000000, s2;
	s6 =	simm.s32 $0x108;
	_ =	swait.ge @!p0 [sflag:s8], $0x0  }
0x24: {  	s3 =	sadd.s32 $0x88, s3;
	s6 =	simm.s32 @!p1 $0x1082;
	[sflag:s4] =	ssyncset.s32 $0xFFFFF086  }
0x25: {  	[simem:s6], [sflag:s4] =	dma.local [hbm:s3], $0xF7A  }
0x26: {  	[smem:$0x3F8D] =	sst s1;
	(tag) =	ssettag s2;
	_ =	strace s9  }
0x27: {  	s1 =	sld [smem:$0x3F9D]  }
0x28: {  	s2 =	sld [smem:$0x3F9E]  }
0x29: {  	s4 =	sld [smem:$0x3FA0]  }
0x2a: {  	p0 =	seq.s32 s5, $0x0;
	s5 =	sld [smem:$0x3FA1]  }
0x2b: {  	s6 =	sld [smem:$0x3FA2]  }
0x2c: {  	s7 =	sld [smem:$0x3FA3]  }
0x2d: {  	s3 =	simm.s32 $0x108;
	s8 =	sld [smem:$0x3FA4]  }
0x2e: {  	s3 =	simm.s32 @!p0 $0x1082;
	s9 =	sld [smem:$0x3FA5]  }
0x2f: {  	lr =	sadd.s32 s0, s3;
	s0 =	sld [smem:$0x3F9C]  }
0x30: {  	s3 =	sld [smem:$0x3F9F]  }
0x31: {  	[smem:$0x3FA8] =	sst s10  }
0x32: {  	s10 =	sld [smem:$0x3FA6];
	_ =	sdelay $0x3  }
0x33: {  	p0 =	seq.s32 s10, $0x1;
	s10 =	sld [smem:$0x3FA8];
	_ =	sdelay $0x3  }
0x34: {  	[smem:$0x3FA8] =	sst s10  }
0x35: {  	s10 =	sld [smem:$0x3FA7];
	_ =	sdelay $0x3  }
0x36: {  	p1 =	seq.s32 s10, $0x1;
	s10 =	sld [smem:$0x3FA8];
	_ =	sdelay $0x3  }
0x37: {  	[smem:$0x3FA8] =	sst s10  }
0x38: {  	s10 =	sld [smem:$0x3FA9]  }
0x39: {  	_ = 	snop;
	(pc) =	sbr.ind lr, $3  }
0x3a: {  	_ = 	snop  }
0x3b: {  	_ = 	snop  }
0x3c: {  	p2 =	seq.s32 s10, $0x1;
	s10 =	sld [smem:$0x3FA8]  }
0x3d: {  	_ =	shalt  }
0x3e: {  	_ =	shalt  }
0x3f: {  	_ =	shalt  }
0x40: {  	_ =	shalt  }
0x41: {  	_ =	shalt  }
0x42: {  	_ =	shalt  }
0x43: {  	_ =	shalt  }
0x44: {  	_ =	shalt  }
0x45: {  	_ =	shalt  }
0x46: {  	_ =	shalt  }
0x47: {  	_ =	shalt  }
0x48: {  	_ =	shalt  }
0x49: {  	_ =	shalt  }
0x4a: {  	_ =	shalt  }
0x4b: {  	_ =	shalt  }
0x4c: {  	_ =	shalt  }
0x4d: {  	_ =	shalt  }
0x4e: {  	_ =	shalt  }
0x4f: {  	_ =	shalt  }
0x50: {  	_ =	shalt  }
0x51: {  	_ =	shalt  }
0x52: {  	_ =	shalt  }
0x53: {  	_ =	shalt  }
0x54: {  	_ =	shalt  }
0x55: {  	_ =	shalt  }
0x56: {  	_ =	shalt  }
0x57: {  	_ =	shalt  }
0x58: {  	_ =	shalt  }
0x59: {  	_ =	shalt  }
0x5a: {  	_ =	shalt  }
0x5b: {  	_ =	shalt  }
0x5c: {  	_ =	shalt  }
0x5d: {  	_ =	shalt  }
0x5e: {  	_ =	shalt  }
0x5f: {  	_ =	shalt  }
0x60: {  	_ =	shalt  }
0x61: {  	_ =	shalt  }
0x62: {  	_ =	shalt  }
0x63: {  	_ =	shalt  }
0x64: {  	_ =	shalt  }
0x65: {  	_ =	shalt  }
0x66: {  	_ =	shalt  }
0x67: {  	_ =	shalt  }
0x68: {  	_ =	shalt  }
0x69: {  	_ =	shalt  }
0x6a: {  	_ =	shalt  }
0x6b: {  	_ =	shalt  }
0x6c: {  	_ =	shalt  }
0x6d: {  	_ =	shalt  }
0x6e: {  	_ =	shalt  }
0x6f: {  	_ =	shalt  }
0x70: {  	_ =	shalt  }
0x71: {  	_ =	shalt  }
0x72: {  	_ =	shalt  }
0x73: {  	_ =	shalt  }
0x74: {  	_ =	shalt  }
0x75: {  	_ =	shalt  }
0x76: {  	_ =	shalt  }
0x77: {  	_ =	shalt  }
0x78: {  	_ =	shalt  }
0x79: {  	_ =	shalt  }
0x7a: {  	_ =	shalt  }
0x7b: {  	_ =	shalt  }
0x7c: {  	_ =	shalt  }
0x7d: {  	_ =	shalt  }
0x7e: {  	_ =	shalt  }
0x7f: {  	_ =	shalt  }
0x80: {  	_ =	shalt  }
0x81: {  	_ =	shalt  }
0x82: {  	_ =	shalt  }
0x83: {  	_ =	shalt  }
0x84: {  	_ =	shalt  }
0x85: {  	_ =	shalt  }
0x86: {  	_ =	shalt  }
0x87: {  	_ =	shalt  }
.Lfunc_end0:
.L_simem_size_0:
called_computation.1_lowered:
.L_overlay_start_0:
0x88: {  	s2 =	sld [smem:$0x3FD9]  }
0x89: {  	s3 =	sld [smem:$0x3FFE];
	_ =	sdelay $0x1  }
0x8a: {  	s1 =	srdreg.scid  }
0x8b: {  	s0 =	sand.u32 $0x1, s1  }
0x8c: {  	s17 =	sshll.u32 s0, $0xA;
	s2 =	sadd.s32 s3, s2  }
0x8d: {  	s2 =	sadd.s32 s2, s17  }
0x8e: {  	[smem:$0x3FB4] =	sst s2  }
0x8f: {  	_ = 	snop  }
0x90: {  	(tm) =	ssettm $0x1  }
0x91: {  	s18 =	sld [smem:$0x3FFB];
	_ =	sdelay $0x3  }
0x92: {  	_ =	strace s18  }
0x93: {  	s2 =	sld [smem:$0x3FFC];
	_ =	sdelay $0x3  }
0x94: {  	_ =	strace s2  }
0x95: {  	s2 =	sld [smem:$0x3FFD];
	_ =	sdelay $0x3  }
0x96: {  	_ =	strace s2  }
0x97: {  	_ =	strace $0x8FFFFFFF  }
0x98: {  	s19 =	sld [smem:$0x3FDB];
	_ =	sdelay $0x1  }
0x99: {  	s20 =	simm.s32 $_scs_section_size  }
0x9a: {  	s4 =	simm.s32 $_size__tile_overlayer_lowered;
	s5 =	simm.s32 $_tile_overlayer_lowered  }
0x9b: {  	s6 =	simm.s32 $0x1BFF;
	s21 =	sshll.u32 s5, $0x1;
	s3 =	sadd.s32 s20, s19  }
0x9c: {  	s22 =	simm.s32 $0x0;
	s4 =	sshll.u32 s4, $0x1;
	s5 =	sadd.s32 s21, s3  }
0x9d: {  	[timem:s22], [sflag:s6] =	dma.local [hbm:s5], s4  }
0x9e: {  	_ =	swait.ge [sflag:s6], s4  }
0x9f: {  	s4 =	ssub.s32 $0x0, s4;
	[sflag:s6] =	ssyncset.done $0x0  }
0xa0: {  	[sflag:s6] =	ssyncadd.s32 s4;
	_ =	sdelay $0x1  }
0xa1: {  	s23 =	simm.s32 $0x1B8B  }
0xa2: {  	_ =	swait.ge [sflag:s23], $0x1  }
0xa3: {  	[sflag:s23] =	ssyncset.done $0x0  }
0xa4: {  	[sflag:s23] =	ssyncadd.s32 $0xFFFFFFFF  }
0xa5: {  	s4 =	sld [smem:$0x0]  }
0xa6: {  	s5 =	sand.u32 $0xFFFFFFFE, s1  }
0xa7: {  	p0 =	sne.s32 s1, s5  }
0xa8: {  	s5 =	sshll.u32 @p0 s5, $0xE  }
0xa9: {  	s5 =	sadd.s32 @p0 $0x11B8D, s5;
	s6 =	sshll.u32 @p0 s4, $0x11  }
0xaa: {  	s5 =	sor.u32 @p0 s6, s5  }
0xab: {  	[sflag:s5] =	ssyncadd.remote.s32 @p0 $0x1;
	_ =	sdelay $0x1  }
0xac: {  	s5 =	simm.s32 @p0 $0x1B8D  }
0xad: {  	_ =	swait.eq @p0 [sflag:s5], $0x1  }
0xae: {  	[sflag:s5] =	ssyncadd.s32 @p0 $0xFFFFFFFF  }
0xaf: {  	s6 =	sshll.u32 @!p0 s1, $0xE  }
0xb0: {  	s6 =	sor.u32 @!p0 $0x4000, s6;
	s5 =	simm.s32 @!p0 $0x1B8D  }
0xb1: {  	s7 =	sshll.u32 @!p0 s4, $0x11;
	s6 =	sadd.s32 @!p0 $0x11B8D, s6;
	_ =	swait.eq @!p0 [sflag:s5], $0x1  }
0xb2: {  	[sflag:s5] =	ssyncadd.s32 @!p0 $0xFFFFFFFF;
	s5 =	sor.u32 @!p0 s7, s6  }
0xb3: {  	s25 =	simm.s32 $0x1B8E;
	s24 =	sld [smem:$0x3FFE];
	[sflag:s5] =	ssyncadd.remote.s32 @!p0 $0x1  }
0xb4: {  	s26 =	simm.s32 $execute0_lowered;
	[smem:$0x3FD2] =	sst s25  }
0xb5: {  	s6 =	sshll.u32 s26, $0x1;
	_ =	strace $0x80000049;
	[dreg:$0x1] =	wrdreg $0xFFFFFFFF  }
0xb6: {  	s28 =	simm.s32 $_size_execute0_lowered;
	s3 =	sadd.s32 s3, s6;
	[dreg:$0x0] =	wrdreg $0x0  }
0xb7: {  	s6 =	sshll.u32 s28, $0x1;
	[dreg:$0x2] =	wrdreg s3  }
0xb8: {  	[dreg:$0x3] =	wrdreg s6  }
0xb9: {  	[dreg:$0x4] =	wrdreg $0xC0  }
0xba: {  	_ =	task [dreg:s22], $0x5FFFF  }
0xbb: {  	[dreg:$0x1] =	wrdreg $0xFFFFFFFF  }
0xbc: {  	[dreg:$0x0] =	wrdreg $0x60  }
0xbd: {  	[dreg:$0x2] =	wrdreg s24  }
0xbe: {  	[dreg:$0x3] =	wrdreg s1  }
0xbf: {  	[dreg:$0x4] =	wrdreg s4  }
0xc0: {  	[dreg:$0x5] =	wrdreg $0xA  }
0xc1: {  	_ =	task.clear_ibuf [dreg:s22], $0x6FFFF;
	_ =	strace $0x90000049  }
0xc2: {  	s29 =	simm.s32 $0xA;
	_ =	strace $0x8000004B  }
0xc3: {  	_ =	swait.ge [sflag:s29], $0x1  }
0xc4: {  	[sflag:s29] =	ssyncadd.s32 $0xFFFFFFFF  }
0xc5: {  	_ =	strace $0x9000004B  }
0xc6: {  	_ =	sfence  }
0xc7: {  	s30 =	sld [smem:$0x0];
	_ =	sdelay $0x2  }
0xc8: {  	s31 =	sshll.u32 s1, $0xD;
	s1 =	sshrl.u32 s1, $0x2  }
0xc9: {  	s4 =	sand.u32 $0x4000, s31;
	s1 =	sadd.s32 s1, s30  }
0xca: {  	s0 =	sor.u32 s4, s0;
	s1 =	sshll.u32 s1, $0x11  }
0xcb: {  	s0 =	sor.u32 s1, s0  }
0xcc: {  	s0 =	sadd.s32 $0x8F2B, s0  }
0xcd: {  	[sflag:s0] =	ssyncadd.remote.s32 $0x1  }
0xce: {  	_ =	sfence.sel $0xFFFF  }
0xcf: {  	[dreg:$0x0] =	wrdreg $0xFFFFFFFF;
	(pc) =	sbr.abs _section_cstart, $3  }
0xd0: {  	[dreg:$0x1] =	wrdreg $0xFFFFFFFF  }
0xd1: {  	_ =	task.clear_ibuf [dreg:s22], $0x2FFFF;
	_ =	strace $0x9FFFFFFF  }
0xd2: {  	(tm) =	ssettm $0x7FFFFFFF  }
0xd3: {  	_ =	shalt  }
tec
execute0_lowered:
.L_overlay_start_1:
0x0: {  	(tag) =	ssettag $0x1  }
0x1: {  	s2 =	rddreg [dreg:$0x0]  }
0x2: {  	s3 =	rddreg [dreg:$0x1];
	_ =	strace $0x8000004A;
	s0 =	simm.s32 $0x1  }
0x3: {  	v0 =	vimm.s32 $0x0;
	[sflag:s0] =	ssyncpa.u1 $0x0;
	s0 =	simm.s32 $0x108  }
0x4: {  	[tilespmem:s0+$0x70] =	vst v0  }
0x5: {  	[tilespmem:s0+$0x60] =	vst v0  }
0x6: {  	[tilespmem:s0+$0x50] =	vst v0  }
0x7: {  	[tilespmem:s0+$0x40] =	vst v0  }
0x8: {  	[tilespmem:s0+$0x30] =	vst v0  }
0x9: {  	s1 =	sadd.s32 $0xA28A00, s2;
	s15 =	sadd.s32 $0x29600, s2;
	s6 =	sadd.s32 $0x50A00, s2;
	[tilespmem:s0+$0x20] =	vst v0  }
0xa: {  	s14 =	sadd.s32 $0x3D000, s2;
	s5 =	sand.u32 $0x1, s3;
	s3 =	simm.s32 $0x40;
	[tilespmem:s0+$0x10] =	vst v0  }
.LBB2_1:
0xb: {  	s3 =	sadd.s32 $0x40, s3;
	[tilespmem:s0+$0x0] =	vst v0;
	s0 =	sadd.s32 $0x80, s0  }
0xc: {  	p0 =	slt.u32 s3, $0x3C40;
	[tilespmem:s0+$0x70] =	vst v0  }
0xd: {  	[tilespmem:s0+$0x60] =	vst v0  }
.Ltmp0:
0xe: {  	[tilespmem:s0+$0x50] =	vst v0;
	(pc) =	sbr.rel @p0 .LBB2_1-.Ltmp0, $4  }
0xf: {  	[tilespmem:s0+$0x40] =	vst v0  }
0x10: {  	[tilespmem:s0+$0x30] =	vst v0  }
0x11: {  	[tilespmem:s0+$0x20] =	vst v0  }
0x12: {  	[tilespmem:s0+$0x10] =	vst v0  }
0x13: {  	s9 =	stileid.u32  }
0x14: {  	s2 =	smul.u32 $0x53, s9  }
0x15: {  	s3 =	smin.u32 s9, $0x6  }
0x16: {  	s2 =	sadd.s32 s3, s2  }
0x17: {  	p0 =	slt.u32 s9, $0x6;
	s7 =	smul.u32 $0xF0, s2;
	s2 =	simm.s32 $0x4EC0  }
0x18: {  	s2 =	simm.s32 @!p0 $0x4DD0  }
0x19: {  	s2 =	sadd.s32 s2, s7  }
0x1a: {  	s8 =	smin.u32 s2, $0x4E200  }
0x1b: {  	s2 =	ssub.s32 s8, s7  }
0x1c: {  	p0 =	sgt.s32 s2, $0x0  }
0x1d: {  	s29 =	simm.s32 $0x2;
	s10 =	simm.s32 $0x9;
	s2 =	simm.s32 @!p0 $0x0  }
0x1e: {  	s4 =	simm.s32 $0xA;
	s11 =	simm.s32 $0xB;
	s28 =	smulhi.u32 $0x88888889, s2  }
0x1f: {  	[dreg:$0x4] =	wrdreg s5;
	s31 =	smul.u32 $0x9C40, s5;
	s12 =	simm.s32 $0x1  }
0x20: {  	s22 =	simm.s32 $0x0;
	s18 =	simm.s32 $0xC;
	s30 =	sshrl.u32 s28, $0x7  }
0x21: {  	s20 =	simm.s32 $0x0;
	s21 =	simm.s32 $0x0;
	s3 =	smul.u32 $0xF0, s30  }
.Ltmp1:
0x22: {  	[tilespmem:s0+$0x0] =	vst v0;
	v0 =	vimm.s32 $0xFFFFFFFF;
	[sflag:s29] =	ssyncpa.u1 $0x0;
	s16 =	sshll.u32 s9, $0x8;
	(pc) =	sbr.rel .LBB2_3-.Ltmp1, $4  }
0x23: {  	[tilespmem:$0xF208] =	vst v0;
	[sflag:s10] =	ssyncpa.u1 $0x0;
	p0 =	sne.s32 s2, s3;
	s2 =	simm.s32 $0x1  }
0x24: {  	s14 =	sadd.s32 s31, s14;
	[sflag:s4] =	ssyncpa.u1 $0x0;
	s2 =	simm.s32 @!p0 $0x0  }
0x25: {  	s15 =	sadd.s32 s31, s15;
	[sflag:s11] =	ssyncpa.u1 $0x0;
	s13 =	sadd.s32 s2, s30  }
0x26: {  	v0 =	vlaneseq.u32;
	s19 =	smov.u32 s7;
	p0 =	por $0x0, $0x0;
	s17 =	sadd.s32 $0x1, s13  }
.LBB2_18:
0x27: {  	s0 =	sshrl.u32 s31, $0x2  }
.LBB2_20:
0x28: {  	_ =	swait.ge [sflag:s18], s0  }
0x29: {  	s31 =	ssub.s32 $0x0, s0;
	v1 =	vmov s24;
	vm0 =	veq.s32 v0, $0x0;
	[sflag:s18] =	ssyncset.done $0x0  }
0x2a: {  	vm15 =	veq.s32 v0, $0x2;
	v1 =	vsel vm0, s30, v1;
	[sflag:s18] =	ssyncadd.s32 s31  }
0x2b: {  	v1 =	vsel vm15, s22, v1;
	[sflag:s18] =	ssyncpa.u1 $0x1  }
0x2c: {  	[tilespmem:$0xF208] =	vst v1  }
.LBB2_21:
0x2d: {  	s0 =	sadd.s32 $0xF0, s19  }
0x2e: {  	s2 =	smov.u32 s7;
	p1 =	slt.s32 s0, s8  }
0x2f: {  	s2 =	smov.u32 @p1 s0;
	p1 =	sne.s32 s21, s17  }
.Ltmp2:
0x30: {  	_ = 	snop;
	(pc) =	sbr.rel @!p1 .LBB2_22-.Ltmp2, $3  }
0x31: {  	_ =	sdelay $0x1  }
0x32: {  	s22 =	smov.u32 s20;
	s31 =	sadd.s32 $0x1, s21;
	s20 =	smov.u32 s19  }
0x33: {  	p0 =	por !p0, !p0;
	s21 =	smov.u32 s31;
	s19 =	smov.u32 s2  }
.LBB2_3:
0x34: {  	p1 =	sge.u32 s21, s13  }
0x35: {  	s0 =	smulhi.u32 @!p1 $0xAAAAAAAB, s21  }
0x36: {  	s2 =	smov.u32 s19;
	p2 =	sgt.s32 @!p1 s19, $0x4E110  }
0x37: {  	s3 =	sshra.s32 @!p1 s19, $0x1F;
	p2 =	por !p2, p1;
	s0 =	sshrl.u32 @!p1 s0, $0x1  }
0x38: {  	s3 =	sand.u32 @!p1 s3, s19;
	s2 =	simm.s32 @p2 $0x4E110;
	s0 =	smul.u32 @!p1 $0x3, s0  }
0x39: {  	s2 =	ssub.s32 @!p1 s2, s3  }
0x3a: {  	s2 =	sadd.s32 @!p1 $0xFFFB1EF0, s2;
	s0 =	ssub.s32 @!p1 s21, s0  }
0x3b: {  	s3 =	sshll.u32 @!p1 s2, $0x2;
	p2 =	sgt.s32 @!p1 s2, $0xEF;
	s0 =	smul.u32 @!p1 $0x3C0, s0  }
0x3c: {  	s4 =	sand.u32 @!p1 $0x7, s19;
	s2 =	ssub.s32 @!p1 $0x3C0, s3;
	p2 =	por !p2, p1  }
0x3d: {  	s3 =	sshrl.u32 @!p1 s19, $0x3;
	s2 =	sshrl.u32 @!p1 s2, $0x2;
	s0 =	sshrl.u32 @!p1 s0, $0x2  }
0x3e: {  	s3 =	sadd.s32 @!p1 s3, s14;
	s2 =	simm.s32 @!p2 $0x0;
	s0 =	sadd.s32 @!p1 $0x10248, s0  }
0x3f: {  	[tilespmem:s0], [sflag:$0xA] =	stream.linear.gather @!p1 [hbm4b:s3+s4], s2, $0x38;
	[tilespmem:$0x1F6F8] =	vst v63  }
0x40: {  	s0 =	sadd.s32 $0xFFFFFFFF, s21  }
0x41: {  	p1 =	sge.u32 s0, s13  }
0x42: {  	p2 =	sgt.s32 @!p1 s20, $0x4E110  }
0x43: {  	s2 =	smov.u32 s20;
	s3 =	sshra.s32 @!p1 s20, $0x1F;
	p2 =	por !p2, p1  }
0x44: {  	s3 =	sand.u32 @!p1 s3, s20;
	s2 =	simm.s32 @p2 $0x4E110  }
0x45: {  	s2 =	ssub.s32 @!p1 s2, s3  }
0x46: {  	s2 =	sadd.s32 @!p1 $0xFFFB1EF0, s2  }
0x47: {  	s4 =	sand.u32 @!p1 $0x1, s0;
	s3 =	sshll.u32 @!p1 s2, $0x2  }
0x48: {  	p2 =	sgt.s32 @!p1 s2, $0xEF;
	s2 =	ssub.s32 @!p1 $0x3C0, s3;
	s3 =	smulhi.u32 @!p1 $0xAAAAAAAB, s0  }
0x49: {  	s23 =	smul.u32 @!p1 $0x3C0, s4;
	p2 =	por !p2, p1;
	s2 =	sshrl.u32 @!p1 s2, $0x2  }
0x4a: {  	s5 =	simm.s32 @!p1 $0xA;
	s2 =	simm.s32 @!p2 $0x0;
	s3 =	sshrl.u32 @!p1 s3, $0x1  }
0x4b: {  	s23 =	sshrl.u32 @!p1 s23, $0x2;
	_ =	swait.ge @!p1 [sflag:s5], s2;
	s3 =	smul.u32 @!p1 $0x3, s3  }
0x4c: {  	s23 =	sadd.s32 @!p1 $0x10518, s23;
	s24 =	ssub.s32 @!p1 $0x0, s2;
	[sflag:s5] =	ssyncset.done @!p1 $0x0  }
0x4d: {  	[sflag:s5] =	ssyncadd.s32 @!p1 s24;
	s5 =	sshrl.u32 @!p1 s20, $0x3;
	s0 =	ssub.s32 @!p1 s0, s3  }
0x4e: {  	s24 =	sand.u32 @!p1 $0x7, s20;
	s5 =	sadd.s32 @!p1 s5, s15;
	s0 =	smul.u32 @!p1 $0x3C0, s0  }
0x4f: {  	[tilespmem:s23], [sflag:$0xB] =	stream.linear.gather @!p1 [hbm4b:s5+s24], s2, $0x38;
	[tilespmem:$0x1F6F8] =	vst v63  }
0x50: {  	s3 =	ssub.s32 @!p1 $0x4E200, s20;
	s2 =	smul.u32 @!p1 $0x1E000, s4  }
0x51: {  	p2 =	slt.s32 @!p1 s3, $0xF0  }
0x52: {  	p2 =	por !p2, p1;
	s0 =	sshrl.u32 @!p1 s0, $0x2;
	s2 =	sshrl.u32 @!p1 s2, $0x2  }
0x53: {  	s3 =	simm.s32 @p2 $0xF0;
	s0 =	sadd.s32 @!p1 $0x10248, s0;
	s2 =	sor.u32 @!p1 $0x106F8, s2  }
0x54: {  	[tilespmem:s2], [sflag:$0x9] =	stream.indirect.gather @!p1 [hbm4b:s6+s3], $0x80, s0, s3, $0xb8;
	[tilespmem:$0x1F6F8] =	vst v63  }
0x55: {  	p1 =	slt.u32 s21, $0x2  }
.Ltmp3:
0x56: {  	_ = 	snop;
	(pc) =	sbr.rel @p1 .LBB2_21-.Ltmp3, $1  }
0x57: {  	_ =	sdelay $0x3  }
0x58: {  	p1 =	sgt.s32 s22, $0x4E110  }
0x59: {  	s0 =	smov.u32 s22;
	s2 =	sshra.s32 s22, $0x1F;
	s3 =	ssub.s32 $0x4E200, s22  }
0x5a: {  	s0 =	simm.s32 @!p1 $0x4E110;
	s2 =	sand.u32 s2, s22;
	p1 =	slt.s32 s3, $0xF0  }
0x5b: {  	s0 =	ssub.s32 s0, s2;
	s3 =	simm.s32 @!p1 $0xF0  }
0x5c: {  	s0 =	sadd.s32 $0xFFFB1EF0, s0;
	s25 =	sshll.u32 s3, $0x7  }
0x5d: {  	s26 =	sshll.u32 s0, $0x2;
	s2 =	sand.u32 $0x3FFFFF80, s25  }
0x5e: {  	p1 =	sgt.s32 s0, $0xEF;
	s29 =	ssub.s32 $0x3C0, s26;
	_ =	swait.ge [sflag:s10], s2  }
0x5f: {  	s2 =	ssub.s32 $0x0, s2;
	[sflag:s10] =	ssyncset.done $0x0;
	s0 =	sshrl.u32 s29, $0x2  }
0x60: {  	[sflag:s10] =	ssyncadd.s32 s2;
	s0 =	simm.s32 @p1 $0x0  }
0x61: {  	_ =	swait.ge [sflag:s11], s0  }
0x62: {  	s0 =	ssub.s32 $0x0, s0;
	[sflag:s11] =	ssyncset.done $0x0  }
0x63: {  	[sflag:s11] =	ssyncadd.s32 s0  }
0x64: {  	v1 =	vld [tilespmem:$0xF208];
	_ =	sdelay $0x4  }
0x65: {  	(v2sf) =	vpush v1, $0x0  }
0x66: {  	(v2sf) =	vpush v1, $0x1  }
0x67: {  	(v2sf) =	vpush v1, $0x2;
	_ =	sdelay $0x3  }
0x68: {  	s0 =	sadd.s32 $0xF0, s22  }
0x69: {  	s2 =	ssub.s32 $0x9C400, s22;
	p1 =	slt.s32 s8, s0  }
0x6a: {  	s0 =	smov.u32 @p1 s8;
	p1 =	sgt.s32 s2, $0x0  }
0x6b: {  	s26 =	ssub.s32 s0, s22;
	s2 =	simm.s32 @!p1 $0x0  }
0x6c: {  	p1 =	slt.s32 s2, s26  }
0x6d: {  	s26 =	smov.u32 @p1 s2  }
0x6e: {  	s25 =	simm.s32 $0x1;
	p1 =	slt.s32 s26, $0x1  }
.Ltmp4:
0x6f: {  	s25 =	simm.s32 @!p0 $0x0;
	(pc) =	sbr.rel @p1 .LBB2_8-.Ltmp4, $4  }
0x70: {  	s31 =	smul.u32 $0x3C0, s25  }
0x71: {  	s28 =	spop (v2sf)  }
0x72: {  	s0 =	sshrl.u32 s31, $0x2;
	s30 =	spop (v2sf)  }
0x73: {  	s23 =	sadd.s32 $0x10518, s0;
	s22 =	spop (v2sf)  }
0x74: {  	s0 =	smin.u32 s26, $0x10  }
0x75: {  	v1 =	vmov s0  }
0x76: {  	p2 =	sgt.s32 s26, $0x10;
	vm1 =	vgt.u32 v1, v0  }
.Ltmp5:
0x77: {  	_ = 	snop;
	(pc) =	sbr.rel @!p2 .LBB2_7-.Ltmp5, $2  }
0x78: {  	_ =	sdelay $0x2  }
0x79: {  	s4 =	simm.s32 $0x10;
	s24 =	sadd.s32 $0xFFFFFFF0, s26;
	s0 =	smov.u32 s23;
	vm0 =	vmmov vm1  }
.LBB2_6:
0x7a: {  	s2 =	smin.u32 s24, $0x10;
	s4 =	sadd.s32 $0x10, s4;
	v1 =	vld.msk [tilespmem:s0+$0x0 ss:$0x1], vm1  }
0x7b: {  	v2 =	vmov s2;
	p2 =	slt.s32 s4, s26  }
0x7c: {  	vm1 =	vgt.u32 v2, v0  }
.Ltmp6:
0x7d: {  	(pc) =	sbr.rel @p2 .LBB2_6-.Ltmp6, $3  }
0x7e: {  	_ =	sdelay $0x1  }
0x7f: {  	v1 =	vshll.u32 v1, $0x4  }
0x80: {  	s24 =	sadd.s32 $0xFFFFFFF0, s24;
	[tilespmem:s0+$0x0] =	vst.msk vm0, v1;
	s0 =	sadd.s32 $0x10, s0;
	vm0 =	vmmov vm1  }
.LBB2_7:
0x81: {  	_ =	sdelay $0x4  }
0x82: {  	v1 =	vld.msk [tilespmem:s0+$0x0 ss:$0x1], vm1;
	_ =	sdelay $0x4  }
0x83: {  	v1 =	vshll.u32 v1, $0x4  }
0x84: {  	[tilespmem:s0+$0x0] =	vst.msk vm0, v1  }
.LBB2_8:
0x85: {  	s0 =	sand.u32 $0x1, s21  }
0x86: {  	s0 =	smul.u32 $0xF0, s0  }
0x87: {  	p2 =	sne.s32 s30, $0xFFFFFFFF  }
0x88: {  	v1 =	vld.msk @!p2 [tilespmem:s0+$0x10518], $0x1;
	_ =	sdelay $0x4  }
0x89: {  	(v2sf) =	vpush @!p2 v1, $0x0;
	_ =	sdelay $0xc  }
.Ltmp7:
0x8a: {  	_ = 	snop;
	(pc) =	sbr.rel @p1 .LBB2_19-.Ltmp7, $4  }
0x8b: {  	_ = 	snop  }
0x8c: {  	s29 =	spop @!p2 (v2sf)  }
0x8d: {  	s22 =	simm.s32 @!p2 $0x0;
	s24 =	smov.u32 s29  }
0x8e: {  	[sflag:s18] =	ssyncpa.u1 $0x0;
	s29 =	smov.u32 @p2 s28;
	s24 =	smov.u32 @p2 s30  }
0x8f: {  	v1 =	vld.msk [tilespmem:s23+$0x0], $0x1;
	_ =	sdelay $0x4  }
0x90: {  	(v2sf) =	vpush v1, $0x0;
	_ =	sdelay $0xe  }
0x91: {  	s2 =	smul.u32 $0x1E000, s25;
	s0 =	spop (v2sf)  }
0x92: {  	s26 =	ssub.s32 $0x0, s26;
	p1 =	seq.s32 s29, s0  }
0x93: {  	s30 =	sadd.s32 $0x1, s26;
	s2 =	sshrl.u32 s2, $0x2;
	p2 =	sgt.s32 @!p1 s29, $0x0  }
0x94: {  	s25 =	sor.u32 $0x10738, s2;
	s2 =	smov.u32 s29;
	p2 =	por !p2, p1  }
0x95: {  	s2 =	simm.s32 @p2 $0x0;
	p2 =	seq.s32 s30, $0x0  }
.Ltmp8:
0x96: {  	_ = 	snop;
	(pc) =	sbr.rel @p2 .LBB2_11-.Ltmp8, $4  }
0x97: {  	_ = 	snop  }
0x98: {  	s28 =	simm.s32 $0x0;
	s31 =	sadd.s32 $0x1, s23;
	s2 =	smin.u32 @!p1 s2, $0x270F0  }
0x99: {  	s4 =	simm.s32 @!p1 $0x1;
	s5 =	simm.s32 @!p1 $0x7988;
	s3 =	sand.u32 @!p1 $0x3FFF8, s2  }
0x9a: {  	s4 =	smov.u32 @p1 s28;
	s2 =	sand.u32 @!p1 $0x7, s2;
	s3 =	sadd.s32 @!p1 s1, s3  }
.LBB2_10:
0x9b: {  	s9 =	smov.u32 s4  }
0x9c: {  	[tilespmem:s5], [sflag:$0x2] =	stream.linear.gather @!p1 [hbm4b:s3+s2], $0x80, $0x38;
	[tilespmem:$0x1F6F8] =	vst v63  }
0x9d: {  	s30 =	sadd.s32 $0x1, s30;
	s2 =	smov.u32 s0;
	v1 =	vld.msk [tilespmem:s31+$0x0], $0x1  }
0x9e: {  	p2 =	seq.s32 s30, $0x0;
	_ =	sdelay $0x3  }
0x9f: {  	(v2sf) =	vpush v1, $0x0;
	_ =	sdelay $0xe  }
0xa0: {  	s0 =	spop (v2sf)  }
0xa1: {  	p1 =	seq.s32 s2, s0  }
0xa2: {  	p3 =	sgt.s32 @!p1 s2, $0x0;
	s3 =	sshll.u32 @!p1 s4, $0x9;
	s4 =	sadd.s32 @!p1 $0x1, s4  }
.Ltmp9:
0xa3: {  	p3 =	por !p3, p1;
	s3 =	sshra.s32 @!p1 s3, $0x2;
	(pc) =	sbr.rel @!p2 .LBB2_10-.Ltmp9, $4  }
0xa4: {  	s4 =	smov.u32 @p1 s9;
	s2 =	simm.s32 @p3 $0x0;
	s5 =	sadd.s32 @!p1 $0x7988, s3  }
0xa5: {  	s2 =	smin.u32 @!p1 s2, $0x270F0  }
0xa6: {  	s3 =	sand.u32 @!p1 $0x3FFF8, s2;
	s2 =	sand.u32 @!p1 $0x7, s2  }
0xa7: {  	s31 =	sadd.s32 $0x1, s31;
	s3 =	sadd.s32 @!p1 s1, s3  }
.LBB2_11:
0xa8: {  	[tilespmem:s5], [sflag:$0x2] =	stream.linear.gather @!p1 [hbm4b:s3+s2], $0x80, $0x38;
	[tilespmem:$0x1F6F8] =	vst v63  }
.Ltmp10:
0xa9: {  	s0 =	sshll.u32 s4, $0x7;
	(pc) =	sbr.rel .LBB2_12-.Ltmp10, $4  }
0xaa: {  	s30 =	simm.s32 $0x2;
	s0 =	sand.u32 $0x3FFFFF80, s0  }
0xab: {  	_ =	swait.ge [sflag:s30], s0  }
0xac: {  	s0 =	ssub.s32 $0x0, s0;
	[sflag:s30] =	ssyncset.done $0x0  }
0xad: {  	s31 =	simm.s32 $0x0;
	[sflag:s30] =	ssyncadd.s32 s0  }
.LBB2_13:
0xae: {  	v1 =	vld [tilespmem:s25+$0xFFFFFFC0];
	_ =	sdelay $0x3  }
0xaf: {  	s0 =	sshra.s32 s0, $0x2  }
0xb0: {  	[tilespmem:s0+$0x108] =	vst.add.f32.msk $0xffff, v1  }
0xb1: {  	v1 =	vld [tilespmem:s25+$0xFFFFFFD0];
	_ =	sdelay $0x4  }
0xb2: {  	[tilespmem:s0+$0x118] =	vst.add.f32.msk $0xffff, v1  }
0xb3: {  	v1 =	vld [tilespmem:s25+$0xFFFFFFE0];
	_ =	sdelay $0x4  }
0xb4: {  	[tilespmem:s0+$0x128] =	vst.add.f32.msk $0xffff, v1  }
0xb5: {  	v1 =	vld [tilespmem:s25+$0xFFFFFFF0];
	_ =	sdelay $0x4  }
0xb6: {  	[tilespmem:s0+$0x138] =	vst.add.f32.msk $0xffff, v1  }
0xb7: {  	v1 =	vld [tilespmem:s25+$0x0];
	_ =	sdelay $0x4  }
0xb8: {  	[tilespmem:s0+$0x148] =	vst.add.f32.msk $0xffff, v1  }
0xb9: {  	v1 =	vld [tilespmem:s25+$0x10];
	_ =	sdelay $0x4  }
0xba: {  	[tilespmem:s0+$0x158] =	vst.add.f32.msk $0xffff, v1  }
0xbb: {  	v1 =	vld [tilespmem:s25+$0x20];
	_ =	sdelay $0x4  }
0xbc: {  	[tilespmem:s0+$0x168] =	vst.add.f32.msk $0xffff, v1  }
0xbd: {  	v1 =	vld [tilespmem:s25+$0x30];
	_ =	sdelay $0x4  }
0xbe: {  	[tilespmem:s0+$0x178] =	vst.add.f32.msk $0xffff, v1  }
.LBB2_17:
0xbf: {  	s26 =	sadd.s32 $0x1, s26  }
0xc0: {  	p1 =	seq.s32 s26, $0x0  }
.Ltmp11:
0xc1: {  	_ = 	snop;
	(pc) =	sbr.rel @p1 .LBB2_18-.Ltmp11, $2  }
0xc2: {  	_ =	sdelay $0x2  }
0xc3: {  	s23 =	sadd.s32 $0x1, s23;
	s25 =	sadd.s32 $0x80, s25;
	s29 =	smov.u32 s30  }
.LBB2_12:
0xc4: {  	v1 =	vld.msk [tilespmem:s23+$0x0], $0x1;
	_ =	sdelay $0x4  }
0xc5: {  	(v2sf) =	vpush v1, $0x0;
	_ =	sdelay $0xe  }
0xc6: {  	s30 =	spop (v2sf)  }
0xc7: {  	p1 =	sne.s32 s29, s30  }
.Ltmp12:
0xc8: {  	_ = 	snop;
	(pc) =	sbr.rel @!p1 .LBB2_13-.Ltmp12, $2  }
0xc9: {  	_ =	sdelay $0x2  }
0xca: {  	s0 =	sshll.u32 s22, $0x9  }
0xcb: {  	p1 =	seq.s32 s29, s24  }
.Ltmp13:
0xcc: {  	_ = 	snop;
	(pc) =	sbr.rel @!p1 .LBB2_15-.Ltmp13, $1  }
0xcd: {  	_ =	sdelay $0x3  }
0xce: {  	s0 =	sshra.s32 s0, $0x2  }
.Ltmp14:
0xcf: {  	s0 =	sadd.s32 $0x108, s0;
	(pc) =	sbr.rel .LBB2_16-.Ltmp14, $4  }
0xd0: {  	[spmem:s16] =	stream.linear.scatter [tilespmem:s0], [sflag:$0x1], $0x80, $0x38;
	[tilespmem:$0x1F6F8] =	vst v63  }
0xd1: {  	_ =	swait.ge [sflag:s12], $0x80  }
0xd2: {  	[sflag:s12] =	ssyncset.done $0x0  }
0xd3: {  	[sflag:s12] =	ssyncadd.s32 $0xFFFFFF80  }
.LBB2_15:
0xd4: {  	s2 =	sshll.u32 s28, $0x9  }
0xd5: {  	s2 =	sshra.s32 s2, $0x2  }
0xd6: {  	v1 =	vld [tilespmem:s2+$0x7988];
	_ =	sdelay $0x3  }
0xd7: {  	s0 =	sshra.s32 s0, $0x2  }
0xd8: {  	[tilespmem:s0+$0x108] =	vst.add.f32.msk $0xffff, v1  }
0xd9: {  	v1 =	vld [tilespmem:s2+$0x7998];
	_ =	sdelay $0x4  }
0xda: {  	[tilespmem:s0+$0x118] =	vst.add.f32.msk $0xffff, v1  }
0xdb: {  	v1 =	vld [tilespmem:s2+$0x79A8];
	_ =	sdelay $0x4  }
0xdc: {  	[tilespmem:s0+$0x128] =	vst.add.f32.msk $0xffff, v1  }
0xdd: {  	v1 =	vld [tilespmem:s2+$0x79B8];
	_ =	sdelay $0x4  }
0xde: {  	[tilespmem:s0+$0x138] =	vst.add.f32.msk $0xffff, v1  }
0xdf: {  	v1 =	vld [tilespmem:s2+$0x79C8];
	_ =	sdelay $0x4  }
0xe0: {  	[tilespmem:s0+$0x148] =	vst.add.f32.msk $0xffff, v1  }
0xe1: {  	v1 =	vld [tilespmem:s2+$0x79D8];
	_ =	sdelay $0x4  }
0xe2: {  	[tilespmem:s0+$0x158] =	vst.add.f32.msk $0xffff, v1  }
0xe3: {  	v1 =	vld [tilespmem:s2+$0x79E8];
	_ =	sdelay $0x4  }
0xe4: {  	[tilespmem:s0+$0x168] =	vst.add.f32.msk $0xffff, v1  }
0xe5: {  	v1 =	vld [tilespmem:s2+$0x79F8];
	_ =	sdelay $0x2  }
0xe6: {  	p1 =	sgt.u32 s29, $0x270F0  }
0xe7: {  	s2 =	sand.u32 @!p1 $0x3FFF8, s29  }
0xe8: {  	s3 =	sadd.s32 $0x108, s0;
	[tilespmem:s0+$0x178] =	vst.add.f32.msk $0xffff, v1;
	s0 =	sadd.s32 @!p1 s1, s2;
	s2 =	sand.u32 @!p1 $0x7, s29  }
0xe9: {  	[hbm4b:s0+s2] =	stream.linear.scatter @!p1 [tilespmem:s3], [sflag:$0xC], $0x80, $0x38;
	[tilespmem:$0x1F6F8] =	vst v63  }
0xea: {  	s0 =	simm.s32 $0x0  }
0xeb: {  	s0 =	simm.s32 @!p1 $0x200  }
0xec: {  	s31 =	sadd.s32 s0, s31  }
.LBB2_16:
0xed: {  	s0 =	sadd.s32 $0x1, s22  }
0xee: {  	s2 =	smulhi.u32 $0x88888889, s0;
	_ =	sdelay $0x1  }
0xef: {  	v1 =	vld [tilespmem:s25+$0xFFFFFFC0];
	s2 =	sshrl.u32 s2, $0x7  }
0xf0: {  	s2 =	smul.u32 $0xF0, s2;
	_ =	sdelay $0x1  }
0xf1: {  	s22 =	ssub.s32 s0, s2  }
0xf2: {  	s0 =	sshll.u32 s22, $0x7  }
0xf3: {  	[tilespmem:s0+$0x108] =	vst v1  }
0xf4: {  	v1 =	vld [tilespmem:s25+$0xFFFFFFD0];
	_ =	sdelay $0x4  }
0xf5: {  	[tilespmem:s0+$0x118] =	vst v1  }
0xf6: {  	v1 =	vld [tilespmem:s25+$0xFFFFFFE0];
	_ =	sdelay $0x4  }
0xf7: {  	[tilespmem:s0+$0x128] =	vst v1  }
0xf8: {  	v1 =	vld [tilespmem:s25+$0xFFFFFFF0];
	_ =	sdelay $0x4  }
0xf9: {  	[tilespmem:s0+$0x138] =	vst v1  }
0xfa: {  	v1 =	vld [tilespmem:s25+$0x0];
	_ =	sdelay $0x4  }
0xfb: {  	[tilespmem:s0+$0x148] =	vst v1  }
0xfc: {  	v1 =	vld [tilespmem:s25+$0x10];
	_ =	sdelay $0x4  }
0xfd: {  	[tilespmem:s0+$0x158] =	vst v1  }
0xfe: {  	v1 =	vld [tilespmem:s25+$0x20];
	_ =	sdelay $0x4  }
0xff: {  	[tilespmem:s0+$0x168] =	vst v1  }
0x100: {  	v1 =	vld [tilespmem:s25+$0x30]  }
.Ltmp15:
0x101: {  	_ = 	snop;
	(pc) =	sbr.rel .LBB2_17-.Ltmp15, $2  }
0x102: {  	_ =	sdelay $0x2  }
0x103: {  	s28 =	sadd.s32 $0x1, s28;
	[tilespmem:s0+$0x178] =	vst v1  }
.LBB2_19:
.Ltmp16:
0x104: {  	(pc) =	sbr.rel .LBB2_20-.Ltmp16, $4  }
0x105: {  	_ = 	snop  }
0x106: {  	s0 =	simm.s32 $0x2  }
0x107: {  	_ =	swait.ge [sflag:s0], $0x0  }
0x108: {  	s30 =	smov.u32 s29;
	[sflag:s0] =	ssyncset.done $0x0;
	s0 =	simm.s32 $0x0  }
.LBB2_22:
0x109: {  	_ =	sfence.sel $0x180000  }
0x10a: {  	s0 =	simm.s32 $0x9;
	[bflag:$0x0] =	sbarrier.arrive $0xFFFF  }
0x10b: {  	s24 =	simm.s32 $0xA;
	[sflag:s0] =	ssyncpa.u1 $0x1  }
0x10c: {  	s25 =	simm.s32 $0xB;
	[sflag:s24] =	ssyncpa.u1 $0x1  }
0x10d: {  	s26 =	simm.s32 $0x2;
	[sflag:s25] =	ssyncpa.u1 $0x1  }
0x10e: {  	[sflag:s26] =	ssyncpa.u1 $0x1  }
0x10f: {  	v0 =	vld [tilespmem:$0xF208];
	_ =	sdelay $0x4  }
0x110: {  	(v2sf) =	vpush v0, $0x0  }
0x111: {  	(v2sf) =	vpush v0, $0x1;
	_ =	sdelay $0x1  }
0x112: {  	(v2sf) =	vpush v0, $0x2;
	_ =	sdelay $0xb  }
0x113: {  	s0 =	spop (v2sf)  }
0x114: {  	s2 =	spop (v2sf)  }
0x115: {  	s3 =	smov.u32 s0;
	p0 =	sne.s32 s0, s2  }
0x116: {  	s4 =	spop (v2sf);
	s3 =	simm.s32 @!p0 $0xFFFFFFFF  }
0x117: {  	v2 =	vimm.s32 $0x1;
	v3 =	vlaneseq.u32;
	p0 =	seq.s32 s4, $0xFFFFFFFF;
	v1 =	vmov s3  }
0x118: {  	s16 =	stileid.u32;
	v0 =	vperm.xlane v0, v2;
	p1 =	sne.s32 @!p0 s0, s2;
	v1 =	vperm.xlane v1, v3  }
0x119: {  	vm0 =	vcmask $0x3F04;
	s6 =	simm.s32 $0xF208;
	s0 =	simm.s32 @!p0 $0x1;
	p1 =	por !p1, p0  }
0x11a: {  	s3 =	sshll.u32 s16, $0x1;
	s2 =	sshll.u32 @!p0 s4, $0x9;
	s0 =	simm.s32 @p1 $0x0;
	v0 =	vsel vm0, v1, v0  }
0x11b: {  	s5 =	sor.u32 $0x1000, s3;
	s2 =	sshra.s32 @!p0 s2, $0x2;
	s0 =	sor.u32 @!p0 s0, s3;
	[tilespmem:$0xF208] =	vst v0  }
0x11c: {  	[spmem:s5] =	stream.linear.scatter [tilespmem:s6], [sflag:$0x1], $0x2, $0x38;
	[tilespmem:$0x1F6F8] =	vst v63  }
0x11d: {  	s2 =	sadd.s32 @!p0 $0x108, s2;
	s0 =	sshll.u32 @!p0 s0, $0x7  }
0x11e: {  	[spmem:s0] =	stream.linear.scatter @!p0 [tilespmem:s2], [sflag:$0x1], $0x80, $0x38;
	[tilespmem:$0x1F6F8] =	vst v63  }
0x11f: {  	s0 =	simm.s32 @!p0 $0x82  }
0x120: {  	s28 =	simm.s32 $0x1;
	s0 =	simm.s32 @p0 $0x2  }
0x121: {  	_ =	swait.ge [sflag:s28], s0  }
0x122: {  	s0 =	ssub.s32 $0x0, s0;
	[sflag:s28] =	ssyncset.done $0x0  }
0x123: {  	p0 =	sne.s32 s16, $0x0;
	[sflag:s28] =	ssyncadd.s32 s0  }
.Ltmp17:
0x124: {  	_ =	sfence.stream.spmem;
	(pc) =	sbr.rel @p0 .LBB2_39-.Ltmp17, $4  }
0x125: {  	s29 =	simm.s32 $0x3;
	[bflag:$0x0] =	sbarrier.arrive $0xFFFF  }
0x126: {  	s30 =	simm.s32 $0x4;
	[sflag:s29] =	ssyncpa.u1 $0x1  }
0x127: {  	s31 =	simm.s32 $0x3C;
	[sflag:s30] =	ssyncpa.u1 $0x1  }
0x128: {  	s15 =	rddreg [dreg:$0x4];
	[sflag:s31] =	ssyncpa.u1 $0x1  }
0x129: {  	_ =	sfence.stream.spmem;
	s0 =	simm.s32 $0x5  }
0x12a: {  	s2 =	simm.s32 $0x1000;
	s3 =	simm.s32 $0xF218;
	[sflag:s0] =	ssyncpa.u1 $0x0  }
0x12b: {  	[tilespmem:s3], [sflag:$0x5] =	stream.linear.gather [spmem:s2], $0x20, $0x38;
	[tilespmem:$0x1F6F8] =	vst v63  }
0x12c: {  	s26 =	simm.s32 $0x0;
	s28 =	simm.s32 $0xF238  }
0x12d: {  	[tilespmem:s28], [sflag:$0x5] =	stream.linear.gather [spmem:s26], $0x1000, $0x38;
	[tilespmem:$0x1F6F8] =	vst v63  }
0x12e: {  	_ =	swait.ge [sflag:s0], $0x1020  }
0x12f: {  	[sflag:s0] =	ssyncset.done $0x0  }
0x130: {  	s29 =	simm.s32 $0x0;
	[sflag:s0] =	ssyncadd.s32 $0xFFFFEFE0  }
0x131: {  	v0 =	vld.msk [tilespmem:s29+$0xF218], $0x1;
	_ =	sdelay $0x1  }
0x132: {  	s30 =	simm.s32 $0x1  }
0x133: {  	v1 =	vld.msk [tilespmem:s30+$0xF218], $0x1;
	_ =	sdelay $0x1  }
0x134: {  	(v2sf) =	vpush v0, $0x0;
	_ =	sdelay $0x2  }
0x135: {  	(v2sf) =	vpush v1, $0x0;
	_ =	sdelay $0x2  }
0x136: {  	s31 =	simm.s32 $0x2  }
0x137: {  	v0 =	vld.msk [tilespmem:s31+$0xF218], $0x1;
	_ =	sdelay $0x2  }
0x138: {  	s4 =	simm.s32 $0xFFFFFFFF;
	s5 =	simm.s32 $0xFFFFFFFF;
	s0 =	simm.s32 $0xC  }
.LBB2_24:
0x139: {  	s2 =	smov.u32 s5;
	s3 =	smov.u32 s4  }
0x13a: {  	s4 =	sshra.s32 s0, $0x2;
	p1 =	sne.s32 s0, $0x7C;
	s0 =	sadd.s32 $0x4, s0;
	(v2sf) =	vpush v0, $0x0  }
0x13b: {  	v0 =	vld.msk [tilespmem:s4+$0xF218], $0x1  }
.Ltmp18:
0x13c: {  	(pc) =	sbr.rel @p1 .LBB2_24-.Ltmp18, $4  }
0x13d: {  	s5 =	spop (v2sf)  }
0x13e: {  	p2 =	sne.s32 s3, $0xFFFFFFFF;
	s4 =	smov.u32 s5  }
0x13f: {  	p3 =	seq.s32 s5, $0xFFFFFFFF;
	s4 =	smov.u32 @p2 s3  }
0x140: {  	s5 =	smov.u32 @p3 s2;
	s4 =	smov.u32 @p3 s3  }
0x141: {  	(v2sf) =	vpush v0, $0x0;
	_ =	sdelay $0x8  }
0x142: {  	s0 =	spop (v2sf)  }
0x143: {  	p1 =	sne.s32 s4, $0xFFFFFFFF;
	s2 =	smov.u32 s0  }
0x144: {  	s9 =	simm.s32 $0x6;
	p2 =	seq.s32 s0, $0xFFFFFFFF;
	s2 =	smov.u32 @p1 s4  }
0x145: {  	s6 =	simm.s32 $0x0;
	s2 =	smov.u32 @p2 s4;
	s3 =	spop (v2sf)  }
0x146: {  	s0 =	smov.u32 @p2 s5;
	p1 =	sne.s32 s2, $0xFFFFFFFF;
	s4 =	smov.u32 s3  }
.Ltmp19:
0x147: {  	p2 =	seq.s32 s3, $0xFFFFFFFF;
	s4 =	smov.u32 @p1 s2;
	(pc) =	sbr.rel .LBB2_26-.Ltmp19, $4  }
0x148: {  	s10 =	simm.s32 $0xF188;
	s4 =	smov.u32 @p2 s2;
	s7 =	spop (v2sf)  }
0x149: {  	s11 =	simm.s32 $0x0;
	p1 =	sne.s32 s4, $0xFFFFFFFF;
	s8 =	smov.u32 s7  }
0x14a: {  	s3 =	smov.u32 @p2 s0;
	p2 =	seq.s32 s7, $0xFFFFFFFF;
	s8 =	smov.u32 @p1 s4  }
0x14b: {  	[sflag:s9] =	ssyncpa.u1 $0x0;
	s7 =	smov.u32 @p2 s3;
	s8 =	smov.u32 @p2 s4  }
.LBB2_32:
0x14c: {  	p1 =	sgt.u32 s12, $0x270F0  }
0x14d: {  	p2 =	seq.s32 @!p1 s12, s8  }
0x14e: {  	p1 =	por p1, p2  }
0x14f: {  	p2 =	sne.s32 @!p1 s12, s7  }
0x150: {  	p1 =	por p1, !p2  }
0x151: {  	s0 =	sshll.u32 @p1 s11, $0x9  }
0x152: {  	s0 =	sand.u32 @!p1 $0x3FFF8, s12  }
0x153: {  	s2 =	sand.u32 @!p1 $0x7, s12;
	s0 =	sadd.s32 @!p1 s1, s0  }
0x154: {  	[tilespmem:s10], [sflag:$0x6] =	stream.linear.gather @!p1 [hbm4b:s0+s2], $0x80, $0x38;
	[tilespmem:$0x1F6F8] =	vst v63  }
0x155: {  	_ =	swait.ge @!p1 [sflag:s9], $0x80  }
0x156: {  	[sflag:s9] =	ssyncset.done @!p1 $0x0  }
0x157: {  	[sflag:s9] =	ssyncadd.s32 @!p1 $0xFFFFFF80  }
0x158: {  	v1 =	vld @!p1 [tilespmem:$0xF188];
	_ =	sdelay $0x2  }
0x159: {  	s0 =	sshll.u32 @!p1 s11, $0x9  }
0x15a: {  	s2 =	sshrl.u32 @!p1 s0, $0x2  }
0x15b: {  	[tilespmem:s2+$0xF238] =	vst.add.f32.msk @!p1 $0xffff, v1  }
0x15c: {  	v1 =	vld @!p1 [tilespmem:$0xF198];
	_ =	sdelay $0x4  }
0x15d: {  	[tilespmem:s2+$0xF248] =	vst.add.f32.msk @!p1 $0xffff, v1  }
0x15e: {  	v1 =	vld @!p1 [tilespmem:$0xF1A8];
	_ =	sdelay $0x4  }
0x15f: {  	[tilespmem:s2+$0xF258] =	vst.add.f32.msk @!p1 $0xffff, v1  }
0x160: {  	v1 =	vld @!p1 [tilespmem:$0xF1B8];
	_ =	sdelay $0x4  }
0x161: {  	[tilespmem:s2+$0xF268] =	vst.add.f32.msk @!p1 $0xffff, v1  }
0x162: {  	v1 =	vld @!p1 [tilespmem:$0xF1C8];
	_ =	sdelay $0x4  }
0x163: {  	[tilespmem:s2+$0xF278] =	vst.add.f32.msk @!p1 $0xffff, v1  }
0x164: {  	v1 =	vld @!p1 [tilespmem:$0xF1D8];
	_ =	sdelay $0x4  }
0x165: {  	[tilespmem:s2+$0xF288] =	vst.add.f32.msk @!p1 $0xffff, v1  }
0x166: {  	v1 =	vld @!p1 [tilespmem:$0xF1E8];
	_ =	sdelay $0x4  }
0x167: {  	[tilespmem:s2+$0xF298] =	vst.add.f32.msk @!p1 $0xffff, v1  }
0x168: {  	v1 =	vld @!p1 [tilespmem:$0xF1F8];
	_ =	sdelay $0x4  }
0x169: {  	[tilespmem:s2+$0xF2A8] =	vst.add.f32.msk @!p1 $0xffff, v1  }
0x16a: {  	s0 =	sshrl.u32 s0, $0x2;
	[tilespmem:s6+$0xF218] =	vst.msk $0x1, v0  }
0x16b: {  	v0 =	vld [tilespmem:s0+$0xF238];
	_ =	sdelay $0x2  }
0x16c: {  	s31 =	sshll.u32 s6, $0x9  }
0x16d: {  	s2 =	sshra.s32 s31, $0x2  }
0x16e: {  	[tilespmem:s2+$0xF238] =	vst v0  }
0x16f: {  	v0 =	vld [tilespmem:s0+$0xF248];
	_ =	sdelay $0x4  }
0x170: {  	[tilespmem:s2+$0xF248] =	vst v0  }
0x171: {  	v0 =	vld [tilespmem:s0+$0xF258];
	_ =	sdelay $0x4  }
0x172: {  	[tilespmem:s2+$0xF258] =	vst v0  }
0x173: {  	v0 =	vld [tilespmem:s0+$0xF268];
	_ =	sdelay $0x4  }
0x174: {  	[tilespmem:s2+$0xF268] =	vst v0  }
0x175: {  	v0 =	vld [tilespmem:s0+$0xF278];
	_ =	sdelay $0x4  }
0x176: {  	[tilespmem:s2+$0xF278] =	vst v0  }
0x177: {  	v0 =	vld [tilespmem:s0+$0xF288];
	_ =	sdelay $0x4  }
0x178: {  	[tilespmem:s2+$0xF288] =	vst v0  }
0x179: {  	v0 =	vld [tilespmem:s0+$0xF298];
	_ =	sdelay $0x4  }
0x17a: {  	[tilespmem:s2+$0xF298] =	vst v0  }
0x17b: {  	v0 =	vld [tilespmem:s0+$0xF2A8];
	_ =	sdelay $0x4  }
0x17c: {  	s6 =	sadd.s32 $0x1, s6;
	[tilespmem:s2+$0xF2A8] =	vst v0  }
.LBB2_33:
0x17d: {  	s11 =	sadd.s32 $0x1, s11  }
0x17e: {  	p1 =	sne.s32 s11, $0x20  }
.Ltmp20:
0x17f: {  	_ = 	snop;
	(pc) =	sbr.rel @!p1 .LBB2_34-.Ltmp20, $1  }
0x180: {  	_ =	sdelay $0x3  }
.LBB2_26:
0x181: {  	v0 =	vld.msk [tilespmem:s11+$0xF218], $0x1;
	_ =	sdelay $0x4  }
0x182: {  	(v2sf) =	vpush v0, $0x0;
	_ =	sdelay $0xe  }
0x183: {  	s12 =	spop (v2sf)  }
0x184: {  	p1 =	seq.s32 s12, $0xFFFFFFFF  }
.Ltmp21:
0x185: {  	_ = 	snop;
	(pc) =	sbr.rel @p1 .LBB2_33-.Ltmp21, $1  }
0x186: {  	_ =	sdelay $0x3  }
0x187: {  	p1 =	slt.s32 s6, $0x1  }
.Ltmp22:
0x188: {  	_ = 	snop;
	(pc) =	sbr.rel @p1 .LBB2_32-.Ltmp22, $1  }
0x189: {  	_ =	sdelay $0x3  }
0x18a: {  	s13 =	simm.s32 $0xF218;
	p1 =	por $0x0, $0x0  }
0x18b: {  	v1 =	vld.msk @!p1 [tilespmem:s13+$0x0], $0x1;
	_ =	sdelay $0x4  }
0x18c: {  	(v2sf) =	vpush @!p1 v1, $0x0;
	_ =	sdelay $0xd  }
0x18d: {  	p3 =	sne.s32 s6, $0x1  }
.Ltmp23:
0x18e: {  	s0 =	spop @!p1 (v2sf);
	(pc) =	sbr.rel @!p3 .LBB2_30-.Ltmp23, $4  }
0x18f: {  	p2 =	seq.s32 @!p1 s12, s0  }
0x190: {  	s14 =	simm.s32 $0x0;
	p2 =	por !p2, p1  }
0x191: {  	s2 =	simm.s32 $0xFFFFFFFF;
	s14 =	simm.s32 @p2 $0xFFFFFFFF  }
0x192: {  	s0 =	simm.s32 $0x1;
	s14 =	smov.u32 @p1 s2  }
.LBB2_29:
0x193: {  	s2 =	smov.u32 s14;
	p1 =	sne.s32 s14, $0xFFFFFFFF  }
0x194: {  	s13 =	sadd.s32 $0x1, s13;
	s14 =	smov.u32 s0;
	s0 =	sadd.s32 $0x1, s0  }
0x195: {  	p2 =	sne.s32 s6, s0;
	v1 =	vld.msk @!p1 [tilespmem:s13+$0x0], $0x1;
	_ =	sdelay $0x4  }
0x196: {  	(v2sf) =	vpush @!p1 v1, $0x0;
	_ =	sdelay $0xe  }
.Ltmp24:
0x197: {  	s3 =	spop @!p1 (v2sf);
	(pc) =	sbr.rel @p2 .LBB2_29-.Ltmp24, $4  }
0x198: {  	p3 =	seq.s32 @!p1 s12, s3  }
0x199: {  	p3 =	por !p3, p1  }
0x19a: {  	s14 =	simm.s32 @p3 $0xFFFFFFFF  }
0x19b: {  	s14 =	smov.u32 @p1 s2  }
.LBB2_30:
0x19c: {  	p1 =	seq.s32 s14, $0xFFFFFFFF  }
.Ltmp25:
0x19d: {  	_ = 	snop;
	(pc) =	sbr.rel @p1 .LBB2_32-.Ltmp25, $1  }
0x19e: {  	_ =	sdelay $0x3  }
0x19f: {  	s0 =	sshll.u32 s11, $0x7  }
0x1a0: {  	s0 =	sand.u32 $0x3FFFFF80, s0  }
0x1a1: {  	v0 =	vld [tilespmem:s0+$0xF238];
	_ =	sdelay $0x2  }
0x1a2: {  	s2 =	sshll.u32 s14, $0x9  }
0x1a3: {  	s2 =	sshra.s32 s2, $0x2  }
0x1a4: {  	[tilespmem:s2+$0xF238] =	vst.add.f32.msk $0xffff, v0  }
0x1a5: {  	v0 =	vld [tilespmem:s0+$0xF248];
	_ =	sdelay $0x4  }
0x1a6: {  	[tilespmem:s2+$0xF248] =	vst.add.f32.msk $0xffff, v0  }
0x1a7: {  	v0 =	vld [tilespmem:s0+$0xF258];
	_ =	sdelay $0x4  }
0x1a8: {  	[tilespmem:s2+$0xF258] =	vst.add.f32.msk $0xffff, v0  }
0x1a9: {  	v0 =	vld [tilespmem:s0+$0xF268];
	_ =	sdelay $0x4  }
0x1aa: {  	[tilespmem:s2+$0xF268] =	vst.add.f32.msk $0xffff, v0  }
0x1ab: {  	v0 =	vld [tilespmem:s0+$0xF278];
	_ =	sdelay $0x4  }
0x1ac: {  	[tilespmem:s2+$0xF278] =	vst.add.f32.msk $0xffff, v0  }
0x1ad: {  	v0 =	vld [tilespmem:s0+$0xF288];
	_ =	sdelay $0x4  }
0x1ae: {  	[tilespmem:s2+$0xF288] =	vst.add.f32.msk $0xffff, v0  }
0x1af: {  	v0 =	vld [tilespmem:s0+$0xF298];
	_ =	sdelay $0x4  }
0x1b0: {  	[tilespmem:s2+$0xF298] =	vst.add.f32.msk $0xffff, v0  }
0x1b1: {  	v0 =	vld [tilespmem:s0+$0xF2A8]  }
.Ltmp26:
0x1b2: {  	_ = 	snop;
	(pc) =	sbr.rel .LBB2_33-.Ltmp26, $2  }
0x1b3: {  	_ =	sdelay $0x2  }
0x1b4: {  	[tilespmem:s2+$0xF2A8] =	vst.add.f32.msk $0xffff, v0  }
.LBB2_34:
0x1b5: {  	s0 =	simm.s32 $0x6;
	p1 =	seq.s32 s6, $0x0  }
0x1b6: {  	[sflag:s0] =	ssyncpa.u1 $0x1;
	v0 =	vimm.s32 @p1 $0xFFFFFFFF  }
0x1b7: {  	s9 =	sadd.s32 $0xFFFFFFFF, s6;
	[tilespmem:$0x10238] =	vst @p1 v0  }
0x1b8: {  	v0 =	vld.msk @!p1 [tilespmem:s9+$0xF218], $0x1;
	_ =	sdelay $0x1  }
0x1b9: {  	v1 =	vld.msk @!p1 [tilespmem:$0xF218], $0x1;
	_ =	sdelay $0x2  }
0x1ba: {  	p2 =	seq.s32 @!p1 s9, $0x0;
	v0 =	vbroadcast @!p1 v0, $0x0  }
0x1bb: {  	vm0 =	vmmov @!p1 $0x1;
	p2 =	por !p2, p1  }
0x1bc: {  	v1 =	vnsel @!p1 vm0, $0xFFFFFFFF, v1;
	vm0 =	vcmask @!p1 $0x308;
	v0 =	vpsel !p2, $0xFFFFFFFF, v0  }
0x1bd: {  	p2 =	sne.s32 @!p1 s8, s7;
	v0 =	vsel @!p1 vm0, v1, v0  }
0x1be: {  	s0 =	simm.s32 @!p1 $0xF238;
	s2 =	simm.s32 @!p1 $0x0;
	p3 =	por !p2, p1;
	[tilespmem:$0x10238] =	vst @!p1 v0  }
0x1bf: {  	[spmem:s2] =	stream.linear.scatter @!p1 [tilespmem:s0], [sflag:$0x1], $0x80, $0x38;
	[tilespmem:$0x1F6F8] =	vst v63  }
0x1c0: {  	s0 =	sshll.u32 @!p3 s9, $0x9  }
0x1c1: {  	s0 =	sshra.s32 @!p3 s0, $0x2  }
0x1c2: {  	s2 =	simm.s32 @!p3 $0x80;
	s0 =	sadd.s32 @!p3 $0xF238, s0  }
0x1c3: {  	[spmem:s2] =	stream.linear.scatter @!p3 [tilespmem:s0], [sflag:$0x1], $0x80, $0x38;
	[tilespmem:$0x1F6F8] =	vst v63  }
0x1c4: {  	s0 =	simm.s32 @!p3 $0x1  }
0x1c5: {  	_ =	swait.ge @!p3 [sflag:s0], $0x100  }
0x1c6: {  	p1 =	por p2, p1;
	[sflag:s0] =	ssyncset.done @!p3 $0x0  }
0x1c7: {  	[sflag:s0] =	ssyncadd.s32 @!p3 $0xFFFFFF00;
	s0 =	simm.s32 @!p1 $0x1  }
0x1c8: {  	_ =	swait.ge @!p1 [sflag:s0], $0x80  }
0x1c9: {  	s29 =	simm.s32 $0x10238;
	[sflag:s0] =	ssyncset.done @!p1 $0x0  }
0x1ca: {  	s30 =	simm.s32 $0x1000;
	s31 =	simm.s32 $0x1;
	[sflag:s0] =	ssyncadd.s32 @!p1 $0xFFFFFF80  }
0x1cb: {  	[spmem:s30] =	stream.linear.scatter [tilespmem:s29], [sflag:$0x1], $0x10, $0x38;
	[tilespmem:$0x1F6F8] =	vst v63  }
0x1cc: {  	_ =	swait.ge [sflag:s31], $0x10  }
0x1cd: {  	[sflag:s31] =	ssyncset.done $0x0  }
0x1ce: {  	p1 =	seq.s32 s15, $0x0;
	s8 =	rddreg [dreg:$0x1];
	[sflag:s31] =	ssyncadd.s32 $0xFFFFFFF0  }
0x1cf: {  	s2 =	sshll.u32 @p1 s8, $0xE;
	s7 =	rddreg [dreg:$0x2]  }
0x1d0: {  	s0 =	sadd.s32 @p1 $0x15C3C, s2;
	s2 =	sshll.u32 @p1 s7, $0x11  }
0x1d1: {  	_ =	sfence.stream.spmem;
	s0 =	sor.u32 @p1 s2, s0  }
0x1d2: {  	[sflag:s0] =	ssyncadd.remote.s32 @p1 $0x1;
	s0 =	simm.s32 @p1 $0x4  }
0x1d3: {  	s3 =	simm.s32 @!p1 $0x3C;
	s2 =	sand.u32 $0xFFFFFFFE, s8;
	_ =	swait.ge @p1 [sflag:s0], $0x22  }
0x1d4: {  	s4 =	simm.s32 @!p1 $0x0;
	s2 =	sadd.s32 @!p1 $0x4, s2;
	[sflag:s0] =	ssyncset.done @p1 $0x0  }
0x1d5: {  	s5 =	simm.s32 @!p1 $0x100;
	[sflag:s0] =	ssyncadd.s32 @p1 $0xFFFFFFDE;
	s0 =	sshll.u32 @!p1 s2, $0x1A  }
0x1d6: {  	s2 =	sshll.u32 @!p1 s2, $0xD;
	s0 =	sor.u32 @!p1 s0, s7;
	_ =	swait.eq @!p1 [sflag:s3], $0x1  }
0x1d7: {  	s2 =	sor.u32 @!p1 $0x1C04, s2;
	s3 =	simm.s32 @!p1 $0x1C03;
	s0 =	sor.u32 @!p1 $0x80004000, s0  }
0x1d8: {  	[spmem:s5], [sflag:s2] =	dma.general @!p1 [spmem:s4], [sflag:s3], length:$0x20, [dreg:$0x0], stride_count:$0x0, ici_dest:s0, dma_misc:DstOpCode:WRITE  }
0x1d9: {  	p2 =	slt.s32 s9, $0x2;
	s4 =	simm.s32 @!p1 $0x200;
	s5 =	simm.s32 @!p1 $0x202  }
0x1da: {  	[spmem:s5], [sflag:s2] =	dma.general @!p1 [spmem:s4], [sflag:s3], length:$0x2, [dreg:$0x0], stride_count:$0x0, ici_dest:s0, dma_misc:DstOpCode:WRITE  }
.Ltmp27:
0x1db: {  	s0 =	simm.s32 @!p1 $0x3;
	(pc) =	sbr.rel @p2 .LBB2_38-.Ltmp27, $4  }
0x1dc: {  	s2 =	sshll.u32 @!p1 s8, $0xE;
	_ =	swait.ge @!p1 [sflag:s0], $0x22  }
0x1dd: {  	s3 =	sshll.u32 @!p1 s7, $0x11;
	s2 =	sadd.s32 @!p1 $0x11C3C, s2;
	[sflag:s0] =	ssyncset.done @!p1 $0x0  }
0x1de: {  	[sflag:s0] =	ssyncadd.s32 @!p1 $0xFFFFFFDE;
	s0 =	sor.u32 @!p1 s3, s2  }
0x1df: {  	[sflag:s0] =	ssyncadd.remote.s32 @!p1 $0xFFFFFFFF;
	s0 =	simm.s32 $0x0  }
0x1e0: {  	s0 =	simm.s32 $0xF219  }
0x1e1: {  	v0 =	vld.msk [tilespmem:s0+$0x0], $0x1;
	_ =	sdelay $0x4  }
0x1e2: {  	(v2sf) =	vpush v0, $0x0;
	_ =	sdelay $0xb  }
0x1e3: {  	s31 =	sadd.s32 $0xFFFFFFFE, s6  }
0x1e4: {  	s0 =	sadd.s32 $0xFFFFFFFF, s31  }
0x1e5: {  	p2 =	sne.s32 s0, $0x0  }
.Ltmp28:
0x1e6: {  	s2 =	spop (v2sf);
	(pc) =	sbr.rel @!p2 .LBB2_37-.Ltmp28, $4  }
0x1e7: {  	s4 =	simm.s32 $0xF2B8;
	s7 =	simm.s32 $0x0;
	p1 =	sgt.u32 s2, $0x270F0  }
0x1e8: {  	s5 =	simm.s32 $0x0;
	s6 =	simm.s32 $0xF21A;
	s3 =	sand.u32 @!p1 $0x3FFF8, s2  }
0x1e9: {  	s2 =	sand.u32 @!p1 $0x7, s2;
	s7 =	simm.s32 @!p1 $0x200;
	s3 =	sadd.s32 @!p1 s1, s3  }
0x1ea: {  	[hbm4b:s3+s2] =	stream.linear.scatter @!p1 [tilespmem:s4], [sflag:$0x5], $0x80, $0x38;
	[tilespmem:$0x1F6F8] =	vst v63  }
.LBB2_36:
0x1eb: {  	v0 =	vld.msk [tilespmem:s6+$0x0], $0x1;
	s0 =	sadd.s32 $0xFFFFFFFF, s0;
	s5 =	sadd.s32 s5, s7  }
0x1ec: {  	p1 =	sne.s32 s0, $0x0;
	_ =	sdelay $0x3  }
0x1ed: {  	(v2sf) =	vpush v0, $0x0;
	_ =	sdelay $0xe  }
.Ltmp29:
0x1ee: {  	s2 =	spop (v2sf);
	(pc) =	sbr.rel @p1 .LBB2_36-.Ltmp29, $4  }
0x1ef: {  	s7 =	simm.s32 $0x0;
	p2 =	sgt.u32 s2, $0x270F0  }
0x1f0: {  	s4 =	sadd.s32 $0x80, s4;
	s7 =	simm.s32 @!p2 $0x200;
	s3 =	sand.u32 @!p2 $0x3FFF8, s2  }
0x1f1: {  	s6 =	sadd.s32 $0x1, s6;
	s2 =	sand.u32 @!p2 $0x7, s2;
	s3 =	sadd.s32 @!p2 s1, s3  }
0x1f2: {  	[hbm4b:s3+s2] =	stream.linear.scatter @!p2 [tilespmem:s4], [sflag:$0x5], $0x80, $0x38;
	[tilespmem:$0x1F6F8] =	vst v63  }
.LBB2_37:
0x1f3: {  	s0 =	sadd.s32 s5, s7  }
0x1f4: {  	s0 =	sshrl.u32 s0, $0x2  }
.LBB2_38:
0x1f5: {  	s2 =	simm.s32 $0x5  }
0x1f6: {  	_ =	swait.ge [sflag:s2], s0  }
0x1f7: {  	s31 =	ssub.s32 $0x0, s0;
	[sflag:s2] =	ssyncset.done $0x0  }
0x1f8: {  	[sflag:s2] =	ssyncadd.s32 s31  }
0x1f9: {  	[sflag:s2] =	ssyncpa.u1 $0x1  }
.LBB2_39:
0x1fa: {  	s0 =	sor.u32 s15, s16  }
0x1fb: {  	p1 =	sne.s32 s0, $0x0  }
.Ltmp30:
0x1fc: {  	_ = 	snop;
	(pc) =	sbr.rel @p1 .LBB2_54-.Ltmp30, $3  }
0x1fd: {  	_ =	sdelay $0x1  }
0x1fe: {  	[bflag:$0x0] =	sbarrier.arrive $0xFFFF  }
0x1ff: {  	_ =	sfence  }
0x200: {  	s0 =	simm.s32 $0x7  }
0x201: {  	s2 =	simm.s32 $0x1000;
	s3 =	simm.s32 $0xF218;
	[sflag:s0] =	ssyncpa.u1 $0x0  }
0x202: {  	[tilespmem:s3], [sflag:$0x7] =	stream.linear.gather [spmem:s2], $0x20, $0x38;
	[tilespmem:$0x1F6F8] =	vst v63  }
0x203: {  	s30 =	simm.s32 $0xF238;
	s2 =	simm.s32 $0x0  }
0x204: {  	[tilespmem:s30], [sflag:$0x7] =	stream.linear.gather [spmem:s2], $0x1000, $0x38;
	[tilespmem:$0x1F6F8] =	vst v63  }
.Ltmp31:
0x205: {  	_ = 	snop;
	(pc) =	sbr.rel .LBB2_41-.Ltmp31, $4  }
0x206: {  	_ =	swait.ge [sflag:s0], $0x1020  }
0x207: {  	[sflag:s0] =	ssyncset.done $0x0  }
0x208: {  	s31 =	simm.s32 $0x8;
	[sflag:s0] =	ssyncadd.s32 $0xFFFFEFE0  }
0x209: {  	s3 =	simm.s32 $0x0;
	[sflag:s31] =	ssyncpa.u1 $0x0  }
.LBB2_47:
0x20a: {  	p1 =	slt.u32 s4, $0x270F1  }
0x20b: {  	s0 =	sand.u32 @p1 $0x3FFF8, s4  }
0x20c: {  	s4 =	sand.u32 @p1 $0x7, s4;
	s5 =	simm.s32 @p1 $0xF188;
	s0 =	sadd.s32 @p1 s1, s0  }
0x20d: {  	[tilespmem:s5], [sflag:$0x8] =	stream.linear.gather @p1 [hbm4b:s0+s4], $0x80, $0x38;
	[tilespmem:$0x1F6F8] =	vst v63  }
0x20e: {  	s0 =	simm.s32 @p1 $0x8  }
0x20f: {  	_ =	swait.ge @p1 [sflag:s0], $0x80  }
0x210: {  	[sflag:s0] =	ssyncset.done @p1 $0x0  }
0x211: {  	[sflag:s0] =	ssyncadd.s32 @p1 $0xFFFFFF80  }
0x212: {  	v1 =	vld @p1 [tilespmem:$0xF188];
	_ =	sdelay $0x2  }
0x213: {  	s0 =	sshll.u32 @p1 s3, $0x9  }
0x214: {  	s4 =	sshrl.u32 @p1 s0, $0x2  }
0x215: {  	[tilespmem:s4+$0xF238] =	vst.add.f32.msk @p1 $0xffff, v1  }
0x216: {  	v1 =	vld @p1 [tilespmem:$0xF198];
	_ =	sdelay $0x4  }
0x217: {  	[tilespmem:s4+$0xF248] =	vst.add.f32.msk @p1 $0xffff, v1  }
0x218: {  	v1 =	vld @p1 [tilespmem:$0xF1A8];
	_ =	sdelay $0x4  }
0x219: {  	[tilespmem:s4+$0xF258] =	vst.add.f32.msk @p1 $0xffff, v1  }
0x21a: {  	v1 =	vld @p1 [tilespmem:$0xF1B8];
	_ =	sdelay $0x4  }
0x21b: {  	[tilespmem:s4+$0xF268] =	vst.add.f32.msk @p1 $0xffff, v1  }
0x21c: {  	v1 =	vld @p1 [tilespmem:$0xF1C8];
	_ =	sdelay $0x4  }
0x21d: {  	[tilespmem:s4+$0xF278] =	vst.add.f32.msk @p1 $0xffff, v1  }
0x21e: {  	v1 =	vld @p1 [tilespmem:$0xF1D8];
	_ =	sdelay $0x4  }
0x21f: {  	[tilespmem:s4+$0xF288] =	vst.add.f32.msk @p1 $0xffff, v1  }
0x220: {  	v1 =	vld @p1 [tilespmem:$0xF1E8];
	_ =	sdelay $0x4  }
0x221: {  	[tilespmem:s4+$0xF298] =	vst.add.f32.msk @p1 $0xffff, v1  }
0x222: {  	v1 =	vld @p1 [tilespmem:$0xF1F8];
	_ =	sdelay $0x3  }
0x223: {  	s5 =	sshll.u32 @!p1 s3, $0x9  }
0x224: {  	s5 =	smov.u32 @p1 s0;
	[tilespmem:s4+$0xF2A8] =	vst.add.f32.msk @p1 $0xffff, v1  }
0x225: {  	s0 =	sshrl.u32 s5, $0x2;
	[tilespmem:s2+$0xF218] =	vst.msk $0x1, v0  }
0x226: {  	v0 =	vld [tilespmem:s0+$0xF238];
	_ =	sdelay $0x2  }
0x227: {  	s31 =	sshll.u32 s2, $0x9  }
0x228: {  	s4 =	sshra.s32 s31, $0x2  }
0x229: {  	[tilespmem:s4+$0xF238] =	vst v0  }
0x22a: {  	v0 =	vld [tilespmem:s0+$0xF248];
	_ =	sdelay $0x4  }
0x22b: {  	[tilespmem:s4+$0xF248] =	vst v0  }
0x22c: {  	v0 =	vld [tilespmem:s0+$0xF258];
	_ =	sdelay $0x4  }
0x22d: {  	[tilespmem:s4+$0xF258] =	vst v0  }
0x22e: {  	v0 =	vld [tilespmem:s0+$0xF268];
	_ =	sdelay $0x4  }
0x22f: {  	[tilespmem:s4+$0xF268] =	vst v0  }
0x230: {  	v0 =	vld [tilespmem:s0+$0xF278];
	_ =	sdelay $0x4  }
0x231: {  	[tilespmem:s4+$0xF278] =	vst v0  }
0x232: {  	v0 =	vld [tilespmem:s0+$0xF288];
	_ =	sdelay $0x4  }
0x233: {  	[tilespmem:s4+$0xF288] =	vst v0  }
0x234: {  	v0 =	vld [tilespmem:s0+$0xF298];
	_ =	sdelay $0x4  }
0x235: {  	[tilespmem:s4+$0xF298] =	vst v0  }
0x236: {  	v0 =	vld [tilespmem:s0+$0xF2A8];
	_ =	sdelay $0x4  }
0x237: {  	s2 =	sadd.s32 $0x1, s2;
	[tilespmem:s4+$0xF2A8] =	vst v0  }
.LBB2_48:
0x238: {  	s3 =	sadd.s32 $0x1, s3  }
0x239: {  	p1 =	sne.s32 s3, $0x20  }
.Ltmp32:
0x23a: {  	_ = 	snop;
	(pc) =	sbr.rel @!p1 .LBB2_49-.Ltmp32, $1  }
0x23b: {  	_ =	sdelay $0x3  }
.LBB2_41:
0x23c: {  	v0 =	vld.msk [tilespmem:s3+$0xF218], $0x1;
	_ =	sdelay $0x4  }
0x23d: {  	(v2sf) =	vpush v0, $0x0;
	_ =	sdelay $0xe  }
0x23e: {  	s4 =	spop (v2sf)  }
0x23f: {  	p1 =	seq.s32 s4, $0xFFFFFFFF  }
.Ltmp33:
0x240: {  	_ = 	snop;
	(pc) =	sbr.rel @p1 .LBB2_48-.Ltmp33, $1  }
0x241: {  	_ =	sdelay $0x3  }
0x242: {  	p1 =	slt.s32 s2, $0x1  }
.Ltmp34:
0x243: {  	_ = 	snop;
	(pc) =	sbr.rel @p1 .LBB2_47-.Ltmp34, $1  }
0x244: {  	_ =	sdelay $0x3  }
0x245: {  	s5 =	simm.s32 $0xF218;
	p1 =	por $0x0, $0x0  }
0x246: {  	v1 =	vld.msk @!p1 [tilespmem:s5+$0x0], $0x1;
	_ =	sdelay $0x4  }
0x247: {  	(v2sf) =	vpush @!p1 v1, $0x0;
	_ =	sdelay $0xd  }
0x248: {  	p3 =	sne.s32 s2, $0x1  }
.Ltmp35:
0x249: {  	s0 =	spop @!p1 (v2sf);
	(pc) =	sbr.rel @!p3 .LBB2_45-.Ltmp35, $4  }
0x24a: {  	p2 =	seq.s32 @!p1 s4, s0  }
0x24b: {  	s6 =	simm.s32 $0x0;
	p2 =	por !p2, p1  }
0x24c: {  	s7 =	simm.s32 $0xFFFFFFFF;
	s6 =	simm.s32 @p2 $0xFFFFFFFF  }
0x24d: {  	s0 =	simm.s32 $0x1;
	s6 =	smov.u32 @p1 s7  }
.LBB2_44:
0x24e: {  	s7 =	smov.u32 s6;
	p1 =	sne.s32 s6, $0xFFFFFFFF  }
0x24f: {  	s5 =	sadd.s32 $0x1, s5;
	s6 =	smov.u32 s0;
	s0 =	sadd.s32 $0x1, s0  }
0x250: {  	p2 =	sne.s32 s2, s0;
	v1 =	vld.msk @!p1 [tilespmem:s5+$0x0], $0x1;
	_ =	sdelay $0x4  }
0x251: {  	(v2sf) =	vpush @!p1 v1, $0x0;
	_ =	sdelay $0xe  }
.Ltmp36:
0x252: {  	s8 =	spop @!p1 (v2sf);
	(pc) =	sbr.rel @p2 .LBB2_44-.Ltmp36, $4  }
0x253: {  	p3 =	seq.s32 @!p1 s4, s8  }
0x254: {  	p3 =	por !p3, p1  }
0x255: {  	s6 =	simm.s32 @p3 $0xFFFFFFFF  }
0x256: {  	s6 =	smov.u32 @p1 s7  }
.LBB2_45:
0x257: {  	p1 =	seq.s32 s6, $0xFFFFFFFF  }
.Ltmp37:
0x258: {  	_ = 	snop;
	(pc) =	sbr.rel @p1 .LBB2_47-.Ltmp37, $1  }
0x259: {  	_ =	sdelay $0x3  }
0x25a: {  	s0 =	sshll.u32 s3, $0x7  }
0x25b: {  	s0 =	sand.u32 $0x3FFFFF80, s0  }
0x25c: {  	v0 =	vld [tilespmem:s0+$0xF238];
	_ =	sdelay $0x2  }
0x25d: {  	s4 =	sshll.u32 s6, $0x9  }
0x25e: {  	s4 =	sshra.s32 s4, $0x2  }
0x25f: {  	[tilespmem:s4+$0xF238] =	vst.add.f32.msk $0xffff, v0  }
0x260: {  	v0 =	vld [tilespmem:s0+$0xF248];
	_ =	sdelay $0x4  }
0x261: {  	[tilespmem:s4+$0xF248] =	vst.add.f32.msk $0xffff, v0  }
0x262: {  	v0 =	vld [tilespmem:s0+$0xF258];
	_ =	sdelay $0x4  }
0x263: {  	[tilespmem:s4+$0xF258] =	vst.add.f32.msk $0xffff, v0  }
0x264: {  	v0 =	vld [tilespmem:s0+$0xF268];
	_ =	sdelay $0x4  }
0x265: {  	[tilespmem:s4+$0xF268] =	vst.add.f32.msk $0xffff, v0  }
0x266: {  	v0 =	vld [tilespmem:s0+$0xF278];
	_ =	sdelay $0x4  }
0x267: {  	[tilespmem:s4+$0xF278] =	vst.add.f32.msk $0xffff, v0  }
0x268: {  	v0 =	vld [tilespmem:s0+$0xF288];
	_ =	sdelay $0x4  }
0x269: {  	[tilespmem:s4+$0xF288] =	vst.add.f32.msk $0xffff, v0  }
0x26a: {  	v0 =	vld [tilespmem:s0+$0xF298];
	_ =	sdelay $0x4  }
0x26b: {  	[tilespmem:s4+$0xF298] =	vst.add.f32.msk $0xffff, v0  }
0x26c: {  	v0 =	vld [tilespmem:s0+$0xF2A8]  }
.Ltmp38:
0x26d: {  	_ = 	snop;
	(pc) =	sbr.rel .LBB2_48-.Ltmp38, $2  }
0x26e: {  	_ =	sdelay $0x2  }
0x26f: {  	[tilespmem:s4+$0xF2A8] =	vst.add.f32.msk $0xffff, v0  }
.LBB2_49:
0x270: {  	p1 =	slt.s32 s2, $0x1  }
.Ltmp39:
0x271: {  	_ = 	snop;
	(pc) =	sbr.rel @p1 .LBB2_53-.Ltmp39, $3  }
0x272: {  	_ =	sdelay $0x1  }
0x273: {  	s0 =	simm.s32 $0x8  }
0x274: {  	s3 =	simm.s32 $0x0;
	[sflag:s0] =	ssyncpa.u1 $0x1  }
0x275: {  	s0 =	simm.s32 $0xF218  }
0x276: {  	v0 =	vld.msk [tilespmem:s0+$0x0], $0x1;
	_ =	sdelay $0x4  }
0x277: {  	(v2sf) =	vpush v0, $0x0;
	_ =	sdelay $0xe  }
0x278: {  	s0 =	sadd.s32 $0xFFFFFFFF, s2;
	s5 =	spop (v2sf)  }
0x279: {  	p2 =	sne.s32 s0, $0x0;
	p1 =	sgt.u32 s5, $0x270F0  }
.Ltmp40:
0x27a: {  	s6 =	sand.u32 @!p1 $0x3FFF8, s5;
	(pc) =	sbr.rel @!p2 .LBB2_52-.Ltmp40, $4  }
0x27b: {  	s4 =	simm.s32 $0xF238;
	s5 =	sand.u32 @!p1 $0x7, s5;
	s2 =	sadd.s32 @!p1 s1, s6  }
0x27c: {  	[hbm4b:s2+s5] =	stream.linear.scatter @!p1 [tilespmem:s4], [sflag:$0x7], $0x80, $0x38;
	[tilespmem:$0x1F6F8] =	vst v63  }
0x27d: {  	s5 =	simm.s32 $0x0  }
0x27e: {  	s2 =	simm.s32 $0xF219;
	s5 =	simm.s32 @!p1 $0x200  }
.LBB2_51:
0x27f: {  	v0 =	vld.msk [tilespmem:s2+$0x0], $0x1;
	s0 =	sadd.s32 $0xFFFFFFFF, s0;
	s3 =	sadd.s32 s3, s5  }
0x280: {  	p1 =	sne.s32 s0, $0x0;
	_ =	sdelay $0x3  }
0x281: {  	(v2sf) =	vpush v0, $0x0;
	_ =	sdelay $0xe  }
.Ltmp41:
0x282: {  	s6 =	spop (v2sf);
	(pc) =	sbr.rel @p1 .LBB2_51-.Ltmp41, $4  }
0x283: {  	s5 =	simm.s32 $0x0;
	p2 =	sgt.u32 s6, $0x270F0  }
0x284: {  	s4 =	sadd.s32 $0x80, s4;
	s5 =	simm.s32 @!p2 $0x200;
	s7 =	sand.u32 @!p2 $0x3FFF8, s6  }
0x285: {  	s2 =	sadd.s32 $0x1, s2;
	s6 =	sand.u32 @!p2 $0x7, s6;
	s7 =	sadd.s32 @!p2 s1, s7  }
0x286: {  	[hbm4b:s7+s6] =	stream.linear.scatter @!p2 [tilespmem:s4], [sflag:$0x7], $0x80, $0x38;
	[tilespmem:$0x1F6F8] =	vst v63  }
.LBB2_52:
0x287: {  	s0 =	sadd.s32 s3, s5  }
0x288: {  	s3 =	sshrl.u32 s0, $0x2  }
.LBB2_53:
0x289: {  	s0 =	simm.s32 $0x7  }
0x28a: {  	_ =	swait.ge [sflag:s0], s3  }
0x28b: {  	s1 =	ssub.s32 $0x0, s3;
	[sflag:s0] =	ssyncset.done $0x0  }
0x28c: {  	[sflag:s0] =	ssyncadd.s32 s1  }
0x28d: {  	[sflag:s0] =	ssyncpa.u1 $0x1  }
.LBB2_54:
0x28e: {  	_ =	sfence;
	s0 =	simm.s32 $0x1  }
0x28f: {  	[sflag:s0] =	ssyncpa.u1 $0x1  }
0x290: {  	_ =	strace $0x9000004A  }
0x291: {  	[bflag:$0x2] =	sbarrier.arrive $0xFFFF  }
0x292: {  	s0 =	rddreg [dreg:$0x3]  }
0x293: {  	s0 =	sadd.s32 @!p0 $0x100000, s0  }
0x294: {  	[sflag:s0] =	ssyncadd.tile.s32 @!p0 $0x1;
	_ =	shalt  }
.Lfunc_end2:
_tile_overlayer_lowered:
.L_overlay_start_2:
0x295: {  	(tag) =	ssettag $0x2  }
0x296: {  	s0 =	rddreg [dreg:$0x0];
	s2 =	stileid.u32  }
0x297: {  	s1 =	rddreg [dreg:$0x1];
	p0 =	sne.s32 s2, $0x0  }
0x298: {  	s3 =	rddreg [dreg:$0x2];
	[bflag:$0x3] =	sbarrier.arrive $0xFFFF;
	s2 =	simm.s32 @!p0 $0x1C01  }
0x299: {  	[timem:s3], [sflag:s2] =	dma.local @!p0 [hbm:s0], s1  }
0x29a: {  	s0 =	simm.s32 @!p0 $0x1  }
0x29b: {  	_ =	swait.ge @!p0 [sflag:s0], s1  }
0x29c: {  	s1 =	ssub.s32 @!p0 $0x0, s1;
	[sflag:s0] =	ssyncset.done @!p0 $0x0  }
0x29d: {  	[sflag:s0] =	ssyncadd.s32 @!p0 s1  }
0x29e: {  	[bflag:$0x3] =	sbarrier.arrive $0xFFFF  }
0x29f: {  	_ =	shalt  }

// kernel: scatter_offload_async_start.2
scs
__scs_entry_jumppad:
0x0: {  	(pc) =	sbr.rel $0x88, $3  }
0x1: {  	(tag) =	ssettag $0x0;
	lr =	simm.s32 $0x1  }
0x2: {  	[smem:$0x3F8D] =	sst lr;
	_ =	strace $0xD0000000  }
0x3: {  	_ = 	snop  }
0x4: {  	_ = 	snop  }
0x5: {  	_ = 	snop  }
0x6: {  	_ = 	snop  }
0x7: {  	_ = 	snop  }
__scs_overlays_trampoline_lowered:
0x8: {  	[smem:$0x3F9C] =	sst s0  }
0x9: {  	[smem:$0x3F9D] =	sst s1  }
0xa: {  	[smem:$0x3F9E] =	sst s2  }
0xb: {  	[smem:$0x3F9F] =	sst s3  }
0xc: {  	[smem:$0x3FA0] =	sst s4  }
0xd: {  	[smem:$0x3FA1] =	sst s5  }
0xe: {  	[smem:$0x3FA2] =	sst s6  }
0xf: {  	[smem:$0x3FA3] =	sst s7  }
0x10: {  	[smem:$0x3FA4] =	sst s8  }
0x11: {  	[smem:$0x3FA5] =	sst s9;
	s0 =	simm.s32 @!p0 $0x0  }
0x12: {  	s1 =	sld [smem:$0x3F8B];
	s0 =	simm.s32 @p0 $0x1  }
0x13: {  	[smem:$0x3FA6] =	sst s0;
	s0 =	simm.s32 @!p1 $0x0  }
0x14: {  	s2 =	sld [smem:$0x3F8A];
	s0 =	simm.s32 @p1 $0x1  }
0x15: {  	[smem:$0x3FA7] =	sst s0;
	s0 =	simm.s32 @!p2 $0x0  }
0x16: {  	s3 =	sld [smem:$0x3FDB];
	s0 =	simm.s32 @p2 $0x1  }
0x17: {  	s4 =	simm.s32 $0x1BF5;
	[smem:$0x3FA9] =	sst s0  }
0x18: {  	s0 =	sld [smem:$0x3F8C];
	_ =	swait.ge [sflag:s4], $0x0  }
0x19: {  	s7 =	sld [smem:$0x3F8D]  }
0x1a: {  	s8 =	sadd.s32 $0xFFFFE003, lr  }
0x1b: {  	s9 =	sadd.s32 $0xFFFFFEF7, lr;
	s5 =	simm.s32 $0xFFFFFFFF;
	p2 =	slt.u32 s8, $0xFFFFF086  }
0x1c: {  	p1 =	slt.u32 s9, $0xF7A;
	s5 =	simm.s32 @!p2 $0x0  }
0x1d: {  	s5 =	simm.s32 @p1 $0x1;
	p0 =	seq.s32 s7, s2  }
0x1e: {  	s7 =	smul.u32 @!p0 $0xF7A, s2;
	p2 =	seq.s32 @!p0 s5, $0x0  }
0x1f: {  	s9 =	smul.u32 $0xF7A, s1;
	s8 =	simm.s32 @!p0 $0x1BF5;
	p2 =	por !p2, p0  }
0x20: {  	[sflag:s8] =	ssyncset.s32 @!p0 $0xFFFFF086;
	s6 =	sadd.s32 @!p0 s3, s7;
	s7 =	simm.s32 @!p0 $0x108  }
0x21: {  	s3 =	sadd.s32 s3, s9;
	s6 =	sadd.s32 @!p0 $0x88, s6;
	s7 =	simm.s32 @p2 $0x1082  }
0x22: {  	[simem:s7], [sflag:s8] =	dma.local @!p0 [hbm:s6], $0xF7A  }
0x23: {  	s9 =	sor.u32 $0xD0000000, s2;
	s6 =	simm.s32 $0x108;
	_ =	swait.ge @!p0 [sflag:s8], $0x0  }
0x24: {  	s3 =	sadd.s32 $0x88, s3;
	s6 =	simm.s32 @!p1 $0x1082;
	[sflag:s4] =	ssyncset.s32 $0xFFFFF086  }
0x25: {  	[simem:s6], [sflag:s4] =	dma.local [hbm:s3], $0xF7A  }
0x26: {  	[smem:$0x3F8D] =	sst s1;
	(tag) =	ssettag s2;
	_ =	strace s9  }
0x27: {  	s1 =	sld [smem:$0x3F9D]  }
0x28: {  	s2 =	sld [smem:$0x3F9E]  }
0x29: {  	s4 =	sld [smem:$0x3FA0]  }
0x2a: {  	p0 =	seq.s32 s5, $0x0;
	s5 =	sld [smem:$0x3FA1]  }
0x2b: {  	s6 =	sld [smem:$0x3FA2]  }
0x2c: {  	s7 =	sld [smem:$0x3FA3]  }
0x2d: {  	s3 =	simm.s32 $0x108;
	s8 =	sld [smem:$0x3FA4]  }
0x2e: {  	s3 =	simm.s32 @!p0 $0x1082;
	s9 =	sld [smem:$0x3FA5]  }
0x2f: {  	lr =	sadd.s32 s0, s3;
	s0 =	sld [smem:$0x3F9C]  }
0x30: {  	s3 =	sld [smem:$0x3F9F]  }
0x31: {  	[smem:$0x3FA8] =	sst s10  }
0x32: {  	s10 =	sld [smem:$0x3FA6];
	_ =	sdelay $0x3  }
0x33: {  	p0 =	seq.s32 s10, $0x1;
	s10 =	sld [smem:$0x3FA8];
	_ =	sdelay $0x3  }
0x34: {  	[smem:$0x3FA8] =	sst s10  }
0x35: {  	s10 =	sld [smem:$0x3FA7];
	_ =	sdelay $0x3  }
0x36: {  	p1 =	seq.s32 s10, $0x1;
	s10 =	sld [smem:$0x3FA8];
	_ =	sdelay $0x3  }
0x37: {  	[smem:$0x3FA8] =	sst s10  }
0x38: {  	s10 =	sld [smem:$0x3FA9]  }
0x39: {  	_ = 	snop;
	(pc) =	sbr.ind lr, $3  }
0x3a: {  	_ = 	snop  }
0x3b: {  	_ = 	snop  }
0x3c: {  	p2 =	seq.s32 s10, $0x1;
	s10 =	sld [smem:$0x3FA8]  }
0x3d: {  	_ =	shalt  }
0x3e: {  	_ =	shalt  }
0x3f: {  	_ =	shalt  }
0x40: {  	_ =	shalt  }
0x41: {  	_ =	shalt  }
0x42: {  	_ =	shalt  }
0x43: {  	_ =	shalt  }
0x44: {  	_ =	shalt  }
0x45: {  	_ =	shalt  }
0x46: {  	_ =	shalt  }
0x47: {  	_ =	shalt  }
0x48: {  	_ =	shalt  }
0x49: {  	_ =	shalt  }
0x4a: {  	_ =	shalt  }
0x4b: {  	_ =	shalt  }
0x4c: {  	_ =	shalt  }
0x4d: {  	_ =	shalt  }
0x4e: {  	_ =	shalt  }
0x4f: {  	_ =	shalt  }
0x50: {  	_ =	shalt  }
0x51: {  	_ =	shalt  }
0x52: {  	_ =	shalt  }
0x53: {  	_ =	shalt  }
0x54: {  	_ =	shalt  }
0x55: {  	_ =	shalt  }
0x56: {  	_ =	shalt  }
0x57: {  	_ =	shalt  }
0x58: {  	_ =	shalt  }
0x59: {  	_ =	shalt  }
0x5a: {  	_ =	shalt  }
0x5b: {  	_ =	shalt  }
0x5c: {  	_ =	shalt  }
0x5d: {  	_ =	shalt  }
0x5e: {  	_ =	shalt  }
0x5f: {  	_ =	shalt  }
0x60: {  	_ =	shalt  }
0x61: {  	_ =	shalt  }
0x62: {  	_ =	shalt  }
0x63: {  	_ =	shalt  }
0x64: {  	_ =	shalt  }
0x65: {  	_ =	shalt  }
0x66: {  	_ =	shalt  }
0x67: {  	_ =	shalt  }
0x68: {  	_ =	shalt  }
0x69: {  	_ =	shalt  }
0x6a: {  	_ =	shalt  }
0x6b: {  	_ =	shalt  }
0x6c: {  	_ =	shalt  }
0x6d: {  	_ =	shalt  }
0x6e: {  	_ =	shalt  }
0x6f: {  	_ =	shalt  }
0x70: {  	_ =	shalt  }
0x71: {  	_ =	shalt  }
0x72: {  	_ =	shalt  }
0x73: {  	_ =	shalt  }
0x74: {  	_ =	shalt  }
0x75: {  	_ =	shalt  }
0x76: {  	_ =	shalt  }
0x77: {  	_ =	shalt  }
0x78: {  	_ =	shalt  }
0x79: {  	_ =	shalt  }
0x7a: {  	_ =	shalt  }
0x7b: {  	_ =	shalt  }
0x7c: {  	_ =	shalt  }
0x7d: {  	_ =	shalt  }
0x7e: {  	_ =	shalt  }
0x7f: {  	_ =	shalt  }
0x80: {  	_ =	shalt  }
0x81: {  	_ =	shalt  }
0x82: {  	_ =	shalt  }
0x83: {  	_ =	shalt  }
0x84: {  	_ =	shalt  }
0x85: {  	_ =	shalt  }
0x86: {  	_ =	shalt  }
0x87: {  	_ =	shalt  }
.Lfunc_end0:
.L_simem_size_0:
called_computation.2_lowered:
.L_overlay_start_0:
0x88: {  	s2 =	sld [smem:$0x3FD9]  }
0x89: {  	s3 =	sld [smem:$0x3FFE];
	_ =	sdelay $0x1  }
0x8a: {  	s1 =	srdreg.scid  }
0x8b: {  	s0 =	sand.u32 $0x1, s1  }
0x8c: {  	s15 =	sshll.u32 s0, $0xA;
	s2 =	sadd.s32 s3, s2  }
0x8d: {  	s2 =	sadd.s32 s2, s15  }
0x8e: {  	[smem:$0x3FB4] =	sst s2  }
0x8f: {  	_ = 	snop  }
0x90: {  	(tm) =	ssettm $0x1  }
0x91: {  	s16 =	sld [smem:$0x3FFB];
	_ =	sdelay $0x3  }
0x92: {  	_ =	strace s16  }
0x93: {  	s2 =	sld [smem:$0x3FFC];
	_ =	sdelay $0x3  }
0x94: {  	_ =	strace s2  }
0x95: {  	s2 =	sld [smem:$0x3FFD];
	_ =	sdelay $0x3  }
0x96: {  	_ =	strace s2  }
0x97: {  	_ =	strace $0x8FFFFFFF  }
0x98: {  	s17 =	sld [smem:$0x3FDB];
	_ =	sdelay $0x1  }
0x99: {  	s18 =	simm.s32 $_scs_section_size  }
0x9a: {  	s4 =	simm.s32 $_size__tile_overlayer_lowered;
	s5 =	simm.s32 $_tile_overlayer_lowered  }
0x9b: {  	s21 =	simm.s32 $0x1BFF;
	s20 =	sshll.u32 s5, $0x1;
	s2 =	sadd.s32 s18, s17  }
0x9c: {  	s6 =	simm.s32 $0x0;
	s19 =	sshll.u32 s4, $0x1;
	s4 =	sadd.s32 s20, s2  }
0x9d: {  	[timem:s6], [sflag:s21] =	dma.local [hbm:s4], s19  }
0x9e: {  	_ =	swait.ge [sflag:s21], s19  }
0x9f: {  	s3 =	ssub.s32 $0x0, s19;
	[sflag:s21] =	ssyncset.done $0x0  }
0xa0: {  	[sflag:s21] =	ssyncadd.s32 s3;
	_ =	sdelay $0x1  }
0xa1: {  	s22 =	simm.s32 $0x1B8B  }
0xa2: {  	_ =	swait.ge [sflag:s22], $0x1  }
0xa3: {  	[sflag:s22] =	ssyncset.done $0x0  }
0xa4: {  	s23 =	sld [smem:$0x3FFE];
	[sflag:s22] =	ssyncadd.s32 $0xFFFFFFFF  }
0xa5: {  	s25 =	simm.s32 $0x1B8E;
	s24 =	sld [smem:$0x0]  }
0xa6: {  	s26 =	simm.s32 $execute0_lowered;
	[smem:$0x3FD2] =	sst s25  }
0xa7: {  	s5 =	sshll.u32 s26, $0x1;
	_ =	strace $0x8000004C;
	[dreg:$0x1] =	wrdreg $0xFFFFFFFF  }
0xa8: {  	s28 =	simm.s32 $_size_execute0_lowered;
	s2 =	sadd.s32 s2, s5;
	[dreg:$0x0] =	wrdreg $0x0  }
0xa9: {  	s5 =	sshll.u32 s28, $0x1;
	[dreg:$0x2] =	wrdreg s2  }
0xaa: {  	[dreg:$0x3] =	wrdreg s5  }
0xab: {  	[dreg:$0x4] =	wrdreg $0xC0  }
0xac: {  	_ =	task [dreg:s6], $0x5FFFF  }
0xad: {  	[dreg:$0x1] =	wrdreg $0xFFFFFFFF  }
0xae: {  	[dreg:$0x0] =	wrdreg $0x60  }
0xaf: {  	[dreg:$0x2] =	wrdreg s23  }
0xb0: {  	[dreg:$0x3] =	wrdreg s1  }
0xb1: {  	[dreg:$0x4] =	wrdreg s24  }
0xb2: {  	[dreg:$0x5] =	wrdreg $0x9  }
0xb3: {  	_ =	task.clear_ibuf [dreg:s6], $0x6FFFF;
	_ =	strace $0x9000004C  }
0xb4: {  	s29 =	simm.s32 $0x9;
	_ =	strace $0x8000004E  }
0xb5: {  	_ =	swait.ge [sflag:s29], $0x1  }
0xb6: {  	[sflag:s29] =	ssyncadd.s32 $0xFFFFFFFF  }
0xb7: {  	_ =	strace $0x9000004E  }
0xb8: {  	_ =	sfence  }
0xb9: {  	s30 =	sld [smem:$0x0];
	_ =	sdelay $0x2  }
0xba: {  	s31 =	sshll.u32 s1, $0xD;
	s1 =	sshrl.u32 s1, $0x2  }
0xbb: {  	s3 =	sand.u32 $0x4000, s31;
	s1 =	sadd.s32 s1, s30  }
0xbc: {  	s0 =	sor.u32 s3, s0;
	s1 =	sshll.u32 s1, $0x11  }
0xbd: {  	s0 =	sor.u32 s1, s0  }
0xbe: {  	s0 =	sadd.s32 $0x8F2B, s0  }
0xbf: {  	[sflag:s0] =	ssyncadd.remote.s32 $0x1  }
0xc0: {  	_ =	sfence.sel $0xFFFF  }
0xc1: {  	[dreg:$0x0] =	wrdreg $0xFFFFFFFF;
	(pc) =	sbr.abs _section_cstart, $3  }
0xc2: {  	[dreg:$0x1] =	wrdreg $0xFFFFFFFF  }
0xc3: {  	_ =	task.clear_ibuf [dreg:s6], $0x2FFFF;
	_ =	strace $0x9FFFFFFF  }
0xc4: {  	(tm) =	ssettm $0x7FFFFFFF  }
0xc5: {  	_ =	shalt  }
tec
execute0_lowered:
.L_overlay_start_1:
0x0: {  	(tag) =	ssettag $0x1  }
0x1: {  	s2 =	rddreg [dreg:$0x0]  }
0x2: {  	s4 =	rddreg [dreg:$0x1];
	_ =	strace $0x8000004D;
	s0 =	simm.s32 $0x1  }
0x3: {  	s3 =	simm.s32 $0x88;
	v0 =	vimm.s32 $0x0;
	[sflag:s0] =	ssyncpa.u1 $0x0  }
0x4: {  	[tilespmem:s3+$0x30] =	vst v0  }
0x5: {  	s1 =	sadd.s32 $0x9EE00, s2;
	s0 =	sadd.s32 $0x29600, s2;
	s6 =	sadd.s32 $0x1413C00, s2;
	[tilespmem:s3+$0x20] =	vst v0  }
0x6: {  	s2 =	sadd.s32 $0x3D000, s2;
	s7 =	sand.u32 $0x1, s4;
	s4 =	simm.s32 $0x40;
	[tilespmem:s3+$0x10] =	vst v0  }
.LBB2_1:
0x7: {  	s4 =	sadd.s32 $0x40, s4  }
0x8: {  	[tilespmem:s3+$0x0] =	vst v0;
	s3 =	sadd.s32 $0x40, s3;
	p0 =	slt.u32 s4, $0x5040  }
.Ltmp0:
0x9: {  	(pc) =	sbr.rel @p0 .LBB2_1-.Ltmp0, $4  }
0xa: {  	_ = 	snop  }
0xb: {  	[tilespmem:s3+$0x30] =	vst v0  }
0xc: {  	[tilespmem:s3+$0x20] =	vst v0  }
0xd: {  	[tilespmem:s3+$0x10] =	vst v0  }
0xe: {  	s8 =	stileid.u32  }
0xf: {  	s4 =	smul.u32 $0x3E, s8  }
0x10: {  	s5 =	smin.u32 s8, $0x8  }
0x11: {  	s4 =	sadd.s32 s5, s4  }
0x12: {  	p0 =	slt.u32 s8, $0x8;
	s12 =	smul.u32 $0x140, s4;
	s4 =	simm.s32 $0x4EC0  }
0x13: {  	s4 =	simm.s32 @!p0 $0x4D80  }
0x14: {  	s25 =	simm.s32 $0x2;
	s4 =	sadd.s32 s4, s12  }
0x15: {  	s28 =	simm.s32 $0x9;
	s9 =	simm.s32 $0xA;
	s14 =	smin.u32 s4, $0x4E200  }
0x16: {  	s30 =	simm.s32 $0xB;
	[dreg:$0x4] =	wrdreg s7;
	s4 =	ssub.s32 s14, s12  }
0x17: {  	s31 =	smul.u32 $0x9C40, s7;
	s13 =	simm.s32 $0x1;
	p0 =	sgt.s32 s4, $0x0  }
0x18: {  	s19 =	simm.s32 $0x0;
	s20 =	simm.s32 $0xA808;
	s4 =	simm.s32 @!p0 $0x0  }
0x19: {  	s21 =	simm.s32 $0xFFFFFFFF;
	p1 =	por $0x0, $0x0;
	s26 =	smulhi.u32 $0x66666667, s4  }
0x1a: {  	[tilespmem:s3+$0x0] =	vst v0;
	s23 =	simm.s32 $0x0;
	[sflag:s25] =	ssyncpa.u1 $0x0;
	s18 =	sshll.u32 s8, $0x7  }
0x1b: {  	s0 =	sadd.s32 s31, s0;
	[dreg:$0xa] =	wrdreg s18;
	s3 =	sshrl.u32 s26, $0x7  }
0x1c: {  	v0 =	vimm.s32 $0xFFFFFFFF;
	s17 =	sadd.s32 s31, s2;
	[dreg:$0x9] =	wrdreg s0;
	s29 =	smul.u32 $0x140, s3  }
0x1d: {  	s25 =	simm.s32 $0x0;
	[tilespmem:$0xA108] =	vst v0;
	[sflag:s28] =	ssyncpa.u1 $0x0;
	[dreg:$0x8] =	wrdreg s17  }
.Ltmp1:
0x1e: {  	p0 =	sne.s32 s4, s29;
	s4 =	simm.s32 $0x1;
	(pc) =	sbr.rel .LBB2_3-.Ltmp1, $4  }
0x1f: {  	[sflag:s9] =	ssyncpa.u1 $0x0;
	[dreg:$0x5] =	wrdreg s12;
	s4 =	simm.s32 @!p0 $0x0  }
0x20: {  	[sflag:s30] =	ssyncpa.u1 $0x0;
	[dreg:$0x6] =	wrdreg s14;
	s15 =	sadd.s32 s4, s3  }
0x21: {  	s24 =	smov.u32 s12;
	s22 =	sadd.s32 $0x1, s15;
	[dreg:$0x7] =	wrdreg s15  }
0x22: {  	v0 =	vlaneseq.u32;
	s26 =	simm.s32 $0x0;
	p0 =	por $0x1, $0x1;
	[dreg:$0xb] =	wrdreg s22  }
.LBB2_22:
0x23: {  	s0 =	sshrl.u32 s3, $0x2  }
.LBB2_24:
0x24: {  	s3 =	simm.s32 $0xC  }
0x25: {  	_ =	swait.ge [sflag:s3], s0  }
0x26: {  	s31 =	ssub.s32 $0x0, s0;
	v1 =	vmov s4;
	vm0 =	veq.s32 v0, $0x0;
	[sflag:s3] =	ssyncset.done $0x0  }
0x27: {  	vm15 =	veq.s32 v0, $0x2;
	v1 =	vsel vm0, s2, v1;
	[sflag:s3] =	ssyncadd.s32 s31  }
0x28: {  	v1 =	vsel vm15, s26, v1;
	[sflag:s3] =	ssyncpa.u1 $0x1  }
0x29: {  	[tilespmem:$0xA108] =	vst v1  }
.LBB2_25:
0x2a: {  	s0 =	sadd.s32 $0x140, s24  }
0x2b: {  	s2 =	smov.u32 s12;
	p2 =	slt.s32 s0, s14  }
0x2c: {  	s2 =	smov.u32 @p2 s0;
	p2 =	sne.s32 s25, s22  }
.Ltmp2:
0x2d: {  	_ = 	snop;
	(pc) =	sbr.rel @!p2 .LBB2_26-.Ltmp2, $4  }
0x2e: {  	_ = 	snop  }
0x2f: {  	s26 =	smov.u32 s23;
	s31 =	sadd.s32 $0x1, s25;
	p0 =	por !p0, !p0  }
0x30: {  	s23 =	smov.u32 s24;
	s20 =	sadd.s32 $0x140, s20;
	s21 =	sadd.s32 $0x1, s21  }
0x31: {  	p1 =	por !p1, !p1;
	s25 =	smov.u32 s31;
	s24 =	smov.u32 s2  }
.LBB2_3:
0x32: {  	p2 =	sge.u32 s25, s15  }
0x33: {  	s0 =	smulhi.u32 @!p2 $0xAAAAAAAB, s25  }
0x34: {  	s2 =	smov.u32 s24;
	p3 =	sgt.s32 @!p2 s24, $0x4E0C0  }
0x35: {  	s3 =	sshra.s32 @!p2 s24, $0x1F;
	p3 =	por !p3, p2;
	s0 =	sshrl.u32 @!p2 s0, $0x1  }
0x36: {  	s3 =	sand.u32 @!p2 s3, s24;
	s2 =	simm.s32 @p3 $0x4E0C0;
	s0 =	smul.u32 @!p2 $0x3, s0  }
0x37: {  	s2 =	ssub.s32 @!p2 s2, s3  }
0x38: {  	s2 =	sadd.s32 @!p2 $0xFFFB1F40, s2;
	s0 =	ssub.s32 @!p2 s25, s0  }
0x39: {  	s3 =	sshll.u32 @!p2 s2, $0x2;
	p3 =	sgt.s32 @!p2 s2, $0x13F;
	s0 =	smul.u32 @!p2 $0x500, s0  }
0x3a: {  	s4 =	sand.u32 @!p2 $0x7, s24;
	s2 =	ssub.s32 @!p2 $0x500, s3;
	p3 =	por !p3, p2  }
0x3b: {  	s3 =	sshrl.u32 @!p2 s24, $0x3;
	s2 =	sshrl.u32 @!p2 s2, $0x2;
	s0 =	sshrl.u32 @!p2 s0, $0x2  }
0x3c: {  	s3 =	sadd.s32 @!p2 s3, s17;
	s2 =	simm.s32 @!p3 $0x0;
	s0 =	sadd.s32 @!p2 $0xA948, s0  }
0x3d: {  	[tilespmem:s0], [sflag:$0xA] =	stream.linear.gather @!p2 [hbm4b:s3+s4], s2, $0x38;
	[tilespmem:$0x1EF88] =	vst v63  }
0x3e: {  	s0 =	sadd.s32 $0xFFFFFFFF, s25  }
0x3f: {  	p2 =	sge.u32 s0, s15  }
.Ltmp3:
0x40: {  	_ = 	snop;
	(pc) =	sbr.rel @p2 .LBB2_7-.Ltmp3, $1  }
0x41: {  	_ =	sdelay $0x3  }
0x42: {  	p2 =	sgt.s32 s23, $0x4E0C0;
	s2 =	smov.u32 s23;
	s3 =	sshra.s32 s23, $0x1F  }
0x43: {  	s2 =	simm.s32 @!p2 $0x4E0C0;
	s3 =	sand.u32 s3, s23  }
0x44: {  	s17 =	smulhi.u32 $0xAAAAAAAB, s21;
	s2 =	ssub.s32 s2, s3  }
0x45: {  	s0 =	sand.u32 $0x1, s0;
	s2 =	sadd.s32 $0xFFFB1F40, s2  }
0x46: {  	s5 =	simm.s32 $0xA;
	s3 =	sshrl.u32 s17, $0x1;
	s4 =	sshll.u32 s2, $0x2  }
0x47: {  	s7 =	sshrl.u32 s23, $0x3;
	s3 =	smul.u32 $0xFFFFF100, s3;
	s4 =	ssub.s32 $0x500, s4  }
0x48: {  	s18 =	smul.u32 $0x500, s0;
	p2 =	sgt.s32 s2, $0x13F;
	s2 =	sshrl.u32 s4, $0x2  }
0x49: {  	s9 =	sand.u32 $0x7, s23;
	s3 =	sshra.s32 s3, $0x2;
	s2 =	simm.s32 @p2 $0x0  }
0x4a: {  	s0 =	sadd.s32 s3, s20;
	s4 =	sshrl.u32 s18, $0x2;
	_ =	swait.ge [sflag:s5], s2  }
0x4b: {  	s22 =	ssub.s32 $0x0, s2;
	[sflag:s5] =	ssyncset.done $0x0;
	s8 =	rddreg [dreg:$0x9]  }
0x4c: {  	s4 =	sadd.s32 $0xAD08, s4;
	[sflag:s5] =	ssyncadd.s32 s22;
	s3 =	sadd.s32 s7, s8  }
0x4d: {  	[tilespmem:s4], [sflag:$0xB] =	stream.linear.gather [hbm4b:s3+s9], s2, $0x38;
	[tilespmem:$0x1EF88] =	vst v63  }
0x4e: {  	v1 =	vld.msk [tilespmem:s0+$0x0], $0xffff;
	_ =	sdelay $0x4  }
0x4f: {  	v1 =	vshll.u32 v1, $0x4  }
0x50: {  	(v2sf) =	vpush v1, $0x0  }
0x51: {  	(v2sf) =	vpush v1, $0x1  }
0x52: {  	(v2sf) =	vpush v1, $0x2;
	_ =	sdelay $0x3  }
0x53: {  	(v2sf) =	vpush v1, $0x3;
	_ =	sdelay $0x1  }
0x54: {  	(v2sf) =	vpush v1, $0x4  }
0x55: {  	s2 =	simm.s32 $0x1;
	(v2sf) =	vpush v1, $0x5  }
0x56: {  	s2 =	simm.s32 @!p0 $0x0  }
0x57: {  	s2 =	smul.u32 $0x28000, s2;
	(v2sf) =	vpush v1, $0x6;
	_ =	sdelay $0x1  }
0x58: {  	s2 =	sshrl.u32 s2, $0x2  }
0x59: {  	s28 =	sadd.s32 $0xB708, s2  }
0x5a: {  	s12 =	sadd.s32 $0xFFFFF880, s28;
	s17 =	sadd.s32 $0xFFFFF900, s28;
	s10 =	spop (v2sf);
	(v2sf) =	vpush v1, $0x7  }
0x5b: {  	s18 =	sadd.s32 $0xFFFFF980, s28;
	s11 =	sand.u32 $0x1FFFFFF0, s10;
	s14 =	spop (v2sf)  }
0x5c: {  	(v2sf) =	vpush v1, $0x8;
	s2 =	sadd.s32 s6, s11;
	s15 =	sand.u32 $0x1FFFFFF0, s14;
	s16 =	spop (v2sf)  }
0x5d: {  	[tilespmem:s12], [sflag:$0x9] =	stream.linear.gather [hbm4b:s2+s19], $0x40, $0x38;
	[tilespmem:$0x1EF88] =	vst v63  }
0x5e: {  	s5 =	sadd.s32 $0xFFFFFA00, s28;
	s2 =	sadd.s32 s6, s15;
	s3 =	sand.u32 $0x1FFFFFF0, s16  }
0x5f: {  	(v2sf) =	vpush v1, $0x9;
	[tilespmem:s17], [sflag:$0x9] =	stream.linear.gather [hbm4b:s2+s19], $0x40, $0x38;
	[tilespmem:$0x1EF88] =	vst v63  }
0x60: {  	s7 =	sadd.s32 $0xFFFFFA80, s28;
	s22 =	spop (v2sf);
	s3 =	sadd.s32 s6, s3  }
0x61: {  	(v2sf) =	vpush v1, $0xA;
	[tilespmem:s18], [sflag:$0x9] =	stream.linear.gather [hbm4b:s3+s19], $0x40, $0x38;
	[tilespmem:$0x1EF88] =	vst v63  }
0x62: {  	s11 =	sadd.s32 $0xFFFFFB00, s28;
	s4 =	spop (v2sf);
	(v2sf) =	vpush v1, $0xB;
	s3 =	sand.u32 $0x1FFFFFF0, s22  }
0x63: {  	s8 =	spop (v2sf);
	s2 =	sadd.s32 s6, s3;
	s3 =	sand.u32 $0x1FFFFFF0, s4  }
0x64: {  	(v2sf) =	vpush v1, $0xC;
	[tilespmem:s5], [sflag:$0x9] =	stream.linear.gather [hbm4b:s2+s19], $0x40, $0x38;
	[tilespmem:$0x1EF88] =	vst v63  }
0x65: {  	s9 =	sand.u32 $0x1FFFFFF0, s8;
	s10 =	spop (v2sf);
	s3 =	sadd.s32 s6, s3  }
0x66: {  	(v2sf) =	vpush v1, $0xD;
	[tilespmem:s7], [sflag:$0x9] =	stream.linear.gather [hbm4b:s3+s19], $0x40, $0x38;
	[tilespmem:$0x1EF88] =	vst v63  }
0x67: {  	s12 =	sadd.s32 $0xFFFFFB80, s28;
	s2 =	sadd.s32 s6, s9;
	s3 =	sand.u32 $0x1FFFFFF0, s10  }
0x68: {  	[tilespmem:s11], [sflag:$0x9] =	stream.linear.gather [hbm4b:s2+s19], $0x40, $0x38;
	[tilespmem:$0x1EF88] =	vst v63  }
0x69: {  	s17 =	sadd.s32 $0xFFFFFC00, s28;
	s3 =	sadd.s32 s6, s3;
	s14 =	spop (v2sf)  }
0x6a: {  	[tilespmem:s12], [sflag:$0x9] =	stream.linear.gather [hbm4b:s3+s19], $0x40, $0x38;
	(v2sf) =	vpush v1, $0xE;
	[tilespmem:$0x1EF88] =	vst v63  }
0x6b: {  	s18 =	sadd.s32 $0xFFFFFC80, s28;
	s15 =	sand.u32 $0x1FFFFFF0, s14;
	s16 =	spop (v2sf)  }
0x6c: {  	s5 =	sadd.s32 $0xFFFFFD00, s28;
	(v2sf) =	vpush v1, $0xF;
	s2 =	sadd.s32 s6, s15;
	s3 =	sand.u32 $0x1FFFFFF0, s16  }
0x6d: {  	[tilespmem:s17], [sflag:$0x9] =	stream.linear.gather [hbm4b:s2+s19], $0x40, $0x38;
	[tilespmem:$0x1EF88] =	vst v63  }
0x6e: {  	s7 =	sadd.s32 $0xFFFFFD80, s28;
	s22 =	spop (v2sf);
	s3 =	sadd.s32 s6, s3  }
0x6f: {  	[tilespmem:s18], [sflag:$0x9] =	stream.linear.gather [hbm4b:s3+s19], $0x40, $0x38;
	[tilespmem:$0x1EF88] =	vst v63  }
0x70: {  	s11 =	sadd.s32 $0xFFFFFE00, s28;
	s4 =	spop (v2sf);
	s3 =	sand.u32 $0x1FFFFFF0, s22  }
0x71: {  	s8 =	spop (v2sf);
	s2 =	sadd.s32 s6, s3;
	s3 =	sand.u32 $0x1FFFFFF0, s4  }
0x72: {  	[tilespmem:s5], [sflag:$0x9] =	stream.linear.gather [hbm4b:s2+s19], $0x40, $0x38;
	[tilespmem:$0x1EF88] =	vst v63  }
0x73: {  	s9 =	sand.u32 $0x1FFFFFF0, s8;
	s10 =	spop (v2sf);
	s3 =	sadd.s32 s6, s3  }
0x74: {  	[tilespmem:s7], [sflag:$0x9] =	stream.linear.gather [hbm4b:s3+s19], $0x40, $0x38;
	[tilespmem:$0x1EF88] =	vst v63  }
0x75: {  	s14 =	spop (v2sf);
	s2 =	sadd.s32 s6, s9;
	s3 =	sand.u32 $0x1FFFFFF0, s10  }
0x76: {  	[tilespmem:s11], [sflag:$0x9] =	stream.linear.gather [hbm4b:s2+s19], $0x40, $0x38;
	[tilespmem:$0x1EF88] =	vst v63  }
0x77: {  	s12 =	sadd.s32 $0xFFFFFE80, s28;
	s15 =	sand.u32 $0x1FFFFFF0, s14;
	s3 =	sadd.s32 s6, s3  }
0x78: {  	[tilespmem:s12], [sflag:$0x9] =	stream.linear.gather [hbm4b:s3+s19], $0x40, $0x38;
	[tilespmem:$0x1EF88] =	vst v63  }
0x79: {  	s17 =	sadd.s32 $0xFFFFFF00, s28;
	s2 =	sadd.s32 s6, s15;
	s16 =	spop (v2sf)  }
0x7a: {  	[tilespmem:s17], [sflag:$0x9] =	stream.linear.gather [hbm4b:s2+s19], $0x40, $0x38;
	[tilespmem:$0x1EF88] =	vst v63  }
0x7b: {  	s29 =	simm.s32 $0x0;
	s3 =	sand.u32 $0x1FFFFFF0, s16;
	s18 =	spop (v2sf)  }
0x7c: {  	s22 =	sadd.s32 $0xFFFFFF80, s28;
	s3 =	sadd.s32 s6, s3;
	s2 =	sand.u32 $0x1FFFFFF0, s18  }
0x7d: {  	[tilespmem:s22], [sflag:$0x9] =	stream.linear.gather [hbm4b:s3+s19], $0x40, $0x38;
	[tilespmem:$0x1EF88] =	vst v63  }
0x7e: {  	s31 =	sadd.s32 $0x10, s0;
	s30 =	sadd.s32 $0x800, s28;
	s2 =	sadd.s32 s6, s2  }
.LBB2_5:
0x7f: {  	[tilespmem:s28], [sflag:$0x9] =	stream.linear.gather [hbm4b:s2+s19], $0x40, $0x38;
	[tilespmem:$0x1EF88] =	vst v63  }
0x80: {  	s29 =	sadd.s32 $0x10, s29;
	s28 =	smov.u32 s30  }
0x81: {  	p2 =	slt.u32 s29, $0x130;
	v1 =	vld.msk [tilespmem:s31+$0x0], $0xffff;
	_ =	sdelay $0x4  }
0x82: {  	v1 =	vshll.u32 v1, $0x4  }
0x83: {  	(v2sf) =	vpush v1, $0x0  }
0x84: {  	(v2sf) =	vpush v1, $0x1  }
0x85: {  	(v2sf) =	vpush v1, $0x2;
	_ =	sdelay $0x1  }
0x86: {  	(v2sf) =	vpush v1, $0x3;
	_ =	sdelay $0x1  }
0x87: {  	(v2sf) =	vpush v1, $0x4;
	_ =	sdelay $0x1  }
0x88: {  	(v2sf) =	vpush v1, $0x5;
	_ =	sdelay $0x1  }
0x89: {  	(v2sf) =	vpush v1, $0x6  }
0x8a: {  	s4 =	sadd.s32 $0xFFFFFE80, s30;
	s0 =	sadd.s32 $0xFFFFFF00, s30  }
0x8b: {  	s3 =	sadd.s32 $0xFFFFFD00, s30;
	s2 =	sadd.s32 $0xFFFFFD80, s30;
	s5 =	sadd.s32 $0xFFFFFE00, s30;
	(v2sf) =	vpush v1, $0x7  }
0x8c: {  	s10 =	sadd.s32 $0xFFFFFB80, s30;
	s9 =	sadd.s32 $0xFFFFFC00, s30;
	s16 =	sadd.s32 $0xFFFFFC80, s30  }
0x8d: {  	s11 =	sadd.s32 $0xFFFFFA00, s30;
	s12 =	sadd.s32 $0xFFFFFA80, s30;
	s15 =	sadd.s32 $0xFFFFFB00, s30;
	(v2sf) =	vpush v1, $0x8  }
0x8e: {  	s18 =	sadd.s32 $0xFFFFF900, s30;
	s7 =	sadd.s32 $0xFFFFF980, s30;
	s22 =	spop (v2sf)  }
0x8f: {  	s8 =	sadd.s32 $0xFFFFF880, s30;
	s22 =	sand.u32 $0x1FFFFFF0, s22;
	s14 =	spop (v2sf);
	(v2sf) =	vpush v1, $0x9  }
0x90: {  	s22 =	sadd.s32 s6, s22;
	s14 =	sand.u32 $0x1FFFFFF0, s14;
	s17 =	spop (v2sf)  }
0x91: {  	[tilespmem:s8], [sflag:$0x9] =	stream.linear.gather [hbm4b:s22+s19], $0x40, $0x38;
	(v2sf) =	vpush v1, $0xA;
	[tilespmem:$0x1EF88] =	vst v63  }
0x92: {  	s8 =	sadd.s32 s6, s14;
	s14 =	sand.u32 $0x1FFFFFF0, s17;
	s17 =	spop (v2sf)  }
0x93: {  	[tilespmem:s18], [sflag:$0x9] =	stream.linear.gather [hbm4b:s8+s19], $0x40, $0x38;
	(v2sf) =	vpush v1, $0xB;
	[tilespmem:$0x1EF88] =	vst v63  }
0x94: {  	s8 =	sadd.s32 s6, s14;
	s14 =	sand.u32 $0x1FFFFFF0, s17;
	s17 =	spop (v2sf)  }
0x95: {  	[tilespmem:s7], [sflag:$0x9] =	stream.linear.gather [hbm4b:s8+s19], $0x40, $0x38;
	(v2sf) =	vpush v1, $0xC;
	[tilespmem:$0x1EF88] =	vst v63  }
0x96: {  	s7 =	sadd.s32 s6, s14;
	s8 =	sand.u32 $0x1FFFFFF0, s17;
	s14 =	spop (v2sf)  }
0x97: {  	[tilespmem:s11], [sflag:$0x9] =	stream.linear.gather [hbm4b:s7+s19], $0x40, $0x38;
	(v2sf) =	vpush v1, $0xD;
	[tilespmem:$0x1EF88] =	vst v63  }
0x98: {  	s7 =	sadd.s32 s6, s8;
	s8 =	sand.u32 $0x1FFFFFF0, s14;
	s11 =	spop (v2sf)  }
0x99: {  	[tilespmem:s12], [sflag:$0x9] =	stream.linear.gather [hbm4b:s7+s19], $0x40, $0x38;
	(v2sf) =	vpush v1, $0xE;
	[tilespmem:$0x1EF88] =	vst v63  }
0x9a: {  	s7 =	sadd.s32 s6, s8;
	s8 =	sand.u32 $0x1FFFFFF0, s11;
	s11 =	spop (v2sf)  }
0x9b: {  	[tilespmem:s15], [sflag:$0x9] =	stream.linear.gather [hbm4b:s7+s19], $0x40, $0x38;
	(v2sf) =	vpush v1, $0xF;
	[tilespmem:$0x1EF88] =	vst v63  }
0x9c: {  	s7 =	sadd.s32 s6, s8;
	s8 =	sand.u32 $0x1FFFFFF0, s11;
	s11 =	spop (v2sf)  }
0x9d: {  	[tilespmem:s10], [sflag:$0x9] =	stream.linear.gather [hbm4b:s7+s19], $0x40, $0x38;
	[tilespmem:$0x1EF88] =	vst v63  }
0x9e: {  	s7 =	sadd.s32 s6, s8;
	s8 =	sand.u32 $0x1FFFFFF0, s11;
	s10 =	spop (v2sf)  }
0x9f: {  	[tilespmem:s9], [sflag:$0x9] =	stream.linear.gather [hbm4b:s7+s19], $0x40, $0x38;
	[tilespmem:$0x1EF88] =	vst v63  }
0xa0: {  	s7 =	sadd.s32 s6, s8;
	s8 =	sand.u32 $0x1FFFFFF0, s10;
	s9 =	spop (v2sf)  }
0xa1: {  	[tilespmem:s16], [sflag:$0x9] =	stream.linear.gather [hbm4b:s7+s19], $0x40, $0x38;
	[tilespmem:$0x1EF88] =	vst v63  }
0xa2: {  	s7 =	sadd.s32 s6, s8;
	s8 =	sand.u32 $0x1FFFFFF0, s9;
	s9 =	spop (v2sf)  }
0xa3: {  	[tilespmem:s3], [sflag:$0x9] =	stream.linear.gather [hbm4b:s7+s19], $0x40, $0x38;
	[tilespmem:$0x1EF88] =	vst v63  }
0xa4: {  	s3 =	sadd.s32 s6, s8;
	s7 =	sand.u32 $0x1FFFFFF0, s9;
	s8 =	spop (v2sf)  }
0xa5: {  	[tilespmem:s2], [sflag:$0x9] =	stream.linear.gather [hbm4b:s3+s19], $0x40, $0x38;
	[tilespmem:$0x1EF88] =	vst v63  }
0xa6: {  	s2 =	sadd.s32 s6, s7;
	s3 =	sand.u32 $0x1FFFFFF0, s8;
	s7 =	spop (v2sf)  }
0xa7: {  	[tilespmem:s5], [sflag:$0x9] =	stream.linear.gather [hbm4b:s2+s19], $0x40, $0x38;
	[tilespmem:$0x1EF88] =	vst v63  }
0xa8: {  	s2 =	sadd.s32 s6, s3;
	s3 =	sand.u32 $0x1FFFFFF0, s7;
	s5 =	spop (v2sf)  }
0xa9: {  	[tilespmem:s4], [sflag:$0x9] =	stream.linear.gather [hbm4b:s2+s19], $0x40, $0x38;
	[tilespmem:$0x1EF88] =	vst v63  }
0xaa: {  	s2 =	sadd.s32 s6, s3  }
.Ltmp4:
0xab: {  	s3 =	sand.u32 $0x1FFFFFF0, s5;
	s4 =	spop (v2sf);
	(pc) =	sbr.rel @p2 .LBB2_5-.Ltmp4, $4  }
0xac: {  	[tilespmem:s0], [sflag:$0x9] =	stream.linear.gather [hbm4b:s2+s19], $0x40, $0x38;
	[tilespmem:$0x1EF88] =	vst v63  }
0xad: {  	s0 =	sadd.s32 s6, s3;
	s2 =	sadd.s32 $0xFFFFFF80, s30;
	s3 =	sand.u32 $0x1FFFFFF0, s4  }
0xae: {  	[tilespmem:s2], [sflag:$0x9] =	stream.linear.gather [hbm4b:s0+s19], $0x40, $0x38;
	[tilespmem:$0x1EF88] =	vst v63  }
0xaf: {  	s31 =	sadd.s32 $0x10, s31;
	s30 =	sadd.s32 $0x800, s30;
	s2 =	sadd.s32 s6, s3  }
0xb0: {  	[tilespmem:s28], [sflag:$0x9] =	stream.linear.gather [hbm4b:s2+s19], $0x40, $0x38;
	[tilespmem:$0x1EF88] =	vst v63  }
0xb1: {  	s12 =	rddreg [dreg:$0x5]  }
0xb2: {  	s14 =	rddreg [dreg:$0x6]  }
0xb3: {  	s15 =	rddreg [dreg:$0x7]  }
0xb4: {  	s17 =	rddreg [dreg:$0x8]  }
0xb5: {  	s18 =	rddreg [dreg:$0xa]  }
0xb6: {  	s22 =	rddreg [dreg:$0xb]  }
.LBB2_7:
0xb7: {  	p2 =	slt.u32 s25, $0x2  }
.Ltmp5:
0xb8: {  	_ = 	snop;
	(pc) =	sbr.rel @p2 .LBB2_25-.Ltmp5, $1  }
0xb9: {  	_ =	sdelay $0x3  }
0xba: {  	p2 =	sgt.s32 s26, $0x4E0C0;
	s0 =	smov.u32 s26;
	s2 =	sshra.s32 s26, $0x1F  }
0xbb: {  	s0 =	simm.s32 @!p2 $0x4E0C0;
	s2 =	sand.u32 s2, s26  }
0xbc: {  	s0 =	ssub.s32 s0, s2  }
0xbd: {  	s0 =	sadd.s32 $0xFFFB1F40, s0  }
0xbe: {  	s3 =	simm.s32 $0x9;
	s29 =	sshll.u32 s0, $0x2  }
0xbf: {  	_ =	swait.ge [sflag:s3], $0x5000;
	s2 =	ssub.s32 $0x500, s29  }
0xc0: {  	[sflag:s3] =	ssyncset.done $0x0;
	p2 =	sgt.s32 s0, $0x13F;
	s0 =	sshrl.u32 s2, $0x2  }
0xc1: {  	s30 =	simm.s32 $0xB;
	[sflag:s3] =	ssyncadd.s32 $0xFFFFB000;
	s0 =	simm.s32 @p2 $0x0  }
0xc2: {  	_ =	swait.ge [sflag:s30], s0  }
0xc3: {  	s0 =	ssub.s32 $0x0, s0;
	[sflag:s30] =	ssyncset.done $0x0  }
0xc4: {  	[sflag:s30] =	ssyncadd.s32 s0  }
0xc5: {  	v1 =	vld [tilespmem:$0xA108];
	_ =	sdelay $0x4  }
0xc6: {  	(v2sf) =	vpush v1, $0x0  }
0xc7: {  	(v2sf) =	vpush v1, $0x1  }
0xc8: {  	(v2sf) =	vpush v1, $0x2;
	_ =	sdelay $0x3  }
0xc9: {  	s0 =	sadd.s32 $0x140, s26  }
0xca: {  	s4 =	ssub.s32 $0x9C400, s26;
	p2 =	slt.s32 s14, s0  }
0xcb: {  	s0 =	smov.u32 @p2 s14;
	p2 =	sgt.s32 s4, $0x0  }
0xcc: {  	s0 =	ssub.s32 s0, s26;
	s4 =	simm.s32 @!p2 $0x0  }
0xcd: {  	p2 =	slt.s32 s4, s0  }
0xce: {  	s0 =	smov.u32 @p2 s4  }
0xcf: {  	s2 =	simm.s32 $0x1;
	p2 =	slt.s32 s0, $0x1  }
.Ltmp6:
0xd0: {  	s2 =	simm.s32 @!p1 $0x0;
	(pc) =	sbr.rel @p2 .LBB2_12-.Ltmp6, $4  }
0xd1: {  	s7 =	smul.u32 $0x500, s2  }
0xd2: {  	s3 =	spop (v2sf)  }
0xd3: {  	s31 =	sshrl.u32 s7, $0x2;
	s5 =	spop (v2sf)  }
0xd4: {  	s28 =	sadd.s32 $0xAD08, s31;
	s26 =	spop (v2sf)  }
0xd5: {  	s4 =	smin.u32 s0, $0x10  }
0xd6: {  	v1 =	vmov s4  }
0xd7: {  	p3 =	sgt.s32 s0, $0x10;
	vm1 =	vgt.u32 v1, v0  }
.Ltmp7:
0xd8: {  	_ = 	snop;
	(pc) =	sbr.rel @!p3 .LBB2_11-.Ltmp7, $2  }
0xd9: {  	_ =	sdelay $0x2  }
0xda: {  	s9 =	simm.s32 $0x10;
	s10 =	sadd.s32 $0xFFFFFFF0, s0;
	s4 =	smov.u32 s28;
	vm0 =	vmmov vm1  }
.LBB2_10:
0xdb: {  	s7 =	smin.u32 s10, $0x10;
	s9 =	sadd.s32 $0x10, s9;
	v1 =	vld.msk [tilespmem:s4+$0x0 ss:$0x1], vm1  }
0xdc: {  	v2 =	vmov s7;
	p3 =	slt.s32 s9, s0  }
0xdd: {  	vm1 =	vgt.u32 v2, v0  }
.Ltmp8:
0xde: {  	(pc) =	sbr.rel @p3 .LBB2_10-.Ltmp8, $3  }
0xdf: {  	_ =	sdelay $0x1  }
0xe0: {  	v1 =	vshll.u32 v1, $0x4  }
0xe1: {  	s10 =	sadd.s32 $0xFFFFFFF0, s10;
	[tilespmem:s4+$0x0] =	vst.msk vm0, v1;
	s4 =	sadd.s32 $0x10, s4;
	vm0 =	vmmov vm1  }
.LBB2_11:
0xe2: {  	_ =	sdelay $0x4  }
0xe3: {  	v1 =	vld.msk [tilespmem:s4+$0x0 ss:$0x1], vm1;
	_ =	sdelay $0x4  }
0xe4: {  	v1 =	vshll.u32 v1, $0x4  }
0xe5: {  	[tilespmem:s4+$0x0] =	vst.msk vm0, v1  }
.LBB2_12:
0xe6: {  	s4 =	sand.u32 $0x1, s25  }
0xe7: {  	s4 =	smul.u32 $0x140, s4  }
0xe8: {  	p3 =	sne.s32 s5, $0xFFFFFFFF  }
0xe9: {  	v1 =	vld.msk @!p3 [tilespmem:s4+$0xAD08], $0x1;
	_ =	sdelay $0x4  }
0xea: {  	(v2sf) =	vpush @!p3 v1, $0x0;
	_ =	sdelay $0xc  }
.Ltmp9:
0xeb: {  	_ = 	snop;
	(pc) =	sbr.rel @p2 .LBB2_23-.Ltmp9, $4  }
0xec: {  	_ = 	snop  }
0xed: {  	s29 =	spop @!p3 (v2sf)  }
0xee: {  	s31 =	simm.s32 $0xC;
	s26 =	simm.s32 @!p3 $0x0;
	s4 =	smov.u32 s29  }
0xef: {  	[sflag:s31] =	ssyncpa.u1 $0x0;
	s29 =	smov.u32 @p3 s3;
	s4 =	smov.u32 @p3 s5  }
0xf0: {  	v1 =	vld.msk [tilespmem:s28+$0x0], $0x1;
	_ =	sdelay $0x4  }
0xf1: {  	(v2sf) =	vpush v1, $0x0;
	_ =	sdelay $0xe  }
0xf2: {  	s2 =	smul.u32 $0x28000, s2;
	s5 =	spop (v2sf)  }
0xf3: {  	s31 =	ssub.s32 $0x0, s0;
	p2 =	seq.s32 s29, s5  }
0xf4: {  	s3 =	smov.u32 s29;
	s2 =	sshrl.u32 s2, $0x2;
	p3 =	sgt.s32 @!p2 s29, $0x0  }
0xf5: {  	s30 =	sadd.s32 $0xAFA8, s2;
	s2 =	sadd.s32 $0x1, s31;
	p3 =	por !p3, p2  }
0xf6: {  	s3 =	simm.s32 @p3 $0x0;
	p3 =	seq.s32 s2, $0x0  }
.Ltmp10:
0xf7: {  	_ = 	snop;
	(pc) =	sbr.rel @p3 .LBB2_15-.Ltmp10, $4  }
0xf8: {  	_ = 	snop  }
0xf9: {  	s0 =	simm.s32 $0x0;
	s9 =	simm.s32 @!p2 $0x1;
	s3 =	smin.u32 @!p2 s3, $0x270F8  }
0xfa: {  	s10 =	simm.s32 @!p2 $0x50C8;
	s9 =	smov.u32 @p2 s0;
	s7 =	sand.u32 @!p2 $0x3FFF8, s3  }
0xfb: {  	s16 =	sand.u32 @!p2 $0x7, s3;
	s3 =	sadd.s32 $0x1, s28;
	s11 =	sadd.s32 @!p2 s1, s7  }
.LBB2_14:
0xfc: {  	s7 =	smov.u32 s9  }
0xfd: {  	[tilespmem:s10], [sflag:$0x2] =	stream.linear.gather @!p2 [hbm4b:s11+s16], $0x40, $0x38;
	[tilespmem:$0x1EF88] =	vst v63  }
0xfe: {  	s2 =	sadd.s32 $0x1, s2;
	s8 =	smov.u32 s5;
	v1 =	vld.msk [tilespmem:s3+$0x0], $0x1  }
0xff: {  	p3 =	seq.s32 s2, $0x0;
	_ =	sdelay $0x3  }
0x100: {  	(v2sf) =	vpush v1, $0x0;
	_ =	sdelay $0xe  }
0x101: {  	s5 =	spop (v2sf)  }
0x102: {  	p2 =	seq.s32 s8, s5  }
0x103: {  	p4 =	sgt.s32 @!p2 s8, $0x0;
	s10 =	sshll.u32 @!p2 s9, $0x8;
	s9 =	sadd.s32 @!p2 $0x1, s9  }
.Ltmp11:
0x104: {  	p4 =	por !p4, p2;
	s10 =	sshra.s32 @!p2 s10, $0x2;
	(pc) =	sbr.rel @!p3 .LBB2_14-.Ltmp11, $4  }
0x105: {  	s9 =	smov.u32 @p2 s7;
	s8 =	simm.s32 @p4 $0x0;
	s10 =	sadd.s32 @!p2 $0x50C8, s10  }
0x106: {  	s7 =	smin.u32 @!p2 s8, $0x270F8  }
0x107: {  	s8 =	sand.u32 @!p2 $0x3FFF8, s7;
	s16 =	sand.u32 @!p2 $0x7, s7  }
0x108: {  	s3 =	sadd.s32 $0x1, s3;
	s11 =	sadd.s32 @!p2 s1, s8  }
.LBB2_15:
0x109: {  	[tilespmem:s10], [sflag:$0x2] =	stream.linear.gather @!p2 [hbm4b:s11+s16], $0x40, $0x38;
	[tilespmem:$0x1EF88] =	vst v63  }
.Ltmp12:
0x10a: {  	s2 =	sshll.u32 s9, $0x6;
	(pc) =	sbr.rel .LBB2_16-.Ltmp12, $4  }
0x10b: {  	s3 =	simm.s32 $0x2;
	s2 =	sand.u32 $0x3FFFFFC0, s2  }
0x10c: {  	_ =	swait.ge [sflag:s3], s2  }
0x10d: {  	s2 =	ssub.s32 $0x0, s2;
	[sflag:s3] =	ssyncset.done $0x0  }
0x10e: {  	[sflag:s3] =	ssyncadd.s32 s2;
	s3 =	simm.s32 $0x0  }
.LBB2_17:
0x10f: {  	v1 =	vld [tilespmem:s30+$0xFFFFFFE0];
	_ =	sdelay $0x4  }
0x110: {  	[tilespmem:s5+$0x88] =	vst.add.f32.msk $0xffff, v1  }
0x111: {  	v1 =	vld [tilespmem:s30+$0xFFFFFFF0];
	_ =	sdelay $0x4  }
0x112: {  	[tilespmem:s5+$0x98] =	vst.add.f32.msk $0xffff, v1  }
0x113: {  	v1 =	vld [tilespmem:s30+$0x0];
	_ =	sdelay $0x4  }
0x114: {  	[tilespmem:s5+$0xA8] =	vst.add.f32.msk $0xffff, v1  }
0x115: {  	v1 =	vld [tilespmem:s30+$0x10];
	_ =	sdelay $0x4  }
0x116: {  	[tilespmem:s5+$0xB8] =	vst.add.f32.msk $0xffff, v1  }
.LBB2_21:
0x117: {  	s31 =	sadd.s32 $0x1, s31  }
0x118: {  	p2 =	seq.s32 s31, $0x0  }
.Ltmp13:
0x119: {  	_ = 	snop;
	(pc) =	sbr.rel @p2 .LBB2_22-.Ltmp13, $2  }
0x11a: {  	_ =	sdelay $0x2  }
0x11b: {  	s30 =	sadd.s32 $0x80, s30;
	s28 =	sadd.s32 $0x1, s28;
	s29 =	smov.u32 s2  }
.LBB2_16:
0x11c: {  	v1 =	vld.msk [tilespmem:s28+$0x0], $0x1;
	_ =	sdelay $0x4  }
0x11d: {  	(v2sf) =	vpush v1, $0x0;
	_ =	sdelay $0xe  }
0x11e: {  	s2 =	spop (v2sf)  }
0x11f: {  	p2 =	sne.s32 s29, s2  }
.Ltmp14:
0x120: {  	_ = 	snop;
	(pc) =	sbr.rel @!p2 .LBB2_17-.Ltmp14, $3  }
0x121: {  	_ =	sdelay $0x1  }
0x122: {  	s5 =	sshll.u32 s26, $0x8  }
0x123: {  	s5 =	sshra.s32 s5, $0x2  }
0x124: {  	p2 =	seq.s32 s29, s4  }
.Ltmp15:
0x125: {  	_ = 	snop;
	(pc) =	sbr.rel @!p2 .LBB2_19-.Ltmp15, $1  }
0x126: {  	_ =	sdelay $0x3  }
.Ltmp16:
0x127: {  	s5 =	sadd.s32 $0x88, s5;
	(pc) =	sbr.rel .LBB2_20-.Ltmp16, $4  }
0x128: {  	[spmem:s18] =	stream.linear.scatter [tilespmem:s5], [sflag:$0x1], $0x40, $0x38;
	[tilespmem:$0x1EF88] =	vst v63  }
0x129: {  	_ =	swait.ge [sflag:s13], $0x40  }
0x12a: {  	[sflag:s13] =	ssyncset.done $0x0  }
0x12b: {  	[sflag:s13] =	ssyncadd.s32 $0xFFFFFFC0  }
.LBB2_19:
0x12c: {  	s7 =	sshll.u32 s0, $0x8  }
0x12d: {  	s7 =	sshra.s32 s7, $0x2  }
0x12e: {  	v1 =	vld [tilespmem:s7+$0x50C8];
	_ =	sdelay $0x4  }
0x12f: {  	[tilespmem:s5+$0x88] =	vst.add.f32.msk $0xffff, v1  }
0x130: {  	v1 =	vld [tilespmem:s7+$0x50D8];
	_ =	sdelay $0x4  }
0x131: {  	[tilespmem:s5+$0x98] =	vst.add.f32.msk $0xffff, v1  }
0x132: {  	v1 =	vld [tilespmem:s7+$0x50E8];
	_ =	sdelay $0x4  }
0x133: {  	[tilespmem:s5+$0xA8] =	vst.add.f32.msk $0xffff, v1  }
0x134: {  	v1 =	vld [tilespmem:s7+$0x50F8];
	_ =	sdelay $0x2  }
0x135: {  	p2 =	sgt.u32 s29, $0x270F8  }
0x136: {  	s7 =	sand.u32 @!p2 $0x3FFF8, s29  }
0x137: {  	s8 =	sadd.s32 $0x88, s5;
	[tilespmem:s5+$0xB8] =	vst.add.f32.msk $0xffff, v1;
	s5 =	sadd.s32 @!p2 s1, s7;
	s7 =	sand.u32 @!p2 $0x7, s29  }
0x138: {  	[hbm4b:s5+s7] =	stream.linear.scatter @!p2 [tilespmem:s8], [sflag:$0xC], $0x40, $0x38;
	[tilespmem:$0x1EF88] =	vst v63  }
0x139: {  	s5 =	simm.s32 $0x0  }
0x13a: {  	s5 =	simm.s32 @!p2 $0x100  }
0x13b: {  	s3 =	sadd.s32 s5, s3  }
.LBB2_20:
0x13c: {  	s5 =	sadd.s32 $0x1, s26  }
0x13d: {  	s7 =	smulhi.u32 $0xCCCCCCCD, s5;
	_ =	sdelay $0x1  }
0x13e: {  	v1 =	vld [tilespmem:s30+$0xFFFFFFE0];
	s7 =	sshrl.u32 s7, $0x8  }
0x13f: {  	s7 =	smul.u32 $0x140, s7;
	_ =	sdelay $0x1  }
0x140: {  	s26 =	ssub.s32 s5, s7  }
0x141: {  	s5 =	sshll.u32 s26, $0x6  }
0x142: {  	[tilespmem:s5+$0x88] =	vst v1  }
0x143: {  	v1 =	vld [tilespmem:s30+$0xFFFFFFF0];
	_ =	sdelay $0x4  }
0x144: {  	[tilespmem:s5+$0x98] =	vst v1  }
0x145: {  	v1 =	vld [tilespmem:s30+$0x0];
	_ =	sdelay $0x4  }
0x146: {  	[tilespmem:s5+$0xA8] =	vst v1  }
0x147: {  	v1 =	vld [tilespmem:s30+$0x10]  }
.Ltmp17:
0x148: {  	_ = 	snop;
	(pc) =	sbr.rel .LBB2_21-.Ltmp17, $2  }
0x149: {  	_ =	sdelay $0x2  }
0x14a: {  	s0 =	sadd.s32 $0x1, s0;
	[tilespmem:s5+$0xB8] =	vst v1  }
.LBB2_23:
.Ltmp18:
0x14b: {  	(pc) =	sbr.rel .LBB2_24-.Ltmp18, $4  }
0x14c: {  	_ = 	snop  }
0x14d: {  	s0 =	simm.s32 $0x2  }
0x14e: {  	_ =	swait.ge [sflag:s0], $0x0  }
0x14f: {  	s2 =	smov.u32 s29;
	[sflag:s0] =	ssyncset.done $0x0;
	s0 =	simm.s32 $0x0  }
.LBB2_26:
0x150: {  	_ =	sfence.sel $0x180000  }
0x151: {  	s0 =	simm.s32 $0x9;
	[bflag:$0x0] =	sbarrier.arrive $0xFFFF  }
0x152: {  	s24 =	simm.s32 $0xA;
	[sflag:s0] =	ssyncpa.u1 $0x1  }
0x153: {  	s25 =	simm.s32 $0xB;
	[sflag:s24] =	ssyncpa.u1 $0x1  }
0x154: {  	s26 =	simm.s32 $0x2;
	[sflag:s25] =	ssyncpa.u1 $0x1  }
0x155: {  	[sflag:s26] =	ssyncpa.u1 $0x1  }
0x156: {  	v0 =	vld [tilespmem:$0xA108];
	_ =	sdelay $0x4  }
0x157: {  	(v2sf) =	vpush v0, $0x0  }
0x158: {  	(v2sf) =	vpush v0, $0x1;
	_ =	sdelay $0x1  }
0x159: {  	(v2sf) =	vpush v0, $0x2;
	_ =	sdelay $0xb  }
0x15a: {  	s0 =	spop (v2sf)  }
0x15b: {  	s2 =	spop (v2sf)  }
0x15c: {  	s3 =	smov.u32 s0;
	p0 =	sne.s32 s0, s2  }
0x15d: {  	s4 =	spop (v2sf);
	s3 =	simm.s32 @!p0 $0xFFFFFFFF  }
0x15e: {  	v2 =	vimm.s32 $0x1;
	v3 =	vlaneseq.u32;
	p0 =	seq.s32 s4, $0xFFFFFFFF;
	v1 =	vmov s3  }
0x15f: {  	s14 =	stileid.u32;
	v0 =	vperm.xlane v0, v2;
	p1 =	sne.s32 @!p0 s0, s2;
	v1 =	vperm.xlane v1, v3  }
0x160: {  	vm0 =	vcmask $0x3F04;
	s6 =	simm.s32 $0xA108;
	s0 =	simm.s32 @!p0 $0x1;
	p1 =	por !p1, p0  }
0x161: {  	s3 =	sshll.u32 s14, $0x1;
	s2 =	sshll.u32 @!p0 s4, $0x8;
	s0 =	simm.s32 @p1 $0x0;
	v0 =	vsel vm0, v1, v0  }
0x162: {  	s5 =	sor.u32 $0x800, s3;
	s2 =	sshra.s32 @!p0 s2, $0x2;
	s0 =	sor.u32 @!p0 s0, s3;
	[tilespmem:$0xA108] =	vst v0  }
0x163: {  	[spmem:s5] =	stream.linear.scatter [tilespmem:s6], [sflag:$0x1], $0x2, $0x38;
	[tilespmem:$0x1EF88] =	vst v63  }
0x164: {  	s2 =	sadd.s32 @!p0 $0x88, s2;
	s0 =	sshll.u32 @!p0 s0, $0x6  }
0x165: {  	[spmem:s0] =	stream.linear.scatter @!p0 [tilespmem:s2], [sflag:$0x1], $0x40, $0x38;
	[tilespmem:$0x1EF88] =	vst v63  }
0x166: {  	s0 =	simm.s32 @!p0 $0x42  }
0x167: {  	s28 =	simm.s32 $0x1;
	s0 =	simm.s32 @p0 $0x2  }
0x168: {  	_ =	swait.ge [sflag:s28], s0  }
0x169: {  	s0 =	ssub.s32 $0x0, s0;
	[sflag:s28] =	ssyncset.done $0x0  }
0x16a: {  	p0 =	sne.s32 s14, $0x0;
	[sflag:s28] =	ssyncadd.s32 s0  }
.Ltmp19:
0x16b: {  	_ =	sfence.stream.spmem;
	(pc) =	sbr.rel @p0 .LBB2_43-.Ltmp19, $4  }
0x16c: {  	s29 =	simm.s32 $0x3;
	[bflag:$0x0] =	sbarrier.arrive $0xFFFF  }
0x16d: {  	s30 =	simm.s32 $0x4;
	[sflag:s29] =	ssyncpa.u1 $0x1  }
0x16e: {  	s31 =	simm.s32 $0x3C;
	[sflag:s30] =	ssyncpa.u1 $0x1  }
0x16f: {  	s13 =	rddreg [dreg:$0x4];
	[sflag:s31] =	ssyncpa.u1 $0x1  }
0x170: {  	_ =	sfence.stream.spmem;
	s0 =	simm.s32 $0x5  }
0x171: {  	s2 =	simm.s32 $0x800;
	s3 =	simm.s32 $0xA118;
	[sflag:s0] =	ssyncpa.u1 $0x0  }
0x172: {  	[tilespmem:s3], [sflag:$0x5] =	stream.linear.gather [spmem:s2], $0x20, $0x38;
	[tilespmem:$0x1EF88] =	vst v63  }
0x173: {  	s26 =	simm.s32 $0x0;
	s28 =	simm.s32 $0xA138  }
0x174: {  	[tilespmem:s28], [sflag:$0x5] =	stream.linear.gather [spmem:s26], $0x800, $0x38;
	[tilespmem:$0x1EF88] =	vst v63  }
0x175: {  	_ =	swait.ge [sflag:s0], $0x820  }
0x176: {  	[sflag:s0] =	ssyncset.done $0x0  }
0x177: {  	s29 =	simm.s32 $0x0;
	[sflag:s0] =	ssyncadd.s32 $0xFFFFF7E0  }
0x178: {  	v0 =	vld.msk [tilespmem:s29+$0xA118], $0x1;
	_ =	sdelay $0x1  }
0x179: {  	s30 =	simm.s32 $0x1  }
0x17a: {  	v1 =	vld.msk [tilespmem:s30+$0xA118], $0x1;
	_ =	sdelay $0x1  }
0x17b: {  	(v2sf) =	vpush v0, $0x0;
	_ =	sdelay $0x2  }
0x17c: {  	(v2sf) =	vpush v1, $0x0;
	_ =	sdelay $0x2  }
0x17d: {  	s31 =	simm.s32 $0x2  }
0x17e: {  	v0 =	vld.msk [tilespmem:s31+$0xA118], $0x1;
	_ =	sdelay $0x2  }
0x17f: {  	s2 =	simm.s32 $0xFFFFFFFF;
	s3 =	simm.s32 $0xFFFFFFFF;
	s0 =	simm.s32 $0xC  }
.LBB2_28:
0x180: {  	s4 =	smov.u32 s3;
	s5 =	smov.u32 s2  }
0x181: {  	s2 =	sshra.s32 s0, $0x2;
	p1 =	sne.s32 s0, $0x7C;
	s0 =	sadd.s32 $0x4, s0;
	(v2sf) =	vpush v0, $0x0  }
0x182: {  	v0 =	vld.msk [tilespmem:s2+$0xA118], $0x1  }
.Ltmp20:
0x183: {  	(pc) =	sbr.rel @p1 .LBB2_28-.Ltmp20, $4  }
0x184: {  	s3 =	spop (v2sf)  }
0x185: {  	p2 =	sne.s32 s5, $0xFFFFFFFF;
	s2 =	smov.u32 s3  }
0x186: {  	p3 =	seq.s32 s3, $0xFFFFFFFF;
	s2 =	smov.u32 @p2 s5  }
0x187: {  	s3 =	smov.u32 @p3 s4;
	s2 =	smov.u32 @p3 s5  }
0x188: {  	(v2sf) =	vpush v0, $0x0;
	_ =	sdelay $0x8  }
0x189: {  	s0 =	spop (v2sf)  }
0x18a: {  	p1 =	sne.s32 s2, $0xFFFFFFFF;
	s4 =	smov.u32 s0  }
0x18b: {  	s6 =	simm.s32 $0x0;
	p2 =	seq.s32 s0, $0xFFFFFFFF;
	s4 =	smov.u32 @p1 s2  }
0x18c: {  	s9 =	simm.s32 $0xA0C8;
	s4 =	smov.u32 @p2 s2;
	s2 =	spop (v2sf)  }
0x18d: {  	s0 =	smov.u32 @p2 s3;
	p1 =	sne.s32 s4, $0xFFFFFFFF;
	s5 =	smov.u32 s2  }
.Ltmp21:
0x18e: {  	p2 =	seq.s32 s2, $0xFFFFFFFF;
	s5 =	smov.u32 @p1 s4;
	(pc) =	sbr.rel .LBB2_30-.Ltmp21, $4  }
0x18f: {  	s10 =	simm.s32 $0x0;
	s5 =	smov.u32 @p2 s4;
	s7 =	spop (v2sf)  }
0x190: {  	s2 =	smov.u32 @p2 s0;
	p1 =	sne.s32 s5, $0xFFFFFFFF;
	s8 =	smov.u32 s7  }
0x191: {  	s0 =	simm.s32 $0x6;
	p2 =	seq.s32 s7, $0xFFFFFFFF;
	s8 =	smov.u32 @p1 s5  }
0x192: {  	[sflag:s0] =	ssyncpa.u1 $0x0;
	s7 =	smov.u32 @p2 s2;
	s8 =	smov.u32 @p2 s5  }
.LBB2_36:
0x193: {  	p1 =	sgt.u32 s2, $0x270F8  }
0x194: {  	p2 =	seq.s32 @!p1 s2, s8  }
0x195: {  	p1 =	por p1, p2  }
0x196: {  	p2 =	sne.s32 @!p1 s2, s7  }
0x197: {  	p1 =	por p1, !p2  }
0x198: {  	s2 =	sshll.u32 @p1 s10, $0x8  }
0x199: {  	s3 =	sand.u32 @!p1 $0x3FFF8, s2  }
0x19a: {  	s2 =	sand.u32 @!p1 $0x7, s2;
	s3 =	sadd.s32 @!p1 s1, s3  }
0x19b: {  	[tilespmem:s9], [sflag:$0x6] =	stream.linear.gather @!p1 [hbm4b:s3+s2], $0x40, $0x38;
	[tilespmem:$0x1EF88] =	vst v63  }
0x19c: {  	_ =	swait.ge @!p1 [sflag:s0], $0x40  }
0x19d: {  	[sflag:s0] =	ssyncset.done @!p1 $0x0  }
0x19e: {  	[sflag:s0] =	ssyncadd.s32 @!p1 $0xFFFFFFC0  }
0x19f: {  	v1 =	vld @!p1 [tilespmem:$0xA0C8];
	_ =	sdelay $0x2  }
0x1a0: {  	s2 =	sshll.u32 @!p1 s10, $0x8  }
0x1a1: {  	s3 =	sshrl.u32 @!p1 s2, $0x2  }
0x1a2: {  	[tilespmem:s3+$0xA138] =	vst.add.f32.msk @!p1 $0xffff, v1  }
0x1a3: {  	v1 =	vld @!p1 [tilespmem:$0xA0D8];
	_ =	sdelay $0x4  }
0x1a4: {  	[tilespmem:s3+$0xA148] =	vst.add.f32.msk @!p1 $0xffff, v1  }
0x1a5: {  	v1 =	vld @!p1 [tilespmem:$0xA0E8];
	_ =	sdelay $0x4  }
0x1a6: {  	[tilespmem:s3+$0xA158] =	vst.add.f32.msk @!p1 $0xffff, v1  }
0x1a7: {  	v1 =	vld @!p1 [tilespmem:$0xA0F8];
	_ =	sdelay $0x4  }
0x1a8: {  	[tilespmem:s3+$0xA168] =	vst.add.f32.msk @!p1 $0xffff, v1  }
0x1a9: {  	s2 =	sshrl.u32 s2, $0x2;
	[tilespmem:s6+$0xA118] =	vst.msk $0x1, v0  }
0x1aa: {  	v0 =	vld [tilespmem:s2+$0xA138];
	_ =	sdelay $0x2  }
0x1ab: {  	s31 =	sshll.u32 s6, $0x8  }
0x1ac: {  	s3 =	sshra.s32 s31, $0x2  }
0x1ad: {  	[tilespmem:s3+$0xA138] =	vst v0  }
0x1ae: {  	v0 =	vld [tilespmem:s2+$0xA148];
	_ =	sdelay $0x4  }
0x1af: {  	[tilespmem:s3+$0xA148] =	vst v0  }
0x1b0: {  	v0 =	vld [tilespmem:s2+$0xA158];
	_ =	sdelay $0x4  }
0x1b1: {  	[tilespmem:s3+$0xA158] =	vst v0  }
0x1b2: {  	v0 =	vld [tilespmem:s2+$0xA168];
	_ =	sdelay $0x4  }
0x1b3: {  	s6 =	sadd.s32 $0x1, s6;
	[tilespmem:s3+$0xA168] =	vst v0  }
.LBB2_37:
0x1b4: {  	s10 =	sadd.s32 $0x1, s10  }
0x1b5: {  	p1 =	sne.s32 s10, $0x20  }
.Ltmp22:
0x1b6: {  	_ = 	snop;
	(pc) =	sbr.rel @!p1 .LBB2_38-.Ltmp22, $1  }
0x1b7: {  	_ =	sdelay $0x3  }
.LBB2_30:
0x1b8: {  	v0 =	vld.msk [tilespmem:s10+$0xA118], $0x1;
	_ =	sdelay $0x4  }
0x1b9: {  	(v2sf) =	vpush v0, $0x0;
	_ =	sdelay $0xe  }
0x1ba: {  	s2 =	spop (v2sf)  }
0x1bb: {  	p1 =	seq.s32 s2, $0xFFFFFFFF  }
.Ltmp23:
0x1bc: {  	_ = 	snop;
	(pc) =	sbr.rel @p1 .LBB2_37-.Ltmp23, $1  }
0x1bd: {  	_ =	sdelay $0x3  }
0x1be: {  	p1 =	slt.s32 s6, $0x1  }
.Ltmp24:
0x1bf: {  	_ = 	snop;
	(pc) =	sbr.rel @p1 .LBB2_36-.Ltmp24, $1  }
0x1c0: {  	_ =	sdelay $0x3  }
0x1c1: {  	s3 =	simm.s32 $0xA118;
	p1 =	por $0x0, $0x0  }
0x1c2: {  	v1 =	vld.msk @!p1 [tilespmem:s3+$0x0], $0x1;
	_ =	sdelay $0x4  }
0x1c3: {  	(v2sf) =	vpush @!p1 v1, $0x0;
	_ =	sdelay $0xd  }
0x1c4: {  	p3 =	sne.s32 s6, $0x1  }
.Ltmp25:
0x1c5: {  	s4 =	spop @!p1 (v2sf);
	(pc) =	sbr.rel @!p3 .LBB2_34-.Ltmp25, $4  }
0x1c6: {  	p2 =	seq.s32 @!p1 s2, s4  }
0x1c7: {  	s4 =	simm.s32 $0x0;
	p2 =	por !p2, p1  }
0x1c8: {  	s11 =	simm.s32 $0xFFFFFFFF;
	s4 =	simm.s32 @p2 $0xFFFFFFFF  }
0x1c9: {  	s5 =	simm.s32 $0x1;
	s4 =	smov.u32 @p1 s11  }
.LBB2_33:
0x1ca: {  	s11 =	smov.u32 s4;
	p1 =	sne.s32 s4, $0xFFFFFFFF  }
0x1cb: {  	s3 =	sadd.s32 $0x1, s3;
	s4 =	smov.u32 s5;
	s5 =	sadd.s32 $0x1, s5  }
0x1cc: {  	p2 =	sne.s32 s6, s5;
	v1 =	vld.msk @!p1 [tilespmem:s3+$0x0], $0x1;
	_ =	sdelay $0x4  }
0x1cd: {  	(v2sf) =	vpush @!p1 v1, $0x0;
	_ =	sdelay $0xe  }
.Ltmp26:
0x1ce: {  	s12 =	spop @!p1 (v2sf);
	(pc) =	sbr.rel @p2 .LBB2_33-.Ltmp26, $4  }
0x1cf: {  	p3 =	seq.s32 @!p1 s2, s12  }
0x1d0: {  	p3 =	por !p3, p1  }
0x1d1: {  	s4 =	simm.s32 @p3 $0xFFFFFFFF  }
0x1d2: {  	s4 =	smov.u32 @p1 s11  }
.LBB2_34:
0x1d3: {  	p1 =	seq.s32 s4, $0xFFFFFFFF  }
.Ltmp27:
0x1d4: {  	_ = 	snop;
	(pc) =	sbr.rel @p1 .LBB2_36-.Ltmp27, $1  }
0x1d5: {  	_ =	sdelay $0x3  }
0x1d6: {  	s2 =	sshll.u32 s10, $0x6  }
0x1d7: {  	s2 =	sand.u32 $0x3FFFFFC0, s2  }
0x1d8: {  	v0 =	vld [tilespmem:s2+$0xA138];
	_ =	sdelay $0x2  }
0x1d9: {  	s3 =	sshll.u32 s4, $0x8  }
0x1da: {  	s3 =	sshra.s32 s3, $0x2  }
0x1db: {  	[tilespmem:s3+$0xA138] =	vst.add.f32.msk $0xffff, v0  }
0x1dc: {  	v0 =	vld [tilespmem:s2+$0xA148];
	_ =	sdelay $0x4  }
0x1dd: {  	[tilespmem:s3+$0xA148] =	vst.add.f32.msk $0xffff, v0  }
0x1de: {  	v0 =	vld [tilespmem:s2+$0xA158];
	_ =	sdelay $0x4  }
0x1df: {  	[tilespmem:s3+$0xA158] =	vst.add.f32.msk $0xffff, v0  }
0x1e0: {  	v0 =	vld [tilespmem:s2+$0xA168]  }
.Ltmp28:
0x1e1: {  	_ = 	snop;
	(pc) =	sbr.rel .LBB2_37-.Ltmp28, $2  }
0x1e2: {  	_ =	sdelay $0x2  }
0x1e3: {  	[tilespmem:s3+$0xA168] =	vst.add.f32.msk $0xffff, v0  }
.LBB2_38:
0x1e4: {  	s0 =	simm.s32 $0x6;
	p1 =	seq.s32 s6, $0x0  }
0x1e5: {  	[sflag:s0] =	ssyncpa.u1 $0x1;
	v0 =	vimm.s32 @p1 $0xFFFFFFFF  }
0x1e6: {  	s0 =	sadd.s32 $0xFFFFFFFF, s6;
	[tilespmem:$0xA938] =	vst @p1 v0  }
0x1e7: {  	v0 =	vld.msk @!p1 [tilespmem:s0+$0xA118], $0x1;
	_ =	sdelay $0x1  }
0x1e8: {  	v1 =	vld.msk @!p1 [tilespmem:$0xA118], $0x1;
	_ =	sdelay $0x2  }
0x1e9: {  	p2 =	seq.s32 @!p1 s0, $0x0;
	v0 =	vbroadcast @!p1 v0, $0x0  }
0x1ea: {  	vm0 =	vmmov @!p1 $0x1;
	p2 =	por !p2, p1  }
0x1eb: {  	v1 =	vnsel @!p1 vm0, $0xFFFFFFFF, v1;
	vm0 =	vcmask @!p1 $0x308;
	v0 =	vpsel !p2, $0xFFFFFFFF, v0  }
0x1ec: {  	p2 =	sne.s32 @!p1 s8, s7;
	v0 =	vsel @!p1 vm0, v1, v0  }
0x1ed: {  	s2 =	simm.s32 @!p1 $0xA138;
	s3 =	simm.s32 @!p1 $0x0;
	p3 =	por !p2, p1;
	[tilespmem:$0xA938] =	vst @!p1 v0  }
0x1ee: {  	[spmem:s3] =	stream.linear.scatter @!p1 [tilespmem:s2], [sflag:$0x1], $0x40, $0x38;
	[tilespmem:$0x1EF88] =	vst v63  }
0x1ef: {  	s2 =	sshll.u32 @!p3 s0, $0x8  }
0x1f0: {  	s2 =	sshra.s32 @!p3 s2, $0x2  }
0x1f1: {  	s3 =	simm.s32 @!p3 $0x40;
	s2 =	sadd.s32 @!p3 $0xA138, s2  }
0x1f2: {  	[spmem:s3] =	stream.linear.scatter @!p3 [tilespmem:s2], [sflag:$0x1], $0x40, $0x38;
	[tilespmem:$0x1EF88] =	vst v63  }
0x1f3: {  	s2 =	simm.s32 @!p3 $0x1  }
0x1f4: {  	_ =	swait.ge @!p3 [sflag:s2], $0x80  }
0x1f5: {  	p1 =	por p2, p1;
	[sflag:s2] =	ssyncset.done @!p3 $0x0  }
0x1f6: {  	[sflag:s2] =	ssyncadd.s32 @!p3 $0xFFFFFF80;
	s2 =	simm.s32 @!p1 $0x1  }
0x1f7: {  	_ =	swait.ge @!p1 [sflag:s2], $0x40  }
0x1f8: {  	s29 =	simm.s32 $0xA938;
	[sflag:s2] =	ssyncset.done @!p1 $0x0  }
0x1f9: {  	s30 =	simm.s32 $0x800;
	s31 =	simm.s32 $0x1;
	[sflag:s2] =	ssyncadd.s32 @!p1 $0xFFFFFFC0  }
0x1fa: {  	[spmem:s30] =	stream.linear.scatter [tilespmem:s29], [sflag:$0x1], $0x10, $0x38;
	[tilespmem:$0x1EF88] =	vst v63  }
0x1fb: {  	_ =	swait.ge [sflag:s31], $0x10  }
0x1fc: {  	[sflag:s31] =	ssyncset.done $0x0  }
0x1fd: {  	p1 =	seq.s32 s13, $0x0;
	s9 =	rddreg [dreg:$0x1];
	[sflag:s31] =	ssyncadd.s32 $0xFFFFFFF0  }
0x1fe: {  	s3 =	sshll.u32 @p1 s9, $0xE;
	s8 =	rddreg [dreg:$0x2]  }
0x1ff: {  	s2 =	sadd.s32 @p1 $0x15C3C, s3;
	s3 =	sshll.u32 @p1 s8, $0x11  }
0x200: {  	_ =	sfence.stream.spmem;
	s2 =	sor.u32 @p1 s3, s2  }
0x201: {  	[sflag:s2] =	ssyncadd.remote.s32 @p1 $0x1;
	s2 =	simm.s32 @p1 $0x4  }
0x202: {  	s4 =	simm.s32 @!p1 $0x3C;
	s3 =	sand.u32 $0xFFFFFFFE, s9;
	_ =	swait.ge @p1 [sflag:s2], $0x12  }
0x203: {  	s5 =	simm.s32 @!p1 $0x0;
	s3 =	sadd.s32 @!p1 $0x4, s3;
	[sflag:s2] =	ssyncset.done @p1 $0x0  }
0x204: {  	s7 =	simm.s32 @!p1 $0x80;
	[sflag:s2] =	ssyncadd.s32 @p1 $0xFFFFFFEE;
	s2 =	sshll.u32 @!p1 s3, $0x1A  }
0x205: {  	s3 =	sshll.u32 @!p1 s3, $0xD;
	s2 =	sor.u32 @!p1 s2, s8;
	_ =	swait.eq @!p1 [sflag:s4], $0x1  }
0x206: {  	s3 =	sor.u32 @!p1 $0x1C04, s3;
	s4 =	simm.s32 @!p1 $0x1C03;
	s2 =	sor.u32 @!p1 $0x80004000, s2  }
0x207: {  	[spmem:s7], [sflag:s3] =	dma.general @!p1 [spmem:s5], [sflag:s4], length:$0x10, [dreg:$0x0], stride_count:$0x0, ici_dest:s2, dma_misc:DstOpCode:WRITE  }
0x208: {  	p2 =	slt.s32 s0, $0x2;
	s5 =	simm.s32 @!p1 $0x100;
	s7 =	simm.s32 @!p1 $0x102  }
0x209: {  	[spmem:s7], [sflag:s3] =	dma.general @!p1 [spmem:s5], [sflag:s4], length:$0x2, [dreg:$0x0], stride_count:$0x0, ici_dest:s2, dma_misc:DstOpCode:WRITE  }
.Ltmp29:
0x20a: {  	s2 =	simm.s32 @!p1 $0x3;
	(pc) =	sbr.rel @p2 .LBB2_42-.Ltmp29, $4  }
0x20b: {  	s3 =	sshll.u32 @!p1 s9, $0xE;
	_ =	swait.ge @!p1 [sflag:s2], $0x12  }
0x20c: {  	s4 =	sshll.u32 @!p1 s8, $0x11;
	s3 =	sadd.s32 @!p1 $0x11C3C, s3;
	[sflag:s2] =	ssyncset.done @!p1 $0x0  }
0x20d: {  	[sflag:s2] =	ssyncadd.s32 @!p1 $0xFFFFFFEE;
	s2 =	sor.u32 @!p1 s4, s3  }
0x20e: {  	s0 =	simm.s32 $0x0;
	[sflag:s2] =	ssyncadd.remote.s32 @!p1 $0xFFFFFFFF  }
0x20f: {  	s0 =	simm.s32 $0xA119  }
0x210: {  	v0 =	vld.msk [tilespmem:s0+$0x0], $0x1;
	_ =	sdelay $0x4  }
0x211: {  	(v2sf) =	vpush v0, $0x0;
	_ =	sdelay $0xc  }
0x212: {  	s2 =	sadd.s32 $0xFFFFFFFE, s6  }
0x213: {  	s2 =	sadd.s32 $0xFFFFFFFF, s2  }
0x214: {  	p2 =	sne.s32 s2, $0x0;
	s3 =	spop (v2sf)  }
.Ltmp30:
0x215: {  	p1 =	sgt.u32 s3, $0x270F8;
	(pc) =	sbr.rel @!p2 .LBB2_41-.Ltmp30, $4  }
0x216: {  	s5 =	simm.s32 $0x0;
	s4 =	sand.u32 @!p1 $0x3FFF8, s3  }
0x217: {  	s0 =	simm.s32 $0xA178;
	s3 =	sand.u32 @!p1 $0x7, s3;
	s4 =	sadd.s32 @!p1 s1, s4  }
0x218: {  	[hbm4b:s4+s3] =	stream.linear.scatter @!p1 [tilespmem:s0], [sflag:$0x5], $0x40, $0x38;
	[tilespmem:$0x1EF88] =	vst v63  }
0x219: {  	s5 =	simm.s32 @!p1 $0x100;
	s3 =	simm.s32 $0x0;
	s4 =	simm.s32 $0xA11A  }
.LBB2_40:
0x21a: {  	v0 =	vld.msk [tilespmem:s4+$0x0], $0x1;
	s2 =	sadd.s32 $0xFFFFFFFF, s2;
	s3 =	sadd.s32 s3, s5  }
0x21b: {  	p1 =	sne.s32 s2, $0x0;
	_ =	sdelay $0x3  }
0x21c: {  	(v2sf) =	vpush v0, $0x0;
	_ =	sdelay $0xe  }
.Ltmp31:
0x21d: {  	s6 =	spop (v2sf);
	(pc) =	sbr.rel @p1 .LBB2_40-.Ltmp31, $4  }
0x21e: {  	s5 =	simm.s32 $0x0;
	p2 =	sgt.u32 s6, $0x270F8  }
0x21f: {  	s0 =	sadd.s32 $0x40, s0;
	s5 =	simm.s32 @!p2 $0x100;
	s7 =	sand.u32 @!p2 $0x3FFF8, s6  }
0x220: {  	s4 =	sadd.s32 $0x1, s4;
	s6 =	sand.u32 @!p2 $0x7, s6;
	s7 =	sadd.s32 @!p2 s1, s7  }
0x221: {  	[hbm4b:s7+s6] =	stream.linear.scatter @!p2 [tilespmem:s0], [sflag:$0x5], $0x40, $0x38;
	[tilespmem:$0x1EF88] =	vst v63  }
.LBB2_41:
0x222: {  	s0 =	sadd.s32 s3, s5  }
0x223: {  	s0 =	sshrl.u32 s0, $0x2  }
.LBB2_42:
0x224: {  	s2 =	simm.s32 $0x5  }
0x225: {  	_ =	swait.ge [sflag:s2], s0  }
0x226: {  	s31 =	ssub.s32 $0x0, s0;
	[sflag:s2] =	ssyncset.done $0x0  }
0x227: {  	[sflag:s2] =	ssyncadd.s32 s31  }
0x228: {  	[sflag:s2] =	ssyncpa.u1 $0x1  }
.LBB2_43:
0x229: {  	s0 =	sor.u32 s13, s14  }
0x22a: {  	p1 =	sne.s32 s0, $0x0  }
.Ltmp32:
0x22b: {  	_ = 	snop;
	(pc) =	sbr.rel @p1 .LBB2_58-.Ltmp32, $3  }
0x22c: {  	_ =	sdelay $0x1  }
0x22d: {  	[bflag:$0x0] =	sbarrier.arrive $0xFFFF  }
0x22e: {  	_ =	sfence  }
0x22f: {  	s2 =	simm.s32 $0x7  }
0x230: {  	s0 =	simm.s32 $0x800;
	s3 =	simm.s32 $0xA118;
	[sflag:s2] =	ssyncpa.u1 $0x0  }
0x231: {  	[tilespmem:s3], [sflag:$0x7] =	stream.linear.gather [spmem:s0], $0x20, $0x38;
	[tilespmem:$0x1EF88] =	vst v63  }
0x232: {  	s30 =	simm.s32 $0xA138;
	s0 =	simm.s32 $0x0  }
0x233: {  	[tilespmem:s30], [sflag:$0x7] =	stream.linear.gather [spmem:s0], $0x800, $0x38;
	[tilespmem:$0x1EF88] =	vst v63  }
.Ltmp33:
0x234: {  	_ = 	snop;
	(pc) =	sbr.rel .LBB2_45-.Ltmp33, $4  }
0x235: {  	_ =	swait.ge [sflag:s2], $0x820  }
0x236: {  	[sflag:s2] =	ssyncset.done $0x0  }
0x237: {  	s31 =	simm.s32 $0x8;
	[sflag:s2] =	ssyncadd.s32 $0xFFFFF7E0  }
0x238: {  	s2 =	simm.s32 $0x0;
	[sflag:s31] =	ssyncpa.u1 $0x0  }
.LBB2_51:
0x239: {  	p1 =	slt.u32 s3, $0x270F9  }
0x23a: {  	s4 =	sand.u32 @p1 $0x3FFF8, s3  }
0x23b: {  	s3 =	sand.u32 @p1 $0x7, s3;
	s5 =	simm.s32 @p1 $0xA0C8;
	s4 =	sadd.s32 @p1 s1, s4  }
0x23c: {  	[tilespmem:s5], [sflag:$0x8] =	stream.linear.gather @p1 [hbm4b:s4+s3], $0x40, $0x38;
	[tilespmem:$0x1EF88] =	vst v63  }
0x23d: {  	s3 =	simm.s32 @p1 $0x8  }
0x23e: {  	_ =	swait.ge @p1 [sflag:s3], $0x40  }
0x23f: {  	[sflag:s3] =	ssyncset.done @p1 $0x0  }
0x240: {  	[sflag:s3] =	ssyncadd.s32 @p1 $0xFFFFFFC0  }
0x241: {  	v1 =	vld @p1 [tilespmem:$0xA0C8];
	_ =	sdelay $0x2  }
0x242: {  	s3 =	sshll.u32 @p1 s2, $0x8  }
0x243: {  	s4 =	sshrl.u32 @p1 s3, $0x2  }
0x244: {  	[tilespmem:s4+$0xA138] =	vst.add.f32.msk @p1 $0xffff, v1  }
0x245: {  	v1 =	vld @p1 [tilespmem:$0xA0D8];
	_ =	sdelay $0x4  }
0x246: {  	[tilespmem:s4+$0xA148] =	vst.add.f32.msk @p1 $0xffff, v1  }
0x247: {  	v1 =	vld @p1 [tilespmem:$0xA0E8];
	_ =	sdelay $0x4  }
0x248: {  	[tilespmem:s4+$0xA158] =	vst.add.f32.msk @p1 $0xffff, v1  }
0x249: {  	v1 =	vld @p1 [tilespmem:$0xA0F8];
	_ =	sdelay $0x3  }
0x24a: {  	s5 =	sshll.u32 @!p1 s2, $0x8  }
0x24b: {  	s5 =	smov.u32 @p1 s3;
	[tilespmem:s4+$0xA168] =	vst.add.f32.msk @p1 $0xffff, v1  }
0x24c: {  	s3 =	sshrl.u32 s5, $0x2;
	[tilespmem:s0+$0xA118] =	vst.msk $0x1, v0  }
0x24d: {  	v0 =	vld [tilespmem:s3+$0xA138];
	_ =	sdelay $0x2  }
0x24e: {  	s31 =	sshll.u32 s0, $0x8  }
0x24f: {  	s4 =	sshra.s32 s31, $0x2  }
0x250: {  	[tilespmem:s4+$0xA138] =	vst v0  }
0x251: {  	v0 =	vld [tilespmem:s3+$0xA148];
	_ =	sdelay $0x4  }
0x252: {  	[tilespmem:s4+$0xA148] =	vst v0  }
0x253: {  	v0 =	vld [tilespmem:s3+$0xA158];
	_ =	sdelay $0x4  }
0x254: {  	[tilespmem:s4+$0xA158] =	vst v0  }
0x255: {  	v0 =	vld [tilespmem:s3+$0xA168];
	_ =	sdelay $0x4  }
0x256: {  	s0 =	sadd.s32 $0x1, s0;
	[tilespmem:s4+$0xA168] =	vst v0  }
.LBB2_52:
0x257: {  	s2 =	sadd.s32 $0x1, s2  }
0x258: {  	p1 =	sne.s32 s2, $0x20  }
.Ltmp34:
0x259: {  	_ = 	snop;
	(pc) =	sbr.rel @!p1 .LBB2_53-.Ltmp34, $1  }
0x25a: {  	_ =	sdelay $0x3  }
.LBB2_45:
0x25b: {  	v0 =	vld.msk [tilespmem:s2+$0xA118], $0x1;
	_ =	sdelay $0x4  }
0x25c: {  	(v2sf) =	vpush v0, $0x0;
	_ =	sdelay $0xe  }
0x25d: {  	s3 =	spop (v2sf)  }
0x25e: {  	p1 =	seq.s32 s3, $0xFFFFFFFF  }
.Ltmp35:
0x25f: {  	_ = 	snop;
	(pc) =	sbr.rel @p1 .LBB2_52-.Ltmp35, $1  }
0x260: {  	_ =	sdelay $0x3  }
0x261: {  	p1 =	slt.s32 s0, $0x1  }
.Ltmp36:
0x262: {  	_ = 	snop;
	(pc) =	sbr.rel @p1 .LBB2_51-.Ltmp36, $1  }
0x263: {  	_ =	sdelay $0x3  }
0x264: {  	s4 =	simm.s32 $0xA118;
	p1 =	por $0x0, $0x0  }
0x265: {  	v1 =	vld.msk @!p1 [tilespmem:s4+$0x0], $0x1;
	_ =	sdelay $0x4  }
0x266: {  	(v2sf) =	vpush @!p1 v1, $0x0;
	_ =	sdelay $0xd  }
0x267: {  	p3 =	sne.s32 s0, $0x1  }
.Ltmp37:
0x268: {  	s5 =	spop @!p1 (v2sf);
	(pc) =	sbr.rel @!p3 .LBB2_49-.Ltmp37, $4  }
0x269: {  	p2 =	seq.s32 @!p1 s3, s5  }
0x26a: {  	s5 =	simm.s32 $0x0;
	p2 =	por !p2, p1  }
0x26b: {  	s7 =	simm.s32 $0xFFFFFFFF;
	s5 =	simm.s32 @p2 $0xFFFFFFFF  }
0x26c: {  	s6 =	simm.s32 $0x1;
	s5 =	smov.u32 @p1 s7  }
.LBB2_48:
0x26d: {  	s7 =	smov.u32 s5;
	p1 =	sne.s32 s5, $0xFFFFFFFF  }
0x26e: {  	s4 =	sadd.s32 $0x1, s4;
	s5 =	smov.u32 s6;
	s6 =	sadd.s32 $0x1, s6  }
0x26f: {  	p2 =	sne.s32 s0, s6;
	v1 =	vld.msk @!p1 [tilespmem:s4+$0x0], $0x1;
	_ =	sdelay $0x4  }
0x270: {  	(v2sf) =	vpush @!p1 v1, $0x0;
	_ =	sdelay $0xe  }
.Ltmp38:
0x271: {  	s8 =	spop @!p1 (v2sf);
	(pc) =	sbr.rel @p2 .LBB2_48-.Ltmp38, $4  }
0x272: {  	p3 =	seq.s32 @!p1 s3, s8  }
0x273: {  	p3 =	por !p3, p1  }
0x274: {  	s5 =	simm.s32 @p3 $0xFFFFFFFF  }
0x275: {  	s5 =	smov.u32 @p1 s7  }
.LBB2_49:
0x276: {  	p1 =	seq.s32 s5, $0xFFFFFFFF  }
.Ltmp39:
0x277: {  	_ = 	snop;
	(pc) =	sbr.rel @p1 .LBB2_51-.Ltmp39, $1  }
0x278: {  	_ =	sdelay $0x3  }
0x279: {  	s3 =	sshll.u32 s2, $0x6  }
0x27a: {  	s3 =	sand.u32 $0x3FFFFFC0, s3  }
0x27b: {  	v0 =	vld [tilespmem:s3+$0xA138];
	_ =	sdelay $0x2  }
0x27c: {  	s4 =	sshll.u32 s5, $0x8  }
0x27d: {  	s4 =	sshra.s32 s4, $0x2  }
0x27e: {  	[tilespmem:s4+$0xA138] =	vst.add.f32.msk $0xffff, v0  }
0x27f: {  	v0 =	vld [tilespmem:s3+$0xA148];
	_ =	sdelay $0x4  }
0x280: {  	[tilespmem:s4+$0xA148] =	vst.add.f32.msk $0xffff, v0  }
0x281: {  	v0 =	vld [tilespmem:s3+$0xA158];
	_ =	sdelay $0x4  }
0x282: {  	[tilespmem:s4+$0xA158] =	vst.add.f32.msk $0xffff, v0  }
0x283: {  	v0 =	vld [tilespmem:s3+$0xA168]  }
.Ltmp40:
0x284: {  	_ = 	snop;
	(pc) =	sbr.rel .LBB2_52-.Ltmp40, $2  }
0x285: {  	_ =	sdelay $0x2  }
0x286: {  	[tilespmem:s4+$0xA168] =	vst.add.f32.msk $0xffff, v0  }
.LBB2_53:
0x287: {  	p1 =	slt.s32 s0, $0x1  }
.Ltmp41:
0x288: {  	_ = 	snop;
	(pc) =	sbr.rel @p1 .LBB2_57-.Ltmp41, $3  }
0x289: {  	_ =	sdelay $0x1  }
0x28a: {  	s2 =	simm.s32 $0x8  }
0x28b: {  	[sflag:s2] =	ssyncpa.u1 $0x1;
	s2 =	simm.s32 $0x0  }
0x28c: {  	s3 =	simm.s32 $0xA118  }
0x28d: {  	v0 =	vld.msk [tilespmem:s3+$0x0], $0x1;
	_ =	sdelay $0x4  }
0x28e: {  	(v2sf) =	vpush v0, $0x0;
	_ =	sdelay $0xe  }
0x28f: {  	s0 =	sadd.s32 $0xFFFFFFFF, s0;
	s4 =	spop (v2sf)  }
0x290: {  	p2 =	sne.s32 s0, $0x0;
	p1 =	sgt.u32 s4, $0x270F8  }
.Ltmp42:
0x291: {  	s5 =	sand.u32 @!p1 $0x3FFF8, s4;
	(pc) =	sbr.rel @!p2 .LBB2_56-.Ltmp42, $4  }
0x292: {  	s3 =	simm.s32 $0xA138;
	s4 =	sand.u32 @!p1 $0x7, s4;
	s5 =	sadd.s32 @!p1 s1, s5  }
0x293: {  	[hbm4b:s5+s4] =	stream.linear.scatter @!p1 [tilespmem:s3], [sflag:$0x7], $0x40, $0x38;
	[tilespmem:$0x1EF88] =	vst v63  }
0x294: {  	s5 =	simm.s32 $0x0  }
0x295: {  	s4 =	simm.s32 $0xA119;
	s5 =	simm.s32 @!p1 $0x100  }
.LBB2_55:
0x296: {  	v0 =	vld.msk [tilespmem:s4+$0x0], $0x1;
	s0 =	sadd.s32 $0xFFFFFFFF, s0;
	s2 =	sadd.s32 s2, s5  }
0x297: {  	p1 =	sne.s32 s0, $0x0;
	_ =	sdelay $0x3  }
0x298: {  	(v2sf) =	vpush v0, $0x0;
	_ =	sdelay $0xe  }
.Ltmp43:
0x299: {  	s6 =	spop (v2sf);
	(pc) =	sbr.rel @p1 .LBB2_55-.Ltmp43, $4  }
0x29a: {  	s5 =	simm.s32 $0x0;
	p2 =	sgt.u32 s6, $0x270F8  }
0x29b: {  	s3 =	sadd.s32 $0x40, s3;
	s5 =	simm.s32 @!p2 $0x100;
	s7 =	sand.u32 @!p2 $0x3FFF8, s6  }
0x29c: {  	s4 =	sadd.s32 $0x1, s4;
	s6 =	sand.u32 @!p2 $0x7, s6;
	s7 =	sadd.s32 @!p2 s1, s7  }
0x29d: {  	[hbm4b:s7+s6] =	stream.linear.scatter @!p2 [tilespmem:s3], [sflag:$0x7], $0x40, $0x38;
	[tilespmem:$0x1EF88] =	vst v63  }
.LBB2_56:
0x29e: {  	s0 =	sadd.s32 s2, s5  }
0x29f: {  	s2 =	sshrl.u32 s0, $0x2  }
.LBB2_57:
0x2a0: {  	s0 =	simm.s32 $0x7  }
0x2a1: {  	_ =	swait.ge [sflag:s0], s2  }
0x2a2: {  	s1 =	ssub.s32 $0x0, s2;
	[sflag:s0] =	ssyncset.done $0x0  }
0x2a3: {  	[sflag:s0] =	ssyncadd.s32 s1  }
0x2a4: {  	[sflag:s0] =	ssyncpa.u1 $0x1  }
.LBB2_58:
0x2a5: {  	_ =	sfence;
	s0 =	simm.s32 $0x1  }
0x2a6: {  	[sflag:s0] =	ssyncpa.u1 $0x1  }
0x2a7: {  	_ =	strace $0x9000004D  }
0x2a8: {  	[bflag:$0x2] =	sbarrier.arrive $0xFFFF  }
0x2a9: {  	s0 =	rddreg [dreg:$0x3]  }
0x2aa: {  	s0 =	sadd.s32 @!p0 $0x100000, s0  }
0x2ab: {  	[sflag:s0] =	ssyncadd.tile.s32 @!p0 $0x1;
	_ =	shalt  }
.Lfunc_end2:
_tile_overlayer_lowered:
.L_overlay_start_2:
0x2ac: {  	(tag) =	ssettag $0x2  }
0x2ad: {  	s0 =	rddreg [dreg:$0x0];
	s2 =	stileid.u32  }
0x2ae: {  	s1 =	rddreg [dreg:$0x1];
	p0 =	sne.s32 s2, $0x0  }
0x2af: {  	s3 =	rddreg [dreg:$0x2];
	[bflag:$0x3] =	sbarrier.arrive $0xFFFF;
	s2 =	simm.s32 @!p0 $0x1C01  }
0x2b0: {  	[timem:s3], [sflag:s2] =	dma.local @!p0 [hbm:s0], s1  }
0x2b1: {  	s0 =	simm.s32 @!p0 $0x1  }
0x2b2: {  	_ =	swait.ge @!p0 [sflag:s0], s1  }
0x2b3: {  	s1 =	ssub.s32 @!p0 $0x0, s1;
	[sflag:s0] =	ssyncset.done @!p0 $0x0  }
0x2b4: {  	[sflag:s0] =	ssyncadd.s32 @!p0 s1  }
0x2b5: {  	[bflag:$0x3] =	sbarrier.arrive $0xFFFF  }
0x2b6: {  	_ =	shalt  }

// kernel: scatter_offload_async_start
scs
__scs_entry_jumppad:
0x0: {  	(pc) =	sbr.rel $0x88, $3  }
0x1: {  	(tag) =	ssettag $0x0;
	lr =	simm.s32 $0x1  }
0x2: {  	[smem:$0x3F8D] =	sst lr;
	_ =	strace $0xD0000000  }
0x3: {  	_ = 	snop  }
0x4: {  	_ = 	snop  }
0x5: {  	_ = 	snop  }
0x6: {  	_ = 	snop  }
0x7: {  	_ = 	snop  }
__scs_overlays_trampoline_lowered:
0x8: {  	[smem:$0x3F9C] =	sst s0  }
0x9: {  	[smem:$0x3F9D] =	sst s1  }
0xa: {  	[smem:$0x3F9E] =	sst s2  }
0xb: {  	[smem:$0x3F9F] =	sst s3  }
0xc: {  	[smem:$0x3FA0] =	sst s4  }
0xd: {  	[smem:$0x3FA1] =	sst s5  }
0xe: {  	[smem:$0x3FA2] =	sst s6  }
0xf: {  	[smem:$0x3FA3] =	sst s7  }
0x10: {  	[smem:$0x3FA4] =	sst s8  }
0x11: {  	[smem:$0x3FA5] =	sst s9;
	s0 =	simm.s32 @!p0 $0x0  }
0x12: {  	s1 =	sld [smem:$0x3F8B];
	s0 =	simm.s32 @p0 $0x1  }
0x13: {  	[smem:$0x3FA6] =	sst s0;
	s0 =	simm.s32 @!p1 $0x0  }
0x14: {  	s2 =	sld [smem:$0x3F8A];
	s0 =	simm.s32 @p1 $0x1  }
0x15: {  	[smem:$0x3FA7] =	sst s0;
	s0 =	simm.s32 @!p2 $0x0  }
0x16: {  	s3 =	sld [smem:$0x3FDB];
	s0 =	simm.s32 @p2 $0x1  }
0x17: {  	s4 =	simm.s32 $0x1BF5;
	[smem:$0x3FA9] =	sst s0  }
0x18: {  	s0 =	sld [smem:$0x3F8C];
	_ =	swait.ge [sflag:s4], $0x0  }
0x19: {  	s7 =	sld [smem:$0x3F8D]  }
0x1a: {  	s8 =	sadd.s32 $0xFFFFE003, lr  }
0x1b: {  	s9 =	sadd.s32 $0xFFFFFEF7, lr;
	s5 =	simm.s32 $0xFFFFFFFF;
	p2 =	slt.u32 s8, $0xFFFFF086  }
0x1c: {  	p1 =	slt.u32 s9, $0xF7A;
	s5 =	simm.s32 @!p2 $0x0  }
0x1d: {  	s5 =	simm.s32 @p1 $0x1;
	p0 =	seq.s32 s7, s2  }
0x1e: {  	s7 =	smul.u32 @!p0 $0xF7A, s2;
	p2 =	seq.s32 @!p0 s5, $0x0  }
0x1f: {  	s9 =	smul.u32 $0xF7A, s1;
	s8 =	simm.s32 @!p0 $0x1BF5;
	p2 =	por !p2, p0  }
0x20: {  	[sflag:s8] =	ssyncset.s32 @!p0 $0xFFFFF086;
	s6 =	sadd.s32 @!p0 s3, s7;
	s7 =	simm.s32 @!p0 $0x108  }
0x21: {  	s3 =	sadd.s32 s3, s9;
	s6 =	sadd.s32 @!p0 $0x88, s6;
	s7 =	simm.s32 @p2 $0x1082  }
0x22: {  	[simem:s7], [sflag:s8] =	dma.local @!p0 [hbm:s6], $0xF7A  }
0x23: {  	s9 =	sor.u32 $0xD0000000, s2;
	s6 =	simm.s32 $0x108;
	_ =	swait.ge @!p0 [sflag:s8], $0x0  }
0x24: {  	s3 =	sadd.s32 $0x88, s3;
	s6 =	simm.s32 @!p1 $0x1082;
	[sflag:s4] =	ssyncset.s32 $0xFFFFF086  }
0x25: {  	[simem:s6], [sflag:s4] =	dma.local [hbm:s3], $0xF7A  }
0x26: {  	[smem:$0x3F8D] =	sst s1;
	(tag) =	ssettag s2;
	_ =	strace s9  }
0x27: {  	s1 =	sld [smem:$0x3F9D]  }
0x28: {  	s2 =	sld [smem:$0x3F9E]  }
0x29: {  	s4 =	sld [smem:$0x3FA0]  }
0x2a: {  	p0 =	seq.s32 s5, $0x0;
	s5 =	sld [smem:$0x3FA1]  }
0x2b: {  	s6 =	sld [smem:$0x3FA2]  }
0x2c: {  	s7 =	sld [smem:$0x3FA3]  }
0x2d: {  	s3 =	simm.s32 $0x108;
	s8 =	sld [smem:$0x3FA4]  }
0x2e: {  	s3 =	simm.s32 @!p0 $0x1082;
	s9 =	sld [smem:$0x3FA5]  }
0x2f: {  	lr =	sadd.s32 s0, s3;
	s0 =	sld [smem:$0x3F9C]  }
0x30: {  	s3 =	sld [smem:$0x3F9F]  }
0x31: {  	[smem:$0x3FA8] =	sst s10  }
0x32: {  	s10 =	sld [smem:$0x3FA6];
	_ =	sdelay $0x3  }
0x33: {  	p0 =	seq.s32 s10, $0x1;
	s10 =	sld [smem:$0x3FA8];
	_ =	sdelay $0x3  }
0x34: {  	[smem:$0x3FA8] =	sst s10  }
0x35: {  	s10 =	sld [smem:$0x3FA7];
	_ =	sdelay $0x3  }
0x36: {  	p1 =	seq.s32 s10, $0x1;
	s10 =	sld [smem:$0x3FA8];
	_ =	sdelay $0x3  }
0x37: {  	[smem:$0x3FA8] =	sst s10  }
0x38: {  	s10 =	sld [smem:$0x3FA9]  }
0x39: {  	_ = 	snop;
	(pc) =	sbr.ind lr, $3  }
0x3a: {  	_ = 	snop  }
0x3b: {  	_ = 	snop  }
0x3c: {  	p2 =	seq.s32 s10, $0x1;
	s10 =	sld [smem:$0x3FA8]  }
0x3d: {  	_ =	shalt  }
0x3e: {  	_ =	shalt  }
0x3f: {  	_ =	shalt  }
0x40: {  	_ =	shalt  }
0x41: {  	_ =	shalt  }
0x42: {  	_ =	shalt  }
0x43: {  	_ =	shalt  }
0x44: {  	_ =	shalt  }
0x45: {  	_ =	shalt  }
0x46: {  	_ =	shalt  }
0x47: {  	_ =	shalt  }
0x48: {  	_ =	shalt  }
0x49: {  	_ =	shalt  }
0x4a: {  	_ =	shalt  }
0x4b: {  	_ =	shalt  }
0x4c: {  	_ =	shalt  }
0x4d: {  	_ =	shalt  }
0x4e: {  	_ =	shalt  }
0x4f: {  	_ =	shalt  }
0x50: {  	_ =	shalt  }
0x51: {  	_ =	shalt  }
0x52: {  	_ =	shalt  }
0x53: {  	_ =	shalt  }
0x54: {  	_ =	shalt  }
0x55: {  	_ =	shalt  }
0x56: {  	_ =	shalt  }
0x57: {  	_ =	shalt  }
0x58: {  	_ =	shalt  }
0x59: {  	_ =	shalt  }
0x5a: {  	_ =	shalt  }
0x5b: {  	_ =	shalt  }
0x5c: {  	_ =	shalt  }
0x5d: {  	_ =	shalt  }
0x5e: {  	_ =	shalt  }
0x5f: {  	_ =	shalt  }
0x60: {  	_ =	shalt  }
0x61: {  	_ =	shalt  }
0x62: {  	_ =	shalt  }
0x63: {  	_ =	shalt  }
0x64: {  	_ =	shalt  }
0x65: {  	_ =	shalt  }
0x66: {  	_ =	shalt  }
0x67: {  	_ =	shalt  }
0x68: {  	_ =	shalt  }
0x69: {  	_ =	shalt  }
0x6a: {  	_ =	shalt  }
0x6b: {  	_ =	shalt  }
0x6c: {  	_ =	shalt  }
0x6d: {  	_ =	shalt  }
0x6e: {  	_ =	shalt  }
0x6f: {  	_ =	shalt  }
0x70: {  	_ =	shalt  }
0x71: {  	_ =	shalt  }
0x72: {  	_ =	shalt  }
0x73: {  	_ =	shalt  }
0x74: {  	_ =	shalt  }
0x75: {  	_ =	shalt  }
0x76: {  	_ =	shalt  }
0x77: {  	_ =	shalt  }
0x78: {  	_ =	shalt  }
0x79: {  	_ =	shalt  }
0x7a: {  	_ =	shalt  }
0x7b: {  	_ =	shalt  }
0x7c: {  	_ =	shalt  }
0x7d: {  	_ =	shalt  }
0x7e: {  	_ =	shalt  }
0x7f: {  	_ =	shalt  }
0x80: {  	_ =	shalt  }
0x81: {  	_ =	shalt  }
0x82: {  	_ =	shalt  }
0x83: {  	_ =	shalt  }
0x84: {  	_ =	shalt  }
0x85: {  	_ =	shalt  }
0x86: {  	_ =	shalt  }
0x87: {  	_ =	shalt  }
.Lfunc_end0:
.L_simem_size_0:
called_computation_lowered:
.L_overlay_start_0:
0x88: {  	s0 =	sld [smem:$0x3FD9]  }
0x89: {  	s1 =	sld [smem:$0x3FFE];
	_ =	sdelay $0x3  }
0x8a: {  	s0 =	sadd.s32 s1, s0  }
0x8b: {  	[smem:$0x3FB4] =	sst s0  }
0x8c: {  	_ = 	snop  }
0x8d: {  	(tm) =	ssettm $0x1  }
0x8e: {  	s15 =	sld [smem:$0x3FFB];
	_ =	sdelay $0x3  }
0x8f: {  	_ =	strace s15  }
0x90: {  	s0 =	sld [smem:$0x3FFC];
	_ =	sdelay $0x3  }
0x91: {  	_ =	strace s0  }
0x92: {  	s0 =	sld [smem:$0x3FFD];
	_ =	sdelay $0x3  }
0x93: {  	_ =	strace s0  }
0x94: {  	_ =	strace $0x8FFFFFFF  }
0x95: {  	s16 =	sld [smem:$0x3FDB];
	_ =	sdelay $0x1  }
0x96: {  	s17 =	simm.s32 $_scs_section_size  }
0x97: {  	s2 =	simm.s32 $_size__tile_overlayer_lowered;
	s3 =	simm.s32 $_tile_overlayer_lowered  }
0x98: {  	s20 =	simm.s32 $0x1BFF;
	s19 =	sshll.u32 s3, $0x1;
	s0 =	sadd.s32 s17, s16  }
0x99: {  	s4 =	simm.s32 $0x0;
	s18 =	sshll.u32 s2, $0x1;
	s2 =	sadd.s32 s19, s0  }
0x9a: {  	[timem:s4], [sflag:s20] =	dma.local [hbm:s2], s18  }
0x9b: {  	_ =	swait.ge [sflag:s20], s18  }
0x9c: {  	s1 =	ssub.s32 $0x0, s18;
	[sflag:s20] =	ssyncset.done $0x0  }
0x9d: {  	[sflag:s20] =	ssyncadd.s32 s1;
	_ =	sdelay $0x1  }
0x9e: {  	s21 =	simm.s32 $0x1B8B  }
0x9f: {  	_ =	swait.ge [sflag:s21], $0x1  }
0xa0: {  	[sflag:s21] =	ssyncset.done $0x0  }
0xa1: {  	s23 =	simm.s32 $0x1B8E;
	s22 =	sld [smem:$0x3FFE];
	[sflag:s21] =	ssyncadd.s32 $0xFFFFFFFF  }
0xa2: {  	s24 =	simm.s32 $execute0_lowered;
	[smem:$0x3FD2] =	sst s23  }
0xa3: {  	s2 =	sshll.u32 s24, $0x1;
	_ =	strace $0x80000046;
	[dreg:$0x1] =	wrdreg $0xFFFFFFFF  }
0xa4: {  	s25 =	simm.s32 $_size_execute0_lowered;
	s0 =	sadd.s32 s0, s2;
	[dreg:$0x0] =	wrdreg $0x0  }
0xa5: {  	s2 =	sshll.u32 s25, $0x1;
	[dreg:$0x2] =	wrdreg s0  }
0xa6: {  	[dreg:$0x3] =	wrdreg s2  }
0xa7: {  	[dreg:$0x4] =	wrdreg $0xC0  }
0xa8: {  	_ =	task [dreg:s4], $0x5FFFF  }
0xa9: {  	[dreg:$0x1] =	wrdreg $0xFFFFFFFF  }
0xaa: {  	[dreg:$0x0] =	wrdreg $0x60  }
0xab: {  	[dreg:$0x2] =	wrdreg s22  }
0xac: {  	[dreg:$0x3] =	wrdreg $0x9  }
0xad: {  	_ =	task.clear_ibuf [dreg:s4], $0x4FFFF;
	_ =	strace $0x90000046  }
0xae: {  	s26 =	simm.s32 $0x9;
	_ =	strace $0x80000048  }
0xaf: {  	_ =	swait.ge [sflag:s26], $0x1  }
0xb0: {  	[sflag:s26] =	ssyncadd.s32 $0xFFFFFFFF  }
0xb1: {  	_ =	strace $0x90000048  }
0xb2: {  	_ =	sfence  }
0xb3: {  	s28 =	sld [smem:$0x0];
	_ =	sdelay $0x1  }
0xb4: {  	s29 =	srdreg.scid  }
0xb5: {  	s30 =	sshll.u32 s29, $0xD;
	s31 =	sshrl.u32 s29, $0x2  }
0xb6: {  	s1 =	sand.u32 $0x1, s29;
	s2 =	sand.u32 $0x4000, s30;
	s0 =	sadd.s32 s31, s28  }
0xb7: {  	s1 =	sor.u32 s2, s1;
	s0 =	sshll.u32 s0, $0x11  }
0xb8: {  	s0 =	sor.u32 s0, s1  }
0xb9: {  	s0 =	sadd.s32 $0x8F2B, s0  }
0xba: {  	[sflag:s0] =	ssyncadd.remote.s32 $0x1  }
0xbb: {  	_ =	sfence.sel $0xFFFF  }
0xbc: {  	[dreg:$0x0] =	wrdreg $0xFFFFFFFF;
	(pc) =	sbr.abs _section_cstart, $3  }
0xbd: {  	[dreg:$0x1] =	wrdreg $0xFFFFFFFF  }
0xbe: {  	_ =	task.clear_ibuf [dreg:s4], $0x2FFFF;
	_ =	strace $0x9FFFFFFF  }
0xbf: {  	(tm) =	ssettm $0x7FFFFFFF  }
tec
execute0_lowered:
.L_overlay_start_1:
0x0: {  	(tag) =	ssettag $0x1  }
0x1: {  	s5 =	rddreg [dreg:$0x0]  }
0x2: {  	s0 =	rddreg [dreg:$0x1];
	_ =	strace $0x80000047;
	s3 =	stileid.u32  }
0x3: {  	s2 =	simm.s32 $0x3E;
	s1 =	sadd.s32 $0xA28400, s5;
	p0 =	sne.s32 s3, $0x0  }
0x4: {  	[sflag:s2] =	ssyncpa.u1 $0x0;
	s4 =	simm.s32 @!p0 $0x1C3E;
	s6 =	simm.s32 @!p0 $0x0  }
0x5: {  	[spmem:s6], [sflag:s4] =	dma.local @!p0 [hbm:s1], $0x500  }
0x6: {  	s4 =	simm.s32 @!p0 $0x3E  }
0x7: {  	_ =	swait.ge @!p0 [sflag:s4], $0x500  }
0x8: {  	s3 =	smul.u32 $0x9C40, s3;
	[sflag:s4] =	ssyncset.done @!p0 $0x0  }
.Ltmp0:
0x9: {  	s7 =	simm.s32 $0x2;
	[sflag:s4] =	ssyncadd.s32 @!p0 $0xFFFFFB00;
	(pc) =	sbr.rel .LBB2_1-.Ltmp0, $4  }
0xa: {  	s8 =	simm.s32 $0x0;
	s9 =	simm.s32 $0x0;
	[bflag:$0x0] =	sbarrier.arrive $0xFFFF  }
0xb: {  	s6 =	sadd.s32 $0x9C40, s3;
	[sflag:s2] =	ssyncpa.u1 $0x1;
	s2 =	simm.s32 $0x1  }
0xc: {  	s10 =	smov.u32 s3;
	s4 =	sadd.s32 $0x2200, s5;
	[sflag:s2] =	ssyncpa.u1 $0x0  }
0xd: {  	vm0 =	vmmov $0xffff;
	s5 =	sadd.s32 $0xA14A00, s5;
	(ifvalue) =	ssetifvalue $0x2800;
	[sflag:s7] =	ssyncpa.u1 $0x0  }
.LBB2_5:
0xe: {  	s9 =	sadd.s32 $0x1, s9  }
0xf: {  	p2 =	sne.s32 s9, $0x6  }
.Ltmp1:
0x10: {  	_ = 	snop;
	(pc) =	sbr.rel @!p2 .LBB2_6-.Ltmp1, $4  }
0x11: {  	_ = 	snop  }
0x12: {  	s11 =	sadd.s32 $0x1F40, s10  }
0x13: {  	s10 =	smov.u32 s3;
	p1 =	slt.s32 s11, s6  }
0x14: {  	s10 =	smov.u32 @p1 s11  }
.LBB2_1:
0x15: {  	p1 =	seq.s32 s9, $0x5  }
0x16: {  	s11 =	sxor.u32 @!p1 $0xFFFFFFFF, s9  }
0x17: {  	s11 =	sand.u32 @!p1 $0x1, s11  }
0x18: {  	s11 =	smul.u32 @!p1 $0x1F40, s11  }
0x19: {  	s12 =	sshrl.u32 @!p1 s10, $0x3  }
0x1a: {  	s15 =	sand.u32 @!p1 $0x7, s10;
	s13 =	sadd.s32 @!p1 s4, s12;
	s14 =	sadd.s32 @!p1 $0x280, s11  }
0x1b: {  	[tilespmem:s14], [sflag:$0x2] =	stream.linear.gather @!p1 [hbm4b:s13+s15], $0x1F40, $0x38;
	[tilespmem:$0x7F80] =	vst v63  }
0x1c: {  	p2 =	seq.s32 @!p1 s9, $0x0;
	s12 =	sadd.s32 @!p1 s5, s12;
	s11 =	sadd.s32 @!p1 $0x4100, s11  }
0x1d: {  	[tilespmem:s11], [sflag:$0x2] =	stream.linear.gather @!p1 [hbm4b:s12+s15], $0x1F40, $0x38;
	[tilespmem:$0x7F80] =	vst v63  }
0x1e: {  	p1 =	por p1, !p2  }
.Ltmp2:
0x1f: {  	_ = 	snop;
	(pc) =	sbr.rel @!p1 .LBB2_5-.Ltmp2, $1  }
0x20: {  	_ =	sdelay $0x3  }
0x21: {  	s11 =	sand.u32 $0x1, s9  }
0x22: {  	_ =	swait.ge [sflag:s7], $0x3E80;
	p1 =	seq.s32 s11, $0x1;
	s11 =	simm.s32 $0x1F40  }
0x23: {  	[sflag:s7] =	ssyncset.done $0x0;
	s11 =	simm.s32 @!p1 $0x0  }
0x24: {  	[sflag:s7] =	ssyncadd.s32 $0xFFFFC180;
	s13 =	sadd.s32 $0x280, s11  }
0x25: {  	v0 =	vld.msk [tilespmem:s13+$0x0 ss:$0x1], $0xffff;
	_ =	sdelay $0x4  }
0x26: {  	v0 =	vmin.u32 v0, $0x2800;
	_ =	sdelay $0x3  }
0x27: {  	s12 =	simm.s32 $0x0;
	s11 =	sadd.s32 $0x4100, s11;
	s13 =	sadd.s32 $0x10, s13  }
0x28: {  	[spmem:s8] =	stream.indirect_vreg.scatter.add.s32 [tilespmem:s11], [sflag:$0x1], $0x1, v0, vm0, $0x4038;
	[tilespmem:$0x7F80] =	vst v63  }
.LBB2_3:
0x29: {  	v0 =	vld.msk [tilespmem:s13+$0x0 ss:$0x1], $0xffff;
	s12 =	sadd.s32 $0x10, s12  }
0x2a: {  	p1 =	slt.u32 s12, $0x1F30;
	_ =	sdelay $0x4  }
0x2b: {  	v0 =	vmin.u32 v0, $0x2800  }
.Ltmp3:
0x2c: {  	(pc) =	sbr.rel @p1 .LBB2_3-.Ltmp3, $3  }
0x2d: {  	_ =	sdelay $0x1  }
0x2e: {  	s13 =	sadd.s32 $0x10, s13;
	s11 =	sadd.s32 $0x10, s11  }
0x2f: {  	[spmem:s8] =	stream.indirect_vreg.scatter.add.s32 [tilespmem:s11], [sflag:$0x1], $0x1, v0, vm0, $0x4038;
	[tilespmem:$0x7F80] =	vst v63  }
.Ltmp4:
0x30: {  	(pc) =	sbr.rel .LBB2_5-.Ltmp4, $4  }
0x31: {  	_ = 	snop  }
0x32: {  	_ =	swait.ge [sflag:s2], $0x1F40  }
0x33: {  	[sflag:s2] =	ssyncset.done $0x0  }
0x34: {  	[sflag:s2] =	ssyncadd.s32 $0xFFFFE0C0  }
.LBB2_6:
0x35: {  	_ =	sfence.sel $0x180000  }
0x36: {  	s2 =	simm.s32 $0x2;
	[bflag:$0x0] =	sbarrier.arrive $0xFFFF  }
0x37: {  	s30 =	simm.s32 $0x1;
	[sflag:s2] =	ssyncpa.u1 $0x1  }
0x38: {  	[sflag:s30] =	ssyncpa.u1 $0x1  }
0x39: {  	_ =	sfence.stream.spmem  }
0x3a: {  	s31 =	simm.s32 $0x3D;
	[bflag:$0x0] =	sbarrier.arrive $0xFFFF  }
0x3b: {  	s2 =	simm.s32 @p0 $0x3D;
	[sflag:s31] =	ssyncpa.u1 $0x0  }
0x3c: {  	[sflag:s2] =	ssyncpa.u1 @p0 $0x1  }
0x3d: {  	[bflag:$0x0] =	sbarrier.arrive @p0 $0xFFFF  }
0x3e: {  	_ =	strace @p0 $0x90000047  }
0x3f: {  	s3 =	simm.s32 @!p0 $0x1C3D;
	s2 =	simm.s32 @!p0 $0x0;
	[bflag:$0x2] =	sbarrier.arrive @p0 $0xFFFF  }
0x40: {  	[hbm:s1], [sflag:s3] =	dma.local @!p0 [spmem:s2], $0x500  }
0x41: {  	s1 =	simm.s32 @!p0 $0x3D  }
0x42: {  	_ =	swait.ge @!p0 [sflag:s1], $0x500  }
0x43: {  	[sflag:s1] =	ssyncset.done @!p0 $0x0  }
0x44: {  	[sflag:s1] =	ssyncadd.s32 @!p0 $0xFFFFFB00  }
0x45: {  	[sflag:s1] =	ssyncpa.u1 @!p0 $0x1  }
0x46: {  	[bflag:$0x0] =	sbarrier.arrive @!p0 $0xFFFF  }
0x47: {  	_ =	strace @!p0 $0x90000047  }
0x48: {  	s0 =	sadd.s32 @!p0 $0x100000, s0;
	[bflag:$0x2] =	sbarrier.arrive @!p0 $0xFFFF  }
0x49: {  	[sflag:s0] =	ssyncadd.tile.s32 @!p0 $0x1;
	_ =	shalt  }
.Lfunc_end2:
_tile_overlayer_lowered:
.L_overlay_start_2:
0x4a: {  	(tag) =	ssettag $0x2  }
0x4b: {  	s0 =	rddreg [dreg:$0x0];
	s2 =	stileid.u32  }
0x4c: {  	s1 =	rddreg [dreg:$0x1];
	p0 =	sne.s32 s2, $0x0  }
0x4d: {  	s3 =	rddreg [dreg:$0x2];
	[bflag:$0x3] =	sbarrier.arrive $0xFFFF;
	s2 =	simm.s32 @!p0 $0x1C01  }
0x4e: {  	[timem:s3], [sflag:s2] =	dma.local @!p0 [hbm:s0], s1  }
0x4f: {  	s0 =	simm.s32 @!p0 $0x1  }
0x50: {  	_ =	swait.ge @!p0 [sflag:s0], s1  }
0x51: {  	s1 =	ssub.s32 @!p0 $0x0, s1;
	[sflag:s0] =	ssyncset.done @!p0 $0x0  }
0x52: {  	[sflag:s0] =	ssyncadd.s32 @!p0 s1  }
0x53: {  	[bflag:$0x3] =	sbarrier.arrive $0xFFFF  }
0x54: {  	_ =	shalt  }

</sc_bundles>
